<compile_context>
chip_gen: v7x
topology: tpu7x:2x2x1
jax: 0.10.2.dev20260603
libtpu: 0.0.44.dev20260713+nightly
codegen_flags: <defaults>
</compile_context>

<pallas_src>
import jax
import jax.numpy as jnp
from jax import lax
from jax.experimental import pallas as pl
from jax.experimental.pallas import tpu as pltpu
from jax.experimental.pallas import tpu_sc as plsc

NUM_EMB = 1000000
DIM = 64
WPR = DIM // 4
RPS = 8
B = 16384 * 26
NW = 32
PER_W = B // NW
CHUNK = 256
NCHUNK = PER_W // CHUNK
SUB = 128
NSUB = CHUNK // SUB
GROUPS = CHUNK // 16

_SCALE_C = float(2.0 ** -112) / 127.0


def _f16_bits(b, se):
    p = b.astype(jnp.float32) * se
    bits = lax.bitcast_convert_type(p, jnp.int32)
    mag = lax.bitwise_and(bits, jnp.int32(0x7FFFFFFF))
    hm = lax.shift_right_logical(mag + jnp.int32(0xFFF), 13)
    sg = lax.bitwise_and(lax.shift_right_logical(bits, 16), jnp.int32(0x8000))
    return lax.bitwise_or(hm, sg)


def _dequant_group(idx_v, scl_v, rows_v, out_v, r0, iota2):
    iv = idx_v[pl.ds(r0, 16)]
    sv = scl_v[pl.ds(r0, 16)]
    sev = jnp.where(iv == 0, jnp.float32(0.0), sv) * jnp.float32(_SCALE_C)
    for rr in range(16):
        r = r0 + rr
        se = sev[rr]
        ivr = iv[rr]
        shl = 24 - 8 * ((ivr // 2) % 4)
        off = (ivr % 2) * 64
        rv = jnp.full((16,), r, jnp.int32)
        for h in range(2):
            ge = plsc.load_gather(rows_v, [rv, off + iota2 + 32 * h])
            go = plsc.load_gather(rows_v, [rv, off + iota2 + (32 * h + 1)])
            be = lax.shift_right_arithmetic(lax.shift_left(ge, shl), 24)
            bo = lax.shift_right_arithmetic(lax.shift_left(go, shl), 24)
            he = _f16_bits(be, se)
            ho = _f16_bits(bo, se)
            outw = lax.bitwise_or(he, lax.shift_left(ho, 16))
            out_v[pl.ds(r * 2 * WPR + 16 * h, 16)] = outw


def _sc_body(idx_hbm, tab_hbm, scl_hbm, out_hbm,
             idx_v, gidx_v, scl_v, rows_v, out_v, sem):
    cid = lax.axis_index("c")
    sid = lax.axis_index("s")
    wid = sid * 2 + cid
    tbase = wid * PER_W
    iota2 = lax.iota(jnp.int32, 16) * 2
    bands = tab_hbm.bitcast(jnp.int32)

    def stage(k):
        base = pl.multiple_of(tbase + k * CHUNK, CHUNK)
        soff = pl.multiple_of((k % 2) * CHUNK, CHUNK)
        pltpu.sync_copy(idx_hbm.at[pl.ds(base, CHUNK)],
                        idx_v.at[pl.ds(soff, CHUNK)])

        def sidx_body(i, c2):
            iv = idx_v[pl.ds(soff + i * 16, 16)]
            gidx_v[pl.ds(soff + i * 16, 16)] = lax.shift_right_logical(iv, 3)
            return c2

        lax.fori_loop(0, CHUNK // 16, sidx_body, 0)
        for j in range(NSUB):
            s = pl.ds(soff + j * SUB, SUB)
            pltpu.async_copy(bands.at[gidx_v.at[s]], rows_v.at[s], sem)
            pltpu.async_copy(scl_hbm.at[idx_v.at[s]], scl_v.at[s], sem)

    def drain(k):
        soff = pl.multiple_of((k % 2) * CHUNK, CHUNK)
        for j in range(NSUB):
            s = pl.ds(soff + j * SUB, SUB)
            pltpu.make_async_copy(bands.at[gidx_v.at[s]], rows_v.at[s],
                                  sem).wait()
            pltpu.make_async_copy(scl_hbm.at[idx_v.at[s]], scl_v.at[s],
                                  sem).wait()

    stage(0)

    def chunk_body(k, carry):
        @pl.when(k + 1 < NCHUNK)
        def _():
            stage(k + 1)

        drain(k)
        base = pl.multiple_of(tbase + k * CHUNK, CHUNK)
        soff = pl.multiple_of((k % 2) * CHUNK, CHUNK)

        def group_body(g, c2):
            _dequant_group(idx_v, scl_v, rows_v, out_v, soff + g * 16, iota2)
            return c2

        lax.fori_loop(0, GROUPS, group_body, 0)
        pltpu.sync_copy(
            out_v.at[pl.ds(pl.multiple_of(soff * 2 * WPR, CHUNK * 2 * WPR),
                           CHUNK * 2 * WPR)],
            out_hbm.at[pl.ds(pl.multiple_of(base * 2 * WPR, CHUNK * 2 * WPR),
                             CHUNK * 2 * WPR)])
        return carry

    lax.fori_loop(0, NCHUNK, chunk_body, 0)


@jax.jit
def _sc_lookup(idx, tab, scales):
    mesh = plsc.VectorSubcoreMesh(core_axis_name="c", subcore_axis_name="s",
                                  num_cores=2, num_subcores=16)
    f = pl.kernel(
        _sc_body,
        out_type=jax.ShapeDtypeStruct((B * 2 * WPR,), jnp.int32),
        mesh=mesh,
        scratch_types=[
            pltpu.VMEM((2 * CHUNK,), jnp.int32),
            pltpu.VMEM((2 * CHUNK,), jnp.int32),
            pltpu.VMEM((2 * CHUNK,), jnp.float32),
            pltpu.VMEM((2 * CHUNK, 128), jnp.int32),
            pltpu.VMEM((2 * CHUNK * 2 * WPR,), jnp.int32),
            pltpu.SemaphoreType.DMA,
        ],
        compiler_params=pltpu.CompilerParams(needs_layout_passes=False,
                                             use_tc_tiling_on_sc=True),
    )
    return f(idx, tab, scales)


def kernel(input, weight_int8, weight_scales):
    tab2 = weight_int8.reshape(NUM_EMB // 2, 2 * DIM)
    out32 = _sc_lookup(input.reshape(-1), tab2, weight_scales)
    out = lax.bitcast_convert_type(out32, jnp.float16)
    return out.reshape(input.shape + (DIM,))

# --- scband reference (transcript-rebuilt; emitter-appended) ---
"""Pipeline reference for scband-embedding8bit-26972394619031 (READ-ONLY COPY).

The authoritative reference and input builder live on the scoring server;
editing this copy changes nothing except your own understanding.
"""

import jax, jax.numpy as jnp
import numpy as np

NUM_EMBEDDINGS = 1000000
EMBEDDING_DIM = 64
PADDING_IDX = 0


def setup_inputs(seed: int = 0) -> dict:
    key = jax.random.key(seed)
    k1, k2, k3 = jax.random.split(key, 3)
    inp = jax.random.randint(k1, (16384, 26), 0, NUM_EMBEDDINGS)
    weight_int8 = jax.random.randint(k2, (NUM_EMBEDDINGS, EMBEDDING_DIM), -127, 128).astype(jnp.int8)
    weight_scales = jax.random.uniform(k3, (NUM_EMBEDDINGS,), minval=0.5, maxval=2.0, dtype=jnp.float32)
    return {"input": inp, "weight_int8": weight_int8, "weight_scales": weight_scales}


def reference(input, weight_int8, weight_scales):
    dtype = jnp.float16
    # row gather of int8 weights and per-row scales (SparseCore gather)
    w = jnp.take(weight_int8, input, axis=0)
    s = jnp.take(weight_scales, input, axis=0)
    output = w.astype(dtype) * (s[..., None] / 127.0).astype(dtype)
    # padding_idx masking
    mask = (input == PADDING_IDX)[..., None]
    output = jnp.where(mask, jnp.zeros((), dtype=dtype), output)
    return output

if __name__ == "__main__":
    import jax
    _d = setup_inputs()
    print(jax.jit(kernel)(*tuple(_d.values())))

</pallas_src>

<mosaic_0001>
#map = affine_map<(d0, d1) -> (0)>
#map1 = affine_map<(d0, d1) -> (0, 0)>
module attributes {stable_mosaic.version = 14 : i64} {
  func.func @_sc_body(%arg0: i32, %arg1: i32, %arg2: memref<425984xi32, #tpu.memory_space<hbm>>, %arg3: memref<500000x128xi8, #tpu.memory_space<hbm>>, %arg4: memref<1000000xf32, #tpu.memory_space<hbm>>, %arg5: memref<13631488xi32, #tpu.memory_space<hbm>>, %arg6: memref<512xi32, #tpu.memory_space<vmem>>, %arg7: memref<512xi32, #tpu.memory_space<vmem>>, %arg8: memref<512xf32, #tpu.memory_space<vmem>>, %arg9: memref<512x128xi32, #tpu.memory_space<vmem>>, %arg10: memref<16384xi32, #tpu.memory_space<vmem>>, %arg11: memref<!tpu.dma_semaphore, #tpu.memory_space<semaphore_mem>>) attributes {dimension_semantics = [#tpu.dimension_semantics<core_parallel>, #tpu.dimension_semantics<subcore_parallel>], iteration_bounds = array<i64: 2, 16>, scalar_prefetch = 0 : i64, scratch_operands = 6 : i64, tpu.core_type = #tpu.core_type<sc_vector_subcore>, window_params = [{transform_indices = #map}, {transform_indices = #map1}, {transform_indices = #map}, {transform_indices = #map}]} {
    %mul3A = arith.constant 2 : i32
    %mul3A_0 = arith.muli %arg1, %mul3A : i32
    %add3A = arith.addi %mul3A_0, %arg0 : i32
    %mul3A_1 = arith.constant 13312 : i32
    %mul3A_2 = arith.muli %add3A, %mul3A_1 : i32
    %iota3A = tpu.iota {dimensions = array<i32: 0>} : vector<16xi32>
    %mul3A_3 = arith.constant 2 : i32
    %mul3A_4 = vector.broadcast %mul3A_3 : i32 to vector<16xi32>
    %mul3A_5 = arith.muli %iota3A, %mul3A_4 : vector<16xi32>
    %add3A_6 = arith.constant 0 : i32
    %add3A_7 = arith.addi %mul3A_2, %add3A_6 : i32
    %multiple_of3A = tpu.assume_multiple %add3A_7, 256 : i32
    %multiple_of3A_8 = arith.constant 0 : i32
    %multiple_of3A_9 = tpu.assume_multiple %multiple_of3A_8, 256 : i32
    "tpu.region"() ({
      %run_scoped3A = tpu.sem_alloc : memref<!tpu.dma_semaphore, #tpu.memory_space<semaphore_mem>>
      %dma_start3A_46 = tpu.memref_slice %arg6[%multiple_of3A_9] : memref<512xi32, #tpu.memory_space<vmem>> -> memref<256xi32, #tpu.memory_space<vmem>>
      %dma_start3A_47 = tpu.memref_slice %arg2[%multiple_of3A] : memref<425984xi32, #tpu.memory_space<hbm>> -> memref<256xi32, #tpu.memory_space<hbm>>
      %dma_start3A_48 = tpu.memref_slice %arg6[%multiple_of3A_9] : memref<512xi32, #tpu.memory_space<vmem>> -> memref<256xi32, #tpu.memory_space<vmem>>
      %dma_start3A_49 = tpu.memref_slice %arg2[%multiple_of3A] : memref<425984xi32, #tpu.memory_space<hbm>> -> memref<256xi32, #tpu.memory_space<hbm>>
      tpu.enqueue_dma source(%dma_start3A_49 : memref<256xi32, #tpu.memory_space<hbm>>) target(%dma_start3A_48 : memref<256xi32, #tpu.memory_space<vmem>>) target_semaphore(%run_scoped3A : memref<!tpu.dma_semaphore, #tpu.memory_space<semaphore_mem>>)
      %dma_wait3A = tpu.memref_slice %arg6[%multiple_of3A_9] : memref<512xi32, #tpu.memory_space<vmem>> -> memref<256xi32, #tpu.memory_space<vmem>>
      %dma_wait3A_50 = tpu.memref_slice %arg2[%multiple_of3A] : memref<425984xi32, #tpu.memory_space<hbm>> -> memref<256xi32, #tpu.memory_space<hbm>>
      %dma_wait3A_51 = tpu.memref_slice %arg6[%multiple_of3A_9] : memref<512xi32, #tpu.memory_space<vmem>> -> memref<256xi32, #tpu.memory_space<vmem>>
      %dma_wait3A_52 = tpu.memref_slice %arg2[%multiple_of3A] : memref<425984xi32, #tpu.memory_space<hbm>> -> memref<256xi32, #tpu.memory_space<hbm>>
      tpu.wait_dma2 semaphore(%run_scoped3A : memref<!tpu.dma_semaphore, #tpu.memory_space<semaphore_mem>>) src(%dma_wait3A_52 : memref<256xi32, #tpu.memory_space<hbm>>) dst(%dma_wait3A_51 : memref<256xi32, #tpu.memory_space<vmem>>)
      tpu.yield
    }) : () -> ()
    %scan3A = arith.constant 0 : i32
    %scan3A_10 = arith.constant 0 : i32
    %scan3A_11 = arith.constant 16 : i32
    %scan3A_12 = arith.addi %scan3A_10, %scan3A_11 : i32
    %scan3A_13 = arith.constant 1 : i32
    scf.for %scan3A_46 = %scan3A_10 to %scan3A_12 step %scan3A_13  : i32 {
      %mul3A_47 = arith.constant 16 : i32
      %mul3A_48 = arith.muli %scan3A_46, %mul3A_47 : i32
      %add3A_49 = arith.addi %multiple_of3A_9, %mul3A_48 : i32
      %get3A = arith.index_cast %add3A_49 : i32 to index
      %get3A_50 = tpu.vector_load %arg6[%get3A] {strides = array<i32>} : memref<512xi32, #tpu.memory_space<vmem>>, vector<16xi32>,
      %shift_right_logical3A = arith.constant 3 : i32
      %shift_right_logical3A_51 = vector.broadcast %shift_right_logical3A : i32 to vector<16xi32>
      %shift_right_logical3A_52 = arith.shrui %get3A_50, %shift_right_logical3A_51 : vector<16xi32>
      %mul3A_53 = arith.constant 16 : i32
      %mul3A_54 = arith.muli %scan3A_46, %mul3A_53 : i32
      %add3A_55 = arith.addi %multiple_of3A_9, %mul3A_54 : i32
      %swap3A = arith.index_cast %add3A_55 : i32 to index
      %swap3A_56 = tpu.vector_load %arg7[%swap3A] {strides = array<i32>} : memref<512xi32, #tpu.memory_space<vmem>>, vector<16xi32>,
      tpu.vector_store %arg7[%swap3A], %shift_right_logical3A_52 {strides = array<i32>} : memref<512xi32, #tpu.memory_space<vmem>>, vector<16xi32>,
    }
    %scan3A_14 = arith.constant 16 : i32
    %add3A_15 = arith.constant 0 : i32
    %add3A_16 = arith.addi %multiple_of3A_9, %add3A_15 : i32
    %dma_start3A = arith.constant 0 : i32
    %dma_start3A_17 = tpu.memref_slice %arg9[%add3A_16, %dma_start3A] : memref<512x128xi32, #tpu.memory_space<vmem>> -> memref<128x128xi32, #tpu.memory_space<vmem>>
    %dma_start3A_18 = tpu.memref_slice %arg7[%add3A_16] : memref<512xi32, #tpu.memory_space<vmem>> -> memref<128xi32, #tpu.memory_space<vmem>>
    %dma_start3A_19 = tpu.memref_bitcast %arg3 : memref<500000x128xi8, #tpu.memory_space<hbm>> -> memref<125000x128xi32, #tpu.memory_space<hbm>>
    %dma_start3A_20 = arith.constant 0 : i32
    %dma_start3A_21 = arith.constant 0 : i32
    %dma_start3A_22 = tpu.memref_slice %dma_start3A_19[%dma_start3A_20, %dma_start3A_21] : memref<125000x128xi32, #tpu.memory_space<hbm>> -> memref<125000x128xi32, #tpu.memory_space<hbm>>
    tpu.enqueue_indirect_dma source(%dma_start3A_22 : memref<125000x128xi32, #tpu.memory_space<hbm>>) target(%dma_start3A_17 : memref<128x128xi32, #tpu.memory_space<vmem>>) offsets(%dma_start3A_18 : memref<128xi32, #tpu.memory_space<vmem>>) semaphore(%arg11 : memref<!tpu.dma_semaphore, #tpu.memory_space<semaphore_mem>>)
    %dma_start3A_23 = tpu.memref_slice %arg8[%add3A_16] : memref<512xf32, #tpu.memory_space<vmem>> -> memref<128xf32, #tpu.memory_space<vmem>>
    %dma_start3A_24 = tpu.memref_slice %arg6[%add3A_16] : memref<512xi32, #tpu.memory_space<vmem>> -> memref<128xi32, #tpu.memory_space<vmem>>
    %dma_start3A_25 = arith.constant 0 : i32
    %dma_start3A_26 = tpu.memref_slice %arg4[%dma_start3A_25] : memref<1000000xf32, #tpu.memory_space<hbm>> -> memref<1000000xf32, #tpu.memory_space<hbm>>
    tpu.enqueue_indirect_dma source(%dma_start3A_26 : memref<1000000xf32, #tpu.memory_space<hbm>>) target(%dma_start3A_23 : memref<128xf32, #tpu.memory_space<vmem>>) offsets(%dma_start3A_24 : memref<128xi32, #tpu.memory_space<vmem>>) semaphore(%arg11 : memref<!tpu.dma_semaphore, #tpu.memory_space<semaphore_mem>>)
    %add3A_27 = arith.constant 128 : i32
    %add3A_28 = arith.addi %multiple_of3A_9, %add3A_27 : i32
    %dma_start3A_29 = arith.constant 0 : i32
    %dma_start3A_30 = tpu.memref_slice %arg9[%add3A_28, %dma_start3A_29] : memref<512x128xi32, #tpu.memory_space<vmem>> -> memref<128x128xi32, #tpu.memory_space<vmem>>
    %dma_start3A_31 = tpu.memref_slice %arg7[%add3A_28] : memref<512xi32, #tpu.memory_space<vmem>> -> memref<128xi32, #tpu.memory_space<vmem>>
    %dma_start3A_32 = tpu.memref_bitcast %arg3 : memref<500000x128xi8, #tpu.memory_space<hbm>> -> memref<125000x128xi32, #tpu.memory_space<hbm>>
    %dma_start3A_33 = arith.constant 0 : i32
    %dma_start3A_34 = arith.constant 0 : i32
    %dma_start3A_35 = tpu.memref_slice %dma_start3A_32[%dma_start3A_33, %dma_start3A_34] : memref<125000x128xi32, #tpu.memory_space<hbm>> -> memref<125000x128xi32, #tpu.memory_space<hbm>>
    tpu.enqueue_indirect_dma source(%dma_start3A_35 : memref<125000x128xi32, #tpu.memory_space<hbm>>) target(%dma_start3A_30 : memref<128x128xi32, #tpu.memory_space<vmem>>) offsets(%dma_start3A_31 : memref<128xi32, #tpu.memory_space<vmem>>) semaphore(%arg11 : memref<!tpu.dma_semaphore, #tpu.memory_space<semaphore_mem>>)
    %dma_start3A_36 = tpu.memref_slice %arg8[%add3A_28] : memref<512xf32, #tpu.memory_space<vmem>> -> memref<128xf32, #tpu.memory_space<vmem>>
    %dma_start3A_37 = tpu.memref_slice %arg6[%add3A_28] : memref<512xi32, #tpu.memory_space<vmem>> -> memref<128xi32, #tpu.memory_space<vmem>>
    %dma_start3A_38 = arith.constant 0 : i32
    %dma_start3A_39 = tpu.memref_slice %arg4[%dma_start3A_38] : memref<1000000xf32, #tpu.memory_space<hbm>> -> memref<1000000xf32, #tpu.memory_space<hbm>>
    tpu.enqueue_indirect_dma source(%dma_start3A_39 : memref<1000000xf32, #tpu.memory_space<hbm>>) target(%dma_start3A_36 : memref<128xf32, #tpu.memory_space<vmem>>) offsets(%dma_start3A_37 : memref<128xi32, #tpu.memory_space<vmem>>) semaphore(%arg11 : memref<!tpu.dma_semaphore, #tpu.memory_space<semaphore_mem>>)
    %scan3A_40 = arith.constant 0 : i32
    %scan3A_41 = arith.constant 0 : i32
    %scan3A_42 = arith.constant 52 : i32
    %scan3A_43 = arith.addi %scan3A_41, %scan3A_42 : i32
    %scan3A_44 = arith.constant 1 : i32
    scf.for %scan3A_46 = %scan3A_41 to %scan3A_43 step %scan3A_44  : i32 {
      %add3A_47 = arith.constant 1 : i32
      %add3A_48 = arith.addi %scan3A_46, %add3A_47 : i32
      %lt3A = arith.constant 52 : i32
      %lt3A_49 = arith.cmpi slt, %add3A_48, %lt3A : i32
      %convert_element_type3A = arith.extui %lt3A_49 : i1 to i32
      %cond3A = arith.constant 0 : i32
      %cond3A_50 = arith.cmpi ne, %convert_element_type3A, %cond3A : i32
      scf.if %cond3A_50 {
        %add3A_128 = arith.constant 1 : i32
        %add3A_129 = arith.addi %scan3A_46, %add3A_128 : i32
        %mul3A_130 = arith.constant 256 : i32
        %mul3A_131 = arith.muli %add3A_129, %mul3A_130 : i32
        %add3A_132 = arith.addi %mul3A_2, %mul3A_131 : i32
        %multiple_of3A_133 = tpu.assume_multiple %add3A_132, 256 : i32
        %jit3A_134 = arith.constant 2 : i32
        %eq3A_135 = arith.constant 0 : i32
        %eq3A_136 = arith.cmpi eq, %jit3A_134, %eq3A_135 : i32
        %jit3A_137 = arith.constant 1 : i32
        %select_n3A_138 = arith.select %eq3A_136, %jit3A_137, %jit3A_134 : i32
        %rem3A_139 = arith.remsi %add3A_129, %select_n3A_138 : i32
        %ne3A_140 = arith.constant 0 : i32
        %ne3A_141 = arith.cmpi ne, %rem3A_139, %ne3A_140 : i32
        %lt3A_142 = arith.constant 0 : i32
        %lt3A_143 = arith.cmpi slt, %rem3A_139, %lt3A_142 : i32
        %lt3A_144 = arith.constant 0 : i32
        %lt3A_145 = arith.cmpi slt, %select_n3A_138, %lt3A_144 : i32
        %ne3A_146 = arith.xori %lt3A_143, %lt3A_145 : i1
        %and3A_147 = arith.andi %ne3A_146, %ne3A_141 : i1
        %add3A_148 = arith.addi %rem3A_139, %select_n3A_138 : i32
        %select_n3A_149 = arith.select %and3A_147, %add3A_148, %rem3A_139 : i32
        %mul3A_150 = arith.constant 256 : i32
        %mul3A_151 = arith.muli %select_n3A_149, %mul3A_150 : i32
        %multiple_of3A_152 = tpu.assume_multiple %mul3A_151, 256 : i32
        "tpu.region"() ({
          %run_scoped3A = tpu.sem_alloc : memref<!tpu.dma_semaphore, #tpu.memory_space<semaphore_mem>>
          %dma_start3A_185 = tpu.memref_slice %arg6[%multiple_of3A_152] : memref<512xi32, #tpu.memory_space<vmem>> -> memref<256xi32, #tpu.memory_space<vmem>>
          %dma_start3A_186 = tpu.memref_slice %arg2[%multiple_of3A_133] : memref<425984xi32, #tpu.memory_space<hbm>> -> memref<256xi32, #tpu.memory_space<hbm>>
          %dma_start3A_187 = tpu.memref_slice %arg6[%multiple_of3A_152] : memref<512xi32, #tpu.memory_space<vmem>> -> memref<256xi32, #tpu.memory_space<vmem>>
          %dma_start3A_188 = tpu.memref_slice %arg2[%multiple_of3A_133] : memref<425984xi32, #tpu.memory_space<hbm>> -> memref<256xi32, #tpu.memory_space<hbm>>
          tpu.enqueue_dma source(%dma_start3A_188 : memref<256xi32, #tpu.memory_space<hbm>>) target(%dma_start3A_187 : memref<256xi32, #tpu.memory_space<vmem>>) target_semaphore(%run_scoped3A : memref<!tpu.dma_semaphore, #tpu.memory_space<semaphore_mem>>)
          %dma_wait3A_189 = tpu.memref_slice %arg6[%multiple_of3A_152] : memref<512xi32, #tpu.memory_space<vmem>> -> memref<256xi32, #tpu.memory_space<vmem>>
          %dma_wait3A_190 = tpu.memref_slice %arg2[%multiple_of3A_133] : memref<425984xi32, #tpu.memory_space<hbm>> -> memref<256xi32, #tpu.memory_space<hbm>>
          %dma_wait3A_191 = tpu.memref_slice %arg6[%multiple_of3A_152] : memref<512xi32, #tpu.memory_space<vmem>> -> memref<256xi32, #tpu.memory_space<vmem>>
          %dma_wait3A_192 = tpu.memref_slice %arg2[%multiple_of3A_133] : memref<425984xi32, #tpu.memory_space<hbm>> -> memref<256xi32, #tpu.memory_space<hbm>>
          tpu.wait_dma2 semaphore(%run_scoped3A : memref<!tpu.dma_semaphore, #tpu.memory_space<semaphore_mem>>) src(%dma_wait3A_192 : memref<256xi32, #tpu.memory_space<hbm>>) dst(%dma_wait3A_191 : memref<256xi32, #tpu.memory_space<vmem>>)
          tpu.yield
        }) : () -> ()
        %scan3A_153 = arith.constant 0 : i32
        %scan3A_154 = arith.constant 0 : i32
        %scan3A_155 = arith.constant 16 : i32
        %scan3A_156 = arith.addi %scan3A_154, %scan3A_155 : i32
        %scan3A_157 = arith.constant 1 : i32
        scf.for %scan3A_185 = %scan3A_154 to %scan3A_156 step %scan3A_157  : i32 {
          %mul3A_186 = arith.constant 16 : i32
          %mul3A_187 = arith.muli %scan3A_185, %mul3A_186 : i32
          %add3A_188 = arith.addi %multiple_of3A_152, %mul3A_187 : i32
          %get3A = arith.index_cast %add3A_188 : i32 to index
          %get3A_189 = tpu.vector_load %arg6[%get3A] {strides = array<i32>} : memref<512xi32, #tpu.memory_space<vmem>>, vector<16xi32>,
          %shift_right_logical3A = arith.constant 3 : i32
          %shift_right_logical3A_190 = vector.broadcast %shift_right_logical3A : i32 to vector<16xi32>
          %shift_right_logical3A_191 = arith.shrui %get3A_189, %shift_right_logical3A_190 : vector<16xi32>
          %mul3A_192 = arith.constant 16 : i32
          %mul3A_193 = arith.muli %scan3A_185, %mul3A_192 : i32
          %add3A_194 = arith.addi %multiple_of3A_152, %mul3A_193 : i32
          %swap3A = arith.index_cast %add3A_194 : i32 to index
          %swap3A_195 = tpu.vector_load %arg7[%swap3A] {strides = array<i32>} : memref<512xi32, #tpu.memory_space<vmem>>, vector<16xi32>,
          tpu.vector_store %arg7[%swap3A], %shift_right_logical3A_191 {strides = array<i32>} : memref<512xi32, #tpu.memory_space<vmem>>, vector<16xi32>,
        }
        %scan3A_158 = arith.constant 16 : i32
        %add3A_159 = arith.constant 0 : i32
        %add3A_160 = arith.addi %multiple_of3A_152, %add3A_159 : i32
        %dma_start3A_161 = arith.constant 0 : i32
        %dma_start3A_162 = tpu.memref_slice %arg9[%add3A_160, %dma_start3A_161] : memref<512x128xi32, #tpu.memory_space<vmem>> -> memref<128x128xi32, #tpu.memory_space<vmem>>
        %dma_start3A_163 = tpu.memref_slice %arg7[%add3A_160] : memref<512xi32, #tpu.memory_space<vmem>> -> memref<128xi32, #tpu.memory_space<vmem>>
        %dma_start3A_164 = tpu.memref_bitcast %arg3 : memref<500000x128xi8, #tpu.memory_space<hbm>> -> memref<125000x128xi32, #tpu.memory_space<hbm>>
        %dma_start3A_165 = arith.constant 0 : i32
        %dma_start3A_166 = arith.constant 0 : i32
        %dma_start3A_167 = tpu.memref_slice %dma_start3A_164[%dma_start3A_165, %dma_start3A_166] : memref<125000x128xi32, #tpu.memory_space<hbm>> -> memref<125000x128xi32, #tpu.memory_space<hbm>>
        tpu.enqueue_indirect_dma source(%dma_start3A_167 : memref<125000x128xi32, #tpu.memory_space<hbm>>) target(%dma_start3A_162 : memref<128x128xi32, #tpu.memory_space<vmem>>) offsets(%dma_start3A_163 : memref<128xi32, #tpu.memory_space<vmem>>) semaphore(%arg11 : memref<!tpu.dma_semaphore, #tpu.memory_space<semaphore_mem>>)
        %dma_start3A_168 = tpu.memref_slice %arg8[%add3A_160] : memref<512xf32, #tpu.memory_space<vmem>> -> memref<128xf32, #tpu.memory_space<vmem>>
        %dma_start3A_169 = tpu.memref_slice %arg6[%add3A_160] : memref<512xi32, #tpu.memory_space<vmem>> -> memref<128xi32, #tpu.memory_space<vmem>>
        %dma_start3A_170 = arith.constant 0 : i32
        %dma_start3A_171 = tpu.memref_slice %arg4[%dma_start3A_170] : memref<1000000xf32, #tpu.memory_space<hbm>> -> memref<1000000xf32, #tpu.memory_space<hbm>>
        tpu.enqueue_indirect_dma source(%dma_start3A_171 : memref<1000000xf32, #tpu.memory_space<hbm>>) target(%dma_start3A_168 : memref<128xf32, #tpu.memory_space<vmem>>) offsets(%dma_start3A_169 : memref<128xi32, #tpu.memory_space<vmem>>) semaphore(%arg11 : memref<!tpu.dma_semaphore, #tpu.memory_space<semaphore_mem>>)
        %add3A_172 = arith.constant 128 : i32
        %add3A_173 = arith.addi %multiple_of3A_152, %add3A_172 : i32
        %dma_start3A_174 = arith.constant 0 : i32
        %dma_start3A_175 = tpu.memref_slice %arg9[%add3A_173, %dma_start3A_174] : memref<512x128xi32, #tpu.memory_space<vmem>> -> memref<128x128xi32, #tpu.memory_space<vmem>>
        %dma_start3A_176 = tpu.memref_slice %arg7[%add3A_173] : memref<512xi32, #tpu.memory_space<vmem>> -> memref<128xi32, #tpu.memory_space<vmem>>
        %dma_start3A_177 = tpu.memref_bitcast %arg3 : memref<500000x128xi8, #tpu.memory_space<hbm>> -> memref<125000x128xi32, #tpu.memory_space<hbm>>
        %dma_start3A_178 = arith.constant 0 : i32
        %dma_start3A_179 = arith.constant 0 : i32
        %dma_start3A_180 = tpu.memref_slice %dma_start3A_177[%dma_start3A_178, %dma_start3A_179] : memref<125000x128xi32, #tpu.memory_space<hbm>> -> memref<125000x128xi32, #tpu.memory_space<hbm>>
        tpu.enqueue_indirect_dma source(%dma_start3A_180 : memref<125000x128xi32, #tpu.memory_space<hbm>>) target(%dma_start3A_175 : memref<128x128xi32, #tpu.memory_space<vmem>>) offsets(%dma_start3A_176 : memref<128xi32, #tpu.memory_space<vmem>>) semaphore(%arg11 : memref<!tpu.dma_semaphore, #tpu.memory_space<semaphore_mem>>)
        %dma_start3A_181 = tpu.memref_slice %arg8[%add3A_173] : memref<512xf32, #tpu.memory_space<vmem>> -> memref<128xf32, #tpu.memory_space<vmem>>
        %dma_start3A_182 = tpu.memref_slice %arg6[%add3A_173] : memref<512xi32, #tpu.memory_space<vmem>> -> memref<128xi32, #tpu.memory_space<vmem>>
        %dma_start3A_183 = arith.constant 0 : i32
        %dma_start3A_184 = tpu.memref_slice %arg4[%dma_start3A_183] : memref<1000000xf32, #tpu.memory_space<hbm>> -> memref<1000000xf32, #tpu.memory_space<hbm>>
        tpu.enqueue_indirect_dma source(%dma_start3A_184 : memref<1000000xf32, #tpu.memory_space<hbm>>) target(%dma_start3A_181 : memref<128xf32, #tpu.memory_space<vmem>>) offsets(%dma_start3A_182 : memref<128xi32, #tpu.memory_space<vmem>>) semaphore(%arg11 : memref<!tpu.dma_semaphore, #tpu.memory_space<semaphore_mem>>)
      } else {
      }
      %jit3A = arith.constant 2 : i32
      %eq3A = arith.constant 0 : i32
      %eq3A_51 = arith.cmpi eq, %jit3A, %eq3A : i32
      %jit3A_52 = arith.constant 1 : i32
      %select_n3A = arith.select %eq3A_51, %jit3A_52, %jit3A : i32
      %rem3A = arith.remsi %scan3A_46, %select_n3A : i32
      %ne3A = arith.constant 0 : i32
      %ne3A_53 = arith.cmpi ne, %rem3A, %ne3A : i32
      %lt3A_54 = arith.constant 0 : i32
      %lt3A_55 = arith.cmpi slt, %rem3A, %lt3A_54 : i32
      %lt3A_56 = arith.constant 0 : i32
      %lt3A_57 = arith.cmpi slt, %select_n3A, %lt3A_56 : i32
      %ne3A_58 = arith.xori %lt3A_55, %lt3A_57 : i1
      %and3A = arith.andi %ne3A_58, %ne3A_53 : i1
      %add3A_59 = arith.addi %rem3A, %select_n3A : i32
      %select_n3A_60 = arith.select %and3A, %add3A_59, %rem3A : i32
      %mul3A_61 = arith.constant 256 : i32
      %mul3A_62 = arith.muli %select_n3A_60, %mul3A_61 : i32
      %multiple_of3A_63 = tpu.assume_multiple %mul3A_62, 256 : i32
      %add3A_64 = arith.constant 0 : i32
      %add3A_65 = arith.addi %multiple_of3A_63, %add3A_64 : i32
      %dma_wait3A = arith.constant 0 : i32
      %dma_wait3A_66 = tpu.memref_slice %arg9[%add3A_65, %dma_wait3A] : memref<512x128xi32, #tpu.memory_space<vmem>> -> memref<128x128xi32, #tpu.memory_space<vmem>>
      %dma_wait3A_67 = tpu.memref_slice %arg7[%add3A_65] : memref<512xi32, #tpu.memory_space<vmem>> -> memref<128xi32, #tpu.memory_space<vmem>>
      %dma_wait3A_68 = tpu.memref_bitcast %arg3 : memref<500000x128xi8, #tpu.memory_space<hbm>> -> memref<125000x128xi32, #tpu.memory_space<hbm>>
      %dma_wait3A_69 = arith.constant 0 : i32
      %dma_wait3A_70 = arith.constant 0 : i32
      %dma_wait3A_71 = tpu.memref_slice %dma_wait3A_68[%dma_wait3A_69, %dma_wait3A_70] : memref<125000x128xi32, #tpu.memory_space<hbm>> -> memref<125000x128xi32, #tpu.memory_space<hbm>>
      tpu.wait_indirect_dma semaphore(%arg11 : memref<!tpu.dma_semaphore, #tpu.memory_space<semaphore_mem>>) src(%dma_wait3A_71 : memref<125000x128xi32, #tpu.memory_space<hbm>>) dst(%dma_wait3A_66 : memref<128x128xi32, #tpu.memory_space<vmem>>)
      %dma_wait3A_72 = tpu.memref_slice %arg8[%add3A_65] : memref<512xf32, #tpu.memory_space<vmem>> -> memref<128xf32, #tpu.memory_space<vmem>>
      %dma_wait3A_73 = tpu.memref_slice %arg6[%add3A_65] : memref<512xi32, #tpu.memory_space<vmem>> -> memref<128xi32, #tpu.memory_space<vmem>>
      %dma_wait3A_74 = arith.constant 0 : i32
      %dma_wait3A_75 = tpu.memref_slice %arg4[%dma_wait3A_74] : memref<1000000xf32, #tpu.memory_space<hbm>> -> memref<1000000xf32, #tpu.memory_space<hbm>>
      tpu.wait_indirect_dma semaphore(%arg11 : memref<!tpu.dma_semaphore, #tpu.memory_space<semaphore_mem>>) src(%dma_wait3A_75 : memref<1000000xf32, #tpu.memory_space<hbm>>) dst(%dma_wait3A_72 : memref<128xf32, #tpu.memory_space<vmem>>)
      %add3A_76 = arith.constant 128 : i32
      %add3A_77 = arith.addi %multiple_of3A_63, %add3A_76 : i32
      %dma_wait3A_78 = arith.constant 0 : i32
      %dma_wait3A_79 = tpu.memref_slice %arg9[%add3A_77, %dma_wait3A_78] : memref<512x128xi32, #tpu.memory_space<vmem>> -> memref<128x128xi32, #tpu.memory_space<vmem>>
      %dma_wait3A_80 = tpu.memref_slice %arg7[%add3A_77] : memref<512xi32, #tpu.memory_space<vmem>> -> memref<128xi32, #tpu.memory_space<vmem>>
      %dma_wait3A_81 = tpu.memref_bitcast %arg3 : memref<500000x128xi8, #tpu.memory_space<hbm>> -> memref<125000x128xi32, #tpu.memory_space<hbm>>
      %dma_wait3A_82 = arith.constant 0 : i32
      %dma_wait3A_83 = arith.constant 0 : i32
      %dma_wait3A_84 = tpu.memref_slice %dma_wait3A_81[%dma_wait3A_82, %dma_wait3A_83] : memref<125000x128xi32, #tpu.memory_space<hbm>> -> memref<125000x128xi32, #tpu.memory_space<hbm>>
      tpu.wait_indirect_dma semaphore(%arg11 : memref<!tpu.dma_semaphore, #tpu.memory_space<semaphore_mem>>) src(%dma_wait3A_84 : memref<125000x128xi32, #tpu.memory_space<hbm>>) dst(%dma_wait3A_79 : memref<128x128xi32, #tpu.memory_space<vmem>>)
      %dma_wait3A_85 = tpu.memref_slice %arg8[%add3A_77] : memref<512xf32, #tpu.memory_space<vmem>> -> memref<128xf32, #tpu.memory_space<vmem>>
      %dma_wait3A_86 = tpu.memref_slice %arg6[%add3A_77] : memref<512xi32, #tpu.memory_space<vmem>> -> memref<128xi32, #tpu.memory_space<vmem>>
      %dma_wait3A_87 = arith.constant 0 : i32
      %dma_wait3A_88 = tpu.memref_slice %arg4[%dma_wait3A_87] : memref<1000000xf32, #tpu.memory_space<hbm>> -> memref<1000000xf32, #tpu.memory_space<hbm>>
      tpu.wait_indirect_dma semaphore(%arg11 : memref<!tpu.dma_semaphore, #tpu.memory_space<semaphore_mem>>) src(%dma_wait3A_88 : memref<1000000xf32, #tpu.memory_space<hbm>>) dst(%dma_wait3A_85 : memref<128xf32, #tpu.memory_space<vmem>>)
      %mul3A_89 = arith.constant 256 : i32
      %mul3A_90 = arith.muli %scan3A_46, %mul3A_89 : i32
      %add3A_91 = arith.addi %mul3A_2, %mul3A_90 : i32
      %multiple_of3A_92 = tpu.assume_multiple %add3A_91, 256 : i32
      %jit3A_93 = arith.constant 2 : i32
      %eq3A_94 = arith.constant 0 : i32
      %eq3A_95 = arith.cmpi eq, %jit3A_93, %eq3A_94 : i32
      %jit3A_96 = arith.constant 1 : i32
      %select_n3A_97 = arith.select %eq3A_95, %jit3A_96, %jit3A_93 : i32
      %rem3A_98 = arith.remsi %scan3A_46, %select_n3A_97 : i32
      %ne3A_99 = arith.constant 0 : i32
      %ne3A_100 = arith.cmpi ne, %rem3A_98, %ne3A_99 : i32
      %lt3A_101 = arith.constant 0 : i32
      %lt3A_102 = arith.cmpi slt, %rem3A_98, %lt3A_101 : i32
      %lt3A_103 = arith.constant 0 : i32
      %lt3A_104 = arith.cmpi slt, %select_n3A_97, %lt3A_103 : i32
      %ne3A_105 = arith.xori %lt3A_102, %lt3A_104 : i1
      %and3A_106 = arith.andi %ne3A_105, %ne3A_100 : i1
      %add3A_107 = arith.addi %rem3A_98, %select_n3A_97 : i32
      %select_n3A_108 = arith.select %and3A_106, %add3A_107, %rem3A_98 : i32
      %mul3A_109 = arith.constant 256 : i32
      %mul3A_110 = arith.muli %select_n3A_108, %mul3A_109 : i32
      %multiple_of3A_111 = tpu.assume_multiple %mul3A_110, 256 : i32
      %scan3A_112 = arith.constant 0 : i32
      %scan3A_113 = arith.constant 0 : i32
      %scan3A_114 = arith.constant 16 : i32
      %scan3A_115 = arith.addi %scan3A_113, %scan3A_114 : i32
      %scan3A_116 = arith.constant 1 : i32
      scf.for %scan3A_128 = %scan3A_113 to %scan3A_115 step %scan3A_116  : i32 {
        %mul3A_129 = arith.constant 16 : i32
        %mul3A_130 = arith.muli %scan3A_128, %mul3A_129 : i32
        %add3A_131 = arith.addi %multiple_of3A_111, %mul3A_130 : i32
        %get3A = arith.index_cast %add3A_131 : i32 to index
        %get3A_132 = tpu.vector_load %arg6[%get3A] {strides = array<i32>} : memref<512xi32, #tpu.memory_space<vmem>>, vector<16xi32>,
        %get3A_133 = arith.index_cast %add3A_131 : i32 to index
        %get3A_134 = tpu.vector_load %arg8[%get3A_133] {strides = array<i32>} : memref<512xf32, #tpu.memory_space<vmem>>, vector<16xf32>,
        %eq3A_135 = arith.constant 0 : i32
        %eq3A_136 = vector.broadcast %eq3A_135 : i32 to vector<16xi32>
        %eq3A_137 = arith.cmpi eq, %get3A_132, %eq3A_136 : vector<16xi32>
        %jit3A_138 = arith.constant 0.000000e+00 : f32
        %broadcast_in_dim3A = vector.broadcast %jit3A_138 : f32 to vector<16xf32>
        %select_n3A_139 = arith.select %eq3A_137, %broadcast_in_dim3A, %get3A_134 : vector<16xi1>, vector<16xf32>
        %mul3A_140 = arith.constant 1.51648027E-36 : f32
        %mul3A_141 = vector.broadcast %mul3A_140 : f32 to vector<16xf32>
        %mul3A_142 = arith.mulf %select_n3A_139, %mul3A_141 : vector<16xf32>
        %add3A_143 = arith.constant 0 : i32
        %add3A_144 = arith.addi %add3A_131, %add3A_143 : i32
        %slice3A = vector.extract_strided_slice %mul3A_142 {offsets = [0], sizes = [1], strides = [1]} : vector<16xf32> to vector<1xf32>
        %squeeze3A = vector.extract %slice3A[0] : f32 from vector<1xf32>
        %slice3A_145 = vector.extract_strided_slice %get3A_132 {offsets = [0], sizes = [1], strides = [1]} : vector<16xi32> to vector<1xi32>
        %squeeze3A_146 = vector.extract %slice3A_145[0] : i32 from vector<1xi32>
        %jit3A_147 = arith.constant 2 : i32
        %div3A = arith.divsi %squeeze3A_146, %jit3A_147 : i32
        %sign3A = arith.constant 0 : i32
        %sign3A_148 = arith.cmpi sgt, %squeeze3A_146, %sign3A : i32
        %sign3A_149 = arith.extui %sign3A_148 : i1 to i32
        %sign3A_150 = arith.constant 0 : i32
        %sign3A_151 = arith.cmpi slt, %squeeze3A_146, %sign3A_150 : i32
        %sign3A_152 = arith.extui %sign3A_151 : i1 to i32
        %sign3A_153 = arith.subi %sign3A_149, %sign3A_152 : i32
        %sign3A_154 = arith.constant 0 : i32
        %sign3A_155 = arith.cmpi sgt, %jit3A_147, %sign3A_154 : i32
        %sign3A_156 = arith.extui %sign3A_155 : i1 to i32
        %sign3A_157 = arith.constant 0 : i32
        %sign3A_158 = arith.cmpi slt, %jit3A_147, %sign3A_157 : i32
        %sign3A_159 = arith.extui %sign3A_158 : i1 to i32
        %sign3A_160 = arith.subi %sign3A_156, %sign3A_159 : i32
        %ne3A_161 = arith.cmpi ne, %sign3A_153, %sign3A_160 : i32
        %rem3A_162 = arith.remsi %squeeze3A_146, %jit3A_147 : i32
        %ne3A_163 = arith.constant 0 : i32
        %ne3A_164 = arith.cmpi ne, %rem3A_162, %ne3A_163 : i32
        %and3A_165 = arith.andi %ne3A_161, %ne3A_164 : i1
        %sub3A = arith.constant 1 : i32
        %sub3A_166 = arith.subi %div3A, %sub3A : i32
        %select_n3A_167 = arith.select %and3A_165, %sub3A_166, %div3A : i32
        %jit3A_168 = arith.constant 4 : i32
        %eq3A_169 = arith.constant 0 : i32
        %eq3A_170 = arith.cmpi eq, %jit3A_168, %eq3A_169 : i32
        %jit3A_171 = arith.constant 1 : i32
        %select_n3A_172 = arith.select %eq3A_170, %jit3A_171, %jit3A_168 : i32
        %rem3A_173 = arith.remsi %select_n3A_167, %select_n3A_172 : i32
        %ne3A_174 = arith.constant 0 : i32
        %ne3A_175 = arith.cmpi ne, %rem3A_173, %ne3A_174 : i32
        %lt3A_176 = arith.constant 0 : i32
        %lt3A_177 = arith.cmpi slt, %rem3A_173, %lt3A_176 : i32
        %lt3A_178 = arith.constant 0 : i32
        %lt3A_179 = arith.cmpi slt, %select_n3A_172, %lt3A_178 : i32
        %ne3A_180 = arith.xori %lt3A_177, %lt3A_179 : i1
        %and3A_181 = arith.andi %ne3A_180, %ne3A_175 : i1
        %add3A_182 = arith.addi %rem3A_173, %select_n3A_172 : i32
        %select_n3A_183 = arith.select %and3A_181, %add3A_182, %rem3A_173 : i32
        %mul3A_184 = arith.constant 8 : i32
        %mul3A_185 = arith.muli %mul3A_184, %select_n3A_183 : i32
        %sub3A_186 = arith.constant 24 : i32
        %sub3A_187 = arith.subi %sub3A_186, %mul3A_185 : i32
        %jit3A_188 = arith.constant 2 : i32
        %eq3A_189 = arith.constant 0 : i32
        %eq3A_190 = arith.cmpi eq, %jit3A_188, %eq3A_189 : i32
        %jit3A_191 = arith.constant 1 : i32
        %select_n3A_192 = arith.select %eq3A_190, %jit3A_191, %jit3A_188 : i32
        %rem3A_193 = arith.remsi %squeeze3A_146, %select_n3A_192 : i32
        %ne3A_194 = arith.constant 0 : i32
        %ne3A_195 = arith.cmpi ne, %rem3A_193, %ne3A_194 : i32
        %lt3A_196 = arith.constant 0 : i32
        %lt3A_197 = arith.cmpi slt, %rem3A_193, %lt3A_196 : i32
        %lt3A_198 = arith.constant 0 : i32
        %lt3A_199 = arith.cmpi slt, %select_n3A_192, %lt3A_198 : i32
        %ne3A_200 = arith.xori %lt3A_197, %lt3A_199 : i1
        %and3A_201 = arith.andi %ne3A_200, %ne3A_195 : i1
        %add3A_202 = arith.addi %rem3A_193, %select_n3A_192 : i32
        %select_n3A_203 = arith.select %and3A_201, %add3A_202, %rem3A_193 : i32
        %mul3A_204 = arith.constant 64 : i32
        %mul3A_205 = arith.muli %select_n3A_203, %mul3A_204 : i32
        %broadcast_in_dim3A_206 = vector.broadcast %add3A_144 : i32 to vector<16xi32>
        %add3A_207 = vector.broadcast %mul3A_205 : i32 to vector<16xi32>
        %add3A_208 = arith.addi %add3A_207, %mul3A_5 : vector<16xi32>
        %add3A_209 = arith.constant 0 : i32
        %add3A_210 = vector.broadcast %add3A_209 : i32 to vector<16xi32>
        %add3A_211 = arith.addi %add3A_208, %add3A_210 : vector<16xi32>
        %gather3A = tpu.vector_load_idx %arg9[%broadcast_in_dim3A_206, %add3A_211] : memref<512x128xi32, #tpu.memory_space<vmem>>[vector<16xi32>, vector<16xi32>], vector<16xi32>,
        %add3A_212 = vector.broadcast %mul3A_205 : i32 to vector<16xi32>
        %add3A_213 = arith.addi %add3A_212, %mul3A_5 : vector<16xi32>
        %add3A_214 = arith.constant 1 : i32
        %add3A_215 = vector.broadcast %add3A_214 : i32 to vector<16xi32>
        %add3A_216 = arith.addi %add3A_213, %add3A_215 : vector<16xi32>
        %gather3A_217 = tpu.vector_load_idx %arg9[%broadcast_in_dim3A_206, %add3A_216] : memref<512x128xi32, #tpu.memory_space<vmem>>[vector<16xi32>, vector<16xi32>], vector<16xi32>,
        %shift_left3A = vector.broadcast %sub3A_187 : i32 to vector<16xi32>
        %shift_left3A_218 = arith.shli %gather3A, %shift_left3A : vector<16xi32>
        %shift_right_arithmetic3A = arith.constant 24 : i32
        %shift_right_arithmetic3A_219 = vector.broadcast %shift_right_arithmetic3A : i32 to vector<16xi32>
        %shift_right_arithmetic3A_220 = arith.shrsi %shift_left3A_218, %shift_right_arithmetic3A_219 : vector<16xi32>
        %shift_left3A_221 = vector.broadcast %sub3A_187 : i32 to vector<16xi32>
        %shift_left3A_222 = arith.shli %gather3A_217, %shift_left3A_221 : vector<16xi32>
        %shift_right_arithmetic3A_223 = arith.constant 24 : i32
        %shift_right_arithmetic3A_224 = vector.broadcast %shift_right_arithmetic3A_223 : i32 to vector<16xi32>
        %shift_right_arithmetic3A_225 = arith.shrsi %shift_left3A_222, %shift_right_arithmetic3A_224 : vector<16xi32>
        %convert_element_type3A_226 = arith.sitofp %shift_right_arithmetic3A_220 : vector<16xi32> to vector<16xf32>
        %mul3A_227 = vector.broadcast %squeeze3A : f32 to vector<16xf32>
        %mul3A_228 = arith.mulf %convert_element_type3A_226, %mul3A_227 : vector<16xf32>
        %bitcast_convert_type3A = tpu.bitcast %mul3A_228 : vector<16xf32> -> vector<16xi32>
        %and3A_229 = arith.constant 2147483647 : i32
        %and3A_230 = vector.broadcast %and3A_229 : i32 to vector<16xi32>
        %and3A_231 = arith.andi %bitcast_convert_type3A, %and3A_230 : vector<16xi32>
        %add3A_232 = arith.constant 4095 : i32
        %add3A_233 = vector.broadcast %add3A_232 : i32 to vector<16xi32>
        %add3A_234 = arith.addi %and3A_231, %add3A_233 : vector<16xi32>
        %shift_right_logical3A = arith.constant 13 : i32
        %shift_right_logical3A_235 = vector.broadcast %shift_right_logical3A : i32 to vector<16xi32>
        %shift_right_logical3A_236 = arith.shrui %add3A_234, %shift_right_logical3A_235 : vector<16xi32>
        %shift_right_logical3A_237 = arith.constant 16 : i32
        %shift_right_logical3A_238 = vector.broadcast %shift_right_logical3A_237 : i32 to vector<16xi32>
        %shift_right_logical3A_239 = arith.shrui %bitcast_convert_type3A, %shift_right_logical3A_238 : vector<16xi32>
        %and3A_240 = arith.constant 32768 : i32
        %and3A_241 = vector.broadcast %and3A_240 : i32 to vector<16xi32>
        %and3A_242 = arith.andi %shift_right_logical3A_239, %and3A_241 : vector<16xi32>
        %or3A = arith.ori %shift_right_logical3A_236, %and3A_242 : vector<16xi32>
        %convert_element_type3A_243 = arith.sitofp %shift_right_arithmetic3A_225 : vector<16xi32> to vector<16xf32>
        %mul3A_244 = vector.broadcast %squeeze3A : f32 to vector<16xf32>
        %mul3A_245 = arith.mulf %convert_element_type3A_243, %mul3A_244 : vector<16xf32>
        %bitcast_convert_type3A_246 = tpu.bitcast %mul3A_245 : vector<16xf32> -> vector<16xi32>
        %and3A_247 = arith.constant 2147483647 : i32
        %and3A_248 = vector.broadcast %and3A_247 : i32 to vector<16xi32>
        %and3A_249 = arith.andi %bitcast_convert_type3A_246, %and3A_248 : vector<16xi32>
        %add3A_250 = arith.constant 4095 : i32
        %add3A_251 = vector.broadcast %add3A_250 : i32 to vector<16xi32>
        %add3A_252 = arith.addi %and3A_249, %add3A_251 : vector<16xi32>
        %shift_right_logical3A_253 = arith.constant 13 : i32
        %shift_right_logical3A_254 = vector.broadcast %shift_right_logical3A_253 : i32 to vector<16xi32>
        %shift_right_logical3A_255 = arith.shrui %add3A_252, %shift_right_logical3A_254 : vector<16xi32>
        %shift_right_logical3A_256 = arith.constant 16 : i32
        %shift_right_logical3A_257 = vector.broadcast %shift_right_logical3A_256 : i32 to vector<16xi32>
        %shift_right_logical3A_258 = arith.shrui %bitcast_convert_type3A_246, %shift_right_logical3A_257 : vector<16xi32>
        %and3A_259 = arith.constant 32768 : i32
        %and3A_260 = vector.broadcast %and3A_259 : i32 to vector<16xi32>
        %and3A_261 = arith.andi %shift_right_logical3A_258, %and3A_260 : vector<16xi32>
        %or3A_262 = arith.ori %shift_right_logical3A_255, %and3A_261 : vector<16xi32>
        %shift_left3A_263 = arith.constant 16 : i32
        %shift_left3A_264 = vector.broadcast %shift_left3A_263 : i32 to vector<16xi32>
        %shift_left3A_265 = arith.shli %or3A_262, %shift_left3A_264 : vector<16xi32>
        %or3A_266 = arith.ori %or3A, %shift_left3A_265 : vector<16xi32>
        %mul3A_267 = arith.constant 2 : i32
        %mul3A_268 = arith.muli %add3A_144, %mul3A_267 : i32
        %mul3A_269 = arith.constant 16 : i32
        %mul3A_270 = arith.muli %mul3A_268, %mul3A_269 : i32
        %add3A_271 = arith.constant 0 : i32
        %add3A_272 = arith.addi %mul3A_270, %add3A_271 : i32
        %swap3A = arith.index_cast %add3A_272 : i32 to index
        %swap3A_273 = tpu.vector_load %arg10[%swap3A] {strides = array<i32>} : memref<16384xi32, #tpu.memory_space<vmem>>, vector<16xi32>,
        tpu.vector_store %arg10[%swap3A], %or3A_266 {strides = array<i32>} : memref<16384xi32, #tpu.memory_space<vmem>>, vector<16xi32>,
        %add3A_274 = vector.broadcast %mul3A_205 : i32 to vector<16xi32>
        %add3A_275 = arith.addi %add3A_274, %mul3A_5 : vector<16xi32>
        %add3A_276 = arith.constant 32 : i32
        %add3A_277 = vector.broadcast %add3A_276 : i32 to vector<16xi32>
        %add3A_278 = arith.addi %add3A_275, %add3A_277 : vector<16xi32>
        %gather3A_279 = tpu.vector_load_idx %arg9[%broadcast_in_dim3A_206, %add3A_278] : memref<512x128xi32, #tpu.memory_space<vmem>>[vector<16xi32>, vector<16xi32>], vector<16xi32>,
        %add3A_280 = vector.broadcast %mul3A_205 : i32 to vector<16xi32>
        %add3A_281 = arith.addi %add3A_280, %mul3A_5 : vector<16xi32>
        %add3A_282 = arith.constant 33 : i32
        %add3A_283 = vector.broadcast %add3A_282 : i32 to vector<16xi32>
        %add3A_284 = arith.addi %add3A_281, %add3A_283 : vector<16xi32>
        %gather3A_285 = tpu.vector_load_idx %arg9[%broadcast_in_dim3A_206, %add3A_284] : memref<512x128xi32, #tpu.memory_space<vmem>>[vector<16xi32>, vector<16xi32>], vector<16xi32>,
        %shift_left3A_286 = vector.broadcast %sub3A_187 : i32 to vector<16xi32>
        %shift_left3A_287 = arith.shli %gather3A_279, %shift_left3A_286 : vector<16xi32>
        %shift_right_arithmetic3A_288 = arith.constant 24 : i32
        %shift_right_arithmetic3A_289 = vector.broadcast %shift_right_arithmetic3A_288 : i32 to vector<16xi32>
        %shift_right_arithmetic3A_290 = arith.shrsi %shift_left3A_287, %shift_right_arithmetic3A_289 : vector<16xi32>
        %shift_left3A_291 = vector.broadcast %sub3A_187 : i32 to vector<16xi32>
        %shift_left3A_292 = arith.shli %gather3A_285, %shift_left3A_291 : vector<16xi32>
        %shift_right_arithmetic3A_293 = arith.constant 24 : i32
        %shift_right_arithmetic3A_294 = vector.broadcast %shift_right_arithmetic3A_293 : i32 to vector<16xi32>
        %shift_right_arithmetic3A_295 = arith.shrsi %shift_left3A_292, %shift_right_arithmetic3A_294 : vector<16xi32>
        %convert_element_type3A_296 = arith.sitofp %shift_right_arithmetic3A_290 : vector<16xi32> to vector<16xf32>
        %mul3A_297 = vector.broadcast %squeeze3A : f32 to vector<16xf32>
        %mul3A_298 = arith.mulf %convert_element_type3A_296, %mul3A_297 : vector<16xf32>
        %bitcast_convert_type3A_299 = tpu.bitcast %mul3A_298 : vector<16xf32> -> vector<16xi32>
        %and3A_300 = arith.constant 2147483647 : i32
        %and3A_301 = vector.broadcast %and3A_300 : i32 to vector<16xi32>
        %and3A_302 = arith.andi %bitcast_convert_type3A_299, %and3A_301 : vector<16xi32>
        %add3A_303 = arith.constant 4095 : i32
        %add3A_304 = vector.broadcast %add3A_303 : i32 to vector<16xi32>
        %add3A_305 = arith.addi %and3A_302, %add3A_304 : vector<16xi32>
        %shift_right_logical3A_306 = arith.constant 13 : i32
        %shift_right_logical3A_307 = vector.broadcast %shift_right_logical3A_306 : i32 to vector<16xi32>
        %shift_right_logical3A_308 = arith.shrui %add3A_305, %shift_right_logical3A_307 : vector<16xi32>
        %shift_right_logical3A_309 = arith.constant 16 : i32
        %shift_right_logical3A_310 = vector.broadcast %shift_right_logical3A_309 : i32 to vector<16xi32>
        %shift_right_logical3A_311 = arith.shrui %bitcast_convert_type3A_299, %shift_right_logical3A_310 : vector<16xi32>
        %and3A_312 = arith.constant 32768 : i32
        %and3A_313 = vector.broadcast %and3A_312 : i32 to vector<16xi32>
        %and3A_314 = arith.andi %shift_right_logical3A_311, %and3A_313 : vector<16xi32>
        %or3A_315 = arith.ori %shift_right_logical3A_308, %and3A_314 : vector<16xi32>
        %convert_element_type3A_316 = arith.sitofp %shift_right_arithmetic3A_295 : vector<16xi32> to vector<16xf32>
        %mul3A_317 = vector.broadcast %squeeze3A : f32 to vector<16xf32>
        %mul3A_318 = arith.mulf %convert_element_type3A_316, %mul3A_317 : vector<16xf32>
        %bitcast_convert_type3A_319 = tpu.bitcast %mul3A_318 : vector<16xf32> -> vector<16xi32>
        %and3A_320 = arith.constant 2147483647 : i32
        %and3A_321 = vector.broadcast %and3A_320 : i32 to vector<16xi32>
        %and3A_322 = arith.andi %bitcast_convert_type3A_319, %and3A_321 : vector<16xi32>
        %add3A_323 = arith.constant 4095 : i32
        %add3A_324 = vector.broadcast %add3A_323 : i32 to vector<16xi32>
        %add3A_325 = arith.addi %and3A_322, %add3A_324 : vector<16xi32>
        %shift_right_logical3A_326 = arith.constant 13 : i32
        %shift_right_logical3A_327 = vector.broadcast %shift_right_logical3A_326 : i32 to vector<16xi32>
        %shift_right_logical3A_328 = arith.shrui %add3A_325, %shift_right_logical3A_327 : vector<16xi32>
        %shift_right_logical3A_329 = arith.constant 16 : i32
        %shift_right_logical3A_330 = vector.broadcast %shift_right_logical3A_329 : i32 to vector<16xi32>
        %shift_right_logical3A_331 = arith.shrui %bitcast_convert_type3A_319, %shift_right_logical3A_330 : vector<16xi32>
        %and3A_332 = arith.constant 32768 : i32
        %and3A_333 = vector.broadcast %and3A_332 : i32 to vector<16xi32>
        %and3A_334 = arith.andi %shift_right_logical3A_331, %and3A_333 : vector<16xi32>
        %or3A_335 = arith.ori %shift_right_logical3A_328, %and3A_334 : vector<16xi32>
        %shift_left3A_336 = arith.constant 16 : i32
        %shift_left3A_337 = vector.broadcast %shift_left3A_336 : i32 to vector<16xi32>
        %shift_left3A_338 = arith.shli %or3A_335, %shift_left3A_337 : vector<16xi32>
        %or3A_339 = arith.ori %or3A_315, %shift_left3A_338 : vector<16xi32>
        %mul3A_340 = arith.constant 2 : i32
        %mul3A_341 = arith.muli %add3A_144, %mul3A_340 : i32
        %mul3A_342 = arith.constant 16 : i32
        %mul3A_343 = arith.muli %mul3A_341, %mul3A_342 : i32
        %add3A_344 = arith.constant 16 : i32
        %add3A_345 = arith.addi %mul3A_343, %add3A_344 : i32
        %swap3A_346 = arith.index_cast %add3A_345 : i32 to index
        %swap3A_347 = tpu.vector_load %arg10[%swap3A_346] {strides = array<i32>} : memref<16384xi32, #tpu.memory_space<vmem>>, vector<16xi32>,
        tpu.vector_store %arg10[%swap3A_346], %or3A_339 {strides = array<i32>} : memref<16384xi32, #tpu.memory_space<vmem>>, vector<16xi32>,
        %add3A_348 = arith.constant 1 : i32
        %add3A_349 = arith.addi %add3A_131, %add3A_348 : i32
        %slice3A_350 = vector.extract_strided_slice %mul3A_142 {offsets = [1], sizes = [1], strides = [1]} : vector<16xf32> to vector<1xf32>
        %squeeze3A_351 = vector.extract %slice3A_350[0] : f32 from vector<1xf32>
        %slice3A_352 = vector.extract_strided_slice %get3A_132 {offsets = [1], sizes = [1], strides = [1]} : vector<16xi32> to vector<1xi32>
        %squeeze3A_353 = vector.extract %slice3A_352[0] : i32 from vector<1xi32>
        %jit3A_354 = arith.constant 2 : i32
        %div3A_355 = arith.divsi %squeeze3A_353, %jit3A_354 : i32
        %sign3A_356 = arith.constant 0 : i32
        %sign3A_357 = arith.cmpi sgt, %squeeze3A_353, %sign3A_356 : i32
        %sign3A_358 = arith.extui %sign3A_357 : i1 to i32
        %sign3A_359 = arith.constant 0 : i32
        %sign3A_360 = arith.cmpi slt, %squeeze3A_353, %sign3A_359 : i32
        %sign3A_361 = arith.extui %sign3A_360 : i1 to i32
        %sign3A_362 = arith.subi %sign3A_358, %sign3A_361 : i32
        %sign3A_363 = arith.constant 0 : i32
        %sign3A_364 = arith.cmpi sgt, %jit3A_354, %sign3A_363 : i32
        %sign3A_365 = arith.extui %sign3A_364 : i1 to i32
        %sign3A_366 = arith.constant 0 : i32
        %sign3A_367 = arith.cmpi slt, %jit3A_354, %sign3A_366 : i32
        %sign3A_368 = arith.extui %sign3A_367 : i1 to i32
        %sign3A_369 = arith.subi %sign3A_365, %sign3A_368 : i32
        %ne3A_370 = arith.cmpi ne, %sign3A_362, %sign3A_369 : i32
        %rem3A_371 = arith.remsi %squeeze3A_353, %jit3A_354 : i32
        %ne3A_372 = arith.constant 0 : i32
        %ne3A_373 = arith.cmpi ne, %rem3A_371, %ne3A_372 : i32
        %and3A_374 = arith.andi %ne3A_370, %ne3A_373 : i1
        %sub3A_375 = arith.constant 1 : i32
        %sub3A_376 = arith.subi %div3A_355, %sub3A_375 : i32
        %select_n3A_377 = arith.select %and3A_374, %sub3A_376, %div3A_355 : i32
        %jit3A_378 = arith.constant 4 : i32
        %eq3A_379 = arith.constant 0 : i32
        %eq3A_380 = arith.cmpi eq, %jit3A_378, %eq3A_379 : i32
        %jit3A_381 = arith.constant 1 : i32
        %select_n3A_382 = arith.select %eq3A_380, %jit3A_381, %jit3A_378 : i32
        %rem3A_383 = arith.remsi %select_n3A_377, %select_n3A_382 : i32
        %ne3A_384 = arith.constant 0 : i32
        %ne3A_385 = arith.cmpi ne, %rem3A_383, %ne3A_384 : i32
        %lt3A_386 = arith.constant 0 : i32
        %lt3A_387 = arith.cmpi slt, %rem3A_383, %lt3A_386 : i32
        %lt3A_388 = arith.constant 0 : i32
        %lt3A_389 = arith.cmpi slt, %select_n3A_382, %lt3A_388 : i32
        %ne3A_390 = arith.xori %lt3A_387, %lt3A_389 : i1
        %and3A_391 = arith.andi %ne3A_390, %ne3A_385 : i1
        %add3A_392 = arith.addi %rem3A_383, %select_n3A_382 : i32
        %select_n3A_393 = arith.select %and3A_391, %add3A_392, %rem3A_383 : i32
        %mul3A_394 = arith.constant 8 : i32
        %mul3A_395 = arith.muli %mul3A_394, %select_n3A_393 : i32
        %sub3A_396 = arith.constant 24 : i32
        %sub3A_397 = arith.subi %sub3A_396, %mul3A_395 : i32
        %jit3A_398 = arith.constant 2 : i32
        %eq3A_399 = arith.constant 0 : i32
        %eq3A_400 = arith.cmpi eq, %jit3A_398, %eq3A_399 : i32
        %jit3A_401 = arith.constant 1 : i32
        %select_n3A_402 = arith.select %eq3A_400, %jit3A_401, %jit3A_398 : i32
        %rem3A_403 = arith.remsi %squeeze3A_353, %select_n3A_402 : i32
        %ne3A_404 = arith.constant 0 : i32
        %ne3A_405 = arith.cmpi ne, %rem3A_403, %ne3A_404 : i32
        %lt3A_406 = arith.constant 0 : i32
        %lt3A_407 = arith.cmpi slt, %rem3A_403, %lt3A_406 : i32
        %lt3A_408 = arith.constant 0 : i32
        %lt3A_409 = arith.cmpi slt, %select_n3A_402, %lt3A_408 : i32
        %ne3A_410 = arith.xori %lt3A_407, %lt3A_409 : i1
        %and3A_411 = arith.andi %ne3A_410, %ne3A_405 : i1
        %add3A_412 = arith.addi %rem3A_403, %select_n3A_402 : i32
        %select_n3A_413 = arith.select %and3A_411, %add3A_412, %rem3A_403 : i32
        %mul3A_414 = arith.constant 64 : i32
        %mul3A_415 = arith.muli %select_n3A_413, %mul3A_414 : i32
        %broadcast_in_dim3A_416 = vector.broadcast %add3A_349 : i32 to vector<16xi32>
        %add3A_417 = vector.broadcast %mul3A_415 : i32 to vector<16xi32>
        %add3A_418 = arith.addi %add3A_417, %mul3A_5 : vector<16xi32>
        %add3A_419 = arith.constant 0 : i32
        %add3A_420 = vector.broadcast %add3A_419 : i32 to vector<16xi32>
        %add3A_421 = arith.addi %add3A_418, %add3A_420 : vector<16xi32>
        %gather3A_422 = tpu.vector_load_idx %arg9[%broadcast_in_dim3A_416, %add3A_421] : memref<512x128xi32, #tpu.memory_space<vmem>>[vector<16xi32>, vector<16xi32>], vector<16xi32>,
        %add3A_423 = vector.broadcast %mul3A_415 : i32 to vector<16xi32>
        %add3A_424 = arith.addi %add3A_423, %mul3A_5 : vector<16xi32>
        %add3A_425 = arith.constant 1 : i32
        %add3A_426 = vector.broadcast %add3A_425 : i32 to vector<16xi32>
        %add3A_427 = arith.addi %add3A_424, %add3A_426 : vector<16xi32>
        %gather3A_428 = tpu.vector_load_idx %arg9[%broadcast_in_dim3A_416, %add3A_427] : memref<512x128xi32, #tpu.memory_space<vmem>>[vector<16xi32>, vector<16xi32>], vector<16xi32>,
        %shift_left3A_429 = vector.broadcast %sub3A_397 : i32 to vector<16xi32>
        %shift_left3A_430 = arith.shli %gather3A_422, %shift_left3A_429 : vector<16xi32>
        %shift_right_arithmetic3A_431 = arith.constant 24 : i32
        %shift_right_arithmetic3A_432 = vector.broadcast %shift_right_arithmetic3A_431 : i32 to vector<16xi32>
        %shift_right_arithmetic3A_433 = arith.shrsi %shift_left3A_430, %shift_right_arithmetic3A_432 : vector<16xi32>
        %shift_left3A_434 = vector.broadcast %sub3A_397 : i32 to vector<16xi32>
        %shift_left3A_435 = arith.shli %gather3A_428, %shift_left3A_434 : vector<16xi32>
        %shift_right_arithmetic3A_436 = arith.constant 24 : i32
        %shift_right_arithmetic3A_437 = vector.broadcast %shift_right_arithmetic3A_436 : i32 to vector<16xi32>
        %shift_right_arithmetic3A_438 = arith.shrsi %shift_left3A_435, %shift_right_arithmetic3A_437 : vector<16xi32>
        %convert_element_type3A_439 = arith.sitofp %shift_right_arithmetic3A_433 : vector<16xi32> to vector<16xf32>
        %mul3A_440 = vector.broadcast %squeeze3A_351 : f32 to vector<16xf32>
        %mul3A_441 = arith.mulf %convert_element_type3A_439, %mul3A_440 : vector<16xf32>
        %bitcast_convert_type3A_442 = tpu.bitcast %mul3A_441 : vector<16xf32> -> vector<16xi32>
        %and3A_443 = arith.constant 2147483647 : i32
        %and3A_444 = vector.broadcast %and3A_443 : i32 to vector<16xi32>
        %and3A_445 = arith.andi %bitcast_convert_type3A_442, %and3A_444 : vector<16xi32>
        %add3A_446 = arith.constant 4095 : i32
        %add3A_447 = vector.broadcast %add3A_446 : i32 to vector<16xi32>
        %add3A_448 = arith.addi %and3A_445, %add3A_447 : vector<16xi32>
        %shift_right_logical3A_449 = arith.constant 13 : i32
        %shift_right_logical3A_450 = vector.broadcast %shift_right_logical3A_449 : i32 to vector<16xi32>
        %shift_right_logical3A_451 = arith.shrui %add3A_448, %shift_right_logical3A_450 : vector<16xi32>
        %shift_right_logical3A_452 = arith.constant 16 : i32
        %shift_right_logical3A_453 = vector.broadcast %shift_right_logical3A_452 : i32 to vector<16xi32>
        %shift_right_logical3A_454 = arith.shrui %bitcast_convert_type3A_442, %shift_right_logical3A_453 : vector<16xi32>
        %and3A_455 = arith.constant 32768 : i32
        %and3A_456 = vector.broadcast %and3A_455 : i32 to vector<16xi32>
        %and3A_457 = arith.andi %shift_right_logical3A_454, %and3A_456 : vector<16xi32>
        %or3A_458 = arith.ori %shift_right_logical3A_451, %and3A_457 : vector<16xi32>
        %convert_element_type3A_459 = arith.sitofp %shift_right_arithmetic3A_438 : vector<16xi32> to vector<16xf32>
        %mul3A_460 = vector.broadcast %squeeze3A_351 : f32 to vector<16xf32>
        %mul3A_461 = arith.mulf %convert_element_type3A_459, %mul3A_460 : vector<16xf32>
        %bitcast_convert_type3A_462 = tpu.bitcast %mul3A_461 : vector<16xf32> -> vector<16xi32>
        %and3A_463 = arith.constant 2147483647 : i32
        %and3A_464 = vector.broadcast %and3A_463 : i32 to vector<16xi32>
        %and3A_465 = arith.andi %bitcast_convert_type3A_462, %and3A_464 : vector<16xi32>
        %add3A_466 = arith.constant 4095 : i32
        %add3A_467 = vector.broadcast %add3A_466 : i32 to vector<16xi32>
        %add3A_468 = arith.addi %and3A_465, %add3A_467 : vector<16xi32>
        %shift_right_logical3A_469 = arith.constant 13 : i32
        %shift_right_logical3A_470 = vector.broadcast %shift_right_logical3A_469 : i32 to vector<16xi32>
        %shift_right_logical3A_471 = arith.shrui %add3A_468, %shift_right_logical3A_470 : vector<16xi32>
        %shift_right_logical3A_472 = arith.constant 16 : i32
        %shift_right_logical3A_473 = vector.broadcast %shift_right_logical3A_472 : i32 to vector<16xi32>
        %shift_right_logical3A_474 = arith.shrui %bitcast_convert_type3A_462, %shift_right_logical3A_473 : vector<16xi32>
        %and3A_475 = arith.constant 32768 : i32
        %and3A_476 = vector.broadcast %and3A_475 : i32 to vector<16xi32>
        %and3A_477 = arith.andi %shift_right_logical3A_474, %and3A_476 : vector<16xi32>
        %or3A_478 = arith.ori %shift_right_logical3A_471, %and3A_477 : vector<16xi32>
        %shift_left3A_479 = arith.constant 16 : i32
        %shift_left3A_480 = vector.broadcast %shift_left3A_479 : i32 to vector<16xi32>
        %shift_left3A_481 = arith.shli %or3A_478, %shift_left3A_480 : vector<16xi32>
        %or3A_482 = arith.ori %or3A_458, %shift_left3A_481 : vector<16xi32>
        %mul3A_483 = arith.constant 2 : i32
        %mul3A_484 = arith.muli %add3A_349, %mul3A_483 : i32
        %mul3A_485 = arith.constant 16 : i32
        %mul3A_486 = arith.muli %mul3A_484, %mul3A_485 : i32
        %add3A_487 = arith.constant 0 : i32
        %add3A_488 = arith.addi %mul3A_486, %add3A_487 : i32
        %swap3A_489 = arith.index_cast %add3A_488 : i32 to index
        %swap3A_490 = tpu.vector_load %arg10[%swap3A_489] {strides = array<i32>} : memref<16384xi32, #tpu.memory_space<vmem>>, vector<16xi32>,
        tpu.vector_store %arg10[%swap3A_489], %or3A_482 {strides = array<i32>} : memref<16384xi32, #tpu.memory_space<vmem>>, vector<16xi32>,
        %add3A_491 = vector.broadcast %mul3A_415 : i32 to vector<16xi32>
        %add3A_492 = arith.addi %add3A_491, %mul3A_5 : vector<16xi32>
        %add3A_493 = arith.constant 32 : i32
        %add3A_494 = vector.broadcast %add3A_493 : i32 to vector<16xi32>
        %add3A_495 = arith.addi %add3A_492, %add3A_494 : vector<16xi32>
        %gather3A_496 = tpu.vector_load_idx %arg9[%broadcast_in_dim3A_416, %add3A_495] : memref<512x128xi32, #tpu.memory_space<vmem>>[vector<16xi32>, vector<16xi32>], vector<16xi32>,
        %add3A_497 = vector.broadcast %mul3A_415 : i32 to vector<16xi32>
        %add3A_498 = arith.addi %add3A_497, %mul3A_5 : vector<16xi32>
        %add3A_499 = arith.constant 33 : i32
        %add3A_500 = vector.broadcast %add3A_499 : i32 to vector<16xi32>
        %add3A_501 = arith.addi %add3A_498, %add3A_500 : vector<16xi32>
        %gather3A_502 = tpu.vector_load_idx %arg9[%broadcast_in_dim3A_416, %add3A_501] : memref<512x128xi32, #tpu.memory_space<vmem>>[vector<16xi32>, vector<16xi32>], vector<16xi32>,
        %shift_left3A_503 = vector.broadcast %sub3A_397 : i32 to vector<16xi32>
        %shift_left3A_504 = arith.shli %gather3A_496, %shift_left3A_503 : vector<16xi32>
        %shift_right_arithmetic3A_505 = arith.constant 24 : i32
        %shift_right_arithmetic3A_506 = vector.broadcast %shift_right_arithmetic3A_505 : i32 to vector<16xi32>
        %shift_right_arithmetic3A_507 = arith.shrsi %shift_left3A_504, %shift_right_arithmetic3A_506 : vector<16xi32>
        %shift_left3A_508 = vector.broadcast %sub3A_397 : i32 to vector<16xi32>
        %shift_left3A_509 = arith.shli %gather3A_502, %shift_left3A_508 : vector<16xi32>
        %shift_right_arithmetic3A_510 = arith.constant 24 : i32
        %shift_right_arithmetic3A_511 = vector.broadcast %shift_right_arithmetic3A_510 : i32 to vector<16xi32>
        %shift_right_arithmetic3A_512 = arith.shrsi %shift_left3A_509, %shift_right_arithmetic3A_511 : vector<16xi32>
        %convert_element_type3A_513 = arith.sitofp %shift_right_arithmetic3A_507 : vector<16xi32> to vector<16xf32>
        %mul3A_514 = vector.broadcast %squeeze3A_351 : f32 to vector<16xf32>
        %mul3A_515 = arith.mulf %convert_element_type3A_513, %mul3A_514 : vector<16xf32>
        %bitcast_convert_type3A_516 = tpu.bitcast %mul3A_515 : vector<16xf32> -> vector<16xi32>
        %and3A_517 = arith.constant 2147483647 : i32
        %and3A_518 = vector.broadcast %and3A_517 : i32 to vector<16xi32>
        %and3A_519 = arith.andi %bitcast_convert_type3A_516, %and3A_518 : vector<16xi32>
        %add3A_520 = arith.constant 4095 : i32
        %add3A_521 = vector.broadcast %add3A_520 : i32 to vector<16xi32>
        %add3A_522 = arith.addi %and3A_519, %add3A_521 : vector<16xi32>
        %shift_right_logical3A_523 = arith.constant 13 : i32
        %shift_right_logical3A_524 = vector.broadcast %shift_right_logical3A_523 : i32 to vector<16xi32>
        %shift_right_logical3A_525 = arith.shrui %add3A_522, %shift_right_logical3A_524 : vector<16xi32>
        %shift_right_logical3A_526 = arith.constant 16 : i32
        %shift_right_logical3A_527 = vector.broadcast %shift_right_logical3A_526 : i32 to vector<16xi32>
        %shift_right_logical3A_528 = arith.shrui %bitcast_convert_type3A_516, %shift_right_logical3A_527 : vector<16xi32>
        %and3A_529 = arith.constant 32768 : i32
        %and3A_530 = vector.broadcast %and3A_529 : i32 to vector<16xi32>
        %and3A_531 = arith.andi %shift_right_logical3A_528, %and3A_530 : vector<16xi32>
        %or3A_532 = arith.ori %shift_right_logical3A_525, %and3A_531 : vector<16xi32>
        %convert_element_type3A_533 = arith.sitofp %shift_right_arithmetic3A_512 : vector<16xi32> to vector<16xf32>
        %mul3A_534 = vector.broadcast %squeeze3A_351 : f32 to vector<16xf32>
        %mul3A_535 = arith.mulf %convert_element_type3A_533, %mul3A_534 : vector<16xf32>
        %bitcast_convert_type3A_536 = tpu.bitcast %mul3A_535 : vector<16xf32> -> vector<16xi32>
        %and3A_537 = arith.constant 2147483647 : i32
        %and3A_538 = vector.broadcast %and3A_537 : i32 to vector<16xi32>
        %and3A_539 = arith.andi %bitcast_convert_type3A_536, %and3A_538 : vector<16xi32>
        %add3A_540 = arith.constant 4095 : i32
        %add3A_541 = vector.broadcast %add3A_540 : i32 to vector<16xi32>
        %add3A_542 = arith.addi %and3A_539, %add3A_541 : vector<16xi32>
        %shift_right_logical3A_543 = arith.constant 13 : i32
        %shift_right_logical3A_544 = vector.broadcast %shift_right_logical3A_543 : i32 to vector<16xi32>
        %shift_right_logical3A_545 = arith.shrui %add3A_542, %shift_right_logical3A_544 : vector<16xi32>
        %shift_right_logical3A_546 = arith.constant 16 : i32
        %shift_right_logical3A_547 = vector.broadcast %shift_right_logical3A_546 : i32 to vector<16xi32>
        %shift_right_logical3A_548 = arith.shrui %bitcast_convert_type3A_536, %shift_right_logical3A_547 : vector<16xi32>
        %and3A_549 = arith.constant 32768 : i32
        %and3A_550 = vector.broadcast %and3A_549 : i32 to vector<16xi32>
        %and3A_551 = arith.andi %shift_right_logical3A_548, %and3A_550 : vector<16xi32>
        %or3A_552 = arith.ori %shift_right_logical3A_545, %and3A_551 : vector<16xi32>
        %shift_left3A_553 = arith.constant 16 : i32
        %shift_left3A_554 = vector.broadcast %shift_left3A_553 : i32 to vector<16xi32>
        %shift_left3A_555 = arith.shli %or3A_552, %shift_left3A_554 : vector<16xi32>
        %or3A_556 = arith.ori %or3A_532, %shift_left3A_555 : vector<16xi32>
        %mul3A_557 = arith.constant 2 : i32
        %mul3A_558 = arith.muli %add3A_349, %mul3A_557 : i32
        %mul3A_559 = arith.constant 16 : i32
        %mul3A_560 = arith.muli %mul3A_558, %mul3A_559 : i32
        %add3A_561 = arith.constant 16 : i32
        %add3A_562 = arith.addi %mul3A_560, %add3A_561 : i32
        %swap3A_563 = arith.index_cast %add3A_562 : i32 to index
        %swap3A_564 = tpu.vector_load %arg10[%swap3A_563] {strides = array<i32>} : memref<16384xi32, #tpu.memory_space<vmem>>, vector<16xi32>,
        tpu.vector_store %arg10[%swap3A_563], %or3A_556 {strides = array<i32>} : memref<16384xi32, #tpu.memory_space<vmem>>, vector<16xi32>,
        %add3A_565 = arith.constant 2 : i32
        %add3A_566 = arith.addi %add3A_131, %add3A_565 : i32
        %slice3A_567 = vector.extract_strided_slice %mul3A_142 {offsets = [2], sizes = [1], strides = [1]} : vector<16xf32> to vector<1xf32>
        %squeeze3A_568 = vector.extract %slice3A_567[0] : f32 from vector<1xf32>
        %slice3A_569 = vector.extract_strided_slice %get3A_132 {offsets = [2], sizes = [1], strides = [1]} : vector<16xi32> to vector<1xi32>
        %squeeze3A_570 = vector.extract %slice3A_569[0] : i32 from vector<1xi32>
        %jit3A_571 = arith.constant 2 : i32
        %div3A_572 = arith.divsi %squeeze3A_570, %jit3A_571 : i32
        %sign3A_573 = arith.constant 0 : i32
        %sign3A_574 = arith.cmpi sgt, %squeeze3A_570, %sign3A_573 : i32
        %sign3A_575 = arith.extui %sign3A_574 : i1 to i32
        %sign3A_576 = arith.constant 0 : i32
        %sign3A_577 = arith.cmpi slt, %squeeze3A_570, %sign3A_576 : i32
        %sign3A_578 = arith.extui %sign3A_577 : i1 to i32
        %sign3A_579 = arith.subi %sign3A_575, %sign3A_578 : i32
        %sign3A_580 = arith.constant 0 : i32
        %sign3A_581 = arith.cmpi sgt, %jit3A_571, %sign3A_580 : i32
        %sign3A_582 = arith.extui %sign3A_581 : i1 to i32
        %sign3A_583 = arith.constant 0 : i32
        %sign3A_584 = arith.cmpi slt, %jit3A_571, %sign3A_583 : i32
        %sign3A_585 = arith.extui %sign3A_584 : i1 to i32
        %sign3A_586 = arith.subi %sign3A_582, %sign3A_585 : i32
        %ne3A_587 = arith.cmpi ne, %sign3A_579, %sign3A_586 : i32
        %rem3A_588 = arith.remsi %squeeze3A_570, %jit3A_571 : i32
        %ne3A_589 = arith.constant 0 : i32
        %ne3A_590 = arith.cmpi ne, %rem3A_588, %ne3A_589 : i32
        %and3A_591 = arith.andi %ne3A_587, %ne3A_590 : i1
        %sub3A_592 = arith.constant 1 : i32
        %sub3A_593 = arith.subi %div3A_572, %sub3A_592 : i32
        %select_n3A_594 = arith.select %and3A_591, %sub3A_593, %div3A_572 : i32
        %jit3A_595 = arith.constant 4 : i32
        %eq3A_596 = arith.constant 0 : i32
        %eq3A_597 = arith.cmpi eq, %jit3A_595, %eq3A_596 : i32
        %jit3A_598 = arith.constant 1 : i32
        %select_n3A_599 = arith.select %eq3A_597, %jit3A_598, %jit3A_595 : i32
        %rem3A_600 = arith.remsi %select_n3A_594, %select_n3A_599 : i32
        %ne3A_601 = arith.constant 0 : i32
        %ne3A_602 = arith.cmpi ne, %rem3A_600, %ne3A_601 : i32
        %lt3A_603 = arith.constant 0 : i32
        %lt3A_604 = arith.cmpi slt, %rem3A_600, %lt3A_603 : i32
        %lt3A_605 = arith.constant 0 : i32
        %lt3A_606 = arith.cmpi slt, %select_n3A_599, %lt3A_605 : i32
        %ne3A_607 = arith.xori %lt3A_604, %lt3A_606 : i1
        %and3A_608 = arith.andi %ne3A_607, %ne3A_602 : i1
        %add3A_609 = arith.addi %rem3A_600, %select_n3A_599 : i32
        %select_n3A_610 = arith.select %and3A_608, %add3A_609, %rem3A_600 : i32
        %mul3A_611 = arith.constant 8 : i32
        %mul3A_612 = arith.muli %mul3A_611, %select_n3A_610 : i32
        %sub3A_613 = arith.constant 24 : i32
        %sub3A_614 = arith.subi %sub3A_613, %mul3A_612 : i32
        %jit3A_615 = arith.constant 2 : i32
        %eq3A_616 = arith.constant 0 : i32
        %eq3A_617 = arith.cmpi eq, %jit3A_615, %eq3A_616 : i32
        %jit3A_618 = arith.constant 1 : i32
        %select_n3A_619 = arith.select %eq3A_617, %jit3A_618, %jit3A_615 : i32
        %rem3A_620 = arith.remsi %squeeze3A_570, %select_n3A_619 : i32
        %ne3A_621 = arith.constant 0 : i32
        %ne3A_622 = arith.cmpi ne, %rem3A_620, %ne3A_621 : i32
        %lt3A_623 = arith.constant 0 : i32
        %lt3A_624 = arith.cmpi slt, %rem3A_620, %lt3A_623 : i32
        %lt3A_625 = arith.constant 0 : i32
        %lt3A_626 = arith.cmpi slt, %select_n3A_619, %lt3A_625 : i32
        %ne3A_627 = arith.xori %lt3A_624, %lt3A_626 : i1
        %and3A_628 = arith.andi %ne3A_627, %ne3A_622 : i1
        %add3A_629 = arith.addi %rem3A_620, %select_n3A_619 : i32
        %select_n3A_630 = arith.select %and3A_628, %add3A_629, %rem3A_620 : i32
        %mul3A_631 = arith.constant 64 : i32
        %mul3A_632 = arith.muli %select_n3A_630, %mul3A_631 : i32
        %broadcast_in_dim3A_633 = vector.broadcast %add3A_566 : i32 to vector<16xi32>
        %add3A_634 = vector.broadcast %mul3A_632 : i32 to vector<16xi32>
        %add3A_635 = arith.addi %add3A_634, %mul3A_5 : vector<16xi32>
        %add3A_636 = arith.constant 0 : i32
        %add3A_637 = vector.broadcast %add3A_636 : i32 to vector<16xi32>
        %add3A_638 = arith.addi %add3A_635, %add3A_637 : vector<16xi32>
        %gather3A_639 = tpu.vector_load_idx %arg9[%broadcast_in_dim3A_633, %add3A_638] : memref<512x128xi32, #tpu.memory_space<vmem>>[vector<16xi32>, vector<16xi32>], vector<16xi32>,
        %add3A_640 = vector.broadcast %mul3A_632 : i32 to vector<16xi32>
        %add3A_641 = arith.addi %add3A_640, %mul3A_5 : vector<16xi32>
        %add3A_642 = arith.constant 1 : i32
        %add3A_643 = vector.broadcast %add3A_642 : i32 to vector<16xi32>
        %add3A_644 = arith.addi %add3A_641, %add3A_643 : vector<16xi32>
        %gather3A_645 = tpu.vector_load_idx %arg9[%broadcast_in_dim3A_633, %add3A_644] : memref<512x128xi32, #tpu.memory_space<vmem>>[vector<16xi32>, vector<16xi32>], vector<16xi32>,
        %shift_left3A_646 = vector.broadcast %sub3A_614 : i32 to vector<16xi32>
        %shift_left3A_647 = arith.shli %gather3A_639, %shift_left3A_646 : vector<16xi32>
        %shift_right_arithmetic3A_648 = arith.constant 24 : i32
        %shift_right_arithmetic3A_649 = vector.broadcast %shift_right_arithmetic3A_648 : i32 to vector<16xi32>
        %shift_right_arithmetic3A_650 = arith.shrsi %shift_left3A_647, %shift_right_arithmetic3A_649 : vector<16xi32>
        %shift_left3A_651 = vector.broadcast %sub3A_614 : i32 to vector<16xi32>
        %shift_left3A_652 = arith.shli %gather3A_645, %shift_left3A_651 : vector<16xi32>
        %shift_right_arithmetic3A_653 = arith.constant 24 : i32
        %shift_right_arithmetic3A_654 = vector.broadcast %shift_right_arithmetic3A_653 : i32 to vector<16xi32>
        %shift_right_arithmetic3A_655 = arith.shrsi %shift_left3A_652, %shift_right_arithmetic3A_654 : vector<16xi32>
        %convert_element_type3A_656 = arith.sitofp %shift_right_arithmetic3A_650 : vector<16xi32> to vector<16xf32>
        %mul3A_657 = vector.broadcast %squeeze3A_568 : f32 to vector<16xf32>
        %mul3A_658 = arith.mulf %convert_element_type3A_656, %mul3A_657 : vector<16xf32>
        %bitcast_convert_type3A_659 = tpu.bitcast %mul3A_658 : vector<16xf32> -> vector<16xi32>
        %and3A_660 = arith.constant 2147483647 : i32
        %and3A_661 = vector.broadcast %and3A_660 : i32 to vector<16xi32>
        %and3A_662 = arith.andi %bitcast_convert_type3A_659, %and3A_661 : vector<16xi32>
        %add3A_663 = arith.constant 4095 : i32
        %add3A_664 = vector.broadcast %add3A_663 : i32 to vector<16xi32>
        %add3A_665 = arith.addi %and3A_662, %add3A_664 : vector<16xi32>
        %shift_right_logical3A_666 = arith.constant 13 : i32
        %shift_right_logical3A_667 = vector.broadcast %shift_right_logical3A_666 : i32 to vector<16xi32>
        %shift_right_logical3A_668 = arith.shrui %add3A_665, %shift_right_logical3A_667 : vector<16xi32>
        %shift_right_logical3A_669 = arith.constant 16 : i32
        %shift_right_logical3A_670 = vector.broadcast %shift_right_logical3A_669 : i32 to vector<16xi32>
        %shift_right_logical3A_671 = arith.shrui %bitcast_convert_type3A_659, %shift_right_logical3A_670 : vector<16xi32>
        %and3A_672 = arith.constant 32768 : i32
        %and3A_673 = vector.broadcast %and3A_672 : i32 to vector<16xi32>
        %and3A_674 = arith.andi %shift_right_logical3A_671, %and3A_673 : vector<16xi32>
        %or3A_675 = arith.ori %shift_right_logical3A_668, %and3A_674 : vector<16xi32>
        %convert_element_type3A_676 = arith.sitofp %shift_right_arithmetic3A_655 : vector<16xi32> to vector<16xf32>
        %mul3A_677 = vector.broadcast %squeeze3A_568 : f32 to vector<16xf32>
        %mul3A_678 = arith.mulf %convert_element_type3A_676, %mul3A_677 : vector<16xf32>
        %bitcast_convert_type3A_679 = tpu.bitcast %mul3A_678 : vector<16xf32> -> vector<16xi32>
        %and3A_680 = arith.constant 2147483647 : i32
        %and3A_681 = vector.broadcast %and3A_680 : i32 to vector<16xi32>
        %and3A_682 = arith.andi %bitcast_convert_type3A_679, %and3A_681 : vector<16xi32>
        %add3A_683 = arith.constant 4095 : i32
        %add3A_684 = vector.broadcast %add3A_683 : i32 to vector<16xi32>
        %add3A_685 = arith.addi %and3A_682, %add3A_684 : vector<16xi32>
        %shift_right_logical3A_686 = arith.constant 13 : i32
        %shift_right_logical3A_687 = vector.broadcast %shift_right_logical3A_686 : i32 to vector<16xi32>
        %shift_right_logical3A_688 = arith.shrui %add3A_685, %shift_right_logical3A_687 : vector<16xi32>
        %shift_right_logical3A_689 = arith.constant 16 : i32
        %shift_right_logical3A_690 = vector.broadcast %shift_right_logical3A_689 : i32 to vector<16xi32>
        %shift_right_logical3A_691 = arith.shrui %bitcast_convert_type3A_679, %shift_right_logical3A_690 : vector<16xi32>
        %and3A_692 = arith.constant 32768 : i32
        %and3A_693 = vector.broadcast %and3A_692 : i32 to vector<16xi32>
        %and3A_694 = arith.andi %shift_right_logical3A_691, %and3A_693 : vector<16xi32>
        %or3A_695 = arith.ori %shift_right_logical3A_688, %and3A_694 : vector<16xi32>
        %shift_left3A_696 = arith.constant 16 : i32
        %shift_left3A_697 = vector.broadcast %shift_left3A_696 : i32 to vector<16xi32>
        %shift_left3A_698 = arith.shli %or3A_695, %shift_left3A_697 : vector<16xi32>
        %or3A_699 = arith.ori %or3A_675, %shift_left3A_698 : vector<16xi32>
        %mul3A_700 = arith.constant 2 : i32
        %mul3A_701 = arith.muli %add3A_566, %mul3A_700 : i32
        %mul3A_702 = arith.constant 16 : i32
        %mul3A_703 = arith.muli %mul3A_701, %mul3A_702 : i32
        %add3A_704 = arith.constant 0 : i32
        %add3A_705 = arith.addi %mul3A_703, %add3A_704 : i32
        %swap3A_706 = arith.index_cast %add3A_705 : i32 to index
        %swap3A_707 = tpu.vector_load %arg10[%swap3A_706] {strides = array<i32>} : memref<16384xi32, #tpu.memory_space<vmem>>, vector<16xi32>,
        tpu.vector_store %arg10[%swap3A_706], %or3A_699 {strides = array<i32>} : memref<16384xi32, #tpu.memory_space<vmem>>, vector<16xi32>,
        %add3A_708 = vector.broadcast %mul3A_632 : i32 to vector<16xi32>
        %add3A_709 = arith.addi %add3A_708, %mul3A_5 : vector<16xi32>
        %add3A_710 = arith.constant 32 : i32
        %add3A_711 = vector.broadcast %add3A_710 : i32 to vector<16xi32>
        %add3A_712 = arith.addi %add3A_709, %add3A_711 : vector<16xi32>
        %gather3A_713 = tpu.vector_load_idx %arg9[%broadcast_in_dim3A_633, %add3A_712] : memref<512x128xi32, #tpu.memory_space<vmem>>[vector<16xi32>, vector<16xi32>], vector<16xi32>,
        %add3A_714 = vector.broadcast %mul3A_632 : i32 to vector<16xi32>
        %add3A_715 = arith.addi %add3A_714, %mul3A_5 : vector<16xi32>
        %add3A_716 = arith.constant 33 : i32
        %add3A_717 = vector.broadcast %add3A_716 : i32 to vector<16xi32>
        %add3A_718 = arith.addi %add3A_715, %add3A_717 : vector<16xi32>
        %gather3A_719 = tpu.vector_load_idx %arg9[%broadcast_in_dim3A_633, %add3A_718] : memref<512x128xi32, #tpu.memory_space<vmem>>[vector<16xi32>, vector<16xi32>], vector<16xi32>,
        %shift_left3A_720 = vector.broadcast %sub3A_614 : i32 to vector<16xi32>
        %shift_left3A_721 = arith.shli %gather3A_713, %shift_left3A_720 : vector<16xi32>
        %shift_right_arithmetic3A_722 = arith.constant 24 : i32
        %shift_right_arithmetic3A_723 = vector.broadcast %shift_right_arithmetic3A_722 : i32 to vector<16xi32>
        %shift_right_arithmetic3A_724 = arith.shrsi %shift_left3A_721, %shift_right_arithmetic3A_723 : vector<16xi32>
        %shift_left3A_725 = vector.broadcast %sub3A_614 : i32 to vector<16xi32>
        %shift_left3A_726 = arith.shli %gather3A_719, %shift_left3A_725 : vector<16xi32>
        %shift_right_arithmetic3A_727 = arith.constant 24 : i32
        %shift_right_arithmetic3A_728 = vector.broadcast %shift_right_arithmetic3A_727 : i32 to vector<16xi32>
        %shift_right_arithmetic3A_729 = arith.shrsi %shift_left3A_726, %shift_right_arithmetic3A_728 : vector<16xi32>
        %convert_element_type3A_730 = arith.sitofp %shift_right_arithmetic3A_724 : vector<16xi32> to vector<16xf32>
        %mul3A_731 = vector.broadcast %squeeze3A_568 : f32 to vector<16xf32>
        %mul3A_732 = arith.mulf %convert_element_type3A_730, %mul3A_731 : vector<16xf32>
        %bitcast_convert_type3A_733 = tpu.bitcast %mul3A_732 : vector<16xf32> -> vector<16xi32>
        %and3A_734 = arith.constant 2147483647 : i32
        %and3A_735 = vector.broadcast %and3A_734 : i32 to vector<16xi32>
        %and3A_736 = arith.andi %bitcast_convert_type3A_733, %and3A_735 : vector<16xi32>
        %add3A_737 = arith.constant 4095 : i32
        %add3A_738 = vector.broadcast %add3A_737 : i32 to vector<16xi32>
        %add3A_739 = arith.addi %and3A_736, %add3A_738 : vector<16xi32>
        %shift_right_logical3A_740 = arith.constant 13 : i32
        %shift_right_logical3A_741 = vector.broadcast %shift_right_logical3A_740 : i32 to vector<16xi32>
        %shift_right_logical3A_742 = arith.shrui %add3A_739, %shift_right_logical3A_741 : vector<16xi32>
        %shift_right_logical3A_743 = arith.constant 16 : i32
        %shift_right_logical3A_744 = vector.broadcast %shift_right_logical3A_743 : i32 to vector<16xi32>
        %shift_right_logical3A_745 = arith.shrui %bitcast_convert_type3A_733, %shift_right_logical3A_744 : vector<16xi32>
        %and3A_746 = arith.constant 32768 : i32
        %and3A_747 = vector.broadcast %and3A_746 : i32 to vector<16xi32>
        %and3A_748 = arith.andi %shift_right_logical3A_745, %and3A_747 : vector<16xi32>
        %or3A_749 = arith.ori %shift_right_logical3A_742, %and3A_748 : vector<16xi32>
        %convert_element_type3A_750 = arith.sitofp %shift_right_arithmetic3A_729 : vector<16xi32> to vector<16xf32>
        %mul3A_751 = vector.broadcast %squeeze3A_568 : f32 to vector<16xf32>
        %mul3A_752 = arith.mulf %convert_element_type3A_750, %mul3A_751 : vector<16xf32>
        %bitcast_convert_type3A_753 = tpu.bitcast %mul3A_752 : vector<16xf32> -> vector<16xi32>
        %and3A_754 = arith.constant 2147483647 : i32
        %and3A_755 = vector.broadcast %and3A_754 : i32 to vector<16xi32>
        %and3A_756 = arith.andi %bitcast_convert_type3A_753, %and3A_755 : vector<16xi32>
        %add3A_757 = arith.constant 4095 : i32
        %add3A_758 = vector.broadcast %add3A_757 : i32 to vector<16xi32>
        %add3A_759 = arith.addi %and3A_756, %add3A_758 : vector<16xi32>
        %shift_right_logical3A_760 = arith.constant 13 : i32
        %shift_right_logical3A_761 = vector.broadcast %shift_right_logical3A_760 : i32 to vector<16xi32>
        %shift_right_logical3A_762 = arith.shrui %add3A_759, %shift_right_logical3A_761 : vector<16xi32>
        %shift_right_logical3A_763 = arith.constant 16 : i32
        %shift_right_logical3A_764 = vector.broadcast %shift_right_logical3A_763 : i32 to vector<16xi32>
        %shift_right_logical3A_765 = arith.shrui %bitcast_convert_type3A_753, %shift_right_logical3A_764 : vector<16xi32>
        %and3A_766 = arith.constant 32768 : i32
        %and3A_767 = vector.broadcast %and3A_766 : i32 to vector<16xi32>
        %and3A_768 = arith.andi %shift_right_logical3A_765, %and3A_767 : vector<16xi32>
        %or3A_769 = arith.ori %shift_right_logical3A_762, %and3A_768 : vector<16xi32>
        %shift_left3A_770 = arith.constant 16 : i32
        %shift_left3A_771 = vector.broadcast %shift_left3A_770 : i32 to vector<16xi32>
        %shift_left3A_772 = arith.shli %or3A_769, %shift_left3A_771 : vector<16xi32>
        %or3A_773 = arith.ori %or3A_749, %shift_left3A_772 : vector<16xi32>
        %mul3A_774 = arith.constant 2 : i32
        %mul3A_775 = arith.muli %add3A_566, %mul3A_774 : i32
        %mul3A_776 = arith.constant 16 : i32
        %mul3A_777 = arith.muli %mul3A_775, %mul3A_776 : i32
        %add3A_778 = arith.constant 16 : i32
        %add3A_779 = arith.addi %mul3A_777, %add3A_778 : i32
        %swap3A_780 = arith.index_cast %add3A_779 : i32 to index
        %swap3A_781 = tpu.vector_load %arg10[%swap3A_780] {strides = array<i32>} : memref<16384xi32, #tpu.memory_space<vmem>>, vector<16xi32>,
        tpu.vector_store %arg10[%swap3A_780], %or3A_773 {strides = array<i32>} : memref<16384xi32, #tpu.memory_space<vmem>>, vector<16xi32>,
        %add3A_782 = arith.constant 3 : i32
        %add3A_783 = arith.addi %add3A_131, %add3A_782 : i32
        %slice3A_784 = vector.extract_strided_slice %mul3A_142 {offsets = [3], sizes = [1], strides = [1]} : vector<16xf32> to vector<1xf32>
        %squeeze3A_785 = vector.extract %slice3A_784[0] : f32 from vector<1xf32>
        %slice3A_786 = vector.extract_strided_slice %get3A_132 {offsets = [3], sizes = [1], strides = [1]} : vector<16xi32> to vector<1xi32>
        %squeeze3A_787 = vector.extract %slice3A_786[0] : i32 from vector<1xi32>
        %jit3A_788 = arith.constant 2 : i32
        %div3A_789 = arith.divsi %squeeze3A_787, %jit3A_788 : i32
        %sign3A_790 = arith.constant 0 : i32
        %sign3A_791 = arith.cmpi sgt, %squeeze3A_787, %sign3A_790 : i32
        %sign3A_792 = arith.extui %sign3A_791 : i1 to i32
        %sign3A_793 = arith.constant 0 : i32
        %sign3A_794 = arith.cmpi slt, %squeeze3A_787, %sign3A_793 : i32
        %sign3A_795 = arith.extui %sign3A_794 : i1 to i32
        %sign3A_796 = arith.subi %sign3A_792, %sign3A_795 : i32
        %sign3A_797 = arith.constant 0 : i32
        %sign3A_798 = arith.cmpi sgt, %jit3A_788, %sign3A_797 : i32
        %sign3A_799 = arith.extui %sign3A_798 : i1 to i32
        %sign3A_800 = arith.constant 0 : i32
        %sign3A_801 = arith.cmpi slt, %jit3A_788, %sign3A_800 : i32
        %sign3A_802 = arith.extui %sign3A_801 : i1 to i32
        %sign3A_803 = arith.subi %sign3A_799, %sign3A_802 : i32
        %ne3A_804 = arith.cmpi ne, %sign3A_796, %sign3A_803 : i32
        %rem3A_805 = arith.remsi %squeeze3A_787, %jit3A_788 : i32
        %ne3A_806 = arith.constant 0 : i32
        %ne3A_807 = arith.cmpi ne, %rem3A_805, %ne3A_806 : i32
        %and3A_808 = arith.andi %ne3A_804, %ne3A_807 : i1
        %sub3A_809 = arith.constant 1 : i32
        %sub3A_810 = arith.subi %div3A_789, %sub3A_809 : i32
        %select_n3A_811 = arith.select %and3A_808, %sub3A_810, %div3A_789 : i32
        %jit3A_812 = arith.constant 4 : i32
        %eq3A_813 = arith.constant 0 : i32
        %eq3A_814 = arith.cmpi eq, %jit3A_812, %eq3A_813 : i32
        %jit3A_815 = arith.constant 1 : i32
        %select_n3A_816 = arith.select %eq3A_814, %jit3A_815, %jit3A_812 : i32
        %rem3A_817 = arith.remsi %select_n3A_811, %select_n3A_816 : i32
        %ne3A_818 = arith.constant 0 : i32
        %ne3A_819 = arith.cmpi ne, %rem3A_817, %ne3A_818 : i32
        %lt3A_820 = arith.constant 0 : i32
        %lt3A_821 = arith.cmpi slt, %rem3A_817, %lt3A_820 : i32
        %lt3A_822 = arith.constant 0 : i32
        %lt3A_823 = arith.cmpi slt, %select_n3A_816, %lt3A_822 : i32
        %ne3A_824 = arith.xori %lt3A_821, %lt3A_823 : i1
        %and3A_825 = arith.andi %ne3A_824, %ne3A_819 : i1
        %add3A_826 = arith.addi %rem3A_817, %select_n3A_816 : i32
        %select_n3A_827 = arith.select %and3A_825, %add3A_826, %rem3A_817 : i32
        %mul3A_828 = arith.constant 8 : i32
        %mul3A_829 = arith.muli %mul3A_828, %select_n3A_827 : i32
        %sub3A_830 = arith.constant 24 : i32
        %sub3A_831 = arith.subi %sub3A_830, %mul3A_829 : i32
        %jit3A_832 = arith.constant 2 : i32
        %eq3A_833 = arith.constant 0 : i32
        %eq3A_834 = arith.cmpi eq, %jit3A_832, %eq3A_833 : i32
        %jit3A_835 = arith.constant 1 : i32
        %select_n3A_836 = arith.select %eq3A_834, %jit3A_835, %jit3A_832 : i32
        %rem3A_837 = arith.remsi %squeeze3A_787, %select_n3A_836 : i32
        %ne3A_838 = arith.constant 0 : i32
        %ne3A_839 = arith.cmpi ne, %rem3A_837, %ne3A_838 : i32
        %lt3A_840 = arith.constant 0 : i32
        %lt3A_841 = arith.cmpi slt, %rem3A_837, %lt3A_840 : i32
        %lt3A_842 = arith.constant 0 : i32
        %lt3A_843 = arith.cmpi slt, %select_n3A_836, %lt3A_842 : i32
        %ne3A_844 = arith.xori %lt3A_841, %lt3A_843 : i1
        %and3A_845 = arith.andi %ne3A_844, %ne3A_839 : i1
        %add3A_846 = arith.addi %rem3A_837, %select_n3A_836 : i32
        %select_n3A_847 = arith.select %and3A_845, %add3A_846, %rem3A_837 : i32
        %mul3A_848 = arith.constant 64 : i32
        %mul3A_849 = arith.muli %select_n3A_847, %mul3A_848 : i32
        %broadcast_in_dim3A_850 = vector.broadcast %add3A_783 : i32 to vector<16xi32>
        %add3A_851 = vector.broadcast %mul3A_849 : i32 to vector<16xi32>
        %add3A_852 = arith.addi %add3A_851, %mul3A_5 : vector<16xi32>
        %add3A_853 = arith.constant 0 : i32
        %add3A_854 = vector.broadcast %add3A_853 : i32 to vector<16xi32>
        %add3A_855 = arith.addi %add3A_852, %add3A_854 : vector<16xi32>
        %gather3A_856 = tpu.vector_load_idx %arg9[%broadcast_in_dim3A_850, %add3A_855] : memref<512x128xi32, #tpu.memory_space<vmem>>[vector<16xi32>, vector<16xi32>], vector<16xi32>,
        %add3A_857 = vector.broadcast %mul3A_849 : i32 to vector<16xi32>
        %add3A_858 = arith.addi %add3A_857, %mul3A_5 : vector<16xi32>
        %add3A_859 = arith.constant 1 : i32
        %add3A_860 = vector.broadcast %add3A_859 : i32 to vector<16xi32>
        %add3A_861 = arith.addi %add3A_858, %add3A_860 : vector<16xi32>
        %gather3A_862 = tpu.vector_load_idx %arg9[%broadcast_in_dim3A_850, %add3A_861] : memref<512x128xi32, #tpu.memory_space<vmem>>[vector<16xi32>, vector<16xi32>], vector<16xi32>,
        %shift_left3A_863 = vector.broadcast %sub3A_831 : i32 to vector<16xi32>
        %shift_left3A_864 = arith.shli %gather3A_856, %shift_left3A_863 : vector<16xi32>
        %shift_right_arithmetic3A_865 = arith.constant 24 : i32
        %shift_right_arithmetic3A_866 = vector.broadcast %shift_right_arithmetic3A_865 : i32 to vector<16xi32>
        %shift_right_arithmetic3A_867 = arith.shrsi %shift_left3A_864, %shift_right_arithmetic3A_866 : vector<16xi32>
        %shift_left3A_868 = vector.broadcast %sub3A_831 : i32 to vector<16xi32>
        %shift_left3A_869 = arith.shli %gather3A_862, %shift_left3A_868 : vector<16xi32>
        %shift_right_arithmetic3A_870 = arith.constant 24 : i32
        %shift_right_arithmetic3A_871 = vector.broadcast %shift_right_arithmetic3A_870 : i32 to vector<16xi32>
        %shift_right_arithmetic3A_872 = arith.shrsi %shift_left3A_869, %shift_right_arithmetic3A_871 : vector<16xi32>
        %convert_element_type3A_873 = arith.sitofp %shift_right_arithmetic3A_867 : vector<16xi32> to vector<16xf32>
        %mul3A_874 = vector.broadcast %squeeze3A_785 : f32 to vector<16xf32>
        %mul3A_875 = arith.mulf %convert_element_type3A_873, %mul3A_874 : vector<16xf32>
        %bitcast_convert_type3A_876 = tpu.bitcast %mul3A_875 : vector<16xf32> -> vector<16xi32>
        %and3A_877 = arith.constant 2147483647 : i32
        %and3A_878 = vector.broadcast %and3A_877 : i32 to vector<16xi32>
        %and3A_879 = arith.andi %bitcast_convert_type3A_876, %and3A_878 : vector<16xi32>
        %add3A_880 = arith.constant 4095 : i32
        %add3A_881 = vector.broadcast %add3A_880 : i32 to vector<16xi32>
        %add3A_882 = arith.addi %and3A_879, %add3A_881 : vector<16xi32>
        %shift_right_logical3A_883 = arith.constant 13 : i32
        %shift_right_logical3A_884 = vector.broadcast %shift_right_logical3A_883 : i32 to vector<16xi32>
        %shift_right_logical3A_885 = arith.shrui %add3A_882, %shift_right_logical3A_884 : vector<16xi32>
        %shift_right_logical3A_886 = arith.constant 16 : i32
        %shift_right_logical3A_887 = vector.broadcast %shift_right_logical3A_886 : i32 to vector<16xi32>
        %shift_right_logical3A_888 = arith.shrui %bitcast_convert_type3A_876, %shift_right_logical3A_887 : vector<16xi32>
        %and3A_889 = arith.constant 32768 : i32
        %and3A_890 = vector.broadcast %and3A_889 : i32 to vector<16xi32>
        %and3A_891 = arith.andi %shift_right_logical3A_888, %and3A_890 : vector<16xi32>
        %or3A_892 = arith.ori %shift_right_logical3A_885, %and3A_891 : vector<16xi32>
        %convert_element_type3A_893 = arith.sitofp %shift_right_arithmetic3A_872 : vector<16xi32> to vector<16xf32>
        %mul3A_894 = vector.broadcast %squeeze3A_785 : f32 to vector<16xf32>
        %mul3A_895 = arith.mulf %convert_element_type3A_893, %mul3A_894 : vector<16xf32>
        %bitcast_convert_type3A_896 = tpu.bitcast %mul3A_895 : vector<16xf32> -> vector<16xi32>
        %and3A_897 = arith.constant 2147483647 : i32
        %and3A_898 = vector.broadcast %and3A_897 : i32 to vector<16xi32>
        %and3A_899 = arith.andi %bitcast_convert_type3A_896, %and3A_898 : vector<16xi32>
        %add3A_900 = arith.constant 4095 : i32
        %add3A_901 = vector.broadcast %add3A_900 : i32 to vector<16xi32>
        %add3A_902 = arith.addi %and3A_899, %add3A_901 : vector<16xi32>
        %shift_right_logical3A_903 = arith.constant 13 : i32
        %shift_right_logical3A_904 = vector.broadcast %shift_right_logical3A_903 : i32 to vector<16xi32>
        %shift_right_logical3A_905 = arith.shrui %add3A_902, %shift_right_logical3A_904 : vector<16xi32>
        %shift_right_logical3A_906 = arith.constant 16 : i32
        %shift_right_logical3A_907 = vector.broadcast %shift_right_logical3A_906 : i32 to vector<16xi32>
        %shift_right_logical3A_908 = arith.shrui %bitcast_convert_type3A_896, %shift_right_logical3A_907 : vector<16xi32>
        %and3A_909 = arith.constant 32768 : i32
        %and3A_910 = vector.broadcast %and3A_909 : i32 to vector<16xi32>
        %and3A_911 = arith.andi %shift_right_logical3A_908, %and3A_910 : vector<16xi32>
        %or3A_912 = arith.ori %shift_right_logical3A_905, %and3A_911 : vector<16xi32>
        %shift_left3A_913 = arith.constant 16 : i32
        %shift_left3A_914 = vector.broadcast %shift_left3A_913 : i32 to vector<16xi32>
        %shift_left3A_915 = arith.shli %or3A_912, %shift_left3A_914 : vector<16xi32>
        %or3A_916 = arith.ori %or3A_892, %shift_left3A_915 : vector<16xi32>
        %mul3A_917 = arith.constant 2 : i32
        %mul3A_918 = arith.muli %add3A_783, %mul3A_917 : i32
        %mul3A_919 = arith.constant 16 : i32
        %mul3A_920 = arith.muli %mul3A_918, %mul3A_919 : i32
        %add3A_921 = arith.constant 0 : i32
        %add3A_922 = arith.addi %mul3A_920, %add3A_921 : i32
        %swap3A_923 = arith.index_cast %add3A_922 : i32 to index
        %swap3A_924 = tpu.vector_load %arg10[%swap3A_923] {strides = array<i32>} : memref<16384xi32, #tpu.memory_space<vmem>>, vector<16xi32>,
        tpu.vector_store %arg10[%swap3A_923], %or3A_916 {strides = array<i32>} : memref<16384xi32, #tpu.memory_space<vmem>>, vector<16xi32>,
        %add3A_925 = vector.broadcast %mul3A_849 : i32 to vector<16xi32>
        %add3A_926 = arith.addi %add3A_925, %mul3A_5 : vector<16xi32>
        %add3A_927 = arith.constant 32 : i32
        %add3A_928 = vector.broadcast %add3A_927 : i32 to vector<16xi32>
        %add3A_929 = arith.addi %add3A_926, %add3A_928 : vector<16xi32>
        %gather3A_930 = tpu.vector_load_idx %arg9[%broadcast_in_dim3A_850, %add3A_929] : memref<512x128xi32, #tpu.memory_space<vmem>>[vector<16xi32>, vector<16xi32>], vector<16xi32>,
        %add3A_931 = vector.broadcast %mul3A_849 : i32 to vector<16xi32>
        %add3A_932 = arith.addi %add3A_931, %mul3A_5 : vector<16xi32>
        %add3A_933 = arith.constant 33 : i32
        %add3A_934 = vector.broadcast %add3A_933 : i32 to vector<16xi32>
        %add3A_935 = arith.addi %add3A_932, %add3A_934 : vector<16xi32>
        %gather3A_936 = tpu.vector_load_idx %arg9[%broadcast_in_dim3A_850, %add3A_935] : memref<512x128xi32, #tpu.memory_space<vmem>>[vector<16xi32>, vector<16xi32>], vector<16xi32>,
        %shift_left3A_937 = vector.broadcast %sub3A_831 : i32 to vector<16xi32>
        %shift_left3A_938 = arith.shli %gather3A_930, %shift_left3A_937 : vector<16xi32>
        %shift_right_arithmetic3A_939 = arith.constant 24 : i32
        %shift_right_arithmetic3A_940 = vector.broadcast %shift_right_arithmetic3A_939 : i32 to vector<16xi32>
        %shift_right_arithmetic3A_941 = arith.shrsi %shift_left3A_938, %shift_right_arithmetic3A_940 : vector<16xi32>
        %shift_left3A_942 = vector.broadcast %sub3A_831 : i32 to vector<16xi32>
        %shift_left3A_943 = arith.shli %gather3A_936, %shift_left3A_942 : vector<16xi32>
        %shift_right_arithmetic3A_944 = arith.constant 24 : i32
        %shift_right_arithmetic3A_945 = vector.broadcast %shift_right_arithmetic3A_944 : i32 to vector<16xi32>
        %shift_right_arithmetic3A_946 = arith.shrsi %shift_left3A_943, %shift_right_arithmetic3A_945 : vector<16xi32>
        %convert_element_type3A_947 = arith.sitofp %shift_right_arithmetic3A_941 : vector<16xi32> to vector<16xf32>
        %mul3A_948 = vector.broadcast %squeeze3A_785 : f32 to vector<16xf32>
        %mul3A_949 = arith.mulf %convert_element_type3A_947, %mul3A_948 : vector<16xf32>
        %bitcast_convert_type3A_950 = tpu.bitcast %mul3A_949 : vector<16xf32> -> vector<16xi32>
        %and3A_951 = arith.constant 2147483647 : i32
        %and3A_952 = vector.broadcast %and3A_951 : i32 to vector<16xi32>
        %and3A_953 = arith.andi %bitcast_convert_type3A_950, %and3A_952 : vector<16xi32>
        %add3A_954 = arith.constant 4095 : i32
        %add3A_955 = vector.broadcast %add3A_954 : i32 to vector<16xi32>
        %add3A_956 = arith.addi %and3A_953, %add3A_955 : vector<16xi32>
        %shift_right_logical3A_957 = arith.constant 13 : i32
        %shift_right_logical3A_958 = vector.broadcast %shift_right_logical3A_957 : i32 to vector<16xi32>
        %shift_right_logical3A_959 = arith.shrui %add3A_956, %shift_right_logical3A_958 : vector<16xi32>
        %shift_right_logical3A_960 = arith.constant 16 : i32
        %shift_right_logical3A_961 = vector.broadcast %shift_right_logical3A_960 : i32 to vector<16xi32>
        %shift_right_logical3A_962 = arith.shrui %bitcast_convert_type3A_950, %shift_right_logical3A_961 : vector<16xi32>
        %and3A_963 = arith.constant 32768 : i32
        %and3A_964 = vector.broadcast %and3A_963 : i32 to vector<16xi32>
        %and3A_965 = arith.andi %shift_right_logical3A_962, %and3A_964 : vector<16xi32>
        %or3A_966 = arith.ori %shift_right_logical3A_959, %and3A_965 : vector<16xi32>
        %convert_element_type3A_967 = arith.sitofp %shift_right_arithmetic3A_946 : vector<16xi32> to vector<16xf32>
        %mul3A_968 = vector.broadcast %squeeze3A_785 : f32 to vector<16xf32>
        %mul3A_969 = arith.mulf %convert_element_type3A_967, %mul3A_968 : vector<16xf32>
        %bitcast_convert_type3A_970 = tpu.bitcast %mul3A_969 : vector<16xf32> -> vector<16xi32>
        %and3A_971 = arith.constant 2147483647 : i32
        %and3A_972 = vector.broadcast %and3A_971 : i32 to vector<16xi32>
        %and3A_973 = arith.andi %bitcast_convert_type3A_970, %and3A_972 : vector<16xi32>
        %add3A_974 = arith.constant 4095 : i32
        %add3A_975 = vector.broadcast %add3A_974 : i32 to vector<16xi32>
        %add3A_976 = arith.addi %and3A_973, %add3A_975 : vector<16xi32>
        %shift_right_logical3A_977 = arith.constant 13 : i32
        %shift_right_logical3A_978 = vector.broadcast %shift_right_logical3A_977 : i32 to vector<16xi32>
        %shift_right_logical3A_979 = arith.shrui %add3A_976, %shift_right_logical3A_978 : vector<16xi32>
        %shift_right_logical3A_980 = arith.constant 16 : i32
        %shift_right_logical3A_981 = vector.broadcast %shift_right_logical3A_980 : i32 to vector<16xi32>
        %shift_right_logical3A_982 = arith.shrui %bitcast_convert_type3A_970, %shift_right_logical3A_981 : vector<16xi32>
        %and3A_983 = arith.constant 32768 : i32
        %and3A_984 = vector.broadcast %and3A_983 : i32 to vector<16xi32>
        %and3A_985 = arith.andi %shift_right_logical3A_982, %and3A_984 : vector<16xi32>
        %or3A_986 = arith.ori %shift_right_logical3A_979, %and3A_985 : vector<16xi32>
        %shift_left3A_987 = arith.constant 16 : i32
        %shift_left3A_988 = vector.broadcast %shift_left3A_987 : i32 to vector<16xi32>
        %shift_left3A_989 = arith.shli %or3A_986, %shift_left3A_988 : vector<16xi32>
        %or3A_990 = arith.ori %or3A_966, %shift_left3A_989 : vector<16xi32>
        %mul3A_991 = arith.constant 2 : i32
        %mul3A_992 = arith.muli %add3A_783, %mul3A_991 : i32
        %mul3A_993 = arith.constant 16 : i32
        %mul3A_994 = arith.muli %mul3A_992, %mul3A_993 : i32
        %add3A_995 = arith.constant 16 : i32
        %add3A_996 = arith.addi %mul3A_994, %add3A_995 : i32
        %swap3A_997 = arith.index_cast %add3A_996 : i32 to index
        %swap3A_998 = tpu.vector_load %arg10[%swap3A_997] {strides = array<i32>} : memref<16384xi32, #tpu.memory_space<vmem>>, vector<16xi32>,
        tpu.vector_store %arg10[%swap3A_997], %or3A_990 {strides = array<i32>} : memref<16384xi32, #tpu.memory_space<vmem>>, vector<16xi32>,
        %add3A_999 = arith.constant 4 : i32
        %add3A_1000 = arith.addi %add3A_131, %add3A_999 : i32
        %slice3A_1001 = vector.extract_strided_slice %mul3A_142 {offsets = [4], sizes = [1], strides = [1]} : vector<16xf32> to vector<1xf32>
        %squeeze3A_1002 = vector.extract %slice3A_1001[0] : f32 from vector<1xf32>
        %slice3A_1003 = vector.extract_strided_slice %get3A_132 {offsets = [4], sizes = [1], strides = [1]} : vector<16xi32> to vector<1xi32>
        %squeeze3A_1004 = vector.extract %slice3A_1003[0] : i32 from vector<1xi32>
        %jit3A_1005 = arith.constant 2 : i32
        %div3A_1006 = arith.divsi %squeeze3A_1004, %jit3A_1005 : i32
        %sign3A_1007 = arith.constant 0 : i32
        %sign3A_1008 = arith.cmpi sgt, %squeeze3A_1004, %sign3A_1007 : i32
        %sign3A_1009 = arith.extui %sign3A_1008 : i1 to i32
        %sign3A_1010 = arith.constant 0 : i32
        %sign3A_1011 = arith.cmpi slt, %squeeze3A_1004, %sign3A_1010 : i32
        %sign3A_1012 = arith.extui %sign3A_1011 : i1 to i32
        %sign3A_1013 = arith.subi %sign3A_1009, %sign3A_1012 : i32
        %sign3A_1014 = arith.constant 0 : i32
        %sign3A_1015 = arith.cmpi sgt, %jit3A_1005, %sign3A_1014 : i32
        %sign3A_1016 = arith.extui %sign3A_1015 : i1 to i32
        %sign3A_1017 = arith.constant 0 : i32
        %sign3A_1018 = arith.cmpi slt, %jit3A_1005, %sign3A_1017 : i32
        %sign3A_1019 = arith.extui %sign3A_1018 : i1 to i32
        %sign3A_1020 = arith.subi %sign3A_1016, %sign3A_1019 : i32
        %ne3A_1021 = arith.cmpi ne, %sign3A_1013, %sign3A_1020 : i32
        %rem3A_1022 = arith.remsi %squeeze3A_1004, %jit3A_1005 : i32
        %ne3A_1023 = arith.constant 0 : i32
        %ne3A_1024 = arith.cmpi ne, %rem3A_1022, %ne3A_1023 : i32
        %and3A_1025 = arith.andi %ne3A_1021, %ne3A_1024 : i1
        %sub3A_1026 = arith.constant 1 : i32
        %sub3A_1027 = arith.subi %div3A_1006, %sub3A_1026 : i32
        %select_n3A_1028 = arith.select %and3A_1025, %sub3A_1027, %div3A_1006 : i32
        %jit3A_1029 = arith.constant 4 : i32
        %eq3A_1030 = arith.constant 0 : i32
        %eq3A_1031 = arith.cmpi eq, %jit3A_1029, %eq3A_1030 : i32
        %jit3A_1032 = arith.constant 1 : i32
        %select_n3A_1033 = arith.select %eq3A_1031, %jit3A_1032, %jit3A_1029 : i32
        %rem3A_1034 = arith.remsi %select_n3A_1028, %select_n3A_1033 : i32
        %ne3A_1035 = arith.constant 0 : i32
        %ne3A_1036 = arith.cmpi ne, %rem3A_1034, %ne3A_1035 : i32
        %lt3A_1037 = arith.constant 0 : i32
        %lt3A_1038 = arith.cmpi slt, %rem3A_1034, %lt3A_1037 : i32
        %lt3A_1039 = arith.constant 0 : i32
        %lt3A_1040 = arith.cmpi slt, %select_n3A_1033, %lt3A_1039 : i32
        %ne3A_1041 = arith.xori %lt3A_1038, %lt3A_1040 : i1
        %and3A_1042 = arith.andi %ne3A_1041, %ne3A_1036 : i1
        %add3A_1043 = arith.addi %rem3A_1034, %select_n3A_1033 : i32
        %select_n3A_1044 = arith.select %and3A_1042, %add3A_1043, %rem3A_1034 : i32
        %mul3A_1045 = arith.constant 8 : i32
        %mul3A_1046 = arith.muli %mul3A_1045, %select_n3A_1044 : i32
        %sub3A_1047 = arith.constant 24 : i32
        %sub3A_1048 = arith.subi %sub3A_1047, %mul3A_1046 : i32
        %jit3A_1049 = arith.constant 2 : i32
        %eq3A_1050 = arith.constant 0 : i32
        %eq3A_1051 = arith.cmpi eq, %jit3A_1049, %eq3A_1050 : i32
        %jit3A_1052 = arith.constant 1 : i32
        %select_n3A_1053 = arith.select %eq3A_1051, %jit3A_1052, %jit3A_1049 : i32
        %rem3A_1054 = arith.remsi %squeeze3A_1004, %select_n3A_1053 : i32
        %ne3A_1055 = arith.constant 0 : i32
        %ne3A_1056 = arith.cmpi ne, %rem3A_1054, %ne3A_1055 : i32
        %lt3A_1057 = arith.constant 0 : i32
        %lt3A_1058 = arith.cmpi slt, %rem3A_1054, %lt3A_1057 : i32
        %lt3A_1059 = arith.constant 0 : i32
        %lt3A_1060 = arith.cmpi slt, %select_n3A_1053, %lt3A_1059 : i32
        %ne3A_1061 = arith.xori %lt3A_1058, %lt3A_1060 : i1
        %and3A_1062 = arith.andi %ne3A_1061, %ne3A_1056 : i1
        %add3A_1063 = arith.addi %rem3A_1054, %select_n3A_1053 : i32
        %select_n3A_1064 = arith.select %and3A_1062, %add3A_1063, %rem3A_1054 : i32
        %mul3A_1065 = arith.constant 64 : i32
        %mul3A_1066 = arith.muli %select_n3A_1064, %mul3A_1065 : i32
        %broadcast_in_dim3A_1067 = vector.broadcast %add3A_1000 : i32 to vector<16xi32>
        %add3A_1068 = vector.broadcast %mul3A_1066 : i32 to vector<16xi32>
        %add3A_1069 = arith.addi %add3A_1068, %mul3A_5 : vector<16xi32>
        %add3A_1070 = arith.constant 0 : i32
        %add3A_1071 = vector.broadcast %add3A_1070 : i32 to vector<16xi32>
        %add3A_1072 = arith.addi %add3A_1069, %add3A_1071 : vector<16xi32>
        %gather3A_1073 = tpu.vector_load_idx %arg9[%broadcast_in_dim3A_1067, %add3A_1072] : memref<512x128xi32, #tpu.memory_space<vmem>>[vector<16xi32>, vector<16xi32>], vector<16xi32>,
        %add3A_1074 = vector.broadcast %mul3A_1066 : i32 to vector<16xi32>
        %add3A_1075 = arith.addi %add3A_1074, %mul3A_5 : vector<16xi32>
        %add3A_1076 = arith.constant 1 : i32
        %add3A_1077 = vector.broadcast %add3A_1076 : i32 to vector<16xi32>
        %add3A_1078 = arith.addi %add3A_1075, %add3A_1077 : vector<16xi32>
        %gather3A_1079 = tpu.vector_load_idx %arg9[%broadcast_in_dim3A_1067, %add3A_1078] : memref<512x128xi32, #tpu.memory_space<vmem>>[vector<16xi32>, vector<16xi32>], vector<16xi32>,
        %shift_left3A_1080 = vector.broadcast %sub3A_1048 : i32 to vector<16xi32>
        %shift_left3A_1081 = arith.shli %gather3A_1073, %shift_left3A_1080 : vector<16xi32>
        %shift_right_arithmetic3A_1082 = arith.constant 24 : i32
        %shift_right_arithmetic3A_1083 = vector.broadcast %shift_right_arithmetic3A_1082 : i32 to vector<16xi32>
        %shift_right_arithmetic3A_1084 = arith.shrsi %shift_left3A_1081, %shift_right_arithmetic3A_1083 : vector<16xi32>
        %shift_left3A_1085 = vector.broadcast %sub3A_1048 : i32 to vector<16xi32>
        %shift_left3A_1086 = arith.shli %gather3A_1079, %shift_left3A_1085 : vector<16xi32>
        %shift_right_arithmetic3A_1087 = arith.constant 24 : i32
        %shift_right_arithmetic3A_1088 = vector.broadcast %shift_right_arithmetic3A_1087 : i32 to vector<16xi32>
        %shift_right_arithmetic3A_1089 = arith.shrsi %shift_left3A_1086, %shift_right_arithmetic3A_1088 : vector<16xi32>
        %convert_element_type3A_1090 = arith.sitofp %shift_right_arithmetic3A_1084 : vector<16xi32> to vector<16xf32>
        %mul3A_1091 = vector.broadcast %squeeze3A_1002 : f32 to vector<16xf32>
        %mul3A_1092 = arith.mulf %convert_element_type3A_1090, %mul3A_1091 : vector<16xf32>
        %bitcast_convert_type3A_1093 = tpu.bitcast %mul3A_1092 : vector<16xf32> -> vector<16xi32>
        %and3A_1094 = arith.constant 2147483647 : i32
        %and3A_1095 = vector.broadcast %and3A_1094 : i32 to vector<16xi32>
        %and3A_1096 = arith.andi %bitcast_convert_type3A_1093, %and3A_1095 : vector<16xi32>
        %add3A_1097 = arith.constant 4095 : i32
        %add3A_1098 = vector.broadcast %add3A_1097 : i32 to vector<16xi32>
        %add3A_1099 = arith.addi %and3A_1096, %add3A_1098 : vector<16xi32>
        %shift_right_logical3A_1100 = arith.constant 13 : i32
        %shift_right_logical3A_1101 = vector.broadcast %shift_right_logical3A_1100 : i32 to vector<16xi32>
        %shift_right_logical3A_1102 = arith.shrui %add3A_1099, %shift_right_logical3A_1101 : vector<16xi32>
        %shift_right_logical3A_1103 = arith.constant 16 : i32
        %shift_right_logical3A_1104 = vector.broadcast %shift_right_logical3A_1103 : i32 to vector<16xi32>
        %shift_right_logical3A_1105 = arith.shrui %bitcast_convert_type3A_1093, %shift_right_logical3A_1104 : vector<16xi32>
        %and3A_1106 = arith.constant 32768 : i32
        %and3A_1107 = vector.broadcast %and3A_1106 : i32 to vector<16xi32>
        %and3A_1108 = arith.andi %shift_right_logical3A_1105, %and3A_1107 : vector<16xi32>
        %or3A_1109 = arith.ori %shift_right_logical3A_1102, %and3A_1108 : vector<16xi32>
        %convert_element_type3A_1110 = arith.sitofp %shift_right_arithmetic3A_1089 : vector<16xi32> to vector<16xf32>
        %mul3A_1111 = vector.broadcast %squeeze3A_1002 : f32 to vector<16xf32>
        %mul3A_1112 = arith.mulf %convert_element_type3A_1110, %mul3A_1111 : vector<16xf32>
        %bitcast_convert_type3A_1113 = tpu.bitcast %mul3A_1112 : vector<16xf32> -> vector<16xi32>
        %and3A_1114 = arith.constant 2147483647 : i32
        %and3A_1115 = vector.broadcast %and3A_1114 : i32 to vector<16xi32>
        %and3A_1116 = arith.andi %bitcast_convert_type3A_1113, %and3A_1115 : vector<16xi32>
        %add3A_1117 = arith.constant 4095 : i32
        %add3A_1118 = vector.broadcast %add3A_1117 : i32 to vector<16xi32>
        %add3A_1119 = arith.addi %and3A_1116, %add3A_1118 : vector<16xi32>
        %shift_right_logical3A_1120 = arith.constant 13 : i32
        %shift_right_logical3A_1121 = vector.broadcast %shift_right_logical3A_1120 : i32 to vector<16xi32>
        %shift_right_logical3A_1122 = arith.shrui %add3A_1119, %shift_right_logical3A_1121 : vector<16xi32>
        %shift_right_logical3A_1123 = arith.constant 16 : i32
        %shift_right_logical3A_1124 = vector.broadcast %shift_right_logical3A_1123 : i32 to vector<16xi32>
        %shift_right_logical3A_1125 = arith.shrui %bitcast_convert_type3A_1113, %shift_right_logical3A_1124 : vector<16xi32>
        %and3A_1126 = arith.constant 32768 : i32
        %and3A_1127 = vector.broadcast %and3A_1126 : i32 to vector<16xi32>
        %and3A_1128 = arith.andi %shift_right_logical3A_1125, %and3A_1127 : vector<16xi32>
        %or3A_1129 = arith.ori %shift_right_logical3A_1122, %and3A_1128 : vector<16xi32>
        %shift_left3A_1130 = arith.constant 16 : i32
        %shift_left3A_1131 = vector.broadcast %shift_left3A_1130 : i32 to vector<16xi32>
        %shift_left3A_1132 = arith.shli %or3A_1129, %shift_left3A_1131 : vector<16xi32>
        %or3A_1133 = arith.ori %or3A_1109, %shift_left3A_1132 : vector<16xi32>
        %mul3A_1134 = arith.constant 2 : i32
        %mul3A_1135 = arith.muli %add3A_1000, %mul3A_1134 : i32
        %mul3A_1136 = arith.constant 16 : i32
        %mul3A_1137 = arith.muli %mul3A_1135, %mul3A_1136 : i32
        %add3A_1138 = arith.constant 0 : i32
        %add3A_1139 = arith.addi %mul3A_1137, %add3A_1138 : i32
        %swap3A_1140 = arith.index_cast %add3A_1139 : i32 to index
        %swap3A_1141 = tpu.vector_load %arg10[%swap3A_1140] {strides = array<i32>} : memref<16384xi32, #tpu.memory_space<vmem>>, vector<16xi32>,
        tpu.vector_store %arg10[%swap3A_1140], %or3A_1133 {strides = array<i32>} : memref<16384xi32, #tpu.memory_space<vmem>>, vector<16xi32>,
        %add3A_1142 = vector.broadcast %mul3A_1066 : i32 to vector<16xi32>
        %add3A_1143 = arith.addi %add3A_1142, %mul3A_5 : vector<16xi32>
        %add3A_1144 = arith.constant 32 : i32
        %add3A_1145 = vector.broadcast %add3A_1144 : i32 to vector<16xi32>
        %add3A_1146 = arith.addi %add3A_1143, %add3A_1145 : vector<16xi32>
        %gather3A_1147 = tpu.vector_load_idx %arg9[%broadcast_in_dim3A_1067, %add3A_1146] : memref<512x128xi32, #tpu.memory_space<vmem>>[vector<16xi32>, vector<16xi32>], vector<16xi32>,
        %add3A_1148 = vector.broadcast %mul3A_1066 : i32 to vector<16xi32>
        %add3A_1149 = arith.addi %add3A_1148, %mul3A_5 : vector<16xi32>
        %add3A_1150 = arith.constant 33 : i32
        %add3A_1151 = vector.broadcast %add3A_1150 : i32 to vector<16xi32>
        %add3A_1152 = arith.addi %add3A_1149, %add3A_1151 : vector<16xi32>
        %gather3A_1153 = tpu.vector_load_idx %arg9[%broadcast_in_dim3A_1067, %add3A_1152] : memref<512x128xi32, #tpu.memory_space<vmem>>[vector<16xi32>, vector<16xi32>], vector<16xi32>,
        %shift_left3A_1154 = vector.broadcast %sub3A_1048 : i32 to vector<16xi32>
        %shift_left3A_1155 = arith.shli %gather3A_1147, %shift_left3A_1154 : vector<16xi32>
        %shift_right_arithmetic3A_1156 = arith.constant 24 : i32
        %shift_right_arithmetic3A_1157 = vector.broadcast %shift_right_arithmetic3A_1156 : i32 to vector<16xi32>
        %shift_right_arithmetic3A_1158 = arith.shrsi %shift_left3A_1155, %shift_right_arithmetic3A_1157 : vector<16xi32>
        %shift_left3A_1159 = vector.broadcast %sub3A_1048 : i32 to vector<16xi32>
        %shift_left3A_1160 = arith.shli %gather3A_1153, %shift_left3A_1159 : vector<16xi32>
        %shift_right_arithmetic3A_1161 = arith.constant 24 : i32
        %shift_right_arithmetic3A_1162 = vector.broadcast %shift_right_arithmetic3A_1161 : i32 to vector<16xi32>
        %shift_right_arithmetic3A_1163 = arith.shrsi %shift_left3A_1160, %shift_right_arithmetic3A_1162 : vector<16xi32>
        %convert_element_type3A_1164 = arith.sitofp %shift_right_arithmetic3A_1158 : vector<16xi32> to vector<16xf32>
        %mul3A_1165 = vector.broadcast %squeeze3A_1002 : f32 to vector<16xf32>
        %mul3A_1166 = arith.mulf %convert_element_type3A_1164, %mul3A_1165 : vector<16xf32>
        %bitcast_convert_type3A_1167 = tpu.bitcast %mul3A_1166 : vector<16xf32> -> vector<16xi32>
        %and3A_1168 = arith.constant 2147483647 : i32
        %and3A_1169 = vector.broadcast %and3A_1168 : i32 to vector<16xi32>
        %and3A_1170 = arith.andi %bitcast_convert_type3A_1167, %and3A_1169 : vector<16xi32>
        %add3A_1171 = arith.constant 4095 : i32
        %add3A_1172 = vector.broadcast %add3A_1171 : i32 to vector<16xi32>
        %add3A_1173 = arith.addi %and3A_1170, %add3A_1172 : vector<16xi32>
        %shift_right_logical3A_1174 = arith.constant 13 : i32
        %shift_right_logical3A_1175 = vector.broadcast %shift_right_logical3A_1174 : i32 to vector<16xi32>
        %shift_right_logical3A_1176 = arith.shrui %add3A_1173, %shift_right_logical3A_1175 : vector<16xi32>
        %shift_right_logical3A_1177 = arith.constant 16 : i32
        %shift_right_logical3A_1178 = vector.broadcast %shift_right_logical3A_1177 : i32 to vector<16xi32>
        %shift_right_logical3A_1179 = arith.shrui %bitcast_convert_type3A_1167, %shift_right_logical3A_1178 : vector<16xi32>
        %and3A_1180 = arith.constant 32768 : i32
        %and3A_1181 = vector.broadcast %and3A_1180 : i32 to vector<16xi32>
        %and3A_1182 = arith.andi %shift_right_logical3A_1179, %and3A_1181 : vector<16xi32>
        %or3A_1183 = arith.ori %shift_right_logical3A_1176, %and3A_1182 : vector<16xi32>
        %convert_element_type3A_1184 = arith.sitofp %shift_right_arithmetic3A_1163 : vector<16xi32> to vector<16xf32>
        %mul3A_1185 = vector.broadcast %squeeze3A_1002 : f32 to vector<16xf32>
        %mul3A_1186 = arith.mulf %convert_element_type3A_1184, %mul3A_1185 : vector<16xf32>
        %bitcast_convert_type3A_1187 = tpu.bitcast %mul3A_1186 : vector<16xf32> -> vector<16xi32>
        %and3A_1188 = arith.constant 2147483647 : i32
        %and3A_1189 = vector.broadcast %and3A_1188 : i32 to vector<16xi32>
        %and3A_1190 = arith.andi %bitcast_convert_type3A_1187, %and3A_1189 : vector<16xi32>
        %add3A_1191 = arith.constant 4095 : i32
        %add3A_1192 = vector.broadcast %add3A_1191 : i32 to vector<16xi32>
        %add3A_1193 = arith.addi %and3A_1190, %add3A_1192 : vector<16xi32>
        %shift_right_logical3A_1194 = arith.constant 13 : i32
        %shift_right_logical3A_1195 = vector.broadcast %shift_right_logical3A_1194 : i32 to vector<16xi32>
        %shift_right_logical3A_1196 = arith.shrui %add3A_1193, %shift_right_logical3A_1195 : vector<16xi32>
        %shift_right_logical3A_1197 = arith.constant 16 : i32
        %shift_right_logical3A_1198 = vector.broadcast %shift_right_logical3A_1197 : i32 to vector<16xi32>
        %shift_right_logical3A_1199 = arith.shrui %bitcast_convert_type3A_1187, %shift_right_logical3A_1198 : vector<16xi32>
        %and3A_1200 = arith.constant 32768 : i32
        %and3A_1201 = vector.broadcast %and3A_1200 : i32 to vector<16xi32>
        %and3A_1202 = arith.andi %shift_right_logical3A_1199, %and3A_1201 : vector<16xi32>
        %or3A_1203 = arith.ori %shift_right_logical3A_1196, %and3A_1202 : vector<16xi32>
        %shift_left3A_1204 = arith.constant 16 : i32
        %shift_left3A_1205 = vector.broadcast %shift_left3A_1204 : i32 to vector<16xi32>
        %shift_left3A_1206 = arith.shli %or3A_1203, %shift_left3A_1205 : vector<16xi32>
        %or3A_1207 = arith.ori %or3A_1183, %shift_left3A_1206 : vector<16xi32>
        %mul3A_1208 = arith.constant 2 : i32
        %mul3A_1209 = arith.muli %add3A_1000, %mul3A_1208 : i32
        %mul3A_1210 = arith.constant 16 : i32
        %mul3A_1211 = arith.muli %mul3A_1209, %mul3A_1210 : i32
        %add3A_1212 = arith.constant 16 : i32
        %add3A_1213 = arith.addi %mul3A_1211, %add3A_1212 : i32
        %swap3A_1214 = arith.index_cast %add3A_1213 : i32 to index
        %swap3A_1215 = tpu.vector_load %arg10[%swap3A_1214] {strides = array<i32>} : memref<16384xi32, #tpu.memory_space<vmem>>, vector<16xi32>,
        tpu.vector_store %arg10[%swap3A_1214], %or3A_1207 {strides = array<i32>} : memref<16384xi32, #tpu.memory_space<vmem>>, vector<16xi32>,
        %add3A_1216 = arith.constant 5 : i32
        %add3A_1217 = arith.addi %add3A_131, %add3A_1216 : i32
        %slice3A_1218 = vector.extract_strided_slice %mul3A_142 {offsets = [5], sizes = [1], strides = [1]} : vector<16xf32> to vector<1xf32>
        %squeeze3A_1219 = vector.extract %slice3A_1218[0] : f32 from vector<1xf32>
        %slice3A_1220 = vector.extract_strided_slice %get3A_132 {offsets = [5], sizes = [1], strides = [1]} : vector<16xi32> to vector<1xi32>
        %squeeze3A_1221 = vector.extract %slice3A_1220[0] : i32 from vector<1xi32>
        %jit3A_1222 = arith.constant 2 : i32
        %div3A_1223 = arith.divsi %squeeze3A_1221, %jit3A_1222 : i32
        %sign3A_1224 = arith.constant 0 : i32
        %sign3A_1225 = arith.cmpi sgt, %squeeze3A_1221, %sign3A_1224 : i32
        %sign3A_1226 = arith.extui %sign3A_1225 : i1 to i32
        %sign3A_1227 = arith.constant 0 : i32
        %sign3A_1228 = arith.cmpi slt, %squeeze3A_1221, %sign3A_1227 : i32
        %sign3A_1229 = arith.extui %sign3A_1228 : i1 to i32
        %sign3A_1230 = arith.subi %sign3A_1226, %sign3A_1229 : i32
        %sign3A_1231 = arith.constant 0 : i32
        %sign3A_1232 = arith.cmpi sgt, %jit3A_1222, %sign3A_1231 : i32
        %sign3A_1233 = arith.extui %sign3A_1232 : i1 to i32
        %sign3A_1234 = arith.constant 0 : i32
        %sign3A_1235 = arith.cmpi slt, %jit3A_1222, %sign3A_1234 : i32
        %sign3A_1236 = arith.extui %sign3A_1235 : i1 to i32
        %sign3A_1237 = arith.subi %sign3A_1233, %sign3A_1236 : i32
        %ne3A_1238 = arith.cmpi ne, %sign3A_1230, %sign3A_1237 : i32
        %rem3A_1239 = arith.remsi %squeeze3A_1221, %jit3A_1222 : i32
        %ne3A_1240 = arith.constant 0 : i32
        %ne3A_1241 = arith.cmpi ne, %rem3A_1239, %ne3A_1240 : i32
        %and3A_1242 = arith.andi %ne3A_1238, %ne3A_1241 : i1
        %sub3A_1243 = arith.constant 1 : i32
        %sub3A_1244 = arith.subi %div3A_1223, %sub3A_1243 : i32
        %select_n3A_1245 = arith.select %and3A_1242, %sub3A_1244, %div3A_1223 : i32
        %jit3A_1246 = arith.constant 4 : i32
        %eq3A_1247 = arith.constant 0 : i32
        %eq3A_1248 = arith.cmpi eq, %jit3A_1246, %eq3A_1247 : i32
        %jit3A_1249 = arith.constant 1 : i32
        %select_n3A_1250 = arith.select %eq3A_1248, %jit3A_1249, %jit3A_1246 : i32
        %rem3A_1251 = arith.remsi %select_n3A_1245, %select_n3A_1250 : i32
        %ne3A_1252 = arith.constant 0 : i32
        %ne3A_1253 = arith.cmpi ne, %rem3A_1251, %ne3A_1252 : i32
        %lt3A_1254 = arith.constant 0 : i32
        %lt3A_1255 = arith.cmpi slt, %rem3A_1251, %lt3A_1254 : i32
        %lt3A_1256 = arith.constant 0 : i32
        %lt3A_1257 = arith.cmpi slt, %select_n3A_1250, %lt3A_1256 : i32
        %ne3A_1258 = arith.xori %lt3A_1255, %lt3A_1257 : i1
        %and3A_1259 = arith.andi %ne3A_1258, %ne3A_1253 : i1
        %add3A_1260 = arith.addi %rem3A_1251, %select_n3A_1250 : i32
        %select_n3A_1261 = arith.select %and3A_1259, %add3A_1260, %rem3A_1251 : i32
        %mul3A_1262 = arith.constant 8 : i32
        %mul3A_1263 = arith.muli %mul3A_1262, %select_n3A_1261 : i32
        %sub3A_1264 = arith.constant 24 : i32
        %sub3A_1265 = arith.subi %sub3A_1264, %mul3A_1263 : i32
        %jit3A_1266 = arith.constant 2 : i32
        %eq3A_1267 = arith.constant 0 : i32
        %eq3A_1268 = arith.cmpi eq, %jit3A_1266, %eq3A_1267 : i32
        %jit3A_1269 = arith.constant 1 : i32
        %select_n3A_1270 = arith.select %eq3A_1268, %jit3A_1269, %jit3A_1266 : i32
        %rem3A_1271 = arith.remsi %squeeze3A_1221, %select_n3A_1270 : i32
        %ne3A_1272 = arith.constant 0 : i32
        %ne3A_1273 = arith.cmpi ne, %rem3A_1271, %ne3A_1272 : i32
        %lt3A_1274 = arith.constant 0 : i32
        %lt3A_1275 = arith.cmpi slt, %rem3A_1271, %lt3A_1274 : i32
        %lt3A_1276 = arith.constant 0 : i32
        %lt3A_1277 = arith.cmpi slt, %select_n3A_1270, %lt3A_1276 : i32
        %ne3A_1278 = arith.xori %lt3A_1275, %lt3A_1277 : i1
        %and3A_1279 = arith.andi %ne3A_1278, %ne3A_1273 : i1
        %add3A_1280 = arith.addi %rem3A_1271, %select_n3A_1270 : i32
        %select_n3A_1281 = arith.select %and3A_1279, %add3A_1280, %rem3A_1271 : i32
        %mul3A_1282 = arith.constant 64 : i32
        %mul3A_1283 = arith.muli %select_n3A_1281, %mul3A_1282 : i32
        %broadcast_in_dim3A_1284 = vector.broadcast %add3A_1217 : i32 to vector<16xi32>
        %add3A_1285 = vector.broadcast %mul3A_1283 : i32 to vector<16xi32>
        %add3A_1286 = arith.addi %add3A_1285, %mul3A_5 : vector<16xi32>
        %add3A_1287 = arith.constant 0 : i32
        %add3A_1288 = vector.broadcast %add3A_1287 : i32 to vector<16xi32>
        %add3A_1289 = arith.addi %add3A_1286, %add3A_1288 : vector<16xi32>
        %gather3A_1290 = tpu.vector_load_idx %arg9[%broadcast_in_dim3A_1284, %add3A_1289] : memref<512x128xi32, #tpu.memory_space<vmem>>[vector<16xi32>, vector<16xi32>], vector<16xi32>,
        %add3A_1291 = vector.broadcast %mul3A_1283 : i32 to vector<16xi32>
        %add3A_1292 = arith.addi %add3A_1291, %mul3A_5 : vector<16xi32>
        %add3A_1293 = arith.constant 1 : i32
        %add3A_1294 = vector.broadcast %add3A_1293 : i32 to vector<16xi32>
        %add3A_1295 = arith.addi %add3A_1292, %add3A_1294 : vector<16xi32>
        %gather3A_1296 = tpu.vector_load_idx %arg9[%broadcast_in_dim3A_1284, %add3A_1295] : memref<512x128xi32, #tpu.memory_space<vmem>>[vector<16xi32>, vector<16xi32>], vector<16xi32>,
        %shift_left3A_1297 = vector.broadcast %sub3A_1265 : i32 to vector<16xi32>
        %shift_left3A_1298 = arith.shli %gather3A_1290, %shift_left3A_1297 : vector<16xi32>
        %shift_right_arithmetic3A_1299 = arith.constant 24 : i32
        %shift_right_arithmetic3A_1300 = vector.broadcast %shift_right_arithmetic3A_1299 : i32 to vector<16xi32>
        %shift_right_arithmetic3A_1301 = arith.shrsi %shift_left3A_1298, %shift_right_arithmetic3A_1300 : vector<16xi32>
        %shift_left3A_1302 = vector.broadcast %sub3A_1265 : i32 to vector<16xi32>
        %shift_left3A_1303 = arith.shli %gather3A_1296, %shift_left3A_1302 : vector<16xi32>
        %shift_right_arithmetic3A_1304 = arith.constant 24 : i32
        %shift_right_arithmetic3A_1305 = vector.broadcast %shift_right_arithmetic3A_1304 : i32 to vector<16xi32>
        %shift_right_arithmetic3A_1306 = arith.shrsi %shift_left3A_1303, %shift_right_arithmetic3A_1305 : vector<16xi32>
        %convert_element_type3A_1307 = arith.sitofp %shift_right_arithmetic3A_1301 : vector<16xi32> to vector<16xf32>
        %mul3A_1308 = vector.broadcast %squeeze3A_1219 : f32 to vector<16xf32>
        %mul3A_1309 = arith.mulf %convert_element_type3A_1307, %mul3A_1308 : vector<16xf32>
        %bitcast_convert_type3A_1310 = tpu.bitcast %mul3A_1309 : vector<16xf32> -> vector<16xi32>
        %and3A_1311 = arith.constant 2147483647 : i32
        %and3A_1312 = vector.broadcast %and3A_1311 : i32 to vector<16xi32>
        %and3A_1313 = arith.andi %bitcast_convert_type3A_1310, %and3A_1312 : vector<16xi32>
        %add3A_1314 = arith.constant 4095 : i32
        %add3A_1315 = vector.broadcast %add3A_1314 : i32 to vector<16xi32>
        %add3A_1316 = arith.addi %and3A_1313, %add3A_1315 : vector<16xi32>
        %shift_right_logical3A_1317 = arith.constant 13 : i32
        %shift_right_logical3A_1318 = vector.broadcast %shift_right_logical3A_1317 : i32 to vector<16xi32>
        %shift_right_logical3A_1319 = arith.shrui %add3A_1316, %shift_right_logical3A_1318 : vector<16xi32>
        %shift_right_logical3A_1320 = arith.constant 16 : i32
        %shift_right_logical3A_1321 = vector.broadcast %shift_right_logical3A_1320 : i32 to vector<16xi32>
        %shift_right_logical3A_1322 = arith.shrui %bitcast_convert_type3A_1310, %shift_right_logical3A_1321 : vector<16xi32>
        %and3A_1323 = arith.constant 32768 : i32
        %and3A_1324 = vector.broadcast %and3A_1323 : i32 to vector<16xi32>
        %and3A_1325 = arith.andi %shift_right_logical3A_1322, %and3A_1324 : vector<16xi32>
        %or3A_1326 = arith.ori %shift_right_logical3A_1319, %and3A_1325 : vector<16xi32>
        %convert_element_type3A_1327 = arith.sitofp %shift_right_arithmetic3A_1306 : vector<16xi32> to vector<16xf32>
        %mul3A_1328 = vector.broadcast %squeeze3A_1219 : f32 to vector<16xf32>
        %mul3A_1329 = arith.mulf %convert_element_type3A_1327, %mul3A_1328 : vector<16xf32>
        %bitcast_convert_type3A_1330 = tpu.bitcast %mul3A_1329 : vector<16xf32> -> vector<16xi32>
        %and3A_1331 = arith.constant 2147483647 : i32
        %and3A_1332 = vector.broadcast %and3A_1331 : i32 to vector<16xi32>
        %and3A_1333 = arith.andi %bitcast_convert_type3A_1330, %and3A_1332 : vector<16xi32>
        %add3A_1334 = arith.constant 4095 : i32
        %add3A_1335 = vector.broadcast %add3A_1334 : i32 to vector<16xi32>
        %add3A_1336 = arith.addi %and3A_1333, %add3A_1335 : vector<16xi32>
        %shift_right_logical3A_1337 = arith.constant 13 : i32
        %shift_right_logical3A_1338 = vector.broadcast %shift_right_logical3A_1337 : i32 to vector<16xi32>
        %shift_right_logical3A_1339 = arith.shrui %add3A_1336, %shift_right_logical3A_1338 : vector<16xi32>
        %shift_right_logical3A_1340 = arith.constant 16 : i32
        %shift_right_logical3A_1341 = vector.broadcast %shift_right_logical3A_1340 : i32 to vector<16xi32>
        %shift_right_logical3A_1342 = arith.shrui %bitcast_convert_type3A_1330, %shift_right_logical3A_1341 : vector<16xi32>
        %and3A_1343 = arith.constant 32768 : i32
        %and3A_1344 = vector.broadcast %and3A_1343 : i32 to vector<16xi32>
        %and3A_1345 = arith.andi %shift_right_logical3A_1342, %and3A_1344 : vector<16xi32>
        %or3A_1346 = arith.ori %shift_right_logical3A_1339, %and3A_1345 : vector<16xi32>
        %shift_left3A_1347 = arith.constant 16 : i32
        %shift_left3A_1348 = vector.broadcast %shift_left3A_1347 : i32 to vector<16xi32>
        %shift_left3A_1349 = arith.shli %or3A_1346, %shift_left3A_1348 : vector<16xi32>
        %or3A_1350 = arith.ori %or3A_1326, %shift_left3A_1349 : vector<16xi32>
        %mul3A_1351 = arith.constant 2 : i32
        %mul3A_1352 = arith.muli %add3A_1217, %mul3A_1351 : i32
        %mul3A_1353 = arith.constant 16 : i32
        %mul3A_1354 = arith.muli %mul3A_1352, %mul3A_1353 : i32
        %add3A_1355 = arith.constant 0 : i32
        %add3A_1356 = arith.addi %mul3A_1354, %add3A_1355 : i32
        %swap3A_1357 = arith.index_cast %add3A_1356 : i32 to index
        %swap3A_1358 = tpu.vector_load %arg10[%swap3A_1357] {strides = array<i32>} : memref<16384xi32, #tpu.memory_space<vmem>>, vector<16xi32>,
        tpu.vector_store %arg10[%swap3A_1357], %or3A_1350 {strides = array<i32>} : memref<16384xi32, #tpu.memory_space<vmem>>, vector<16xi32>,
        %add3A_1359 = vector.broadcast %mul3A_1283 : i32 to vector<16xi32>
        %add3A_1360 = arith.addi %add3A_1359, %mul3A_5 : vector<16xi32>
        %add3A_1361 = arith.constant 32 : i32
        %add3A_1362 = vector.broadcast %add3A_1361 : i32 to vector<16xi32>
        %add3A_1363 = arith.addi %add3A_1360, %add3A_1362 : vector<16xi32>
        %gather3A_1364 = tpu.vector_load_idx %arg9[%broadcast_in_dim3A_1284, %add3A_1363] : memref<512x128xi32, #tpu.memory_space<vmem>>[vector<16xi32>, vector<16xi32>], vector<16xi32>,
        %add3A_1365 = vector.broadcast %mul3A_1283 : i32 to vector<16xi32>
        %add3A_1366 = arith.addi %add3A_1365, %mul3A_5 : vector<16xi32>
        %add3A_1367 = arith.constant 33 : i32
        %add3A_1368 = vector.broadcast %add3A_1367 : i32 to vector<16xi32>
        %add3A_1369 = arith.addi %add3A_1366, %add3A_1368 : vector<16xi32>
        %gather3A_1370 = tpu.vector_load_idx %arg9[%broadcast_in_dim3A_1284, %add3A_1369] : memref<512x128xi32, #tpu.memory_space<vmem>>[vector<16xi32>, vector<16xi32>], vector<16xi32>,
        %shift_left3A_1371 = vector.broadcast %sub3A_1265 : i32 to vector<16xi32>
        %shift_left3A_1372 = arith.shli %gather3A_1364, %shift_left3A_1371 : vector<16xi32>
        %shift_right_arithmetic3A_1373 = arith.constant 24 : i32
        %shift_right_arithmetic3A_1374 = vector.broadcast %shift_right_arithmetic3A_1373 : i32 to vector<16xi32>
        %shift_right_arithmetic3A_1375 = arith.shrsi %shift_left3A_1372, %shift_right_arithmetic3A_1374 : vector<16xi32>
        %shift_left3A_1376 = vector.broadcast %sub3A_1265 : i32 to vector<16xi32>
        %shift_left3A_1377 = arith.shli %gather3A_1370, %shift_left3A_1376 : vector<16xi32>
        %shift_right_arithmetic3A_1378 = arith.constant 24 : i32
        %shift_right_arithmetic3A_1379 = vector.broadcast %shift_right_arithmetic3A_1378 : i32 to vector<16xi32>
        %shift_right_arithmetic3A_1380 = arith.shrsi %shift_left3A_1377, %shift_right_arithmetic3A_1379 : vector<16xi32>
        %convert_element_type3A_1381 = arith.sitofp %shift_right_arithmetic3A_1375 : vector<16xi32> to vector<16xf32>
        %mul3A_1382 = vector.broadcast %squeeze3A_1219 : f32 to vector<16xf32>
        %mul3A_1383 = arith.mulf %convert_element_type3A_1381, %mul3A_1382 : vector<16xf32>
        %bitcast_convert_type3A_1384 = tpu.bitcast %mul3A_1383 : vector<16xf32> -> vector<16xi32>
        %and3A_1385 = arith.constant 2147483647 : i32
        %and3A_1386 = vector.broadcast %and3A_1385 : i32 to vector<16xi32>
        %and3A_1387 = arith.andi %bitcast_convert_type3A_1384, %and3A_1386 : vector<16xi32>
        %add3A_1388 = arith.constant 4095 : i32
        %add3A_1389 = vector.broadcast %add3A_1388 : i32 to vector<16xi32>
        %add3A_1390 = arith.addi %and3A_1387, %add3A_1389 : vector<16xi32>
        %shift_right_logical3A_1391 = arith.constant 13 : i32
        %shift_right_logical3A_1392 = vector.broadcast %shift_right_logical3A_1391 : i32 to vector<16xi32>
        %shift_right_logical3A_1393 = arith.shrui %add3A_1390, %shift_right_logical3A_1392 : vector<16xi32>
        %shift_right_logical3A_1394 = arith.constant 16 : i32
        %shift_right_logical3A_1395 = vector.broadcast %shift_right_logical3A_1394 : i32 to vector<16xi32>
        %shift_right_logical3A_1396 = arith.shrui %bitcast_convert_type3A_1384, %shift_right_logical3A_1395 : vector<16xi32>
        %and3A_1397 = arith.constant 32768 : i32
        %and3A_1398 = vector.broadcast %and3A_1397 : i32 to vector<16xi32>
        %and3A_1399 = arith.andi %shift_right_logical3A_1396, %and3A_1398 : vector<16xi32>
        %or3A_1400 = arith.ori %shift_right_logical3A_1393, %and3A_1399 : vector<16xi32>
        %convert_element_type3A_1401 = arith.sitofp %shift_right_arithmetic3A_1380 : vector<16xi32> to vector<16xf32>
        %mul3A_1402 = vector.broadcast %squeeze3A_1219 : f32 to vector<16xf32>
        %mul3A_1403 = arith.mulf %convert_element_type3A_1401, %mul3A_1402 : vector<16xf32>
        %bitcast_convert_type3A_1404 = tpu.bitcast %mul3A_1403 : vector<16xf32> -> vector<16xi32>
        %and3A_1405 = arith.constant 2147483647 : i32
        %and3A_1406 = vector.broadcast %and3A_1405 : i32 to vector<16xi32>
        %and3A_1407 = arith.andi %bitcast_convert_type3A_1404, %and3A_1406 : vector<16xi32>
        %add3A_1408 = arith.constant 4095 : i32
        %add3A_1409 = vector.broadcast %add3A_1408 : i32 to vector<16xi32>
        %add3A_1410 = arith.addi %and3A_1407, %add3A_1409 : vector<16xi32>
        %shift_right_logical3A_1411 = arith.constant 13 : i32
        %shift_right_logical3A_1412 = vector.broadcast %shift_right_logical3A_1411 : i32 to vector<16xi32>
        %shift_right_logical3A_1413 = arith.shrui %add3A_1410, %shift_right_logical3A_1412 : vector<16xi32>
        %shift_right_logical3A_1414 = arith.constant 16 : i32
        %shift_right_logical3A_1415 = vector.broadcast %shift_right_logical3A_1414 : i32 to vector<16xi32>
        %shift_right_logical3A_1416 = arith.shrui %bitcast_convert_type3A_1404, %shift_right_logical3A_1415 : vector<16xi32>
        %and3A_1417 = arith.constant 32768 : i32
        %and3A_1418 = vector.broadcast %and3A_1417 : i32 to vector<16xi32>
        %and3A_1419 = arith.andi %shift_right_logical3A_1416, %and3A_1418 : vector<16xi32>
        %or3A_1420 = arith.ori %shift_right_logical3A_1413, %and3A_1419 : vector<16xi32>
        %shift_left3A_1421 = arith.constant 16 : i32
        %shift_left3A_1422 = vector.broadcast %shift_left3A_1421 : i32 to vector<16xi32>
        %shift_left3A_1423 = arith.shli %or3A_1420, %shift_left3A_1422 : vector<16xi32>
        %or3A_1424 = arith.ori %or3A_1400, %shift_left3A_1423 : vector<16xi32>
        %mul3A_1425 = arith.constant 2 : i32
        %mul3A_1426 = arith.muli %add3A_1217, %mul3A_1425 : i32
        %mul3A_1427 = arith.constant 16 : i32
        %mul3A_1428 = arith.muli %mul3A_1426, %mul3A_1427 : i32
        %add3A_1429 = arith.constant 16 : i32
        %add3A_1430 = arith.addi %mul3A_1428, %add3A_1429 : i32
        %swap3A_1431 = arith.index_cast %add3A_1430 : i32 to index
        %swap3A_1432 = tpu.vector_load %arg10[%swap3A_1431] {strides = array<i32>} : memref<16384xi32, #tpu.memory_space<vmem>>, vector<16xi32>,
        tpu.vector_store %arg10[%swap3A_1431], %or3A_1424 {strides = array<i32>} : memref<16384xi32, #tpu.memory_space<vmem>>, vector<16xi32>,
        %add3A_1433 = arith.constant 6 : i32
        %add3A_1434 = arith.addi %add3A_131, %add3A_1433 : i32
        %slice3A_1435 = vector.extract_strided_slice %mul3A_142 {offsets = [6], sizes = [1], strides = [1]} : vector<16xf32> to vector<1xf32>
        %squeeze3A_1436 = vector.extract %slice3A_1435[0] : f32 from vector<1xf32>
        %slice3A_1437 = vector.extract_strided_slice %get3A_132 {offsets = [6], sizes = [1], strides = [1]} : vector<16xi32> to vector<1xi32>
        %squeeze3A_1438 = vector.extract %slice3A_1437[0] : i32 from vector<1xi32>
        %jit3A_1439 = arith.constant 2 : i32
        %div3A_1440 = arith.divsi %squeeze3A_1438, %jit3A_1439 : i32
        %sign3A_1441 = arith.constant 0 : i32
        %sign3A_1442 = arith.cmpi sgt, %squeeze3A_1438, %sign3A_1441 : i32
        %sign3A_1443 = arith.extui %sign3A_1442 : i1 to i32
        %sign3A_1444 = arith.constant 0 : i32
        %sign3A_1445 = arith.cmpi slt, %squeeze3A_1438, %sign3A_1444 : i32
        %sign3A_1446 = arith.extui %sign3A_1445 : i1 to i32
        %sign3A_1447 = arith.subi %sign3A_1443, %sign3A_1446 : i32
        %sign3A_1448 = arith.constant 0 : i32
        %sign3A_1449 = arith.cmpi sgt, %jit3A_1439, %sign3A_1448 : i32
        %sign3A_1450 = arith.extui %sign3A_1449 : i1 to i32
        %sign3A_1451 = arith.constant 0 : i32
        %sign3A_1452 = arith.cmpi slt, %jit3A_1439, %sign3A_1451 : i32
        %sign3A_1453 = arith.extui %sign3A_1452 : i1 to i32
        %sign3A_1454 = arith.subi %sign3A_1450, %sign3A_1453 : i32
        %ne3A_1455 = arith.cmpi ne, %sign3A_1447, %sign3A_1454 : i32
        %rem3A_1456 = arith.remsi %squeeze3A_1438, %jit3A_1439 : i32
        %ne3A_1457 = arith.constant 0 : i32
        %ne3A_1458 = arith.cmpi ne, %rem3A_1456, %ne3A_1457 : i32
        %and3A_1459 = arith.andi %ne3A_1455, %ne3A_1458 : i1
        %sub3A_1460 = arith.constant 1 : i32
        %sub3A_1461 = arith.subi %div3A_1440, %sub3A_1460 : i32
        %select_n3A_1462 = arith.select %and3A_1459, %sub3A_1461, %div3A_1440 : i32
        %jit3A_1463 = arith.constant 4 : i32
        %eq3A_1464 = arith.constant 0 : i32
        %eq3A_1465 = arith.cmpi eq, %jit3A_1463, %eq3A_1464 : i32
        %jit3A_1466 = arith.constant 1 : i32
        %select_n3A_1467 = arith.select %eq3A_1465, %jit3A_1466, %jit3A_1463 : i32
        %rem3A_1468 = arith.remsi %select_n3A_1462, %select_n3A_1467 : i32
        %ne3A_1469 = arith.constant 0 : i32
        %ne3A_1470 = arith.cmpi ne, %rem3A_1468, %ne3A_1469 : i32
        %lt3A_1471 = arith.constant 0 : i32
        %lt3A_1472 = arith.cmpi slt, %rem3A_1468, %lt3A_1471 : i32
        %lt3A_1473 = arith.constant 0 : i32
        %lt3A_1474 = arith.cmpi slt, %select_n3A_1467, %lt3A_1473 : i32
        %ne3A_1475 = arith.xori %lt3A_1472, %lt3A_1474 : i1
        %and3A_1476 = arith.andi %ne3A_1475, %ne3A_1470 : i1
        %add3A_1477 = arith.addi %rem3A_1468, %select_n3A_1467 : i32
        %select_n3A_1478 = arith.select %and3A_1476, %add3A_1477, %rem3A_1468 : i32
        %mul3A_1479 = arith.constant 8 : i32
        %mul3A_1480 = arith.muli %mul3A_1479, %select_n3A_1478 : i32
        %sub3A_1481 = arith.constant 24 : i32
        %sub3A_1482 = arith.subi %sub3A_1481, %mul3A_1480 : i32
        %jit3A_1483 = arith.constant 2 : i32
        %eq3A_1484 = arith.constant 0 : i32
        %eq3A_1485 = arith.cmpi eq, %jit3A_1483, %eq3A_1484 : i32
        %jit3A_1486 = arith.constant 1 : i32
        %select_n3A_1487 = arith.select %eq3A_1485, %jit3A_1486, %jit3A_1483 : i32
        %rem3A_1488 = arith.remsi %squeeze3A_1438, %select_n3A_1487 : i32
        %ne3A_1489 = arith.constant 0 : i32
        %ne3A_1490 = arith.cmpi ne, %rem3A_1488, %ne3A_1489 : i32
        %lt3A_1491 = arith.constant 0 : i32
        %lt3A_1492 = arith.cmpi slt, %rem3A_1488, %lt3A_1491 : i32
        %lt3A_1493 = arith.constant 0 : i32
        %lt3A_1494 = arith.cmpi slt, %select_n3A_1487, %lt3A_1493 : i32
        %ne3A_1495 = arith.xori %lt3A_1492, %lt3A_1494 : i1
        %and3A_1496 = arith.andi %ne3A_1495, %ne3A_1490 : i1
        %add3A_1497 = arith.addi %rem3A_1488, %select_n3A_1487 : i32
        %select_n3A_1498 = arith.select %and3A_1496, %add3A_1497, %rem3A_1488 : i32
        %mul3A_1499 = arith.constant 64 : i32
        %mul3A_1500 = arith.muli %select_n3A_1498, %mul3A_1499 : i32
        %broadcast_in_dim3A_1501 = vector.broadcast %add3A_1434 : i32 to vector<16xi32>
        %add3A_1502 = vector.broadcast %mul3A_1500 : i32 to vector<16xi32>
        %add3A_1503 = arith.addi %add3A_1502, %mul3A_5 : vector<16xi32>
        %add3A_1504 = arith.constant 0 : i32
        %add3A_1505 = vector.broadcast %add3A_1504 : i32 to vector<16xi32>
        %add3A_1506 = arith.addi %add3A_1503, %add3A_1505 : vector<16xi32>
        %gather3A_1507 = tpu.vector_load_idx %arg9[%broadcast_in_dim3A_1501, %add3A_1506] : memref<512x128xi32, #tpu.memory_space<vmem>>[vector<16xi32>, vector<16xi32>], vector<16xi32>,
        %add3A_1508 = vector.broadcast %mul3A_1500 : i32 to vector<16xi32>
        %add3A_1509 = arith.addi %add3A_1508, %mul3A_5 : vector<16xi32>
        %add3A_1510 = arith.constant 1 : i32
        %add3A_1511 = vector.broadcast %add3A_1510 : i32 to vector<16xi32>
        %add3A_1512 = arith.addi %add3A_1509, %add3A_1511 : vector<16xi32>
        %gather3A_1513 = tpu.vector_load_idx %arg9[%broadcast_in_dim3A_1501, %add3A_1512] : memref<512x128xi32, #tpu.memory_space<vmem>>[vector<16xi32>, vector<16xi32>], vector<16xi32>,
        %shift_left3A_1514 = vector.broadcast %sub3A_1482 : i32 to vector<16xi32>
        %shift_left3A_1515 = arith.shli %gather3A_1507, %shift_left3A_1514 : vector<16xi32>
        %shift_right_arithmetic3A_1516 = arith.constant 24 : i32
        %shift_right_arithmetic3A_1517 = vector.broadcast %shift_right_arithmetic3A_1516 : i32 to vector<16xi32>
        %shift_right_arithmetic3A_1518 = arith.shrsi %shift_left3A_1515, %shift_right_arithmetic3A_1517 : vector<16xi32>
        %shift_left3A_1519 = vector.broadcast %sub3A_1482 : i32 to vector<16xi32>
        %shift_left3A_1520 = arith.shli %gather3A_1513, %shift_left3A_1519 : vector<16xi32>
        %shift_right_arithmetic3A_1521 = arith.constant 24 : i32
        %shift_right_arithmetic3A_1522 = vector.broadcast %shift_right_arithmetic3A_1521 : i32 to vector<16xi32>
        %shift_right_arithmetic3A_1523 = arith.shrsi %shift_left3A_1520, %shift_right_arithmetic3A_1522 : vector<16xi32>
        %convert_element_type3A_1524 = arith.sitofp %shift_right_arithmetic3A_1518 : vector<16xi32> to vector<16xf32>
        %mul3A_1525 = vector.broadcast %squeeze3A_1436 : f32 to vector<16xf32>
        %mul3A_1526 = arith.mulf %convert_element_type3A_1524, %mul3A_1525 : vector<16xf32>
        %bitcast_convert_type3A_1527 = tpu.bitcast %mul3A_1526 : vector<16xf32> -> vector<16xi32>
        %and3A_1528 = arith.constant 2147483647 : i32
        %and3A_1529 = vector.broadcast %and3A_1528 : i32 to vector<16xi32>
        %and3A_1530 = arith.andi %bitcast_convert_type3A_1527, %and3A_1529 : vector<16xi32>
        %add3A_1531 = arith.constant 4095 : i32
        %add3A_1532 = vector.broadcast %add3A_1531 : i32 to vector<16xi32>
        %add3A_1533 = arith.addi %and3A_1530, %add3A_1532 : vector<16xi32>
        %shift_right_logical3A_1534 = arith.constant 13 : i32
        %shift_right_logical3A_1535 = vector.broadcast %shift_right_logical3A_1534 : i32 to vector<16xi32>
        %shift_right_logical3A_1536 = arith.shrui %add3A_1533, %shift_right_logical3A_1535 : vector<16xi32>
        %shift_right_logical3A_1537 = arith.constant 16 : i32
        %shift_right_logical3A_1538 = vector.broadcast %shift_right_logical3A_1537 : i32 to vector<16xi32>
        %shift_right_logical3A_1539 = arith.shrui %bitcast_convert_type3A_1527, %shift_right_logical3A_1538 : vector<16xi32>
        %and3A_1540 = arith.constant 32768 : i32
        %and3A_1541 = vector.broadcast %and3A_1540 : i32 to vector<16xi32>
        %and3A_1542 = arith.andi %shift_right_logical3A_1539, %and3A_1541 : vector<16xi32>
        %or3A_1543 = arith.ori %shift_right_logical3A_1536, %and3A_1542 : vector<16xi32>
        %convert_element_type3A_1544 = arith.sitofp %shift_right_arithmetic3A_1523 : vector<16xi32> to vector<16xf32>
        %mul3A_1545 = vector.broadcast %squeeze3A_1436 : f32 to vector<16xf32>
        %mul3A_1546 = arith.mulf %convert_element_type3A_1544, %mul3A_1545 : vector<16xf32>
        %bitcast_convert_type3A_1547 = tpu.bitcast %mul3A_1546 : vector<16xf32> -> vector<16xi32>
        %and3A_1548 = arith.constant 2147483647 : i32
        %and3A_1549 = vector.broadcast %and3A_1548 : i32 to vector<16xi32>
        %and3A_1550 = arith.andi %bitcast_convert_type3A_1547, %and3A_1549 : vector<16xi32>
        %add3A_1551 = arith.constant 4095 : i32
        %add3A_1552 = vector.broadcast %add3A_1551 : i32 to vector<16xi32>
        %add3A_1553 = arith.addi %and3A_1550, %add3A_1552 : vector<16xi32>
        %shift_right_logical3A_1554 = arith.constant 13 : i32
        %shift_right_logical3A_1555 = vector.broadcast %shift_right_logical3A_1554 : i32 to vector<16xi32>
        %shift_right_logical3A_1556 = arith.shrui %add3A_1553, %shift_right_logical3A_1555 : vector<16xi32>
        %shift_right_logical3A_1557 = arith.constant 16 : i32
        %shift_right_logical3A_1558 = vector.broadcast %shift_right_logical3A_1557 : i32 to vector<16xi32>
        %shift_right_logical3A_1559 = arith.shrui %bitcast_convert_type3A_1547, %shift_right_logical3A_1558 : vector<16xi32>
        %and3A_1560 = arith.constant 32768 : i32
        %and3A_1561 = vector.broadcast %and3A_1560 : i32 to vector<16xi32>
        %and3A_1562 = arith.andi %shift_right_logical3A_1559, %and3A_1561 : vector<16xi32>
        %or3A_1563 = arith.ori %shift_right_logical3A_1556, %and3A_1562 : vector<16xi32>
        %shift_left3A_1564 = arith.constant 16 : i32
        %shift_left3A_1565 = vector.broadcast %shift_left3A_1564 : i32 to vector<16xi32>
        %shift_left3A_1566 = arith.shli %or3A_1563, %shift_left3A_1565 : vector<16xi32>
        %or3A_1567 = arith.ori %or3A_1543, %shift_left3A_1566 : vector<16xi32>
        %mul3A_1568 = arith.constant 2 : i32
        %mul3A_1569 = arith.muli %add3A_1434, %mul3A_1568 : i32
        %mul3A_1570 = arith.constant 16 : i32
        %mul3A_1571 = arith.muli %mul3A_1569, %mul3A_1570 : i32
        %add3A_1572 = arith.constant 0 : i32
        %add3A_1573 = arith.addi %mul3A_1571, %add3A_1572 : i32
        %swap3A_1574 = arith.index_cast %add3A_1573 : i32 to index
        %swap3A_1575 = tpu.vector_load %arg10[%swap3A_1574] {strides = array<i32>} : memref<16384xi32, #tpu.memory_space<vmem>>, vector<16xi32>,
        tpu.vector_store %arg10[%swap3A_1574], %or3A_1567 {strides = array<i32>} : memref<16384xi32, #tpu.memory_space<vmem>>, vector<16xi32>,
        %add3A_1576 = vector.broadcast %mul3A_1500 : i32 to vector<16xi32>
        %add3A_1577 = arith.addi %add3A_1576, %mul3A_5 : vector<16xi32>
        %add3A_1578 = arith.constant 32 : i32
        %add3A_1579 = vector.broadcast %add3A_1578 : i32 to vector<16xi32>
        %add3A_1580 = arith.addi %add3A_1577, %add3A_1579 : vector<16xi32>
        %gather3A_1581 = tpu.vector_load_idx %arg9[%broadcast_in_dim3A_1501, %add3A_1580] : memref<512x128xi32, #tpu.memory_space<vmem>>[vector<16xi32>, vector<16xi32>], vector<16xi32>,
        %add3A_1582 = vector.broadcast %mul3A_1500 : i32 to vector<16xi32>
        %add3A_1583 = arith.addi %add3A_1582, %mul3A_5 : vector<16xi32>
        %add3A_1584 = arith.constant 33 : i32
        %add3A_1585 = vector.broadcast %add3A_1584 : i32 to vector<16xi32>
        %add3A_1586 = arith.addi %add3A_1583, %add3A_1585 : vector<16xi32>
        %gather3A_1587 = tpu.vector_load_idx %arg9[%broadcast_in_dim3A_1501, %add3A_1586] : memref<512x128xi32, #tpu.memory_space<vmem>>[vector<16xi32>, vector<16xi32>], vector<16xi32>,
        %shift_left3A_1588 = vector.broadcast %sub3A_1482 : i32 to vector<16xi32>
        %shift_left3A_1589 = arith.shli %gather3A_1581, %shift_left3A_1588 : vector<16xi32>
        %shift_right_arithmetic3A_1590 = arith.constant 24 : i32
        %shift_right_arithmetic3A_1591 = vector.broadcast %shift_right_arithmetic3A_1590 : i32 to vector<16xi32>
        %shift_right_arithmetic3A_1592 = arith.shrsi %shift_left3A_1589, %shift_right_arithmetic3A_1591 : vector<16xi32>
        %shift_left3A_1593 = vector.broadcast %sub3A_1482 : i32 to vector<16xi32>
        %shift_left3A_1594 = arith.shli %gather3A_1587, %shift_left3A_1593 : vector<16xi32>
        %shift_right_arithmetic3A_1595 = arith.constant 24 : i32
        %shift_right_arithmetic3A_1596 = vector.broadcast %shift_right_arithmetic3A_1595 : i32 to vector<16xi32>
        %shift_right_arithmetic3A_1597 = arith.shrsi %shift_left3A_1594, %shift_right_arithmetic3A_1596 : vector<16xi32>
        %convert_element_type3A_1598 = arith.sitofp %shift_right_arithmetic3A_1592 : vector<16xi32> to vector<16xf32>
        %mul3A_1599 = vector.broadcast %squeeze3A_1436 : f32 to vector<16xf32>
        %mul3A_1600 = arith.mulf %convert_element_type3A_1598, %mul3A_1599 : vector<16xf32>
        %bitcast_convert_type3A_1601 = tpu.bitcast %mul3A_1600 : vector<16xf32> -> vector<16xi32>
        %and3A_1602 = arith.constant 2147483647 : i32
        %and3A_1603 = vector.broadcast %and3A_1602 : i32 to vector<16xi32>
        %and3A_1604 = arith.andi %bitcast_convert_type3A_1601, %and3A_1603 : vector<16xi32>
        %add3A_1605 = arith.constant 4095 : i32
        %add3A_1606 = vector.broadcast %add3A_1605 : i32 to vector<16xi32>
        %add3A_1607 = arith.addi %and3A_1604, %add3A_1606 : vector<16xi32>
        %shift_right_logical3A_1608 = arith.constant 13 : i32
        %shift_right_logical3A_1609 = vector.broadcast %shift_right_logical3A_1608 : i32 to vector<16xi32>
        %shift_right_logical3A_1610 = arith.shrui %add3A_1607, %shift_right_logical3A_1609 : vector<16xi32>
        %shift_right_logical3A_1611 = arith.constant 16 : i32
        %shift_right_logical3A_1612 = vector.broadcast %shift_right_logical3A_1611 : i32 to vector<16xi32>
        %shift_right_logical3A_1613 = arith.shrui %bitcast_convert_type3A_1601, %shift_right_logical3A_1612 : vector<16xi32>
        %and3A_1614 = arith.constant 32768 : i32
        %and3A_1615 = vector.broadcast %and3A_1614 : i32 to vector<16xi32>
        %and3A_1616 = arith.andi %shift_right_logical3A_1613, %and3A_1615 : vector<16xi32>
        %or3A_1617 = arith.ori %shift_right_logical3A_1610, %and3A_1616 : vector<16xi32>
        %convert_element_type3A_1618 = arith.sitofp %shift_right_arithmetic3A_1597 : vector<16xi32> to vector<16xf32>
        %mul3A_1619 = vector.broadcast %squeeze3A_1436 : f32 to vector<16xf32>
        %mul3A_1620 = arith.mulf %convert_element_type3A_1618, %mul3A_1619 : vector<16xf32>
        %bitcast_convert_type3A_1621 = tpu.bitcast %mul3A_1620 : vector<16xf32> -> vector<16xi32>
        %and3A_1622 = arith.constant 2147483647 : i32
        %and3A_1623 = vector.broadcast %and3A_1622 : i32 to vector<16xi32>
        %and3A_1624 = arith.andi %bitcast_convert_type3A_1621, %and3A_1623 : vector<16xi32>
        %add3A_1625 = arith.constant 4095 : i32
        %add3A_1626 = vector.broadcast %add3A_1625 : i32 to vector<16xi32>
        %add3A_1627 = arith.addi %and3A_1624, %add3A_1626 : vector<16xi32>
        %shift_right_logical3A_1628 = arith.constant 13 : i32
        %shift_right_logical3A_1629 = vector.broadcast %shift_right_logical3A_1628 : i32 to vector<16xi32>
        %shift_right_logical3A_1630 = arith.shrui %add3A_1627, %shift_right_logical3A_1629 : vector<16xi32>
        %shift_right_logical3A_1631 = arith.constant 16 : i32
        %shift_right_logical3A_1632 = vector.broadcast %shift_right_logical3A_1631 : i32 to vector<16xi32>
        %shift_right_logical3A_1633 = arith.shrui %bitcast_convert_type3A_1621, %shift_right_logical3A_1632 : vector<16xi32>
        %and3A_1634 = arith.constant 32768 : i32
        %and3A_1635 = vector.broadcast %and3A_1634 : i32 to vector<16xi32>
        %and3A_1636 = arith.andi %shift_right_logical3A_1633, %and3A_1635 : vector<16xi32>
        %or3A_1637 = arith.ori %shift_right_logical3A_1630, %and3A_1636 : vector<16xi32>
        %shift_left3A_1638 = arith.constant 16 : i32
        %shift_left3A_1639 = vector.broadcast %shift_left3A_1638 : i32 to vector<16xi32>
        %shift_left3A_1640 = arith.shli %or3A_1637, %shift_left3A_1639 : vector<16xi32>
        %or3A_1641 = arith.ori %or3A_1617, %shift_left3A_1640 : vector<16xi32>
        %mul3A_1642 = arith.constant 2 : i32
        %mul3A_1643 = arith.muli %add3A_1434, %mul3A_1642 : i32
        %mul3A_1644 = arith.constant 16 : i32
        %mul3A_1645 = arith.muli %mul3A_1643, %mul3A_1644 : i32
        %add3A_1646 = arith.constant 16 : i32
        %add3A_1647 = arith.addi %mul3A_1645, %add3A_1646 : i32
        %swap3A_1648 = arith.index_cast %add3A_1647 : i32 to index
        %swap3A_1649 = tpu.vector_load %arg10[%swap3A_1648] {strides = array<i32>} : memref<16384xi32, #tpu.memory_space<vmem>>, vector<16xi32>,
        tpu.vector_store %arg10[%swap3A_1648], %or3A_1641 {strides = array<i32>} : memref<16384xi32, #tpu.memory_space<vmem>>, vector<16xi32>,
        %add3A_1650 = arith.constant 7 : i32
        %add3A_1651 = arith.addi %add3A_131, %add3A_1650 : i32
        %slice3A_1652 = vector.extract_strided_slice %mul3A_142 {offsets = [7], sizes = [1], strides = [1]} : vector<16xf32> to vector<1xf32>
        %squeeze3A_1653 = vector.extract %slice3A_1652[0] : f32 from vector<1xf32>
        %slice3A_1654 = vector.extract_strided_slice %get3A_132 {offsets = [7], sizes = [1], strides = [1]} : vector<16xi32> to vector<1xi32>
        %squeeze3A_1655 = vector.extract %slice3A_1654[0] : i32 from vector<1xi32>
        %jit3A_1656 = arith.constant 2 : i32
        %div3A_1657 = arith.divsi %squeeze3A_1655, %jit3A_1656 : i32
        %sign3A_1658 = arith.constant 0 : i32
        %sign3A_1659 = arith.cmpi sgt, %squeeze3A_1655, %sign3A_1658 : i32
        %sign3A_1660 = arith.extui %sign3A_1659 : i1 to i32
        %sign3A_1661 = arith.constant 0 : i32
        %sign3A_1662 = arith.cmpi slt, %squeeze3A_1655, %sign3A_1661 : i32
        %sign3A_1663 = arith.extui %sign3A_1662 : i1 to i32
        %sign3A_1664 = arith.subi %sign3A_1660, %sign3A_1663 : i32
        %sign3A_1665 = arith.constant 0 : i32
        %sign3A_1666 = arith.cmpi sgt, %jit3A_1656, %sign3A_1665 : i32
        %sign3A_1667 = arith.extui %sign3A_1666 : i1 to i32
        %sign3A_1668 = arith.constant 0 : i32
        %sign3A_1669 = arith.cmpi slt, %jit3A_1656, %sign3A_1668 : i32
        %sign3A_1670 = arith.extui %sign3A_1669 : i1 to i32
        %sign3A_1671 = arith.subi %sign3A_1667, %sign3A_1670 : i32
        %ne3A_1672 = arith.cmpi ne, %sign3A_1664, %sign3A_1671 : i32
        %rem3A_1673 = arith.remsi %squeeze3A_1655, %jit3A_1656 : i32
        %ne3A_1674 = arith.constant 0 : i32
        %ne3A_1675 = arith.cmpi ne, %rem3A_1673, %ne3A_1674 : i32
        %and3A_1676 = arith.andi %ne3A_1672, %ne3A_1675 : i1
        %sub3A_1677 = arith.constant 1 : i32
        %sub3A_1678 = arith.subi %div3A_1657, %sub3A_1677 : i32
        %select_n3A_1679 = arith.select %and3A_1676, %sub3A_1678, %div3A_1657 : i32
        %jit3A_1680 = arith.constant 4 : i32
        %eq3A_1681 = arith.constant 0 : i32
        %eq3A_1682 = arith.cmpi eq, %jit3A_1680, %eq3A_1681 : i32
        %jit3A_1683 = arith.constant 1 : i32
        %select_n3A_1684 = arith.select %eq3A_1682, %jit3A_1683, %jit3A_1680 : i32
        %rem3A_1685 = arith.remsi %select_n3A_1679, %select_n3A_1684 : i32
        %ne3A_1686 = arith.constant 0 : i32
        %ne3A_1687 = arith.cmpi ne, %rem3A_1685, %ne3A_1686 : i32
        %lt3A_1688 = arith.constant 0 : i32
        %lt3A_1689 = arith.cmpi slt, %rem3A_1685, %lt3A_1688 : i32
        %lt3A_1690 = arith.constant 0 : i32
        %lt3A_1691 = arith.cmpi slt, %select_n3A_1684, %lt3A_1690 : i32
        %ne3A_1692 = arith.xori %lt3A_1689, %lt3A_1691 : i1
        %and3A_1693 = arith.andi %ne3A_1692, %ne3A_1687 : i1
        %add3A_1694 = arith.addi %rem3A_1685, %select_n3A_1684 : i32
        %select_n3A_1695 = arith.select %and3A_1693, %add3A_1694, %rem3A_1685 : i32
        %mul3A_1696 = arith.constant 8 : i32
        %mul3A_1697 = arith.muli %mul3A_1696, %select_n3A_1695 : i32
        %sub3A_1698 = arith.constant 24 : i32
        %sub3A_1699 = arith.subi %sub3A_1698, %mul3A_1697 : i32
        %jit3A_1700 = arith.constant 2 : i32
        %eq3A_1701 = arith.constant 0 : i32
        %eq3A_1702 = arith.cmpi eq, %jit3A_1700, %eq3A_1701 : i32
        %jit3A_1703 = arith.constant 1 : i32
        %select_n3A_1704 = arith.select %eq3A_1702, %jit3A_1703, %jit3A_1700 : i32
        %rem3A_1705 = arith.remsi %squeeze3A_1655, %select_n3A_1704 : i32
        %ne3A_1706 = arith.constant 0 : i32
        %ne3A_1707 = arith.cmpi ne, %rem3A_1705, %ne3A_1706 : i32
        %lt3A_1708 = arith.constant 0 : i32
        %lt3A_1709 = arith.cmpi slt, %rem3A_1705, %lt3A_1708 : i32
        %lt3A_1710 = arith.constant 0 : i32
        %lt3A_1711 = arith.cmpi slt, %select_n3A_1704, %lt3A_1710 : i32
        %ne3A_1712 = arith.xori %lt3A_1709, %lt3A_1711 : i1
        %and3A_1713 = arith.andi %ne3A_1712, %ne3A_1707 : i1
        %add3A_1714 = arith.addi %rem3A_1705, %select_n3A_1704 : i32
        %select_n3A_1715 = arith.select %and3A_1713, %add3A_1714, %rem3A_1705 : i32
        %mul3A_1716 = arith.constant 64 : i32
        %mul3A_1717 = arith.muli %select_n3A_1715, %mul3A_1716 : i32
        %broadcast_in_dim3A_1718 = vector.broadcast %add3A_1651 : i32 to vector<16xi32>
        %add3A_1719 = vector.broadcast %mul3A_1717 : i32 to vector<16xi32>
        %add3A_1720 = arith.addi %add3A_1719, %mul3A_5 : vector<16xi32>
        %add3A_1721 = arith.constant 0 : i32
        %add3A_1722 = vector.broadcast %add3A_1721 : i32 to vector<16xi32>
        %add3A_1723 = arith.addi %add3A_1720, %add3A_1722 : vector<16xi32>
        %gather3A_1724 = tpu.vector_load_idx %arg9[%broadcast_in_dim3A_1718, %add3A_1723] : memref<512x128xi32, #tpu.memory_space<vmem>>[vector<16xi32>, vector<16xi32>], vector<16xi32>,
        %add3A_1725 = vector.broadcast %mul3A_1717 : i32 to vector<16xi32>
        %add3A_1726 = arith.addi %add3A_1725, %mul3A_5 : vector<16xi32>
        %add3A_1727 = arith.constant 1 : i32
        %add3A_1728 = vector.broadcast %add3A_1727 : i32 to vector<16xi32>
        %add3A_1729 = arith.addi %add3A_1726, %add3A_1728 : vector<16xi32>
        %gather3A_1730 = tpu.vector_load_idx %arg9[%broadcast_in_dim3A_1718, %add3A_1729] : memref<512x128xi32, #tpu.memory_space<vmem>>[vector<16xi32>, vector<16xi32>], vector<16xi32>,
        %shift_left3A_1731 = vector.broadcast %sub3A_1699 : i32 to vector<16xi32>
        %shift_left3A_1732 = arith.shli %gather3A_1724, %shift_left3A_1731 : vector<16xi32>
        %shift_right_arithmetic3A_1733 = arith.constant 24 : i32
        %shift_right_arithmetic3A_1734 = vector.broadcast %shift_right_arithmetic3A_1733 : i32 to vector<16xi32>
        %shift_right_arithmetic3A_1735 = arith.shrsi %shift_left3A_1732, %shift_right_arithmetic3A_1734 : vector<16xi32>
        %shift_left3A_1736 = vector.broadcast %sub3A_1699 : i32 to vector<16xi32>
        %shift_left3A_1737 = arith.shli %gather3A_1730, %shift_left3A_1736 : vector<16xi32>
        %shift_right_arithmetic3A_1738 = arith.constant 24 : i32
        %shift_right_arithmetic3A_1739 = vector.broadcast %shift_right_arithmetic3A_1738 : i32 to vector<16xi32>
        %shift_right_arithmetic3A_1740 = arith.shrsi %shift_left3A_1737, %shift_right_arithmetic3A_1739 : vector<16xi32>
        %convert_element_type3A_1741 = arith.sitofp %shift_right_arithmetic3A_1735 : vector<16xi32> to vector<16xf32>
        %mul3A_1742 = vector.broadcast %squeeze3A_1653 : f32 to vector<16xf32>
        %mul3A_1743 = arith.mulf %convert_element_type3A_1741, %mul3A_1742 : vector<16xf32>
        %bitcast_convert_type3A_1744 = tpu.bitcast %mul3A_1743 : vector<16xf32> -> vector<16xi32>
        %and3A_1745 = arith.constant 2147483647 : i32
        %and3A_1746 = vector.broadcast %and3A_1745 : i32 to vector<16xi32>
        %and3A_1747 = arith.andi %bitcast_convert_type3A_1744, %and3A_1746 : vector<16xi32>
        %add3A_1748 = arith.constant 4095 : i32
        %add3A_1749 = vector.broadcast %add3A_1748 : i32 to vector<16xi32>
        %add3A_1750 = arith.addi %and3A_1747, %add3A_1749 : vector<16xi32>
        %shift_right_logical3A_1751 = arith.constant 13 : i32
        %shift_right_logical3A_1752 = vector.broadcast %shift_right_logical3A_1751 : i32 to vector<16xi32>
        %shift_right_logical3A_1753 = arith.shrui %add3A_1750, %shift_right_logical3A_1752 : vector<16xi32>
        %shift_right_logical3A_1754 = arith.constant 16 : i32
        %shift_right_logical3A_1755 = vector.broadcast %shift_right_logical3A_1754 : i32 to vector<16xi32>
        %shift_right_logical3A_1756 = arith.shrui %bitcast_convert_type3A_1744, %shift_right_logical3A_1755 : vector<16xi32>
        %and3A_1757 = arith.constant 32768 : i32
        %and3A_1758 = vector.broadcast %and3A_1757 : i32 to vector<16xi32>
        %and3A_1759 = arith.andi %shift_right_logical3A_1756, %and3A_1758 : vector<16xi32>
        %or3A_1760 = arith.ori %shift_right_logical3A_1753, %and3A_1759 : vector<16xi32>
        %convert_element_type3A_1761 = arith.sitofp %shift_right_arithmetic3A_1740 : vector<16xi32> to vector<16xf32>
        %mul3A_1762 = vector.broadcast %squeeze3A_1653 : f32 to vector<16xf32>
        %mul3A_1763 = arith.mulf %convert_element_type3A_1761, %mul3A_1762 : vector<16xf32>
        %bitcast_convert_type3A_1764 = tpu.bitcast %mul3A_1763 : vector<16xf32> -> vector<16xi32>
        %and3A_1765 = arith.constant 2147483647 : i32
        %and3A_1766 = vector.broadcast %and3A_1765 : i32 to vector<16xi32>
        %and3A_1767 = arith.andi %bitcast_convert_type3A_1764, %and3A_1766 : vector<16xi32>
        %add3A_1768 = arith.constant 4095 : i32
        %add3A_1769 = vector.broadcast %add3A_1768 : i32 to vector<16xi32>
        %add3A_1770 = arith.addi %and3A_1767, %add3A_1769 : vector<16xi32>
        %shift_right_logical3A_1771 = arith.constant 13 : i32
        %shift_right_logical3A_1772 = vector.broadcast %shift_right_logical3A_1771 : i32 to vector<16xi32>
        %shift_right_logical3A_1773 = arith.shrui %add3A_1770, %shift_right_logical3A_1772 : vector<16xi32>
        %shift_right_logical3A_1774 = arith.constant 16 : i32
        %shift_right_logical3A_1775 = vector.broadcast %shift_right_logical3A_1774 : i32 to vector<16xi32>
        %shift_right_logical3A_1776 = arith.shrui %bitcast_convert_type3A_1764, %shift_right_logical3A_1775 : vector<16xi32>
        %and3A_1777 = arith.constant 32768 : i32
        %and3A_1778 = vector.broadcast %and3A_1777 : i32 to vector<16xi32>
        %and3A_1779 = arith.andi %shift_right_logical3A_1776, %and3A_1778 : vector<16xi32>
        %or3A_1780 = arith.ori %shift_right_logical3A_1773, %and3A_1779 : vector<16xi32>
        %shift_left3A_1781 = arith.constant 16 : i32
        %shift_left3A_1782 = vector.broadcast %shift_left3A_1781 : i32 to vector<16xi32>
        %shift_left3A_1783 = arith.shli %or3A_1780, %shift_left3A_1782 : vector<16xi32>
        %or3A_1784 = arith.ori %or3A_1760, %shift_left3A_1783 : vector<16xi32>
        %mul3A_1785 = arith.constant 2 : i32
        %mul3A_1786 = arith.muli %add3A_1651, %mul3A_1785 : i32
        %mul3A_1787 = arith.constant 16 : i32
        %mul3A_1788 = arith.muli %mul3A_1786, %mul3A_1787 : i32
        %add3A_1789 = arith.constant 0 : i32
        %add3A_1790 = arith.addi %mul3A_1788, %add3A_1789 : i32
        %swap3A_1791 = arith.index_cast %add3A_1790 : i32 to index
        %swap3A_1792 = tpu.vector_load %arg10[%swap3A_1791] {strides = array<i32>} : memref<16384xi32, #tpu.memory_space<vmem>>, vector<16xi32>,
        tpu.vector_store %arg10[%swap3A_1791], %or3A_1784 {strides = array<i32>} : memref<16384xi32, #tpu.memory_space<vmem>>, vector<16xi32>,
        %add3A_1793 = vector.broadcast %mul3A_1717 : i32 to vector<16xi32>
        %add3A_1794 = arith.addi %add3A_1793, %mul3A_5 : vector<16xi32>
        %add3A_1795 = arith.constant 32 : i32
        %add3A_1796 = vector.broadcast %add3A_1795 : i32 to vector<16xi32>
        %add3A_1797 = arith.addi %add3A_1794, %add3A_1796 : vector<16xi32>
        %gather3A_1798 = tpu.vector_load_idx %arg9[%broadcast_in_dim3A_1718, %add3A_1797] : memref<512x128xi32, #tpu.memory_space<vmem>>[vector<16xi32>, vector<16xi32>], vector<16xi32>,
        %add3A_1799 = vector.broadcast %mul3A_1717 : i32 to vector<16xi32>
        %add3A_1800 = arith.addi %add3A_1799, %mul3A_5 : vector<16xi32>
        %add3A_1801 = arith.constant 33 : i32
        %add3A_1802 = vector.broadcast %add3A_1801 : i32 to vector<16xi32>
        %add3A_1803 = arith.addi %add3A_1800, %add3A_1802 : vector<16xi32>
        %gather3A_1804 = tpu.vector_load_idx %arg9[%broadcast_in_dim3A_1718, %add3A_1803] : memref<512x128xi32, #tpu.memory_space<vmem>>[vector<16xi32>, vector<16xi32>], vector<16xi32>,
        %shift_left3A_1805 = vector.broadcast %sub3A_1699 : i32 to vector<16xi32>
        %shift_left3A_1806 = arith.shli %gather3A_1798, %shift_left3A_1805 : vector<16xi32>
        %shift_right_arithmetic3A_1807 = arith.constant 24 : i32
        %shift_right_arithmetic3A_1808 = vector.broadcast %shift_right_arithmetic3A_1807 : i32 to vector<16xi32>
        %shift_right_arithmetic3A_1809 = arith.shrsi %shift_left3A_1806, %shift_right_arithmetic3A_1808 : vector<16xi32>
        %shift_left3A_1810 = vector.broadcast %sub3A_1699 : i32 to vector<16xi32>
        %shift_left3A_1811 = arith.shli %gather3A_1804, %shift_left3A_1810 : vector<16xi32>
        %shift_right_arithmetic3A_1812 = arith.constant 24 : i32
        %shift_right_arithmetic3A_1813 = vector.broadcast %shift_right_arithmetic3A_1812 : i32 to vector<16xi32>
        %shift_right_arithmetic3A_1814 = arith.shrsi %shift_left3A_1811, %shift_right_arithmetic3A_1813 : vector<16xi32>
        %convert_element_type3A_1815 = arith.sitofp %shift_right_arithmetic3A_1809 : vector<16xi32> to vector<16xf32>
        %mul3A_1816 = vector.broadcast %squeeze3A_1653 : f32 to vector<16xf32>
        %mul3A_1817 = arith.mulf %convert_element_type3A_1815, %mul3A_1816 : vector<16xf32>
        %bitcast_convert_type3A_1818 = tpu.bitcast %mul3A_1817 : vector<16xf32> -> vector<16xi32>
        %and3A_1819 = arith.constant 2147483647 : i32
        %and3A_1820 = vector.broadcast %and3A_1819 : i32 to vector<16xi32>
        %and3A_1821 = arith.andi %bitcast_convert_type3A_1818, %and3A_1820 : vector<16xi32>
        %add3A_1822 = arith.constant 4095 : i32
        %add3A_1823 = vector.broadcast %add3A_1822 : i32 to vector<16xi32>
        %add3A_1824 = arith.addi %and3A_1821, %add3A_1823 : vector<16xi32>
        %shift_right_logical3A_1825 = arith.constant 13 : i32
        %shift_right_logical3A_1826 = vector.broadcast %shift_right_logical3A_1825 : i32 to vector<16xi32>
        %shift_right_logical3A_1827 = arith.shrui %add3A_1824, %shift_right_logical3A_1826 : vector<16xi32>
        %shift_right_logical3A_1828 = arith.constant 16 : i32
        %shift_right_logical3A_1829 = vector.broadcast %shift_right_logical3A_1828 : i32 to vector<16xi32>
        %shift_right_logical3A_1830 = arith.shrui %bitcast_convert_type3A_1818, %shift_right_logical3A_1829 : vector<16xi32>
        %and3A_1831 = arith.constant 32768 : i32
        %and3A_1832 = vector.broadcast %and3A_1831 : i32 to vector<16xi32>
        %and3A_1833 = arith.andi %shift_right_logical3A_1830, %and3A_1832 : vector<16xi32>
        %or3A_1834 = arith.ori %shift_right_logical3A_1827, %and3A_1833 : vector<16xi32>
        %convert_element_type3A_1835 = arith.sitofp %shift_right_arithmetic3A_1814 : vector<16xi32> to vector<16xf32>
        %mul3A_1836 = vector.broadcast %squeeze3A_1653 : f32 to vector<16xf32>
        %mul3A_1837 = arith.mulf %convert_element_type3A_1835, %mul3A_1836 : vector<16xf32>
        %bitcast_convert_type3A_1838 = tpu.bitcast %mul3A_1837 : vector<16xf32> -> vector<16xi32>
        %and3A_1839 = arith.constant 2147483647 : i32
        %and3A_1840 = vector.broadcast %and3A_1839 : i32 to vector<16xi32>
        %and3A_1841 = arith.andi %bitcast_convert_type3A_1838, %and3A_1840 : vector<16xi32>
        %add3A_1842 = arith.constant 4095 : i32
        %add3A_1843 = vector.broadcast %add3A_1842 : i32 to vector<16xi32>
        %add3A_1844 = arith.addi %and3A_1841, %add3A_1843 : vector<16xi32>
        %shift_right_logical3A_1845 = arith.constant 13 : i32
        %shift_right_logical3A_1846 = vector.broadcast %shift_right_logical3A_1845 : i32 to vector<16xi32>
        %shift_right_logical3A_1847 = arith.shrui %add3A_1844, %shift_right_logical3A_1846 : vector<16xi32>
        %shift_right_logical3A_1848 = arith.constant 16 : i32
        %shift_right_logical3A_1849 = vector.broadcast %shift_right_logical3A_1848 : i32 to vector<16xi32>
        %shift_right_logical3A_1850 = arith.shrui %bitcast_convert_type3A_1838, %shift_right_logical3A_1849 : vector<16xi32>
        %and3A_1851 = arith.constant 32768 : i32
        %and3A_1852 = vector.broadcast %and3A_1851 : i32 to vector<16xi32>
        %and3A_1853 = arith.andi %shift_right_logical3A_1850, %and3A_1852 : vector<16xi32>
        %or3A_1854 = arith.ori %shift_right_logical3A_1847, %and3A_1853 : vector<16xi32>
        %shift_left3A_1855 = arith.constant 16 : i32
        %shift_left3A_1856 = vector.broadcast %shift_left3A_1855 : i32 to vector<16xi32>
        %shift_left3A_1857 = arith.shli %or3A_1854, %shift_left3A_1856 : vector<16xi32>
        %or3A_1858 = arith.ori %or3A_1834, %shift_left3A_1857 : vector<16xi32>
        %mul3A_1859 = arith.constant 2 : i32
        %mul3A_1860 = arith.muli %add3A_1651, %mul3A_1859 : i32
        %mul3A_1861 = arith.constant 16 : i32
        %mul3A_1862 = arith.muli %mul3A_1860, %mul3A_1861 : i32
        %add3A_1863 = arith.constant 16 : i32
        %add3A_1864 = arith.addi %mul3A_1862, %add3A_1863 : i32
        %swap3A_1865 = arith.index_cast %add3A_1864 : i32 to index
        %swap3A_1866 = tpu.vector_load %arg10[%swap3A_1865] {strides = array<i32>} : memref<16384xi32, #tpu.memory_space<vmem>>, vector<16xi32>,
        tpu.vector_store %arg10[%swap3A_1865], %or3A_1858 {strides = array<i32>} : memref<16384xi32, #tpu.memory_space<vmem>>, vector<16xi32>,
        %add3A_1867 = arith.constant 8 : i32
        %add3A_1868 = arith.addi %add3A_131, %add3A_1867 : i32
        %slice3A_1869 = vector.extract_strided_slice %mul3A_142 {offsets = [8], sizes = [1], strides = [1]} : vector<16xf32> to vector<1xf32>
        %squeeze3A_1870 = vector.extract %slice3A_1869[0] : f32 from vector<1xf32>
        %slice3A_1871 = vector.extract_strided_slice %get3A_132 {offsets = [8], sizes = [1], strides = [1]} : vector<16xi32> to vector<1xi32>
        %squeeze3A_1872 = vector.extract %slice3A_1871[0] : i32 from vector<1xi32>
        %jit3A_1873 = arith.constant 2 : i32
        %div3A_1874 = arith.divsi %squeeze3A_1872, %jit3A_1873 : i32
        %sign3A_1875 = arith.constant 0 : i32
        %sign3A_1876 = arith.cmpi sgt, %squeeze3A_1872, %sign3A_1875 : i32
        %sign3A_1877 = arith.extui %sign3A_1876 : i1 to i32
        %sign3A_1878 = arith.constant 0 : i32
        %sign3A_1879 = arith.cmpi slt, %squeeze3A_1872, %sign3A_1878 : i32
        %sign3A_1880 = arith.extui %sign3A_1879 : i1 to i32
        %sign3A_1881 = arith.subi %sign3A_1877, %sign3A_1880 : i32
        %sign3A_1882 = arith.constant 0 : i32
        %sign3A_1883 = arith.cmpi sgt, %jit3A_1873, %sign3A_1882 : i32
        %sign3A_1884 = arith.extui %sign3A_1883 : i1 to i32
        %sign3A_1885 = arith.constant 0 : i32
        %sign3A_1886 = arith.cmpi slt, %jit3A_1873, %sign3A_1885 : i32
        %sign3A_1887 = arith.extui %sign3A_1886 : i1 to i32
        %sign3A_1888 = arith.subi %sign3A_1884, %sign3A_1887 : i32
        %ne3A_1889 = arith.cmpi ne, %sign3A_1881, %sign3A_1888 : i32
        %rem3A_1890 = arith.remsi %squeeze3A_1872, %jit3A_1873 : i32
        %ne3A_1891 = arith.constant 0 : i32
        %ne3A_1892 = arith.cmpi ne, %rem3A_1890, %ne3A_1891 : i32
        %and3A_1893 = arith.andi %ne3A_1889, %ne3A_1892 : i1
        %sub3A_1894 = arith.constant 1 : i32
        %sub3A_1895 = arith.subi %div3A_1874, %sub3A_1894 : i32
        %select_n3A_1896 = arith.select %and3A_1893, %sub3A_1895, %div3A_1874 : i32
        %jit3A_1897 = arith.constant 4 : i32
        %eq3A_1898 = arith.constant 0 : i32
        %eq3A_1899 = arith.cmpi eq, %jit3A_1897, %eq3A_1898 : i32
        %jit3A_1900 = arith.constant 1 : i32
        %select_n3A_1901 = arith.select %eq3A_1899, %jit3A_1900, %jit3A_1897 : i32
        %rem3A_1902 = arith.remsi %select_n3A_1896, %select_n3A_1901 : i32
        %ne3A_1903 = arith.constant 0 : i32
        %ne3A_1904 = arith.cmpi ne, %rem3A_1902, %ne3A_1903 : i32
        %lt3A_1905 = arith.constant 0 : i32
        %lt3A_1906 = arith.cmpi slt, %rem3A_1902, %lt3A_1905 : i32
        %lt3A_1907 = arith.constant 0 : i32
        %lt3A_1908 = arith.cmpi slt, %select_n3A_1901, %lt3A_1907 : i32
        %ne3A_1909 = arith.xori %lt3A_1906, %lt3A_1908 : i1
        %and3A_1910 = arith.andi %ne3A_1909, %ne3A_1904 : i1
        %add3A_1911 = arith.addi %rem3A_1902, %select_n3A_1901 : i32
        %select_n3A_1912 = arith.select %and3A_1910, %add3A_1911, %rem3A_1902 : i32
        %mul3A_1913 = arith.constant 8 : i32
        %mul3A_1914 = arith.muli %mul3A_1913, %select_n3A_1912 : i32
        %sub3A_1915 = arith.constant 24 : i32
        %sub3A_1916 = arith.subi %sub3A_1915, %mul3A_1914 : i32
        %jit3A_1917 = arith.constant 2 : i32
        %eq3A_1918 = arith.constant 0 : i32
        %eq3A_1919 = arith.cmpi eq, %jit3A_1917, %eq3A_1918 : i32
        %jit3A_1920 = arith.constant 1 : i32
        %select_n3A_1921 = arith.select %eq3A_1919, %jit3A_1920, %jit3A_1917 : i32
        %rem3A_1922 = arith.remsi %squeeze3A_1872, %select_n3A_1921 : i32
        %ne3A_1923 = arith.constant 0 : i32
        %ne3A_1924 = arith.cmpi ne, %rem3A_1922, %ne3A_1923 : i32
        %lt3A_1925 = arith.constant 0 : i32
        %lt3A_1926 = arith.cmpi slt, %rem3A_1922, %lt3A_1925 : i32
        %lt3A_1927 = arith.constant 0 : i32
        %lt3A_1928 = arith.cmpi slt, %select_n3A_1921, %lt3A_1927 : i32
        %ne3A_1929 = arith.xori %lt3A_1926, %lt3A_1928 : i1
        %and3A_1930 = arith.andi %ne3A_1929, %ne3A_1924 : i1
        %add3A_1931 = arith.addi %rem3A_1922, %select_n3A_1921 : i32
        %select_n3A_1932 = arith.select %and3A_1930, %add3A_1931, %rem3A_1922 : i32
        %mul3A_1933 = arith.constant 64 : i32
        %mul3A_1934 = arith.muli %select_n3A_1932, %mul3A_1933 : i32
        %broadcast_in_dim3A_1935 = vector.broadcast %add3A_1868 : i32 to vector<16xi32>
        %add3A_1936 = vector.broadcast %mul3A_1934 : i32 to vector<16xi32>
        %add3A_1937 = arith.addi %add3A_1936, %mul3A_5 : vector<16xi32>
        %add3A_1938 = arith.constant 0 : i32
        %add3A_1939 = vector.broadcast %add3A_1938 : i32 to vector<16xi32>
        %add3A_1940 = arith.addi %add3A_1937, %add3A_1939 : vector<16xi32>
        %gather3A_1941 = tpu.vector_load_idx %arg9[%broadcast_in_dim3A_1935, %add3A_1940] : memref<512x128xi32, #tpu.memory_space<vmem>>[vector<16xi32>, vector<16xi32>], vector<16xi32>,
        %add3A_1942 = vector.broadcast %mul3A_1934 : i32 to vector<16xi32>
        %add3A_1943 = arith.addi %add3A_1942, %mul3A_5 : vector<16xi32>
        %add3A_1944 = arith.constant 1 : i32
        %add3A_1945 = vector.broadcast %add3A_1944 : i32 to vector<16xi32>
        %add3A_1946 = arith.addi %add3A_1943, %add3A_1945 : vector<16xi32>
        %gather3A_1947 = tpu.vector_load_idx %arg9[%broadcast_in_dim3A_1935, %add3A_1946] : memref<512x128xi32, #tpu.memory_space<vmem>>[vector<16xi32>, vector<16xi32>], vector<16xi32>,
        %shift_left3A_1948 = vector.broadcast %sub3A_1916 : i32 to vector<16xi32>
        %shift_left3A_1949 = arith.shli %gather3A_1941, %shift_left3A_1948 : vector<16xi32>
        %shift_right_arithmetic3A_1950 = arith.constant 24 : i32
        %shift_right_arithmetic3A_1951 = vector.broadcast %shift_right_arithmetic3A_1950 : i32 to vector<16xi32>
        %shift_right_arithmetic3A_1952 = arith.shrsi %shift_left3A_1949, %shift_right_arithmetic3A_1951 : vector<16xi32>
        %shift_left3A_1953 = vector.broadcast %sub3A_1916 : i32 to vector<16xi32>
        %shift_left3A_1954 = arith.shli %gather3A_1947, %shift_left3A_1953 : vector<16xi32>
        %shift_right_arithmetic3A_1955 = arith.constant 24 : i32
        %shift_right_arithmetic3A_1956 = vector.broadcast %shift_right_arithmetic3A_1955 : i32 to vector<16xi32>
        %shift_right_arithmetic3A_1957 = arith.shrsi %shift_left3A_1954, %shift_right_arithmetic3A_1956 : vector<16xi32>
        %convert_element_type3A_1958 = arith.sitofp %shift_right_arithmetic3A_1952 : vector<16xi32> to vector<16xf32>
        %mul3A_1959 = vector.broadcast %squeeze3A_1870 : f32 to vector<16xf32>
        %mul3A_1960 = arith.mulf %convert_element_type3A_1958, %mul3A_1959 : vector<16xf32>
        %bitcast_convert_type3A_1961 = tpu.bitcast %mul3A_1960 : vector<16xf32> -> vector<16xi32>
        %and3A_1962 = arith.constant 2147483647 : i32
        %and3A_1963 = vector.broadcast %and3A_1962 : i32 to vector<16xi32>
        %and3A_1964 = arith.andi %bitcast_convert_type3A_1961, %and3A_1963 : vector<16xi32>
        %add3A_1965 = arith.constant 4095 : i32
        %add3A_1966 = vector.broadcast %add3A_1965 : i32 to vector<16xi32>
        %add3A_1967 = arith.addi %and3A_1964, %add3A_1966 : vector<16xi32>
        %shift_right_logical3A_1968 = arith.constant 13 : i32
        %shift_right_logical3A_1969 = vector.broadcast %shift_right_logical3A_1968 : i32 to vector<16xi32>
        %shift_right_logical3A_1970 = arith.shrui %add3A_1967, %shift_right_logical3A_1969 : vector<16xi32>
        %shift_right_logical3A_1971 = arith.constant 16 : i32
        %shift_right_logical3A_1972 = vector.broadcast %shift_right_logical3A_1971 : i32 to vector<16xi32>
        %shift_right_logical3A_1973 = arith.shrui %bitcast_convert_type3A_1961, %shift_right_logical3A_1972 : vector<16xi32>
        %and3A_1974 = arith.constant 32768 : i32
        %and3A_1975 = vector.broadcast %and3A_1974 : i32 to vector<16xi32>
        %and3A_1976 = arith.andi %shift_right_logical3A_1973, %and3A_1975 : vector<16xi32>
        %or3A_1977 = arith.ori %shift_right_logical3A_1970, %and3A_1976 : vector<16xi32>
        %convert_element_type3A_1978 = arith.sitofp %shift_right_arithmetic3A_1957 : vector<16xi32> to vector<16xf32>
        %mul3A_1979 = vector.broadcast %squeeze3A_1870 : f32 to vector<16xf32>
        %mul3A_1980 = arith.mulf %convert_element_type3A_1978, %mul3A_1979 : vector<16xf32>
        %bitcast_convert_type3A_1981 = tpu.bitcast %mul3A_1980 : vector<16xf32> -> vector<16xi32>
        %and3A_1982 = arith.constant 2147483647 : i32
        %and3A_1983 = vector.broadcast %and3A_1982 : i32 to vector<16xi32>
        %and3A_1984 = arith.andi %bitcast_convert_type3A_1981, %and3A_1983 : vector<16xi32>
        %add3A_1985 = arith.constant 4095 : i32
        %add3A_1986 = vector.broadcast %add3A_1985 : i32 to vector<16xi32>
        %add3A_1987 = arith.addi %and3A_1984, %add3A_1986 : vector<16xi32>
        %shift_right_logical3A_1988 = arith.constant 13 : i32
        %shift_right_logical3A_1989 = vector.broadcast %shift_right_logical3A_1988 : i32 to vector<16xi32>
        %shift_right_logical3A_1990 = arith.shrui %add3A_1987, %shift_right_logical3A_1989 : vector<16xi32>
        %shift_right_logical3A_1991 = arith.constant 16 : i32
        %shift_right_logical3A_1992 = vector.broadcast %shift_right_logical3A_1991 : i32 to vector<16xi32>
        %shift_right_logical3A_1993 = arith.shrui %bitcast_convert_type3A_1981, %shift_right_logical3A_1992 : vector<16xi32>
        %and3A_1994 = arith.constant 32768 : i32
        %and3A_1995 = vector.broadcast %and3A_1994 : i32 to vector<16xi32>
        %and3A_1996 = arith.andi %shift_right_logical3A_1993, %and3A_1995 : vector<16xi32>
        %or3A_1997 = arith.ori %shift_right_logical3A_1990, %and3A_1996 : vector<16xi32>
        %shift_left3A_1998 = arith.constant 16 : i32
        %shift_left3A_1999 = vector.broadcast %shift_left3A_1998 : i32 to vector<16xi32>
        %shift_left3A_2000 = arith.shli %or3A_1997, %shift_left3A_1999 : vector<16xi32>
        %or3A_2001 = arith.ori %or3A_1977, %shift_left3A_2000 : vector<16xi32>
        %mul3A_2002 = arith.constant 2 : i32
        %mul3A_2003 = arith.muli %add3A_1868, %mul3A_2002 : i32
        %mul3A_2004 = arith.constant 16 : i32
        %mul3A_2005 = arith.muli %mul3A_2003, %mul3A_2004 : i32
        %add3A_2006 = arith.constant 0 : i32
        %add3A_2007 = arith.addi %mul3A_2005, %add3A_2006 : i32
        %swap3A_2008 = arith.index_cast %add3A_2007 : i32 to index
        %swap3A_2009 = tpu.vector_load %arg10[%swap3A_2008] {strides = array<i32>} : memref<16384xi32, #tpu.memory_space<vmem>>, vector<16xi32>,
        tpu.vector_store %arg10[%swap3A_2008], %or3A_2001 {strides = array<i32>} : memref<16384xi32, #tpu.memory_space<vmem>>, vector<16xi32>,
        %add3A_2010 = vector.broadcast %mul3A_1934 : i32 to vector<16xi32>
        %add3A_2011 = arith.addi %add3A_2010, %mul3A_5 : vector<16xi32>
        %add3A_2012 = arith.constant 32 : i32
        %add3A_2013 = vector.broadcast %add3A_2012 : i32 to vector<16xi32>
        %add3A_2014 = arith.addi %add3A_2011, %add3A_2013 : vector<16xi32>
        %gather3A_2015 = tpu.vector_load_idx %arg9[%broadcast_in_dim3A_1935, %add3A_2014] : memref<512x128xi32, #tpu.memory_space<vmem>>[vector<16xi32>, vector<16xi32>], vector<16xi32>,
        %add3A_2016 = vector.broadcast %mul3A_1934 : i32 to vector<16xi32>
        %add3A_2017 = arith.addi %add3A_2016, %mul3A_5 : vector<16xi32>
        %add3A_2018 = arith.constant 33 : i32
        %add3A_2019 = vector.broadcast %add3A_2018 : i32 to vector<16xi32>
        %add3A_2020 = arith.addi %add3A_2017, %add3A_2019 : vector<16xi32>
        %gather3A_2021 = tpu.vector_load_idx %arg9[%broadcast_in_dim3A_1935, %add3A_2020] : memref<512x128xi32, #tpu.memory_space<vmem>>[vector<16xi32>, vector<16xi32>], vector<16xi32>,
        %shift_left3A_2022 = vector.broadcast %sub3A_1916 : i32 to vector<16xi32>
        %shift_left3A_2023 = arith.shli %gather3A_2015, %shift_left3A_2022 : vector<16xi32>
        %shift_right_arithmetic3A_2024 = arith.constant 24 : i32
        %shift_right_arithmetic3A_2025 = vector.broadcast %shift_right_arithmetic3A_2024 : i32 to vector<16xi32>
        %shift_right_arithmetic3A_2026 = arith.shrsi %shift_left3A_2023, %shift_right_arithmetic3A_2025 : vector<16xi32>
        %shift_left3A_2027 = vector.broadcast %sub3A_1916 : i32 to vector<16xi32>
        %shift_left3A_2028 = arith.shli %gather3A_2021, %shift_left3A_2027 : vector<16xi32>
        %shift_right_arithmetic3A_2029 = arith.constant 24 : i32
        %shift_right_arithmetic3A_2030 = vector.broadcast %shift_right_arithmetic3A_2029 : i32 to vector<16xi32>
        %shift_right_arithmetic3A_2031 = arith.shrsi %shift_left3A_2028, %shift_right_arithmetic3A_2030 : vector<16xi32>
        %convert_element_type3A_2032 = arith.sitofp %shift_right_arithmetic3A_2026 : vector<16xi32> to vector<16xf32>
        %mul3A_2033 = vector.broadcast %squeeze3A_1870 : f32 to vector<16xf32>
        %mul3A_2034 = arith.mulf %convert_element_type3A_2032, %mul3A_2033 : vector<16xf32>
        %bitcast_convert_type3A_2035 = tpu.bitcast %mul3A_2034 : vector<16xf32> -> vector<16xi32>
        %and3A_2036 = arith.constant 2147483647 : i32
        %and3A_2037 = vector.broadcast %and3A_2036 : i32 to vector<16xi32>
        %and3A_2038 = arith.andi %bitcast_convert_type3A_2035, %and3A_2037 : vector<16xi32>
        %add3A_2039 = arith.constant 4095 : i32
        %add3A_2040 = vector.broadcast %add3A_2039 : i32 to vector<16xi32>
        %add3A_2041 = arith.addi %and3A_2038, %add3A_2040 : vector<16xi32>
        %shift_right_logical3A_2042 = arith.constant 13 : i32
        %shift_right_logical3A_2043 = vector.broadcast %shift_right_logical3A_2042 : i32 to vector<16xi32>
        %shift_right_logical3A_2044 = arith.shrui %add3A_2041, %shift_right_logical3A_2043 : vector<16xi32>
        %shift_right_logical3A_2045 = arith.constant 16 : i32
        %shift_right_logical3A_2046 = vector.broadcast %shift_right_logical3A_2045 : i32 to vector<16xi32>
        %shift_right_logical3A_2047 = arith.shrui %bitcast_convert_type3A_2035, %shift_right_logical3A_2046 : vector<16xi32>
        %and3A_2048 = arith.constant 32768 : i32
        %and3A_2049 = vector.broadcast %and3A_2048 : i32 to vector<16xi32>
        %and3A_2050 = arith.andi %shift_right_logical3A_2047, %and3A_2049 : vector<16xi32>
        %or3A_2051 = arith.ori %shift_right_logical3A_2044, %and3A_2050 : vector<16xi32>
        %convert_element_type3A_2052 = arith.sitofp %shift_right_arithmetic3A_2031 : vector<16xi32> to vector<16xf32>
        %mul3A_2053 = vector.broadcast %squeeze3A_1870 : f32 to vector<16xf32>
        %mul3A_2054 = arith.mulf %convert_element_type3A_2052, %mul3A_2053 : vector<16xf32>
        %bitcast_convert_type3A_2055 = tpu.bitcast %mul3A_2054 : vector<16xf32> -> vector<16xi32>
        %and3A_2056 = arith.constant 2147483647 : i32
        %and3A_2057 = vector.broadcast %and3A_2056 : i32 to vector<16xi32>
        %and3A_2058 = arith.andi %bitcast_convert_type3A_2055, %and3A_2057 : vector<16xi32>
        %add3A_2059 = arith.constant 4095 : i32
        %add3A_2060 = vector.broadcast %add3A_2059 : i32 to vector<16xi32>
        %add3A_2061 = arith.addi %and3A_2058, %add3A_2060 : vector<16xi32>
        %shift_right_logical3A_2062 = arith.constant 13 : i32
        %shift_right_logical3A_2063 = vector.broadcast %shift_right_logical3A_2062 : i32 to vector<16xi32>
        %shift_right_logical3A_2064 = arith.shrui %add3A_2061, %shift_right_logical3A_2063 : vector<16xi32>
        %shift_right_logical3A_2065 = arith.constant 16 : i32
        %shift_right_logical3A_2066 = vector.broadcast %shift_right_logical3A_2065 : i32 to vector<16xi32>
        %shift_right_logical3A_2067 = arith.shrui %bitcast_convert_type3A_2055, %shift_right_logical3A_2066 : vector<16xi32>
        %and3A_2068 = arith.constant 32768 : i32
        %and3A_2069 = vector.broadcast %and3A_2068 : i32 to vector<16xi32>
        %and3A_2070 = arith.andi %shift_right_logical3A_2067, %and3A_2069 : vector<16xi32>
        %or3A_2071 = arith.ori %shift_right_logical3A_2064, %and3A_2070 : vector<16xi32>
        %shift_left3A_2072 = arith.constant 16 : i32
        %shift_left3A_2073 = vector.broadcast %shift_left3A_2072 : i32 to vector<16xi32>
        %shift_left3A_2074 = arith.shli %or3A_2071, %shift_left3A_2073 : vector<16xi32>
        %or3A_2075 = arith.ori %or3A_2051, %shift_left3A_2074 : vector<16xi32>
        %mul3A_2076 = arith.constant 2 : i32
        %mul3A_2077 = arith.muli %add3A_1868, %mul3A_2076 : i32
        %mul3A_2078 = arith.constant 16 : i32
        %mul3A_2079 = arith.muli %mul3A_2077, %mul3A_2078 : i32
        %add3A_2080 = arith.constant 16 : i32
        %add3A_2081 = arith.addi %mul3A_2079, %add3A_2080 : i32
        %swap3A_2082 = arith.index_cast %add3A_2081 : i32 to index
        %swap3A_2083 = tpu.vector_load %arg10[%swap3A_2082] {strides = array<i32>} : memref<16384xi32, #tpu.memory_space<vmem>>, vector<16xi32>,
        tpu.vector_store %arg10[%swap3A_2082], %or3A_2075 {strides = array<i32>} : memref<16384xi32, #tpu.memory_space<vmem>>, vector<16xi32>,
        %add3A_2084 = arith.constant 9 : i32
        %add3A_2085 = arith.addi %add3A_131, %add3A_2084 : i32
        %slice3A_2086 = vector.extract_strided_slice %mul3A_142 {offsets = [9], sizes = [1], strides = [1]} : vector<16xf32> to vector<1xf32>
        %squeeze3A_2087 = vector.extract %slice3A_2086[0] : f32 from vector<1xf32>
        %slice3A_2088 = vector.extract_strided_slice %get3A_132 {offsets = [9], sizes = [1], strides = [1]} : vector<16xi32> to vector<1xi32>
        %squeeze3A_2089 = vector.extract %slice3A_2088[0] : i32 from vector<1xi32>
        %jit3A_2090 = arith.constant 2 : i32
        %div3A_2091 = arith.divsi %squeeze3A_2089, %jit3A_2090 : i32
        %sign3A_2092 = arith.constant 0 : i32
        %sign3A_2093 = arith.cmpi sgt, %squeeze3A_2089, %sign3A_2092 : i32
        %sign3A_2094 = arith.extui %sign3A_2093 : i1 to i32
        %sign3A_2095 = arith.constant 0 : i32
        %sign3A_2096 = arith.cmpi slt, %squeeze3A_2089, %sign3A_2095 : i32
        %sign3A_2097 = arith.extui %sign3A_2096 : i1 to i32
        %sign3A_2098 = arith.subi %sign3A_2094, %sign3A_2097 : i32
        %sign3A_2099 = arith.constant 0 : i32
        %sign3A_2100 = arith.cmpi sgt, %jit3A_2090, %sign3A_2099 : i32
        %sign3A_2101 = arith.extui %sign3A_2100 : i1 to i32
        %sign3A_2102 = arith.constant 0 : i32
        %sign3A_2103 = arith.cmpi slt, %jit3A_2090, %sign3A_2102 : i32
        %sign3A_2104 = arith.extui %sign3A_2103 : i1 to i32
        %sign3A_2105 = arith.subi %sign3A_2101, %sign3A_2104 : i32
        %ne3A_2106 = arith.cmpi ne, %sign3A_2098, %sign3A_2105 : i32
        %rem3A_2107 = arith.remsi %squeeze3A_2089, %jit3A_2090 : i32
        %ne3A_2108 = arith.constant 0 : i32
        %ne3A_2109 = arith.cmpi ne, %rem3A_2107, %ne3A_2108 : i32
        %and3A_2110 = arith.andi %ne3A_2106, %ne3A_2109 : i1
        %sub3A_2111 = arith.constant 1 : i32
        %sub3A_2112 = arith.subi %div3A_2091, %sub3A_2111 : i32
        %select_n3A_2113 = arith.select %and3A_2110, %sub3A_2112, %div3A_2091 : i32
        %jit3A_2114 = arith.constant 4 : i32
        %eq3A_2115 = arith.constant 0 : i32
        %eq3A_2116 = arith.cmpi eq, %jit3A_2114, %eq3A_2115 : i32
        %jit3A_2117 = arith.constant 1 : i32
        %select_n3A_2118 = arith.select %eq3A_2116, %jit3A_2117, %jit3A_2114 : i32
        %rem3A_2119 = arith.remsi %select_n3A_2113, %select_n3A_2118 : i32
        %ne3A_2120 = arith.constant 0 : i32
        %ne3A_2121 = arith.cmpi ne, %rem3A_2119, %ne3A_2120 : i32
        %lt3A_2122 = arith.constant 0 : i32
        %lt3A_2123 = arith.cmpi slt, %rem3A_2119, %lt3A_2122 : i32
        %lt3A_2124 = arith.constant 0 : i32
        %lt3A_2125 = arith.cmpi slt, %select_n3A_2118, %lt3A_2124 : i32
        %ne3A_2126 = arith.xori %lt3A_2123, %lt3A_2125 : i1
        %and3A_2127 = arith.andi %ne3A_2126, %ne3A_2121 : i1
        %add3A_2128 = arith.addi %rem3A_2119, %select_n3A_2118 : i32
        %select_n3A_2129 = arith.select %and3A_2127, %add3A_2128, %rem3A_2119 : i32
        %mul3A_2130 = arith.constant 8 : i32
        %mul3A_2131 = arith.muli %mul3A_2130, %select_n3A_2129 : i32
        %sub3A_2132 = arith.constant 24 : i32
        %sub3A_2133 = arith.subi %sub3A_2132, %mul3A_2131 : i32
        %jit3A_2134 = arith.constant 2 : i32
        %eq3A_2135 = arith.constant 0 : i32
        %eq3A_2136 = arith.cmpi eq, %jit3A_2134, %eq3A_2135 : i32
        %jit3A_2137 = arith.constant 1 : i32
        %select_n3A_2138 = arith.select %eq3A_2136, %jit3A_2137, %jit3A_2134 : i32
        %rem3A_2139 = arith.remsi %squeeze3A_2089, %select_n3A_2138 : i32
        %ne3A_2140 = arith.constant 0 : i32
        %ne3A_2141 = arith.cmpi ne, %rem3A_2139, %ne3A_2140 : i32
        %lt3A_2142 = arith.constant 0 : i32
        %lt3A_2143 = arith.cmpi slt, %rem3A_2139, %lt3A_2142 : i32
        %lt3A_2144 = arith.constant 0 : i32
        %lt3A_2145 = arith.cmpi slt, %select_n3A_2138, %lt3A_2144 : i32
        %ne3A_2146 = arith.xori %lt3A_2143, %lt3A_2145 : i1
        %and3A_2147 = arith.andi %ne3A_2146, %ne3A_2141 : i1
        %add3A_2148 = arith.addi %rem3A_2139, %select_n3A_2138 : i32
        %select_n3A_2149 = arith.select %and3A_2147, %add3A_2148, %rem3A_2139 : i32
        %mul3A_2150 = arith.constant 64 : i32
        %mul3A_2151 = arith.muli %select_n3A_2149, %mul3A_2150 : i32
        %broadcast_in_dim3A_2152 = vector.broadcast %add3A_2085 : i32 to vector<16xi32>
        %add3A_2153 = vector.broadcast %mul3A_2151 : i32 to vector<16xi32>
        %add3A_2154 = arith.addi %add3A_2153, %mul3A_5 : vector<16xi32>
        %add3A_2155 = arith.constant 0 : i32
        %add3A_2156 = vector.broadcast %add3A_2155 : i32 to vector<16xi32>
        %add3A_2157 = arith.addi %add3A_2154, %add3A_2156 : vector<16xi32>
        %gather3A_2158 = tpu.vector_load_idx %arg9[%broadcast_in_dim3A_2152, %add3A_2157] : memref<512x128xi32, #tpu.memory_space<vmem>>[vector<16xi32>, vector<16xi32>], vector<16xi32>,
        %add3A_2159 = vector.broadcast %mul3A_2151 : i32 to vector<16xi32>
        %add3A_2160 = arith.addi %add3A_2159, %mul3A_5 : vector<16xi32>
        %add3A_2161 = arith.constant 1 : i32
        %add3A_2162 = vector.broadcast %add3A_2161 : i32 to vector<16xi32>
        %add3A_2163 = arith.addi %add3A_2160, %add3A_2162 : vector<16xi32>
        %gather3A_2164 = tpu.vector_load_idx %arg9[%broadcast_in_dim3A_2152, %add3A_2163] : memref<512x128xi32, #tpu.memory_space<vmem>>[vector<16xi32>, vector<16xi32>], vector<16xi32>,
        %shift_left3A_2165 = vector.broadcast %sub3A_2133 : i32 to vector<16xi32>
        %shift_left3A_2166 = arith.shli %gather3A_2158, %shift_left3A_2165 : vector<16xi32>
        %shift_right_arithmetic3A_2167 = arith.constant 24 : i32
        %shift_right_arithmetic3A_2168 = vector.broadcast %shift_right_arithmetic3A_2167 : i32 to vector<16xi32>
        %shift_right_arithmetic3A_2169 = arith.shrsi %shift_left3A_2166, %shift_right_arithmetic3A_2168 : vector<16xi32>
        %shift_left3A_2170 = vector.broadcast %sub3A_2133 : i32 to vector<16xi32>
        %shift_left3A_2171 = arith.shli %gather3A_2164, %shift_left3A_2170 : vector<16xi32>
        %shift_right_arithmetic3A_2172 = arith.constant 24 : i32
        %shift_right_arithmetic3A_2173 = vector.broadcast %shift_right_arithmetic3A_2172 : i32 to vector<16xi32>
        %shift_right_arithmetic3A_2174 = arith.shrsi %shift_left3A_2171, %shift_right_arithmetic3A_2173 : vector<16xi32>
        %convert_element_type3A_2175 = arith.sitofp %shift_right_arithmetic3A_2169 : vector<16xi32> to vector<16xf32>
        %mul3A_2176 = vector.broadcast %squeeze3A_2087 : f32 to vector<16xf32>
        %mul3A_2177 = arith.mulf %convert_element_type3A_2175, %mul3A_2176 : vector<16xf32>
        %bitcast_convert_type3A_2178 = tpu.bitcast %mul3A_2177 : vector<16xf32> -> vector<16xi32>
        %and3A_2179 = arith.constant 2147483647 : i32
        %and3A_2180 = vector.broadcast %and3A_2179 : i32 to vector<16xi32>
        %and3A_2181 = arith.andi %bitcast_convert_type3A_2178, %and3A_2180 : vector<16xi32>
        %add3A_2182 = arith.constant 4095 : i32
        %add3A_2183 = vector.broadcast %add3A_2182 : i32 to vector<16xi32>
        %add3A_2184 = arith.addi %and3A_2181, %add3A_2183 : vector<16xi32>
        %shift_right_logical3A_2185 = arith.constant 13 : i32
        %shift_right_logical3A_2186 = vector.broadcast %shift_right_logical3A_2185 : i32 to vector<16xi32>
        %shift_right_logical3A_2187 = arith.shrui %add3A_2184, %shift_right_logical3A_2186 : vector<16xi32>
        %shift_right_logical3A_2188 = arith.constant 16 : i32
        %shift_right_logical3A_2189 = vector.broadcast %shift_right_logical3A_2188 : i32 to vector<16xi32>
        %shift_right_logical3A_2190 = arith.shrui %bitcast_convert_type3A_2178, %shift_right_logical3A_2189 : vector<16xi32>
        %and3A_2191 = arith.constant 32768 : i32
        %and3A_2192 = vector.broadcast %and3A_2191 : i32 to vector<16xi32>
        %and3A_2193 = arith.andi %shift_right_logical3A_2190, %and3A_2192 : vector<16xi32>
        %or3A_2194 = arith.ori %shift_right_logical3A_2187, %and3A_2193 : vector<16xi32>
        %convert_element_type3A_2195 = arith.sitofp %shift_right_arithmetic3A_2174 : vector<16xi32> to vector<16xf32>
        %mul3A_2196 = vector.broadcast %squeeze3A_2087 : f32 to vector<16xf32>
        %mul3A_2197 = arith.mulf %convert_element_type3A_2195, %mul3A_2196 : vector<16xf32>
        %bitcast_convert_type3A_2198 = tpu.bitcast %mul3A_2197 : vector<16xf32> -> vector<16xi32>
        %and3A_2199 = arith.constant 2147483647 : i32
        %and3A_2200 = vector.broadcast %and3A_2199 : i32 to vector<16xi32>
        %and3A_2201 = arith.andi %bitcast_convert_type3A_2198, %and3A_2200 : vector<16xi32>
        %add3A_2202 = arith.constant 4095 : i32
        %add3A_2203 = vector.broadcast %add3A_2202 : i32 to vector<16xi32>
        %add3A_2204 = arith.addi %and3A_2201, %add3A_2203 : vector<16xi32>
        %shift_right_logical3A_2205 = arith.constant 13 : i32
        %shift_right_logical3A_2206 = vector.broadcast %shift_right_logical3A_2205 : i32 to vector<16xi32>
        %shift_right_logical3A_2207 = arith.shrui %add3A_2204, %shift_right_logical3A_2206 : vector<16xi32>
        %shift_right_logical3A_2208 = arith.constant 16 : i32
        %shift_right_logical3A_2209 = vector.broadcast %shift_right_logical3A_2208 : i32 to vector<16xi32>
        %shift_right_logical3A_2210 = arith.shrui %bitcast_convert_type3A_2198, %shift_right_logical3A_2209 : vector<16xi32>
        %and3A_2211 = arith.constant 32768 : i32
        %and3A_2212 = vector.broadcast %and3A_2211 : i32 to vector<16xi32>
        %and3A_2213 = arith.andi %shift_right_logical3A_2210, %and3A_2212 : vector<16xi32>
        %or3A_2214 = arith.ori %shift_right_logical3A_2207, %and3A_2213 : vector<16xi32>
        %shift_left3A_2215 = arith.constant 16 : i32
        %shift_left3A_2216 = vector.broadcast %shift_left3A_2215 : i32 to vector<16xi32>
        %shift_left3A_2217 = arith.shli %or3A_2214, %shift_left3A_2216 : vector<16xi32>
        %or3A_2218 = arith.ori %or3A_2194, %shift_left3A_2217 : vector<16xi32>
        %mul3A_2219 = arith.constant 2 : i32
        %mul3A_2220 = arith.muli %add3A_2085, %mul3A_2219 : i32
        %mul3A_2221 = arith.constant 16 : i32
        %mul3A_2222 = arith.muli %mul3A_2220, %mul3A_2221 : i32
        %add3A_2223 = arith.constant 0 : i32
        %add3A_2224 = arith.addi %mul3A_2222, %add3A_2223 : i32
        %swap3A_2225 = arith.index_cast %add3A_2224 : i32 to index
        %swap3A_2226 = tpu.vector_load %arg10[%swap3A_2225] {strides = array<i32>} : memref<16384xi32, #tpu.memory_space<vmem>>, vector<16xi32>,
        tpu.vector_store %arg10[%swap3A_2225], %or3A_2218 {strides = array<i32>} : memref<16384xi32, #tpu.memory_space<vmem>>, vector<16xi32>,
        %add3A_2227 = vector.broadcast %mul3A_2151 : i32 to vector<16xi32>
        %add3A_2228 = arith.addi %add3A_2227, %mul3A_5 : vector<16xi32>
        %add3A_2229 = arith.constant 32 : i32
        %add3A_2230 = vector.broadcast %add3A_2229 : i32 to vector<16xi32>
        %add3A_2231 = arith.addi %add3A_2228, %add3A_2230 : vector<16xi32>
        %gather3A_2232 = tpu.vector_load_idx %arg9[%broadcast_in_dim3A_2152, %add3A_2231] : memref<512x128xi32, #tpu.memory_space<vmem>>[vector<16xi32>, vector<16xi32>], vector<16xi32>,
        %add3A_2233 = vector.broadcast %mul3A_2151 : i32 to vector<16xi32>
        %add3A_2234 = arith.addi %add3A_2233, %mul3A_5 : vector<16xi32>
        %add3A_2235 = arith.constant 33 : i32
        %add3A_2236 = vector.broadcast %add3A_2235 : i32 to vector<16xi32>
        %add3A_2237 = arith.addi %add3A_2234, %add3A_2236 : vector<16xi32>
        %gather3A_2238 = tpu.vector_load_idx %arg9[%broadcast_in_dim3A_2152, %add3A_2237] : memref<512x128xi32, #tpu.memory_space<vmem>>[vector<16xi32>, vector<16xi32>], vector<16xi32>,
        %shift_left3A_2239 = vector.broadcast %sub3A_2133 : i32 to vector<16xi32>
        %shift_left3A_2240 = arith.shli %gather3A_2232, %shift_left3A_2239 : vector<16xi32>
        %shift_right_arithmetic3A_2241 = arith.constant 24 : i32
        %shift_right_arithmetic3A_2242 = vector.broadcast %shift_right_arithmetic3A_2241 : i32 to vector<16xi32>
        %shift_right_arithmetic3A_2243 = arith.shrsi %shift_left3A_2240, %shift_right_arithmetic3A_2242 : vector<16xi32>
        %shift_left3A_2244 = vector.broadcast %sub3A_2133 : i32 to vector<16xi32>
        %shift_left3A_2245 = arith.shli %gather3A_2238, %shift_left3A_2244 : vector<16xi32>
        %shift_right_arithmetic3A_2246 = arith.constant 24 : i32
        %shift_right_arithmetic3A_2247 = vector.broadcast %shift_right_arithmetic3A_2246 : i32 to vector<16xi32>
        %shift_right_arithmetic3A_2248 = arith.shrsi %shift_left3A_2245, %shift_right_arithmetic3A_2247 : vector<16xi32>
        %convert_element_type3A_2249 = arith.sitofp %shift_right_arithmetic3A_2243 : vector<16xi32> to vector<16xf32>
        %mul3A_2250 = vector.broadcast %squeeze3A_2087 : f32 to vector<16xf32>
        %mul3A_2251 = arith.mulf %convert_element_type3A_2249, %mul3A_2250 : vector<16xf32>
        %bitcast_convert_type3A_2252 = tpu.bitcast %mul3A_2251 : vector<16xf32> -> vector<16xi32>
        %and3A_2253 = arith.constant 2147483647 : i32
        %and3A_2254 = vector.broadcast %and3A_2253 : i32 to vector<16xi32>
        %and3A_2255 = arith.andi %bitcast_convert_type3A_2252, %and3A_2254 : vector<16xi32>
        %add3A_2256 = arith.constant 4095 : i32
        %add3A_2257 = vector.broadcast %add3A_2256 : i32 to vector<16xi32>
        %add3A_2258 = arith.addi %and3A_2255, %add3A_2257 : vector<16xi32>
        %shift_right_logical3A_2259 = arith.constant 13 : i32
        %shift_right_logical3A_2260 = vector.broadcast %shift_right_logical3A_2259 : i32 to vector<16xi32>
        %shift_right_logical3A_2261 = arith.shrui %add3A_2258, %shift_right_logical3A_2260 : vector<16xi32>
        %shift_right_logical3A_2262 = arith.constant 16 : i32
        %shift_right_logical3A_2263 = vector.broadcast %shift_right_logical3A_2262 : i32 to vector<16xi32>
        %shift_right_logical3A_2264 = arith.shrui %bitcast_convert_type3A_2252, %shift_right_logical3A_2263 : vector<16xi32>
        %and3A_2265 = arith.constant 32768 : i32
        %and3A_2266 = vector.broadcast %and3A_2265 : i32 to vector<16xi32>
        %and3A_2267 = arith.andi %shift_right_logical3A_2264, %and3A_2266 : vector<16xi32>
        %or3A_2268 = arith.ori %shift_right_logical3A_2261, %and3A_2267 : vector<16xi32>
        %convert_element_type3A_2269 = arith.sitofp %shift_right_arithmetic3A_2248 : vector<16xi32> to vector<16xf32>
        %mul3A_2270 = vector.broadcast %squeeze3A_2087 : f32 to vector<16xf32>
        %mul3A_2271 = arith.mulf %convert_element_type3A_2269, %mul3A_2270 : vector<16xf32>
        %bitcast_convert_type3A_2272 = tpu.bitcast %mul3A_2271 : vector<16xf32> -> vector<16xi32>
        %and3A_2273 = arith.constant 2147483647 : i32
        %and3A_2274 = vector.broadcast %and3A_2273 : i32 to vector<16xi32>
        %and3A_2275 = arith.andi %bitcast_convert_type3A_2272, %and3A_2274 : vector<16xi32>
        %add3A_2276 = arith.constant 4095 : i32
        %add3A_2277 = vector.broadcast %add3A_2276 : i32 to vector<16xi32>
        %add3A_2278 = arith.addi %and3A_2275, %add3A_2277 : vector<16xi32>
        %shift_right_logical3A_2279 = arith.constant 13 : i32
        %shift_right_logical3A_2280 = vector.broadcast %shift_right_logical3A_2279 : i32 to vector<16xi32>
        %shift_right_logical3A_2281 = arith.shrui %add3A_2278, %shift_right_logical3A_2280 : vector<16xi32>
        %shift_right_logical3A_2282 = arith.constant 16 : i32
        %shift_right_logical3A_2283 = vector.broadcast %shift_right_logical3A_2282 : i32 to vector<16xi32>
        %shift_right_logical3A_2284 = arith.shrui %bitcast_convert_type3A_2272, %shift_right_logical3A_2283 : vector<16xi32>
        %and3A_2285 = arith.constant 32768 : i32
        %and3A_2286 = vector.broadcast %and3A_2285 : i32 to vector<16xi32>
        %and3A_2287 = arith.andi %shift_right_logical3A_2284, %and3A_2286 : vector<16xi32>
        %or3A_2288 = arith.ori %shift_right_logical3A_2281, %and3A_2287 : vector<16xi32>
        %shift_left3A_2289 = arith.constant 16 : i32
        %shift_left3A_2290 = vector.broadcast %shift_left3A_2289 : i32 to vector<16xi32>
        %shift_left3A_2291 = arith.shli %or3A_2288, %shift_left3A_2290 : vector<16xi32>
        %or3A_2292 = arith.ori %or3A_2268, %shift_left3A_2291 : vector<16xi32>
        %mul3A_2293 = arith.constant 2 : i32
        %mul3A_2294 = arith.muli %add3A_2085, %mul3A_2293 : i32
        %mul3A_2295 = arith.constant 16 : i32
        %mul3A_2296 = arith.muli %mul3A_2294, %mul3A_2295 : i32
        %add3A_2297 = arith.constant 16 : i32
        %add3A_2298 = arith.addi %mul3A_2296, %add3A_2297 : i32
        %swap3A_2299 = arith.index_cast %add3A_2298 : i32 to index
        %swap3A_2300 = tpu.vector_load %arg10[%swap3A_2299] {strides = array<i32>} : memref<16384xi32, #tpu.memory_space<vmem>>, vector<16xi32>,
        tpu.vector_store %arg10[%swap3A_2299], %or3A_2292 {strides = array<i32>} : memref<16384xi32, #tpu.memory_space<vmem>>, vector<16xi32>,
        %add3A_2301 = arith.constant 10 : i32
        %add3A_2302 = arith.addi %add3A_131, %add3A_2301 : i32
        %slice3A_2303 = vector.extract_strided_slice %mul3A_142 {offsets = [10], sizes = [1], strides = [1]} : vector<16xf32> to vector<1xf32>
        %squeeze3A_2304 = vector.extract %slice3A_2303[0] : f32 from vector<1xf32>
        %slice3A_2305 = vector.extract_strided_slice %get3A_132 {offsets = [10], sizes = [1], strides = [1]} : vector<16xi32> to vector<1xi32>
        %squeeze3A_2306 = vector.extract %slice3A_2305[0] : i32 from vector<1xi32>
        %jit3A_2307 = arith.constant 2 : i32
        %div3A_2308 = arith.divsi %squeeze3A_2306, %jit3A_2307 : i32
        %sign3A_2309 = arith.constant 0 : i32
        %sign3A_2310 = arith.cmpi sgt, %squeeze3A_2306, %sign3A_2309 : i32
        %sign3A_2311 = arith.extui %sign3A_2310 : i1 to i32
        %sign3A_2312 = arith.constant 0 : i32
        %sign3A_2313 = arith.cmpi slt, %squeeze3A_2306, %sign3A_2312 : i32
        %sign3A_2314 = arith.extui %sign3A_2313 : i1 to i32
        %sign3A_2315 = arith.subi %sign3A_2311, %sign3A_2314 : i32
        %sign3A_2316 = arith.constant 0 : i32
        %sign3A_2317 = arith.cmpi sgt, %jit3A_2307, %sign3A_2316 : i32
        %sign3A_2318 = arith.extui %sign3A_2317 : i1 to i32
        %sign3A_2319 = arith.constant 0 : i32
        %sign3A_2320 = arith.cmpi slt, %jit3A_2307, %sign3A_2319 : i32
        %sign3A_2321 = arith.extui %sign3A_2320 : i1 to i32
        %sign3A_2322 = arith.subi %sign3A_2318, %sign3A_2321 : i32
        %ne3A_2323 = arith.cmpi ne, %sign3A_2315, %sign3A_2322 : i32
        %rem3A_2324 = arith.remsi %squeeze3A_2306, %jit3A_2307 : i32
        %ne3A_2325 = arith.constant 0 : i32
        %ne3A_2326 = arith.cmpi ne, %rem3A_2324, %ne3A_2325 : i32
        %and3A_2327 = arith.andi %ne3A_2323, %ne3A_2326 : i1
        %sub3A_2328 = arith.constant 1 : i32
        %sub3A_2329 = arith.subi %div3A_2308, %sub3A_2328 : i32
        %select_n3A_2330 = arith.select %and3A_2327, %sub3A_2329, %div3A_2308 : i32
        %jit3A_2331 = arith.constant 4 : i32
        %eq3A_2332 = arith.constant 0 : i32
        %eq3A_2333 = arith.cmpi eq, %jit3A_2331, %eq3A_2332 : i32
        %jit3A_2334 = arith.constant 1 : i32
        %select_n3A_2335 = arith.select %eq3A_2333, %jit3A_2334, %jit3A_2331 : i32
        %rem3A_2336 = arith.remsi %select_n3A_2330, %select_n3A_2335 : i32
        %ne3A_2337 = arith.constant 0 : i32
        %ne3A_2338 = arith.cmpi ne, %rem3A_2336, %ne3A_2337 : i32
        %lt3A_2339 = arith.constant 0 : i32
        %lt3A_2340 = arith.cmpi slt, %rem3A_2336, %lt3A_2339 : i32
        %lt3A_2341 = arith.constant 0 : i32
        %lt3A_2342 = arith.cmpi slt, %select_n3A_2335, %lt3A_2341 : i32
        %ne3A_2343 = arith.xori %lt3A_2340, %lt3A_2342 : i1
        %and3A_2344 = arith.andi %ne3A_2343, %ne3A_2338 : i1
        %add3A_2345 = arith.addi %rem3A_2336, %select_n3A_2335 : i32
        %select_n3A_2346 = arith.select %and3A_2344, %add3A_2345, %rem3A_2336 : i32
        %mul3A_2347 = arith.constant 8 : i32
        %mul3A_2348 = arith.muli %mul3A_2347, %select_n3A_2346 : i32
        %sub3A_2349 = arith.constant 24 : i32
        %sub3A_2350 = arith.subi %sub3A_2349, %mul3A_2348 : i32
        %jit3A_2351 = arith.constant 2 : i32
        %eq3A_2352 = arith.constant 0 : i32
        %eq3A_2353 = arith.cmpi eq, %jit3A_2351, %eq3A_2352 : i32
        %jit3A_2354 = arith.constant 1 : i32
        %select_n3A_2355 = arith.select %eq3A_2353, %jit3A_2354, %jit3A_2351 : i32
        %rem3A_2356 = arith.remsi %squeeze3A_2306, %select_n3A_2355 : i32
        %ne3A_2357 = arith.constant 0 : i32
        %ne3A_2358 = arith.cmpi ne, %rem3A_2356, %ne3A_2357 : i32
        %lt3A_2359 = arith.constant 0 : i32
        %lt3A_2360 = arith.cmpi slt, %rem3A_2356, %lt3A_2359 : i32
        %lt3A_2361 = arith.constant 0 : i32
        %lt3A_2362 = arith.cmpi slt, %select_n3A_2355, %lt3A_2361 : i32
        %ne3A_2363 = arith.xori %lt3A_2360, %lt3A_2362 : i1
        %and3A_2364 = arith.andi %ne3A_2363, %ne3A_2358 : i1
        %add3A_2365 = arith.addi %rem3A_2356, %select_n3A_2355 : i32
        %select_n3A_2366 = arith.select %and3A_2364, %add3A_2365, %rem3A_2356 : i32
        %mul3A_2367 = arith.constant 64 : i32
        %mul3A_2368 = arith.muli %select_n3A_2366, %mul3A_2367 : i32
        %broadcast_in_dim3A_2369 = vector.broadcast %add3A_2302 : i32 to vector<16xi32>
        %add3A_2370 = vector.broadcast %mul3A_2368 : i32 to vector<16xi32>
        %add3A_2371 = arith.addi %add3A_2370, %mul3A_5 : vector<16xi32>
        %add3A_2372 = arith.constant 0 : i32
        %add3A_2373 = vector.broadcast %add3A_2372 : i32 to vector<16xi32>
        %add3A_2374 = arith.addi %add3A_2371, %add3A_2373 : vector<16xi32>
        %gather3A_2375 = tpu.vector_load_idx %arg9[%broadcast_in_dim3A_2369, %add3A_2374] : memref<512x128xi32, #tpu.memory_space<vmem>>[vector<16xi32>, vector<16xi32>], vector<16xi32>,
        %add3A_2376 = vector.broadcast %mul3A_2368 : i32 to vector<16xi32>
        %add3A_2377 = arith.addi %add3A_2376, %mul3A_5 : vector<16xi32>
        %add3A_2378 = arith.constant 1 : i32
        %add3A_2379 = vector.broadcast %add3A_2378 : i32 to vector<16xi32>
        %add3A_2380 = arith.addi %add3A_2377, %add3A_2379 : vector<16xi32>
        %gather3A_2381 = tpu.vector_load_idx %arg9[%broadcast_in_dim3A_2369, %add3A_2380] : memref<512x128xi32, #tpu.memory_space<vmem>>[vector<16xi32>, vector<16xi32>], vector<16xi32>,
        %shift_left3A_2382 = vector.broadcast %sub3A_2350 : i32 to vector<16xi32>
        %shift_left3A_2383 = arith.shli %gather3A_2375, %shift_left3A_2382 : vector<16xi32>
        %shift_right_arithmetic3A_2384 = arith.constant 24 : i32
        %shift_right_arithmetic3A_2385 = vector.broadcast %shift_right_arithmetic3A_2384 : i32 to vector<16xi32>
        %shift_right_arithmetic3A_2386 = arith.shrsi %shift_left3A_2383, %shift_right_arithmetic3A_2385 : vector<16xi32>
        %shift_left3A_2387 = vector.broadcast %sub3A_2350 : i32 to vector<16xi32>
        %shift_left3A_2388 = arith.shli %gather3A_2381, %shift_left3A_2387 : vector<16xi32>
        %shift_right_arithmetic3A_2389 = arith.constant 24 : i32
        %shift_right_arithmetic3A_2390 = vector.broadcast %shift_right_arithmetic3A_2389 : i32 to vector<16xi32>
        %shift_right_arithmetic3A_2391 = arith.shrsi %shift_left3A_2388, %shift_right_arithmetic3A_2390 : vector<16xi32>
        %convert_element_type3A_2392 = arith.sitofp %shift_right_arithmetic3A_2386 : vector<16xi32> to vector<16xf32>
        %mul3A_2393 = vector.broadcast %squeeze3A_2304 : f32 to vector<16xf32>
        %mul3A_2394 = arith.mulf %convert_element_type3A_2392, %mul3A_2393 : vector<16xf32>
        %bitcast_convert_type3A_2395 = tpu.bitcast %mul3A_2394 : vector<16xf32> -> vector<16xi32>
        %and3A_2396 = arith.constant 2147483647 : i32
        %and3A_2397 = vector.broadcast %and3A_2396 : i32 to vector<16xi32>
        %and3A_2398 = arith.andi %bitcast_convert_type3A_2395, %and3A_2397 : vector<16xi32>
        %add3A_2399 = arith.constant 4095 : i32
        %add3A_2400 = vector.broadcast %add3A_2399 : i32 to vector<16xi32>
        %add3A_2401 = arith.addi %and3A_2398, %add3A_2400 : vector<16xi32>
        %shift_right_logical3A_2402 = arith.constant 13 : i32
        %shift_right_logical3A_2403 = vector.broadcast %shift_right_logical3A_2402 : i32 to vector<16xi32>
        %shift_right_logical3A_2404 = arith.shrui %add3A_2401, %shift_right_logical3A_2403 : vector<16xi32>
        %shift_right_logical3A_2405 = arith.constant 16 : i32
        %shift_right_logical3A_2406 = vector.broadcast %shift_right_logical3A_2405 : i32 to vector<16xi32>
        %shift_right_logical3A_2407 = arith.shrui %bitcast_convert_type3A_2395, %shift_right_logical3A_2406 : vector<16xi32>
        %and3A_2408 = arith.constant 32768 : i32
        %and3A_2409 = vector.broadcast %and3A_2408 : i32 to vector<16xi32>
        %and3A_2410 = arith.andi %shift_right_logical3A_2407, %and3A_2409 : vector<16xi32>
        %or3A_2411 = arith.ori %shift_right_logical3A_2404, %and3A_2410 : vector<16xi32>
        %convert_element_type3A_2412 = arith.sitofp %shift_right_arithmetic3A_2391 : vector<16xi32> to vector<16xf32>
        %mul3A_2413 = vector.broadcast %squeeze3A_2304 : f32 to vector<16xf32>
        %mul3A_2414 = arith.mulf %convert_element_type3A_2412, %mul3A_2413 : vector<16xf32>
        %bitcast_convert_type3A_2415 = tpu.bitcast %mul3A_2414 : vector<16xf32> -> vector<16xi32>
        %and3A_2416 = arith.constant 2147483647 : i32
        %and3A_2417 = vector.broadcast %and3A_2416 : i32 to vector<16xi32>
        %and3A_2418 = arith.andi %bitcast_convert_type3A_2415, %and3A_2417 : vector<16xi32>
        %add3A_2419 = arith.constant 4095 : i32
        %add3A_2420 = vector.broadcast %add3A_2419 : i32 to vector<16xi32>
        %add3A_2421 = arith.addi %and3A_2418, %add3A_2420 : vector<16xi32>
        %shift_right_logical3A_2422 = arith.constant 13 : i32
        %shift_right_logical3A_2423 = vector.broadcast %shift_right_logical3A_2422 : i32 to vector<16xi32>
        %shift_right_logical3A_2424 = arith.shrui %add3A_2421, %shift_right_logical3A_2423 : vector<16xi32>
        %shift_right_logical3A_2425 = arith.constant 16 : i32
        %shift_right_logical3A_2426 = vector.broadcast %shift_right_logical3A_2425 : i32 to vector<16xi32>
        %shift_right_logical3A_2427 = arith.shrui %bitcast_convert_type3A_2415, %shift_right_logical3A_2426 : vector<16xi32>
        %and3A_2428 = arith.constant 32768 : i32
        %and3A_2429 = vector.broadcast %and3A_2428 : i32 to vector<16xi32>
        %and3A_2430 = arith.andi %shift_right_logical3A_2427, %and3A_2429 : vector<16xi32>
        %or3A_2431 = arith.ori %shift_right_logical3A_2424, %and3A_2430 : vector<16xi32>
        %shift_left3A_2432 = arith.constant 16 : i32
        %shift_left3A_2433 = vector.broadcast %shift_left3A_2432 : i32 to vector<16xi32>
        %shift_left3A_2434 = arith.shli %or3A_2431, %shift_left3A_2433 : vector<16xi32>
        %or3A_2435 = arith.ori %or3A_2411, %shift_left3A_2434 : vector<16xi32>
        %mul3A_2436 = arith.constant 2 : i32
        %mul3A_2437 = arith.muli %add3A_2302, %mul3A_2436 : i32
        %mul3A_2438 = arith.constant 16 : i32
        %mul3A_2439 = arith.muli %mul3A_2437, %mul3A_2438 : i32
        %add3A_2440 = arith.constant 0 : i32
        %add3A_2441 = arith.addi %mul3A_2439, %add3A_2440 : i32
        %swap3A_2442 = arith.index_cast %add3A_2441 : i32 to index
        %swap3A_2443 = tpu.vector_load %arg10[%swap3A_2442] {strides = array<i32>} : memref<16384xi32, #tpu.memory_space<vmem>>, vector<16xi32>,
        tpu.vector_store %arg10[%swap3A_2442], %or3A_2435 {strides = array<i32>} : memref<16384xi32, #tpu.memory_space<vmem>>, vector<16xi32>,
        %add3A_2444 = vector.broadcast %mul3A_2368 : i32 to vector<16xi32>
        %add3A_2445 = arith.addi %add3A_2444, %mul3A_5 : vector<16xi32>
        %add3A_2446 = arith.constant 32 : i32
        %add3A_2447 = vector.broadcast %add3A_2446 : i32 to vector<16xi32>
        %add3A_2448 = arith.addi %add3A_2445, %add3A_2447 : vector<16xi32>
        %gather3A_2449 = tpu.vector_load_idx %arg9[%broadcast_in_dim3A_2369, %add3A_2448] : memref<512x128xi32, #tpu.memory_space<vmem>>[vector<16xi32>, vector<16xi32>], vector<16xi32>,
        %add3A_2450 = vector.broadcast %mul3A_2368 : i32 to vector<16xi32>
        %add3A_2451 = arith.addi %add3A_2450, %mul3A_5 : vector<16xi32>
        %add3A_2452 = arith.constant 33 : i32
        %add3A_2453 = vector.broadcast %add3A_2452 : i32 to vector<16xi32>
        %add3A_2454 = arith.addi %add3A_2451, %add3A_2453 : vector<16xi32>
        %gather3A_2455 = tpu.vector_load_idx %arg9[%broadcast_in_dim3A_2369, %add3A_2454] : memref<512x128xi32, #tpu.memory_space<vmem>>[vector<16xi32>, vector<16xi32>], vector<16xi32>,
        %shift_left3A_2456 = vector.broadcast %sub3A_2350 : i32 to vector<16xi32>
        %shift_left3A_2457 = arith.shli %gather3A_2449, %shift_left3A_2456 : vector<16xi32>
        %shift_right_arithmetic3A_2458 = arith.constant 24 : i32
        %shift_right_arithmetic3A_2459 = vector.broadcast %shift_right_arithmetic3A_2458 : i32 to vector<16xi32>
        %shift_right_arithmetic3A_2460 = arith.shrsi %shift_left3A_2457, %shift_right_arithmetic3A_2459 : vector<16xi32>
        %shift_left3A_2461 = vector.broadcast %sub3A_2350 : i32 to vector<16xi32>
        %shift_left3A_2462 = arith.shli %gather3A_2455, %shift_left3A_2461 : vector<16xi32>
        %shift_right_arithmetic3A_2463 = arith.constant 24 : i32
        %shift_right_arithmetic3A_2464 = vector.broadcast %shift_right_arithmetic3A_2463 : i32 to vector<16xi32>
        %shift_right_arithmetic3A_2465 = arith.shrsi %shift_left3A_2462, %shift_right_arithmetic3A_2464 : vector<16xi32>
        %convert_element_type3A_2466 = arith.sitofp %shift_right_arithmetic3A_2460 : vector<16xi32> to vector<16xf32>
        %mul3A_2467 = vector.broadcast %squeeze3A_2304 : f32 to vector<16xf32>
        %mul3A_2468 = arith.mulf %convert_element_type3A_2466, %mul3A_2467 : vector<16xf32>
        %bitcast_convert_type3A_2469 = tpu.bitcast %mul3A_2468 : vector<16xf32> -> vector<16xi32>
        %and3A_2470 = arith.constant 2147483647 : i32
        %and3A_2471 = vector.broadcast %and3A_2470 : i32 to vector<16xi32>
        %and3A_2472 = arith.andi %bitcast_convert_type3A_2469, %and3A_2471 : vector<16xi32>
        %add3A_2473 = arith.constant 4095 : i32
        %add3A_2474 = vector.broadcast %add3A_2473 : i32 to vector<16xi32>
        %add3A_2475 = arith.addi %and3A_2472, %add3A_2474 : vector<16xi32>
        %shift_right_logical3A_2476 = arith.constant 13 : i32
        %shift_right_logical3A_2477 = vector.broadcast %shift_right_logical3A_2476 : i32 to vector<16xi32>
        %shift_right_logical3A_2478 = arith.shrui %add3A_2475, %shift_right_logical3A_2477 : vector<16xi32>
        %shift_right_logical3A_2479 = arith.constant 16 : i32
        %shift_right_logical3A_2480 = vector.broadcast %shift_right_logical3A_2479 : i32 to vector<16xi32>
        %shift_right_logical3A_2481 = arith.shrui %bitcast_convert_type3A_2469, %shift_right_logical3A_2480 : vector<16xi32>
        %and3A_2482 = arith.constant 32768 : i32
        %and3A_2483 = vector.broadcast %and3A_2482 : i32 to vector<16xi32>
        %and3A_2484 = arith.andi %shift_right_logical3A_2481, %and3A_2483 : vector<16xi32>
        %or3A_2485 = arith.ori %shift_right_logical3A_2478, %and3A_2484 : vector<16xi32>
        %convert_element_type3A_2486 = arith.sitofp %shift_right_arithmetic3A_2465 : vector<16xi32> to vector<16xf32>
        %mul3A_2487 = vector.broadcast %squeeze3A_2304 : f32 to vector<16xf32>
        %mul3A_2488 = arith.mulf %convert_element_type3A_2486, %mul3A_2487 : vector<16xf32>
        %bitcast_convert_type3A_2489 = tpu.bitcast %mul3A_2488 : vector<16xf32> -> vector<16xi32>
        %and3A_2490 = arith.constant 2147483647 : i32
        %and3A_2491 = vector.broadcast %and3A_2490 : i32 to vector<16xi32>
        %and3A_2492 = arith.andi %bitcast_convert_type3A_2489, %and3A_2491 : vector<16xi32>
        %add3A_2493 = arith.constant 4095 : i32
        %add3A_2494 = vector.broadcast %add3A_2493 : i32 to vector<16xi32>
        %add3A_2495 = arith.addi %and3A_2492, %add3A_2494 : vector<16xi32>
        %shift_right_logical3A_2496 = arith.constant 13 : i32
        %shift_right_logical3A_2497 = vector.broadcast %shift_right_logical3A_2496 : i32 to vector<16xi32>
        %shift_right_logical3A_2498 = arith.shrui %add3A_2495, %shift_right_logical3A_2497 : vector<16xi32>
        %shift_right_logical3A_2499 = arith.constant 16 : i32
        %shift_right_logical3A_2500 = vector.broadcast %shift_right_logical3A_2499 : i32 to vector<16xi32>
        %shift_right_logical3A_2501 = arith.shrui %bitcast_convert_type3A_2489, %shift_right_logical3A_2500 : vector<16xi32>
        %and3A_2502 = arith.constant 32768 : i32
        %and3A_2503 = vector.broadcast %and3A_2502 : i32 to vector<16xi32>
        %and3A_2504 = arith.andi %shift_right_logical3A_2501, %and3A_2503 : vector<16xi32>
        %or3A_2505 = arith.ori %shift_right_logical3A_2498, %and3A_2504 : vector<16xi32>
        %shift_left3A_2506 = arith.constant 16 : i32
        %shift_left3A_2507 = vector.broadcast %shift_left3A_2506 : i32 to vector<16xi32>
        %shift_left3A_2508 = arith.shli %or3A_2505, %shift_left3A_2507 : vector<16xi32>
        %or3A_2509 = arith.ori %or3A_2485, %shift_left3A_2508 : vector<16xi32>
        %mul3A_2510 = arith.constant 2 : i32
        %mul3A_2511 = arith.muli %add3A_2302, %mul3A_2510 : i32
        %mul3A_2512 = arith.constant 16 : i32
        %mul3A_2513 = arith.muli %mul3A_2511, %mul3A_2512 : i32
        %add3A_2514 = arith.constant 16 : i32
        %add3A_2515 = arith.addi %mul3A_2513, %add3A_2514 : i32
        %swap3A_2516 = arith.index_cast %add3A_2515 : i32 to index
        %swap3A_2517 = tpu.vector_load %arg10[%swap3A_2516] {strides = array<i32>} : memref<16384xi32, #tpu.memory_space<vmem>>, vector<16xi32>,
        tpu.vector_store %arg10[%swap3A_2516], %or3A_2509 {strides = array<i32>} : memref<16384xi32, #tpu.memory_space<vmem>>, vector<16xi32>,
        %add3A_2518 = arith.constant 11 : i32
        %add3A_2519 = arith.addi %add3A_131, %add3A_2518 : i32
        %slice3A_2520 = vector.extract_strided_slice %mul3A_142 {offsets = [11], sizes = [1], strides = [1]} : vector<16xf32> to vector<1xf32>
        %squeeze3A_2521 = vector.extract %slice3A_2520[0] : f32 from vector<1xf32>
        %slice3A_2522 = vector.extract_strided_slice %get3A_132 {offsets = [11], sizes = [1], strides = [1]} : vector<16xi32> to vector<1xi32>
        %squeeze3A_2523 = vector.extract %slice3A_2522[0] : i32 from vector<1xi32>
        %jit3A_2524 = arith.constant 2 : i32
        %div3A_2525 = arith.divsi %squeeze3A_2523, %jit3A_2524 : i32
        %sign3A_2526 = arith.constant 0 : i32
        %sign3A_2527 = arith.cmpi sgt, %squeeze3A_2523, %sign3A_2526 : i32
        %sign3A_2528 = arith.extui %sign3A_2527 : i1 to i32
        %sign3A_2529 = arith.constant 0 : i32
        %sign3A_2530 = arith.cmpi slt, %squeeze3A_2523, %sign3A_2529 : i32
        %sign3A_2531 = arith.extui %sign3A_2530 : i1 to i32
        %sign3A_2532 = arith.subi %sign3A_2528, %sign3A_2531 : i32
        %sign3A_2533 = arith.constant 0 : i32
        %sign3A_2534 = arith.cmpi sgt, %jit3A_2524, %sign3A_2533 : i32
        %sign3A_2535 = arith.extui %sign3A_2534 : i1 to i32
        %sign3A_2536 = arith.constant 0 : i32
        %sign3A_2537 = arith.cmpi slt, %jit3A_2524, %sign3A_2536 : i32
        %sign3A_2538 = arith.extui %sign3A_2537 : i1 to i32
        %sign3A_2539 = arith.subi %sign3A_2535, %sign3A_2538 : i32
        %ne3A_2540 = arith.cmpi ne, %sign3A_2532, %sign3A_2539 : i32
        %rem3A_2541 = arith.remsi %squeeze3A_2523, %jit3A_2524 : i32
        %ne3A_2542 = arith.constant 0 : i32
        %ne3A_2543 = arith.cmpi ne, %rem3A_2541, %ne3A_2542 : i32
        %and3A_2544 = arith.andi %ne3A_2540, %ne3A_2543 : i1
        %sub3A_2545 = arith.constant 1 : i32
        %sub3A_2546 = arith.subi %div3A_2525, %sub3A_2545 : i32
        %select_n3A_2547 = arith.select %and3A_2544, %sub3A_2546, %div3A_2525 : i32
        %jit3A_2548 = arith.constant 4 : i32
        %eq3A_2549 = arith.constant 0 : i32
        %eq3A_2550 = arith.cmpi eq, %jit3A_2548, %eq3A_2549 : i32
        %jit3A_2551 = arith.constant 1 : i32
        %select_n3A_2552 = arith.select %eq3A_2550, %jit3A_2551, %jit3A_2548 : i32
        %rem3A_2553 = arith.remsi %select_n3A_2547, %select_n3A_2552 : i32
        %ne3A_2554 = arith.constant 0 : i32
        %ne3A_2555 = arith.cmpi ne, %rem3A_2553, %ne3A_2554 : i32
        %lt3A_2556 = arith.constant 0 : i32
        %lt3A_2557 = arith.cmpi slt, %rem3A_2553, %lt3A_2556 : i32
        %lt3A_2558 = arith.constant 0 : i32
        %lt3A_2559 = arith.cmpi slt, %select_n3A_2552, %lt3A_2558 : i32
        %ne3A_2560 = arith.xori %lt3A_2557, %lt3A_2559 : i1
        %and3A_2561 = arith.andi %ne3A_2560, %ne3A_2555 : i1
        %add3A_2562 = arith.addi %rem3A_2553, %select_n3A_2552 : i32
        %select_n3A_2563 = arith.select %and3A_2561, %add3A_2562, %rem3A_2553 : i32
        %mul3A_2564 = arith.constant 8 : i32
        %mul3A_2565 = arith.muli %mul3A_2564, %select_n3A_2563 : i32
        %sub3A_2566 = arith.constant 24 : i32
        %sub3A_2567 = arith.subi %sub3A_2566, %mul3A_2565 : i32
        %jit3A_2568 = arith.constant 2 : i32
        %eq3A_2569 = arith.constant 0 : i32
        %eq3A_2570 = arith.cmpi eq, %jit3A_2568, %eq3A_2569 : i32
        %jit3A_2571 = arith.constant 1 : i32
        %select_n3A_2572 = arith.select %eq3A_2570, %jit3A_2571, %jit3A_2568 : i32
        %rem3A_2573 = arith.remsi %squeeze3A_2523, %select_n3A_2572 : i32
        %ne3A_2574 = arith.constant 0 : i32
        %ne3A_2575 = arith.cmpi ne, %rem3A_2573, %ne3A_2574 : i32
        %lt3A_2576 = arith.constant 0 : i32
        %lt3A_2577 = arith.cmpi slt, %rem3A_2573, %lt3A_2576 : i32
        %lt3A_2578 = arith.constant 0 : i32
        %lt3A_2579 = arith.cmpi slt, %select_n3A_2572, %lt3A_2578 : i32
        %ne3A_2580 = arith.xori %lt3A_2577, %lt3A_2579 : i1
        %and3A_2581 = arith.andi %ne3A_2580, %ne3A_2575 : i1
        %add3A_2582 = arith.addi %rem3A_2573, %select_n3A_2572 : i32
        %select_n3A_2583 = arith.select %and3A_2581, %add3A_2582, %rem3A_2573 : i32
        %mul3A_2584 = arith.constant 64 : i32
        %mul3A_2585 = arith.muli %select_n3A_2583, %mul3A_2584 : i32
        %broadcast_in_dim3A_2586 = vector.broadcast %add3A_2519 : i32 to vector<16xi32>
        %add3A_2587 = vector.broadcast %mul3A_2585 : i32 to vector<16xi32>
        %add3A_2588 = arith.addi %add3A_2587, %mul3A_5 : vector<16xi32>
        %add3A_2589 = arith.constant 0 : i32
        %add3A_2590 = vector.broadcast %add3A_2589 : i32 to vector<16xi32>
        %add3A_2591 = arith.addi %add3A_2588, %add3A_2590 : vector<16xi32>
        %gather3A_2592 = tpu.vector_load_idx %arg9[%broadcast_in_dim3A_2586, %add3A_2591] : memref<512x128xi32, #tpu.memory_space<vmem>>[vector<16xi32>, vector<16xi32>], vector<16xi32>,
        %add3A_2593 = vector.broadcast %mul3A_2585 : i32 to vector<16xi32>
        %add3A_2594 = arith.addi %add3A_2593, %mul3A_5 : vector<16xi32>
        %add3A_2595 = arith.constant 1 : i32
        %add3A_2596 = vector.broadcast %add3A_2595 : i32 to vector<16xi32>
        %add3A_2597 = arith.addi %add3A_2594, %add3A_2596 : vector<16xi32>
        %gather3A_2598 = tpu.vector_load_idx %arg9[%broadcast_in_dim3A_2586, %add3A_2597] : memref<512x128xi32, #tpu.memory_space<vmem>>[vector<16xi32>, vector<16xi32>], vector<16xi32>,
        %shift_left3A_2599 = vector.broadcast %sub3A_2567 : i32 to vector<16xi32>
        %shift_left3A_2600 = arith.shli %gather3A_2592, %shift_left3A_2599 : vector<16xi32>
        %shift_right_arithmetic3A_2601 = arith.constant 24 : i32
        %shift_right_arithmetic3A_2602 = vector.broadcast %shift_right_arithmetic3A_2601 : i32 to vector<16xi32>
        %shift_right_arithmetic3A_2603 = arith.shrsi %shift_left3A_2600, %shift_right_arithmetic3A_2602 : vector<16xi32>
        %shift_left3A_2604 = vector.broadcast %sub3A_2567 : i32 to vector<16xi32>
        %shift_left3A_2605 = arith.shli %gather3A_2598, %shift_left3A_2604 : vector<16xi32>
        %shift_right_arithmetic3A_2606 = arith.constant 24 : i32
        %shift_right_arithmetic3A_2607 = vector.broadcast %shift_right_arithmetic3A_2606 : i32 to vector<16xi32>
        %shift_right_arithmetic3A_2608 = arith.shrsi %shift_left3A_2605, %shift_right_arithmetic3A_2607 : vector<16xi32>
        %convert_element_type3A_2609 = arith.sitofp %shift_right_arithmetic3A_2603 : vector<16xi32> to vector<16xf32>
        %mul3A_2610 = vector.broadcast %squeeze3A_2521 : f32 to vector<16xf32>
        %mul3A_2611 = arith.mulf %convert_element_type3A_2609, %mul3A_2610 : vector<16xf32>
        %bitcast_convert_type3A_2612 = tpu.bitcast %mul3A_2611 : vector<16xf32> -> vector<16xi32>
        %and3A_2613 = arith.constant 2147483647 : i32
        %and3A_2614 = vector.broadcast %and3A_2613 : i32 to vector<16xi32>
        %and3A_2615 = arith.andi %bitcast_convert_type3A_2612, %and3A_2614 : vector<16xi32>
        %add3A_2616 = arith.constant 4095 : i32
        %add3A_2617 = vector.broadcast %add3A_2616 : i32 to vector<16xi32>
        %add3A_2618 = arith.addi %and3A_2615, %add3A_2617 : vector<16xi32>
        %shift_right_logical3A_2619 = arith.constant 13 : i32
        %shift_right_logical3A_2620 = vector.broadcast %shift_right_logical3A_2619 : i32 to vector<16xi32>
        %shift_right_logical3A_2621 = arith.shrui %add3A_2618, %shift_right_logical3A_2620 : vector<16xi32>
        %shift_right_logical3A_2622 = arith.constant 16 : i32
        %shift_right_logical3A_2623 = vector.broadcast %shift_right_logical3A_2622 : i32 to vector<16xi32>
        %shift_right_logical3A_2624 = arith.shrui %bitcast_convert_type3A_2612, %shift_right_logical3A_2623 : vector<16xi32>
        %and3A_2625 = arith.constant 32768 : i32
        %and3A_2626 = vector.broadcast %and3A_2625 : i32 to vector<16xi32>
        %and3A_2627 = arith.andi %shift_right_logical3A_2624, %and3A_2626 : vector<16xi32>
        %or3A_2628 = arith.ori %shift_right_logical3A_2621, %and3A_2627 : vector<16xi32>
        %convert_element_type3A_2629 = arith.sitofp %shift_right_arithmetic3A_2608 : vector<16xi32> to vector<16xf32>
        %mul3A_2630 = vector.broadcast %squeeze3A_2521 : f32 to vector<16xf32>
        %mul3A_2631 = arith.mulf %convert_element_type3A_2629, %mul3A_2630 : vector<16xf32>
        %bitcast_convert_type3A_2632 = tpu.bitcast %mul3A_2631 : vector<16xf32> -> vector<16xi32>
        %and3A_2633 = arith.constant 2147483647 : i32
        %and3A_2634 = vector.broadcast %and3A_2633 : i32 to vector<16xi32>
        %and3A_2635 = arith.andi %bitcast_convert_type3A_2632, %and3A_2634 : vector<16xi32>
        %add3A_2636 = arith.constant 4095 : i32
        %add3A_2637 = vector.broadcast %add3A_2636 : i32 to vector<16xi32>
        %add3A_2638 = arith.addi %and3A_2635, %add3A_2637 : vector<16xi32>
        %shift_right_logical3A_2639 = arith.constant 13 : i32
        %shift_right_logical3A_2640 = vector.broadcast %shift_right_logical3A_2639 : i32 to vector<16xi32>
        %shift_right_logical3A_2641 = arith.shrui %add3A_2638, %shift_right_logical3A_2640 : vector<16xi32>
        %shift_right_logical3A_2642 = arith.constant 16 : i32
        %shift_right_logical3A_2643 = vector.broadcast %shift_right_logical3A_2642 : i32 to vector<16xi32>
        %shift_right_logical3A_2644 = arith.shrui %bitcast_convert_type3A_2632, %shift_right_logical3A_2643 : vector<16xi32>
        %and3A_2645 = arith.constant 32768 : i32
        %and3A_2646 = vector.broadcast %and3A_2645 : i32 to vector<16xi32>
        %and3A_2647 = arith.andi %shift_right_logical3A_2644, %and3A_2646 : vector<16xi32>
        %or3A_2648 = arith.ori %shift_right_logical3A_2641, %and3A_2647 : vector<16xi32>
        %shift_left3A_2649 = arith.constant 16 : i32
        %shift_left3A_2650 = vector.broadcast %shift_left3A_2649 : i32 to vector<16xi32>
        %shift_left3A_2651 = arith.shli %or3A_2648, %shift_left3A_2650 : vector<16xi32>
        %or3A_2652 = arith.ori %or3A_2628, %shift_left3A_2651 : vector<16xi32>
        %mul3A_2653 = arith.constant 2 : i32
        %mul3A_2654 = arith.muli %add3A_2519, %mul3A_2653 : i32
        %mul3A_2655 = arith.constant 16 : i32
        %mul3A_2656 = arith.muli %mul3A_2654, %mul3A_2655 : i32
        %add3A_2657 = arith.constant 0 : i32
        %add3A_2658 = arith.addi %mul3A_2656, %add3A_2657 : i32
        %swap3A_2659 = arith.index_cast %add3A_2658 : i32 to index
        %swap3A_2660 = tpu.vector_load %arg10[%swap3A_2659] {strides = array<i32>} : memref<16384xi32, #tpu.memory_space<vmem>>, vector<16xi32>,
        tpu.vector_store %arg10[%swap3A_2659], %or3A_2652 {strides = array<i32>} : memref<16384xi32, #tpu.memory_space<vmem>>, vector<16xi32>,
        %add3A_2661 = vector.broadcast %mul3A_2585 : i32 to vector<16xi32>
        %add3A_2662 = arith.addi %add3A_2661, %mul3A_5 : vector<16xi32>
        %add3A_2663 = arith.constant 32 : i32
        %add3A_2664 = vector.broadcast %add3A_2663 : i32 to vector<16xi32>
        %add3A_2665 = arith.addi %add3A_2662, %add3A_2664 : vector<16xi32>
        %gather3A_2666 = tpu.vector_load_idx %arg9[%broadcast_in_dim3A_2586, %add3A_2665] : memref<512x128xi32, #tpu.memory_space<vmem>>[vector<16xi32>, vector<16xi32>], vector<16xi32>,
        %add3A_2667 = vector.broadcast %mul3A_2585 : i32 to vector<16xi32>
        %add3A_2668 = arith.addi %add3A_2667, %mul3A_5 : vector<16xi32>
        %add3A_2669 = arith.constant 33 : i32
        %add3A_2670 = vector.broadcast %add3A_2669 : i32 to vector<16xi32>
        %add3A_2671 = arith.addi %add3A_2668, %add3A_2670 : vector<16xi32>
        %gather3A_2672 = tpu.vector_load_idx %arg9[%broadcast_in_dim3A_2586, %add3A_2671] : memref<512x128xi32, #tpu.memory_space<vmem>>[vector<16xi32>, vector<16xi32>], vector<16xi32>,
        %shift_left3A_2673 = vector.broadcast %sub3A_2567 : i32 to vector<16xi32>
        %shift_left3A_2674 = arith.shli %gather3A_2666, %shift_left3A_2673 : vector<16xi32>
        %shift_right_arithmetic3A_2675 = arith.constant 24 : i32
        %shift_right_arithmetic3A_2676 = vector.broadcast %shift_right_arithmetic3A_2675 : i32 to vector<16xi32>
        %shift_right_arithmetic3A_2677 = arith.shrsi %shift_left3A_2674, %shift_right_arithmetic3A_2676 : vector<16xi32>
        %shift_left3A_2678 = vector.broadcast %sub3A_2567 : i32 to vector<16xi32>
        %shift_left3A_2679 = arith.shli %gather3A_2672, %shift_left3A_2678 : vector<16xi32>
        %shift_right_arithmetic3A_2680 = arith.constant 24 : i32
        %shift_right_arithmetic3A_2681 = vector.broadcast %shift_right_arithmetic3A_2680 : i32 to vector<16xi32>
        %shift_right_arithmetic3A_2682 = arith.shrsi %shift_left3A_2679, %shift_right_arithmetic3A_2681 : vector<16xi32>
        %convert_element_type3A_2683 = arith.sitofp %shift_right_arithmetic3A_2677 : vector<16xi32> to vector<16xf32>
        %mul3A_2684 = vector.broadcast %squeeze3A_2521 : f32 to vector<16xf32>
        %mul3A_2685 = arith.mulf %convert_element_type3A_2683, %mul3A_2684 : vector<16xf32>
        %bitcast_convert_type3A_2686 = tpu.bitcast %mul3A_2685 : vector<16xf32> -> vector<16xi32>
        %and3A_2687 = arith.constant 2147483647 : i32
        %and3A_2688 = vector.broadcast %and3A_2687 : i32 to vector<16xi32>
        %and3A_2689 = arith.andi %bitcast_convert_type3A_2686, %and3A_2688 : vector<16xi32>
        %add3A_2690 = arith.constant 4095 : i32
        %add3A_2691 = vector.broadcast %add3A_2690 : i32 to vector<16xi32>
        %add3A_2692 = arith.addi %and3A_2689, %add3A_2691 : vector<16xi32>
        %shift_right_logical3A_2693 = arith.constant 13 : i32
        %shift_right_logical3A_2694 = vector.broadcast %shift_right_logical3A_2693 : i32 to vector<16xi32>
        %shift_right_logical3A_2695 = arith.shrui %add3A_2692, %shift_right_logical3A_2694 : vector<16xi32>
        %shift_right_logical3A_2696 = arith.constant 16 : i32
        %shift_right_logical3A_2697 = vector.broadcast %shift_right_logical3A_2696 : i32 to vector<16xi32>
        %shift_right_logical3A_2698 = arith.shrui %bitcast_convert_type3A_2686, %shift_right_logical3A_2697 : vector<16xi32>
        %and3A_2699 = arith.constant 32768 : i32
        %and3A_2700 = vector.broadcast %and3A_2699 : i32 to vector<16xi32>
        %and3A_2701 = arith.andi %shift_right_logical3A_2698, %and3A_2700 : vector<16xi32>
        %or3A_2702 = arith.ori %shift_right_logical3A_2695, %and3A_2701 : vector<16xi32>
        %convert_element_type3A_2703 = arith.sitofp %shift_right_arithmetic3A_2682 : vector<16xi32> to vector<16xf32>
        %mul3A_2704 = vector.broadcast %squeeze3A_2521 : f32 to vector<16xf32>
        %mul3A_2705 = arith.mulf %convert_element_type3A_2703, %mul3A_2704 : vector<16xf32>
        %bitcast_convert_type3A_2706 = tpu.bitcast %mul3A_2705 : vector<16xf32> -> vector<16xi32>
        %and3A_2707 = arith.constant 2147483647 : i32
        %and3A_2708 = vector.broadcast %and3A_2707 : i32 to vector<16xi32>
        %and3A_2709 = arith.andi %bitcast_convert_type3A_2706, %and3A_2708 : vector<16xi32>
        %add3A_2710 = arith.constant 4095 : i32
        %add3A_2711 = vector.broadcast %add3A_2710 : i32 to vector<16xi32>
        %add3A_2712 = arith.addi %and3A_2709, %add3A_2711 : vector<16xi32>
        %shift_right_logical3A_2713 = arith.constant 13 : i32
        %shift_right_logical3A_2714 = vector.broadcast %shift_right_logical3A_2713 : i32 to vector<16xi32>
        %shift_right_logical3A_2715 = arith.shrui %add3A_2712, %shift_right_logical3A_2714 : vector<16xi32>
        %shift_right_logical3A_2716 = arith.constant 16 : i32
        %shift_right_logical3A_2717 = vector.broadcast %shift_right_logical3A_2716 : i32 to vector<16xi32>
        %shift_right_logical3A_2718 = arith.shrui %bitcast_convert_type3A_2706, %shift_right_logical3A_2717 : vector<16xi32>
        %and3A_2719 = arith.constant 32768 : i32
        %and3A_2720 = vector.broadcast %and3A_2719 : i32 to vector<16xi32>
        %and3A_2721 = arith.andi %shift_right_logical3A_2718, %and3A_2720 : vector<16xi32>
        %or3A_2722 = arith.ori %shift_right_logical3A_2715, %and3A_2721 : vector<16xi32>
        %shift_left3A_2723 = arith.constant 16 : i32
        %shift_left3A_2724 = vector.broadcast %shift_left3A_2723 : i32 to vector<16xi32>
        %shift_left3A_2725 = arith.shli %or3A_2722, %shift_left3A_2724 : vector<16xi32>
        %or3A_2726 = arith.ori %or3A_2702, %shift_left3A_2725 : vector<16xi32>
        %mul3A_2727 = arith.constant 2 : i32
        %mul3A_2728 = arith.muli %add3A_2519, %mul3A_2727 : i32
        %mul3A_2729 = arith.constant 16 : i32
        %mul3A_2730 = arith.muli %mul3A_2728, %mul3A_2729 : i32
        %add3A_2731 = arith.constant 16 : i32
        %add3A_2732 = arith.addi %mul3A_2730, %add3A_2731 : i32
        %swap3A_2733 = arith.index_cast %add3A_2732 : i32 to index
        %swap3A_2734 = tpu.vector_load %arg10[%swap3A_2733] {strides = array<i32>} : memref<16384xi32, #tpu.memory_space<vmem>>, vector<16xi32>,
        tpu.vector_store %arg10[%swap3A_2733], %or3A_2726 {strides = array<i32>} : memref<16384xi32, #tpu.memory_space<vmem>>, vector<16xi32>,
        %add3A_2735 = arith.constant 12 : i32
        %add3A_2736 = arith.addi %add3A_131, %add3A_2735 : i32
        %slice3A_2737 = vector.extract_strided_slice %mul3A_142 {offsets = [12], sizes = [1], strides = [1]} : vector<16xf32> to vector<1xf32>
        %squeeze3A_2738 = vector.extract %slice3A_2737[0] : f32 from vector<1xf32>
        %slice3A_2739 = vector.extract_strided_slice %get3A_132 {offsets = [12], sizes = [1], strides = [1]} : vector<16xi32> to vector<1xi32>
        %squeeze3A_2740 = vector.extract %slice3A_2739[0] : i32 from vector<1xi32>
        %jit3A_2741 = arith.constant 2 : i32
        %div3A_2742 = arith.divsi %squeeze3A_2740, %jit3A_2741 : i32
        %sign3A_2743 = arith.constant 0 : i32
        %sign3A_2744 = arith.cmpi sgt, %squeeze3A_2740, %sign3A_2743 : i32
        %sign3A_2745 = arith.extui %sign3A_2744 : i1 to i32
        %sign3A_2746 = arith.constant 0 : i32
        %sign3A_2747 = arith.cmpi slt, %squeeze3A_2740, %sign3A_2746 : i32
        %sign3A_2748 = arith.extui %sign3A_2747 : i1 to i32
        %sign3A_2749 = arith.subi %sign3A_2745, %sign3A_2748 : i32
        %sign3A_2750 = arith.constant 0 : i32
        %sign3A_2751 = arith.cmpi sgt, %jit3A_2741, %sign3A_2750 : i32
        %sign3A_2752 = arith.extui %sign3A_2751 : i1 to i32
        %sign3A_2753 = arith.constant 0 : i32
        %sign3A_2754 = arith.cmpi slt, %jit3A_2741, %sign3A_2753 : i32
        %sign3A_2755 = arith.extui %sign3A_2754 : i1 to i32
        %sign3A_2756 = arith.subi %sign3A_2752, %sign3A_2755 : i32
        %ne3A_2757 = arith.cmpi ne, %sign3A_2749, %sign3A_2756 : i32
        %rem3A_2758 = arith.remsi %squeeze3A_2740, %jit3A_2741 : i32
        %ne3A_2759 = arith.constant 0 : i32
        %ne3A_2760 = arith.cmpi ne, %rem3A_2758, %ne3A_2759 : i32
        %and3A_2761 = arith.andi %ne3A_2757, %ne3A_2760 : i1
        %sub3A_2762 = arith.constant 1 : i32
        %sub3A_2763 = arith.subi %div3A_2742, %sub3A_2762 : i32
        %select_n3A_2764 = arith.select %and3A_2761, %sub3A_2763, %div3A_2742 : i32
        %jit3A_2765 = arith.constant 4 : i32
        %eq3A_2766 = arith.constant 0 : i32
        %eq3A_2767 = arith.cmpi eq, %jit3A_2765, %eq3A_2766 : i32
        %jit3A_2768 = arith.constant 1 : i32
        %select_n3A_2769 = arith.select %eq3A_2767, %jit3A_2768, %jit3A_2765 : i32
        %rem3A_2770 = arith.remsi %select_n3A_2764, %select_n3A_2769 : i32
        %ne3A_2771 = arith.constant 0 : i32
        %ne3A_2772 = arith.cmpi ne, %rem3A_2770, %ne3A_2771 : i32
        %lt3A_2773 = arith.constant 0 : i32
        %lt3A_2774 = arith.cmpi slt, %rem3A_2770, %lt3A_2773 : i32
        %lt3A_2775 = arith.constant 0 : i32
        %lt3A_2776 = arith.cmpi slt, %select_n3A_2769, %lt3A_2775 : i32
        %ne3A_2777 = arith.xori %lt3A_2774, %lt3A_2776 : i1
        %and3A_2778 = arith.andi %ne3A_2777, %ne3A_2772 : i1
        %add3A_2779 = arith.addi %rem3A_2770, %select_n3A_2769 : i32
        %select_n3A_2780 = arith.select %and3A_2778, %add3A_2779, %rem3A_2770 : i32
        %mul3A_2781 = arith.constant 8 : i32
        %mul3A_2782 = arith.muli %mul3A_2781, %select_n3A_2780 : i32
        %sub3A_2783 = arith.constant 24 : i32
        %sub3A_2784 = arith.subi %sub3A_2783, %mul3A_2782 : i32
        %jit3A_2785 = arith.constant 2 : i32
        %eq3A_2786 = arith.constant 0 : i32
        %eq3A_2787 = arith.cmpi eq, %jit3A_2785, %eq3A_2786 : i32
        %jit3A_2788 = arith.constant 1 : i32
        %select_n3A_2789 = arith.select %eq3A_2787, %jit3A_2788, %jit3A_2785 : i32
        %rem3A_2790 = arith.remsi %squeeze3A_2740, %select_n3A_2789 : i32
        %ne3A_2791 = arith.constant 0 : i32
        %ne3A_2792 = arith.cmpi ne, %rem3A_2790, %ne3A_2791 : i32
        %lt3A_2793 = arith.constant 0 : i32
        %lt3A_2794 = arith.cmpi slt, %rem3A_2790, %lt3A_2793 : i32
        %lt3A_2795 = arith.constant 0 : i32
        %lt3A_2796 = arith.cmpi slt, %select_n3A_2789, %lt3A_2795 : i32
        %ne3A_2797 = arith.xori %lt3A_2794, %lt3A_2796 : i1
        %and3A_2798 = arith.andi %ne3A_2797, %ne3A_2792 : i1
        %add3A_2799 = arith.addi %rem3A_2790, %select_n3A_2789 : i32
        %select_n3A_2800 = arith.select %and3A_2798, %add3A_2799, %rem3A_2790 : i32
        %mul3A_2801 = arith.constant 64 : i32
        %mul3A_2802 = arith.muli %select_n3A_2800, %mul3A_2801 : i32
        %broadcast_in_dim3A_2803 = vector.broadcast %add3A_2736 : i32 to vector<16xi32>
        %add3A_2804 = vector.broadcast %mul3A_2802 : i32 to vector<16xi32>
        %add3A_2805 = arith.addi %add3A_2804, %mul3A_5 : vector<16xi32>
        %add3A_2806 = arith.constant 0 : i32
        %add3A_2807 = vector.broadcast %add3A_2806 : i32 to vector<16xi32>
        %add3A_2808 = arith.addi %add3A_2805, %add3A_2807 : vector<16xi32>
        %gather3A_2809 = tpu.vector_load_idx %arg9[%broadcast_in_dim3A_2803, %add3A_2808] : memref<512x128xi32, #tpu.memory_space<vmem>>[vector<16xi32>, vector<16xi32>], vector<16xi32>,
        %add3A_2810 = vector.broadcast %mul3A_2802 : i32 to vector<16xi32>
        %add3A_2811 = arith.addi %add3A_2810, %mul3A_5 : vector<16xi32>
        %add3A_2812 = arith.constant 1 : i32
        %add3A_2813 = vector.broadcast %add3A_2812 : i32 to vector<16xi32>
        %add3A_2814 = arith.addi %add3A_2811, %add3A_2813 : vector<16xi32>
        %gather3A_2815 = tpu.vector_load_idx %arg9[%broadcast_in_dim3A_2803, %add3A_2814] : memref<512x128xi32, #tpu.memory_space<vmem>>[vector<16xi32>, vector<16xi32>], vector<16xi32>,
        %shift_left3A_2816 = vector.broadcast %sub3A_2784 : i32 to vector<16xi32>
        %shift_left3A_2817 = arith.shli %gather3A_2809, %shift_left3A_2816 : vector<16xi32>
        %shift_right_arithmetic3A_2818 = arith.constant 24 : i32
        %shift_right_arithmetic3A_2819 = vector.broadcast %shift_right_arithmetic3A_2818 : i32 to vector<16xi32>
        %shift_right_arithmetic3A_2820 = arith.shrsi %shift_left3A_2817, %shift_right_arithmetic3A_2819 : vector<16xi32>
        %shift_left3A_2821 = vector.broadcast %sub3A_2784 : i32 to vector<16xi32>
        %shift_left3A_2822 = arith.shli %gather3A_2815, %shift_left3A_2821 : vector<16xi32>
        %shift_right_arithmetic3A_2823 = arith.constant 24 : i32
        %shift_right_arithmetic3A_2824 = vector.broadcast %shift_right_arithmetic3A_2823 : i32 to vector<16xi32>
        %shift_right_arithmetic3A_2825 = arith.shrsi %shift_left3A_2822, %shift_right_arithmetic3A_2824 : vector<16xi32>
        %convert_element_type3A_2826 = arith.sitofp %shift_right_arithmetic3A_2820 : vector<16xi32> to vector<16xf32>
        %mul3A_2827 = vector.broadcast %squeeze3A_2738 : f32 to vector<16xf32>
        %mul3A_2828 = arith.mulf %convert_element_type3A_2826, %mul3A_2827 : vector<16xf32>
        %bitcast_convert_type3A_2829 = tpu.bitcast %mul3A_2828 : vector<16xf32> -> vector<16xi32>
        %and3A_2830 = arith.constant 2147483647 : i32
        %and3A_2831 = vector.broadcast %and3A_2830 : i32 to vector<16xi32>
        %and3A_2832 = arith.andi %bitcast_convert_type3A_2829, %and3A_2831 : vector<16xi32>
        %add3A_2833 = arith.constant 4095 : i32
        %add3A_2834 = vector.broadcast %add3A_2833 : i32 to vector<16xi32>
        %add3A_2835 = arith.addi %and3A_2832, %add3A_2834 : vector<16xi32>
        %shift_right_logical3A_2836 = arith.constant 13 : i32
        %shift_right_logical3A_2837 = vector.broadcast %shift_right_logical3A_2836 : i32 to vector<16xi32>
        %shift_right_logical3A_2838 = arith.shrui %add3A_2835, %shift_right_logical3A_2837 : vector<16xi32>
        %shift_right_logical3A_2839 = arith.constant 16 : i32
        %shift_right_logical3A_2840 = vector.broadcast %shift_right_logical3A_2839 : i32 to vector<16xi32>
        %shift_right_logical3A_2841 = arith.shrui %bitcast_convert_type3A_2829, %shift_right_logical3A_2840 : vector<16xi32>
        %and3A_2842 = arith.constant 32768 : i32
        %and3A_2843 = vector.broadcast %and3A_2842 : i32 to vector<16xi32>
        %and3A_2844 = arith.andi %shift_right_logical3A_2841, %and3A_2843 : vector<16xi32>
        %or3A_2845 = arith.ori %shift_right_logical3A_2838, %and3A_2844 : vector<16xi32>
        %convert_element_type3A_2846 = arith.sitofp %shift_right_arithmetic3A_2825 : vector<16xi32> to vector<16xf32>
        %mul3A_2847 = vector.broadcast %squeeze3A_2738 : f32 to vector<16xf32>
        %mul3A_2848 = arith.mulf %convert_element_type3A_2846, %mul3A_2847 : vector<16xf32>
        %bitcast_convert_type3A_2849 = tpu.bitcast %mul3A_2848 : vector<16xf32> -> vector<16xi32>
        %and3A_2850 = arith.constant 2147483647 : i32
        %and3A_2851 = vector.broadcast %and3A_2850 : i32 to vector<16xi32>
        %and3A_2852 = arith.andi %bitcast_convert_type3A_2849, %and3A_2851 : vector<16xi32>
        %add3A_2853 = arith.constant 4095 : i32
        %add3A_2854 = vector.broadcast %add3A_2853 : i32 to vector<16xi32>
        %add3A_2855 = arith.addi %and3A_2852, %add3A_2854 : vector<16xi32>
        %shift_right_logical3A_2856 = arith.constant 13 : i32
        %shift_right_logical3A_2857 = vector.broadcast %shift_right_logical3A_2856 : i32 to vector<16xi32>
        %shift_right_logical3A_2858 = arith.shrui %add3A_2855, %shift_right_logical3A_2857 : vector<16xi32>
        %shift_right_logical3A_2859 = arith.constant 16 : i32
        %shift_right_logical3A_2860 = vector.broadcast %shift_right_logical3A_2859 : i32 to vector<16xi32>
        %shift_right_logical3A_2861 = arith.shrui %bitcast_convert_type3A_2849, %shift_right_logical3A_2860 : vector<16xi32>
        %and3A_2862 = arith.constant 32768 : i32
        %and3A_2863 = vector.broadcast %and3A_2862 : i32 to vector<16xi32>
        %and3A_2864 = arith.andi %shift_right_logical3A_2861, %and3A_2863 : vector<16xi32>
        %or3A_2865 = arith.ori %shift_right_logical3A_2858, %and3A_2864 : vector<16xi32>
        %shift_left3A_2866 = arith.constant 16 : i32
        %shift_left3A_2867 = vector.broadcast %shift_left3A_2866 : i32 to vector<16xi32>
        %shift_left3A_2868 = arith.shli %or3A_2865, %shift_left3A_2867 : vector<16xi32>
        %or3A_2869 = arith.ori %or3A_2845, %shift_left3A_2868 : vector<16xi32>
        %mul3A_2870 = arith.constant 2 : i32
        %mul3A_2871 = arith.muli %add3A_2736, %mul3A_2870 : i32
        %mul3A_2872 = arith.constant 16 : i32
        %mul3A_2873 = arith.muli %mul3A_2871, %mul3A_2872 : i32
        %add3A_2874 = arith.constant 0 : i32
        %add3A_2875 = arith.addi %mul3A_2873, %add3A_2874 : i32
        %swap3A_2876 = arith.index_cast %add3A_2875 : i32 to index
        %swap3A_2877 = tpu.vector_load %arg10[%swap3A_2876] {strides = array<i32>} : memref<16384xi32, #tpu.memory_space<vmem>>, vector<16xi32>,
        tpu.vector_store %arg10[%swap3A_2876], %or3A_2869 {strides = array<i32>} : memref<16384xi32, #tpu.memory_space<vmem>>, vector<16xi32>,
        %add3A_2878 = vector.broadcast %mul3A_2802 : i32 to vector<16xi32>
        %add3A_2879 = arith.addi %add3A_2878, %mul3A_5 : vector<16xi32>
        %add3A_2880 = arith.constant 32 : i32
        %add3A_2881 = vector.broadcast %add3A_2880 : i32 to vector<16xi32>
        %add3A_2882 = arith.addi %add3A_2879, %add3A_2881 : vector<16xi32>
        %gather3A_2883 = tpu.vector_load_idx %arg9[%broadcast_in_dim3A_2803, %add3A_2882] : memref<512x128xi32, #tpu.memory_space<vmem>>[vector<16xi32>, vector<16xi32>], vector<16xi32>,
        %add3A_2884 = vector.broadcast %mul3A_2802 : i32 to vector<16xi32>
        %add3A_2885 = arith.addi %add3A_2884, %mul3A_5 : vector<16xi32>
        %add3A_2886 = arith.constant 33 : i32
        %add3A_2887 = vector.broadcast %add3A_2886 : i32 to vector<16xi32>
        %add3A_2888 = arith.addi %add3A_2885, %add3A_2887 : vector<16xi32>
        %gather3A_2889 = tpu.vector_load_idx %arg9[%broadcast_in_dim3A_2803, %add3A_2888] : memref<512x128xi32, #tpu.memory_space<vmem>>[vector<16xi32>, vector<16xi32>], vector<16xi32>,
        %shift_left3A_2890 = vector.broadcast %sub3A_2784 : i32 to vector<16xi32>
        %shift_left3A_2891 = arith.shli %gather3A_2883, %shift_left3A_2890 : vector<16xi32>
        %shift_right_arithmetic3A_2892 = arith.constant 24 : i32
        %shift_right_arithmetic3A_2893 = vector.broadcast %shift_right_arithmetic3A_2892 : i32 to vector<16xi32>
        %shift_right_arithmetic3A_2894 = arith.shrsi %shift_left3A_2891, %shift_right_arithmetic3A_2893 : vector<16xi32>
        %shift_left3A_2895 = vector.broadcast %sub3A_2784 : i32 to vector<16xi32>
        %shift_left3A_2896 = arith.shli %gather3A_2889, %shift_left3A_2895 : vector<16xi32>
        %shift_right_arithmetic3A_2897 = arith.constant 24 : i32
        %shift_right_arithmetic3A_2898 = vector.broadcast %shift_right_arithmetic3A_2897 : i32 to vector<16xi32>
        %shift_right_arithmetic3A_2899 = arith.shrsi %shift_left3A_2896, %shift_right_arithmetic3A_2898 : vector<16xi32>
        %convert_element_type3A_2900 = arith.sitofp %shift_right_arithmetic3A_2894 : vector<16xi32> to vector<16xf32>
        %mul3A_2901 = vector.broadcast %squeeze3A_2738 : f32 to vector<16xf32>
        %mul3A_2902 = arith.mulf %convert_element_type3A_2900, %mul3A_2901 : vector<16xf32>
        %bitcast_convert_type3A_2903 = tpu.bitcast %mul3A_2902 : vector<16xf32> -> vector<16xi32>
        %and3A_2904 = arith.constant 2147483647 : i32
        %and3A_2905 = vector.broadcast %and3A_2904 : i32 to vector<16xi32>
        %and3A_2906 = arith.andi %bitcast_convert_type3A_2903, %and3A_2905 : vector<16xi32>
        %add3A_2907 = arith.constant 4095 : i32
        %add3A_2908 = vector.broadcast %add3A_2907 : i32 to vector<16xi32>
        %add3A_2909 = arith.addi %and3A_2906, %add3A_2908 : vector<16xi32>
        %shift_right_logical3A_2910 = arith.constant 13 : i32
        %shift_right_logical3A_2911 = vector.broadcast %shift_right_logical3A_2910 : i32 to vector<16xi32>
        %shift_right_logical3A_2912 = arith.shrui %add3A_2909, %shift_right_logical3A_2911 : vector<16xi32>
        %shift_right_logical3A_2913 = arith.constant 16 : i32
        %shift_right_logical3A_2914 = vector.broadcast %shift_right_logical3A_2913 : i32 to vector<16xi32>
        %shift_right_logical3A_2915 = arith.shrui %bitcast_convert_type3A_2903, %shift_right_logical3A_2914 : vector<16xi32>
        %and3A_2916 = arith.constant 32768 : i32
        %and3A_2917 = vector.broadcast %and3A_2916 : i32 to vector<16xi32>
        %and3A_2918 = arith.andi %shift_right_logical3A_2915, %and3A_2917 : vector<16xi32>
        %or3A_2919 = arith.ori %shift_right_logical3A_2912, %and3A_2918 : vector<16xi32>
        %convert_element_type3A_2920 = arith.sitofp %shift_right_arithmetic3A_2899 : vector<16xi32> to vector<16xf32>
        %mul3A_2921 = vector.broadcast %squeeze3A_2738 : f32 to vector<16xf32>
        %mul3A_2922 = arith.mulf %convert_element_type3A_2920, %mul3A_2921 : vector<16xf32>
        %bitcast_convert_type3A_2923 = tpu.bitcast %mul3A_2922 : vector<16xf32> -> vector<16xi32>
        %and3A_2924 = arith.constant 2147483647 : i32
        %and3A_2925 = vector.broadcast %and3A_2924 : i32 to vector<16xi32>
        %and3A_2926 = arith.andi %bitcast_convert_type3A_2923, %and3A_2925 : vector<16xi32>
        %add3A_2927 = arith.constant 4095 : i32
        %add3A_2928 = vector.broadcast %add3A_2927 : i32 to vector<16xi32>
        %add3A_2929 = arith.addi %and3A_2926, %add3A_2928 : vector<16xi32>
        %shift_right_logical3A_2930 = arith.constant 13 : i32
        %shift_right_logical3A_2931 = vector.broadcast %shift_right_logical3A_2930 : i32 to vector<16xi32>
        %shift_right_logical3A_2932 = arith.shrui %add3A_2929, %shift_right_logical3A_2931 : vector<16xi32>
        %shift_right_logical3A_2933 = arith.constant 16 : i32
        %shift_right_logical3A_2934 = vector.broadcast %shift_right_logical3A_2933 : i32 to vector<16xi32>
        %shift_right_logical3A_2935 = arith.shrui %bitcast_convert_type3A_2923, %shift_right_logical3A_2934 : vector<16xi32>
        %and3A_2936 = arith.constant 32768 : i32
        %and3A_2937 = vector.broadcast %and3A_2936 : i32 to vector<16xi32>
        %and3A_2938 = arith.andi %shift_right_logical3A_2935, %and3A_2937 : vector<16xi32>
        %or3A_2939 = arith.ori %shift_right_logical3A_2932, %and3A_2938 : vector<16xi32>
        %shift_left3A_2940 = arith.constant 16 : i32
        %shift_left3A_2941 = vector.broadcast %shift_left3A_2940 : i32 to vector<16xi32>
        %shift_left3A_2942 = arith.shli %or3A_2939, %shift_left3A_2941 : vector<16xi32>
        %or3A_2943 = arith.ori %or3A_2919, %shift_left3A_2942 : vector<16xi32>
        %mul3A_2944 = arith.constant 2 : i32
        %mul3A_2945 = arith.muli %add3A_2736, %mul3A_2944 : i32
        %mul3A_2946 = arith.constant 16 : i32
        %mul3A_2947 = arith.muli %mul3A_2945, %mul3A_2946 : i32
        %add3A_2948 = arith.constant 16 : i32
        %add3A_2949 = arith.addi %mul3A_2947, %add3A_2948 : i32
        %swap3A_2950 = arith.index_cast %add3A_2949 : i32 to index
        %swap3A_2951 = tpu.vector_load %arg10[%swap3A_2950] {strides = array<i32>} : memref<16384xi32, #tpu.memory_space<vmem>>, vector<16xi32>,
        tpu.vector_store %arg10[%swap3A_2950], %or3A_2943 {strides = array<i32>} : memref<16384xi32, #tpu.memory_space<vmem>>, vector<16xi32>,
        %add3A_2952 = arith.constant 13 : i32
        %add3A_2953 = arith.addi %add3A_131, %add3A_2952 : i32
        %slice3A_2954 = vector.extract_strided_slice %mul3A_142 {offsets = [13], sizes = [1], strides = [1]} : vector<16xf32> to vector<1xf32>
        %squeeze3A_2955 = vector.extract %slice3A_2954[0] : f32 from vector<1xf32>
        %slice3A_2956 = vector.extract_strided_slice %get3A_132 {offsets = [13], sizes = [1], strides = [1]} : vector<16xi32> to vector<1xi32>
        %squeeze3A_2957 = vector.extract %slice3A_2956[0] : i32 from vector<1xi32>
        %jit3A_2958 = arith.constant 2 : i32
        %div3A_2959 = arith.divsi %squeeze3A_2957, %jit3A_2958 : i32
        %sign3A_2960 = arith.constant 0 : i32
        %sign3A_2961 = arith.cmpi sgt, %squeeze3A_2957, %sign3A_2960 : i32
        %sign3A_2962 = arith.extui %sign3A_2961 : i1 to i32
        %sign3A_2963 = arith.constant 0 : i32
        %sign3A_2964 = arith.cmpi slt, %squeeze3A_2957, %sign3A_2963 : i32
        %sign3A_2965 = arith.extui %sign3A_2964 : i1 to i32
        %sign3A_2966 = arith.subi %sign3A_2962, %sign3A_2965 : i32
        %sign3A_2967 = arith.constant 0 : i32
        %sign3A_2968 = arith.cmpi sgt, %jit3A_2958, %sign3A_2967 : i32
        %sign3A_2969 = arith.extui %sign3A_2968 : i1 to i32
        %sign3A_2970 = arith.constant 0 : i32
        %sign3A_2971 = arith.cmpi slt, %jit3A_2958, %sign3A_2970 : i32
        %sign3A_2972 = arith.extui %sign3A_2971 : i1 to i32
        %sign3A_2973 = arith.subi %sign3A_2969, %sign3A_2972 : i32
        %ne3A_2974 = arith.cmpi ne, %sign3A_2966, %sign3A_2973 : i32
        %rem3A_2975 = arith.remsi %squeeze3A_2957, %jit3A_2958 : i32
        %ne3A_2976 = arith.constant 0 : i32
        %ne3A_2977 = arith.cmpi ne, %rem3A_2975, %ne3A_2976 : i32
        %and3A_2978 = arith.andi %ne3A_2974, %ne3A_2977 : i1
        %sub3A_2979 = arith.constant 1 : i32
        %sub3A_2980 = arith.subi %div3A_2959, %sub3A_2979 : i32
        %select_n3A_2981 = arith.select %and3A_2978, %sub3A_2980, %div3A_2959 : i32
        %jit3A_2982 = arith.constant 4 : i32
        %eq3A_2983 = arith.constant 0 : i32
        %eq3A_2984 = arith.cmpi eq, %jit3A_2982, %eq3A_2983 : i32
        %jit3A_2985 = arith.constant 1 : i32
        %select_n3A_2986 = arith.select %eq3A_2984, %jit3A_2985, %jit3A_2982 : i32
        %rem3A_2987 = arith.remsi %select_n3A_2981, %select_n3A_2986 : i32
        %ne3A_2988 = arith.constant 0 : i32
        %ne3A_2989 = arith.cmpi ne, %rem3A_2987, %ne3A_2988 : i32
        %lt3A_2990 = arith.constant 0 : i32
        %lt3A_2991 = arith.cmpi slt, %rem3A_2987, %lt3A_2990 : i32
        %lt3A_2992 = arith.constant 0 : i32
        %lt3A_2993 = arith.cmpi slt, %select_n3A_2986, %lt3A_2992 : i32
        %ne3A_2994 = arith.xori %lt3A_2991, %lt3A_2993 : i1
        %and3A_2995 = arith.andi %ne3A_2994, %ne3A_2989 : i1
        %add3A_2996 = arith.addi %rem3A_2987, %select_n3A_2986 : i32
        %select_n3A_2997 = arith.select %and3A_2995, %add3A_2996, %rem3A_2987 : i32
        %mul3A_2998 = arith.constant 8 : i32
        %mul3A_2999 = arith.muli %mul3A_2998, %select_n3A_2997 : i32
        %sub3A_3000 = arith.constant 24 : i32
        %sub3A_3001 = arith.subi %sub3A_3000, %mul3A_2999 : i32
        %jit3A_3002 = arith.constant 2 : i32
        %eq3A_3003 = arith.constant 0 : i32
        %eq3A_3004 = arith.cmpi eq, %jit3A_3002, %eq3A_3003 : i32
        %jit3A_3005 = arith.constant 1 : i32
        %select_n3A_3006 = arith.select %eq3A_3004, %jit3A_3005, %jit3A_3002 : i32
        %rem3A_3007 = arith.remsi %squeeze3A_2957, %select_n3A_3006 : i32
        %ne3A_3008 = arith.constant 0 : i32
        %ne3A_3009 = arith.cmpi ne, %rem3A_3007, %ne3A_3008 : i32
        %lt3A_3010 = arith.constant 0 : i32
        %lt3A_3011 = arith.cmpi slt, %rem3A_3007, %lt3A_3010 : i32
        %lt3A_3012 = arith.constant 0 : i32
        %lt3A_3013 = arith.cmpi slt, %select_n3A_3006, %lt3A_3012 : i32
        %ne3A_3014 = arith.xori %lt3A_3011, %lt3A_3013 : i1
        %and3A_3015 = arith.andi %ne3A_3014, %ne3A_3009 : i1
        %add3A_3016 = arith.addi %rem3A_3007, %select_n3A_3006 : i32
        %select_n3A_3017 = arith.select %and3A_3015, %add3A_3016, %rem3A_3007 : i32
        %mul3A_3018 = arith.constant 64 : i32
        %mul3A_3019 = arith.muli %select_n3A_3017, %mul3A_3018 : i32
        %broadcast_in_dim3A_3020 = vector.broadcast %add3A_2953 : i32 to vector<16xi32>
        %add3A_3021 = vector.broadcast %mul3A_3019 : i32 to vector<16xi32>
        %add3A_3022 = arith.addi %add3A_3021, %mul3A_5 : vector<16xi32>
        %add3A_3023 = arith.constant 0 : i32
        %add3A_3024 = vector.broadcast %add3A_3023 : i32 to vector<16xi32>
        %add3A_3025 = arith.addi %add3A_3022, %add3A_3024 : vector<16xi32>
        %gather3A_3026 = tpu.vector_load_idx %arg9[%broadcast_in_dim3A_3020, %add3A_3025] : memref<512x128xi32, #tpu.memory_space<vmem>>[vector<16xi32>, vector<16xi32>], vector<16xi32>,
        %add3A_3027 = vector.broadcast %mul3A_3019 : i32 to vector<16xi32>
        %add3A_3028 = arith.addi %add3A_3027, %mul3A_5 : vector<16xi32>
        %add3A_3029 = arith.constant 1 : i32
        %add3A_3030 = vector.broadcast %add3A_3029 : i32 to vector<16xi32>
        %add3A_3031 = arith.addi %add3A_3028, %add3A_3030 : vector<16xi32>
        %gather3A_3032 = tpu.vector_load_idx %arg9[%broadcast_in_dim3A_3020, %add3A_3031] : memref<512x128xi32, #tpu.memory_space<vmem>>[vector<16xi32>, vector<16xi32>], vector<16xi32>,
        %shift_left3A_3033 = vector.broadcast %sub3A_3001 : i32 to vector<16xi32>
        %shift_left3A_3034 = arith.shli %gather3A_3026, %shift_left3A_3033 : vector<16xi32>
        %shift_right_arithmetic3A_3035 = arith.constant 24 : i32
        %shift_right_arithmetic3A_3036 = vector.broadcast %shift_right_arithmetic3A_3035 : i32 to vector<16xi32>
        %shift_right_arithmetic3A_3037 = arith.shrsi %shift_left3A_3034, %shift_right_arithmetic3A_3036 : vector<16xi32>
        %shift_left3A_3038 = vector.broadcast %sub3A_3001 : i32 to vector<16xi32>
        %shift_left3A_3039 = arith.shli %gather3A_3032, %shift_left3A_3038 : vector<16xi32>
        %shift_right_arithmetic3A_3040 = arith.constant 24 : i32
        %shift_right_arithmetic3A_3041 = vector.broadcast %shift_right_arithmetic3A_3040 : i32 to vector<16xi32>
        %shift_right_arithmetic3A_3042 = arith.shrsi %shift_left3A_3039, %shift_right_arithmetic3A_3041 : vector<16xi32>
        %convert_element_type3A_3043 = arith.sitofp %shift_right_arithmetic3A_3037 : vector<16xi32> to vector<16xf32>
        %mul3A_3044 = vector.broadcast %squeeze3A_2955 : f32 to vector<16xf32>
        %mul3A_3045 = arith.mulf %convert_element_type3A_3043, %mul3A_3044 : vector<16xf32>
        %bitcast_convert_type3A_3046 = tpu.bitcast %mul3A_3045 : vector<16xf32> -> vector<16xi32>
        %and3A_3047 = arith.constant 2147483647 : i32
        %and3A_3048 = vector.broadcast %and3A_3047 : i32 to vector<16xi32>
        %and3A_3049 = arith.andi %bitcast_convert_type3A_3046, %and3A_3048 : vector<16xi32>
        %add3A_3050 = arith.constant 4095 : i32
        %add3A_3051 = vector.broadcast %add3A_3050 : i32 to vector<16xi32>
        %add3A_3052 = arith.addi %and3A_3049, %add3A_3051 : vector<16xi32>
        %shift_right_logical3A_3053 = arith.constant 13 : i32
        %shift_right_logical3A_3054 = vector.broadcast %shift_right_logical3A_3053 : i32 to vector<16xi32>
        %shift_right_logical3A_3055 = arith.shrui %add3A_3052, %shift_right_logical3A_3054 : vector<16xi32>
        %shift_right_logical3A_3056 = arith.constant 16 : i32
        %shift_right_logical3A_3057 = vector.broadcast %shift_right_logical3A_3056 : i32 to vector<16xi32>
        %shift_right_logical3A_3058 = arith.shrui %bitcast_convert_type3A_3046, %shift_right_logical3A_3057 : vector<16xi32>
        %and3A_3059 = arith.constant 32768 : i32
        %and3A_3060 = vector.broadcast %and3A_3059 : i32 to vector<16xi32>
        %and3A_3061 = arith.andi %shift_right_logical3A_3058, %and3A_3060 : vector<16xi32>
        %or3A_3062 = arith.ori %shift_right_logical3A_3055, %and3A_3061 : vector<16xi32>
        %convert_element_type3A_3063 = arith.sitofp %shift_right_arithmetic3A_3042 : vector<16xi32> to vector<16xf32>
        %mul3A_3064 = vector.broadcast %squeeze3A_2955 : f32 to vector<16xf32>
        %mul3A_3065 = arith.mulf %convert_element_type3A_3063, %mul3A_3064 : vector<16xf32>
        %bitcast_convert_type3A_3066 = tpu.bitcast %mul3A_3065 : vector<16xf32> -> vector<16xi32>
        %and3A_3067 = arith.constant 2147483647 : i32
        %and3A_3068 = vector.broadcast %and3A_3067 : i32 to vector<16xi32>
        %and3A_3069 = arith.andi %bitcast_convert_type3A_3066, %and3A_3068 : vector<16xi32>
        %add3A_3070 = arith.constant 4095 : i32
        %add3A_3071 = vector.broadcast %add3A_3070 : i32 to vector<16xi32>
        %add3A_3072 = arith.addi %and3A_3069, %add3A_3071 : vector<16xi32>
        %shift_right_logical3A_3073 = arith.constant 13 : i32
        %shift_right_logical3A_3074 = vector.broadcast %shift_right_logical3A_3073 : i32 to vector<16xi32>
        %shift_right_logical3A_3075 = arith.shrui %add3A_3072, %shift_right_logical3A_3074 : vector<16xi32>
        %shift_right_logical3A_3076 = arith.constant 16 : i32
        %shift_right_logical3A_3077 = vector.broadcast %shift_right_logical3A_3076 : i32 to vector<16xi32>
        %shift_right_logical3A_3078 = arith.shrui %bitcast_convert_type3A_3066, %shift_right_logical3A_3077 : vector<16xi32>
        %and3A_3079 = arith.constant 32768 : i32
        %and3A_3080 = vector.broadcast %and3A_3079 : i32 to vector<16xi32>
        %and3A_3081 = arith.andi %shift_right_logical3A_3078, %and3A_3080 : vector<16xi32>
        %or3A_3082 = arith.ori %shift_right_logical3A_3075, %and3A_3081 : vector<16xi32>
        %shift_left3A_3083 = arith.constant 16 : i32
        %shift_left3A_3084 = vector.broadcast %shift_left3A_3083 : i32 to vector<16xi32>
        %shift_left3A_3085 = arith.shli %or3A_3082, %shift_left3A_3084 : vector<16xi32>
        %or3A_3086 = arith.ori %or3A_3062, %shift_left3A_3085 : vector<16xi32>
        %mul3A_3087 = arith.constant 2 : i32
        %mul3A_3088 = arith.muli %add3A_2953, %mul3A_3087 : i32
        %mul3A_3089 = arith.constant 16 : i32
        %mul3A_3090 = arith.muli %mul3A_3088, %mul3A_3089 : i32
        %add3A_3091 = arith.constant 0 : i32
        %add3A_3092 = arith.addi %mul3A_3090, %add3A_3091 : i32
        %swap3A_3093 = arith.index_cast %add3A_3092 : i32 to index
        %swap3A_3094 = tpu.vector_load %arg10[%swap3A_3093] {strides = array<i32>} : memref<16384xi32, #tpu.memory_space<vmem>>, vector<16xi32>,
        tpu.vector_store %arg10[%swap3A_3093], %or3A_3086 {strides = array<i32>} : memref<16384xi32, #tpu.memory_space<vmem>>, vector<16xi32>,
        %add3A_3095 = vector.broadcast %mul3A_3019 : i32 to vector<16xi32>
        %add3A_3096 = arith.addi %add3A_3095, %mul3A_5 : vector<16xi32>
        %add3A_3097 = arith.constant 32 : i32
        %add3A_3098 = vector.broadcast %add3A_3097 : i32 to vector<16xi32>
        %add3A_3099 = arith.addi %add3A_3096, %add3A_3098 : vector<16xi32>
        %gather3A_3100 = tpu.vector_load_idx %arg9[%broadcast_in_dim3A_3020, %add3A_3099] : memref<512x128xi32, #tpu.memory_space<vmem>>[vector<16xi32>, vector<16xi32>], vector<16xi32>,
        %add3A_3101 = vector.broadcast %mul3A_3019 : i32 to vector<16xi32>
        %add3A_3102 = arith.addi %add3A_3101, %mul3A_5 : vector<16xi32>
        %add3A_3103 = arith.constant 33 : i32
        %add3A_3104 = vector.broadcast %add3A_3103 : i32 to vector<16xi32>
        %add3A_3105 = arith.addi %add3A_3102, %add3A_3104 : vector<16xi32>
        %gather3A_3106 = tpu.vector_load_idx %arg9[%broadcast_in_dim3A_3020, %add3A_3105] : memref<512x128xi32, #tpu.memory_space<vmem>>[vector<16xi32>, vector<16xi32>], vector<16xi32>,
        %shift_left3A_3107 = vector.broadcast %sub3A_3001 : i32 to vector<16xi32>
        %shift_left3A_3108 = arith.shli %gather3A_3100, %shift_left3A_3107 : vector<16xi32>
        %shift_right_arithmetic3A_3109 = arith.constant 24 : i32
        %shift_right_arithmetic3A_3110 = vector.broadcast %shift_right_arithmetic3A_3109 : i32 to vector<16xi32>
        %shift_right_arithmetic3A_3111 = arith.shrsi %shift_left3A_3108, %shift_right_arithmetic3A_3110 : vector<16xi32>
        %shift_left3A_3112 = vector.broadcast %sub3A_3001 : i32 to vector<16xi32>
        %shift_left3A_3113 = arith.shli %gather3A_3106, %shift_left3A_3112 : vector<16xi32>
        %shift_right_arithmetic3A_3114 = arith.constant 24 : i32
        %shift_right_arithmetic3A_3115 = vector.broadcast %shift_right_arithmetic3A_3114 : i32 to vector<16xi32>
        %shift_right_arithmetic3A_3116 = arith.shrsi %shift_left3A_3113, %shift_right_arithmetic3A_3115 : vector<16xi32>
        %convert_element_type3A_3117 = arith.sitofp %shift_right_arithmetic3A_3111 : vector<16xi32> to vector<16xf32>
        %mul3A_3118 = vector.broadcast %squeeze3A_2955 : f32 to vector<16xf32>
        %mul3A_3119 = arith.mulf %convert_element_type3A_3117, %mul3A_3118 : vector<16xf32>
        %bitcast_convert_type3A_3120 = tpu.bitcast %mul3A_3119 : vector<16xf32> -> vector<16xi32>
        %and3A_3121 = arith.constant 2147483647 : i32
        %and3A_3122 = vector.broadcast %and3A_3121 : i32 to vector<16xi32>
        %and3A_3123 = arith.andi %bitcast_convert_type3A_3120, %and3A_3122 : vector<16xi32>
        %add3A_3124 = arith.constant 4095 : i32
        %add3A_3125 = vector.broadcast %add3A_3124 : i32 to vector<16xi32>
        %add3A_3126 = arith.addi %and3A_3123, %add3A_3125 : vector<16xi32>
        %shift_right_logical3A_3127 = arith.constant 13 : i32
        %shift_right_logical3A_3128 = vector.broadcast %shift_right_logical3A_3127 : i32 to vector<16xi32>
        %shift_right_logical3A_3129 = arith.shrui %add3A_3126, %shift_right_logical3A_3128 : vector<16xi32>
        %shift_right_logical3A_3130 = arith.constant 16 : i32
        %shift_right_logical3A_3131 = vector.broadcast %shift_right_logical3A_3130 : i32 to vector<16xi32>
        %shift_right_logical3A_3132 = arith.shrui %bitcast_convert_type3A_3120, %shift_right_logical3A_3131 : vector<16xi32>
        %and3A_3133 = arith.constant 32768 : i32
        %and3A_3134 = vector.broadcast %and3A_3133 : i32 to vector<16xi32>
        %and3A_3135 = arith.andi %shift_right_logical3A_3132, %and3A_3134 : vector<16xi32>
        %or3A_3136 = arith.ori %shift_right_logical3A_3129, %and3A_3135 : vector<16xi32>
        %convert_element_type3A_3137 = arith.sitofp %shift_right_arithmetic3A_3116 : vector<16xi32> to vector<16xf32>
        %mul3A_3138 = vector.broadcast %squeeze3A_2955 : f32 to vector<16xf32>
        %mul3A_3139 = arith.mulf %convert_element_type3A_3137, %mul3A_3138 : vector<16xf32>
        %bitcast_convert_type3A_3140 = tpu.bitcast %mul3A_3139 : vector<16xf32> -> vector<16xi32>
        %and3A_3141 = arith.constant 2147483647 : i32
        %and3A_3142 = vector.broadcast %and3A_3141 : i32 to vector<16xi32>
        %and3A_3143 = arith.andi %bitcast_convert_type3A_3140, %and3A_3142 : vector<16xi32>
        %add3A_3144 = arith.constant 4095 : i32
        %add3A_3145 = vector.broadcast %add3A_3144 : i32 to vector<16xi32>
        %add3A_3146 = arith.addi %and3A_3143, %add3A_3145 : vector<16xi32>
        %shift_right_logical3A_3147 = arith.constant 13 : i32
        %shift_right_logical3A_3148 = vector.broadcast %shift_right_logical3A_3147 : i32 to vector<16xi32>
        %shift_right_logical3A_3149 = arith.shrui %add3A_3146, %shift_right_logical3A_3148 : vector<16xi32>
        %shift_right_logical3A_3150 = arith.constant 16 : i32
        %shift_right_logical3A_3151 = vector.broadcast %shift_right_logical3A_3150 : i32 to vector<16xi32>
        %shift_right_logical3A_3152 = arith.shrui %bitcast_convert_type3A_3140, %shift_right_logical3A_3151 : vector<16xi32>
        %and3A_3153 = arith.constant 32768 : i32
        %and3A_3154 = vector.broadcast %and3A_3153 : i32 to vector<16xi32>
        %and3A_3155 = arith.andi %shift_right_logical3A_3152, %and3A_3154 : vector<16xi32>
        %or3A_3156 = arith.ori %shift_right_logical3A_3149, %and3A_3155 : vector<16xi32>
        %shift_left3A_3157 = arith.constant 16 : i32
        %shift_left3A_3158 = vector.broadcast %shift_left3A_3157 : i32 to vector<16xi32>
        %shift_left3A_3159 = arith.shli %or3A_3156, %shift_left3A_3158 : vector<16xi32>
        %or3A_3160 = arith.ori %or3A_3136, %shift_left3A_3159 : vector<16xi32>
        %mul3A_3161 = arith.constant 2 : i32
        %mul3A_3162 = arith.muli %add3A_2953, %mul3A_3161 : i32
        %mul3A_3163 = arith.constant 16 : i32
        %mul3A_3164 = arith.muli %mul3A_3162, %mul3A_3163 : i32
        %add3A_3165 = arith.constant 16 : i32
        %add3A_3166 = arith.addi %mul3A_3164, %add3A_3165 : i32
        %swap3A_3167 = arith.index_cast %add3A_3166 : i32 to index
        %swap3A_3168 = tpu.vector_load %arg10[%swap3A_3167] {strides = array<i32>} : memref<16384xi32, #tpu.memory_space<vmem>>, vector<16xi32>,
        tpu.vector_store %arg10[%swap3A_3167], %or3A_3160 {strides = array<i32>} : memref<16384xi32, #tpu.memory_space<vmem>>, vector<16xi32>,
        %add3A_3169 = arith.constant 14 : i32
        %add3A_3170 = arith.addi %add3A_131, %add3A_3169 : i32
        %slice3A_3171 = vector.extract_strided_slice %mul3A_142 {offsets = [14], sizes = [1], strides = [1]} : vector<16xf32> to vector<1xf32>
        %squeeze3A_3172 = vector.extract %slice3A_3171[0] : f32 from vector<1xf32>
        %slice3A_3173 = vector.extract_strided_slice %get3A_132 {offsets = [14], sizes = [1], strides = [1]} : vector<16xi32> to vector<1xi32>
        %squeeze3A_3174 = vector.extract %slice3A_3173[0] : i32 from vector<1xi32>
        %jit3A_3175 = arith.constant 2 : i32
        %div3A_3176 = arith.divsi %squeeze3A_3174, %jit3A_3175 : i32
        %sign3A_3177 = arith.constant 0 : i32
        %sign3A_3178 = arith.cmpi sgt, %squeeze3A_3174, %sign3A_3177 : i32
        %sign3A_3179 = arith.extui %sign3A_3178 : i1 to i32
        %sign3A_3180 = arith.constant 0 : i32
        %sign3A_3181 = arith.cmpi slt, %squeeze3A_3174, %sign3A_3180 : i32
        %sign3A_3182 = arith.extui %sign3A_3181 : i1 to i32
        %sign3A_3183 = arith.subi %sign3A_3179, %sign3A_3182 : i32
        %sign3A_3184 = arith.constant 0 : i32
        %sign3A_3185 = arith.cmpi sgt, %jit3A_3175, %sign3A_3184 : i32
        %sign3A_3186 = arith.extui %sign3A_3185 : i1 to i32
        %sign3A_3187 = arith.constant 0 : i32
        %sign3A_3188 = arith.cmpi slt, %jit3A_3175, %sign3A_3187 : i32
        %sign3A_3189 = arith.extui %sign3A_3188 : i1 to i32
        %sign3A_3190 = arith.subi %sign3A_3186, %sign3A_3189 : i32
        %ne3A_3191 = arith.cmpi ne, %sign3A_3183, %sign3A_3190 : i32
        %rem3A_3192 = arith.remsi %squeeze3A_3174, %jit3A_3175 : i32
        %ne3A_3193 = arith.constant 0 : i32
        %ne3A_3194 = arith.cmpi ne, %rem3A_3192, %ne3A_3193 : i32
        %and3A_3195 = arith.andi %ne3A_3191, %ne3A_3194 : i1
        %sub3A_3196 = arith.constant 1 : i32
        %sub3A_3197 = arith.subi %div3A_3176, %sub3A_3196 : i32
        %select_n3A_3198 = arith.select %and3A_3195, %sub3A_3197, %div3A_3176 : i32
        %jit3A_3199 = arith.constant 4 : i32
        %eq3A_3200 = arith.constant 0 : i32
        %eq3A_3201 = arith.cmpi eq, %jit3A_3199, %eq3A_3200 : i32
        %jit3A_3202 = arith.constant 1 : i32
        %select_n3A_3203 = arith.select %eq3A_3201, %jit3A_3202, %jit3A_3199 : i32
        %rem3A_3204 = arith.remsi %select_n3A_3198, %select_n3A_3203 : i32
        %ne3A_3205 = arith.constant 0 : i32
        %ne3A_3206 = arith.cmpi ne, %rem3A_3204, %ne3A_3205 : i32
        %lt3A_3207 = arith.constant 0 : i32
        %lt3A_3208 = arith.cmpi slt, %rem3A_3204, %lt3A_3207 : i32
        %lt3A_3209 = arith.constant 0 : i32
        %lt3A_3210 = arith.cmpi slt, %select_n3A_3203, %lt3A_3209 : i32
        %ne3A_3211 = arith.xori %lt3A_3208, %lt3A_3210 : i1
        %and3A_3212 = arith.andi %ne3A_3211, %ne3A_3206 : i1
        %add3A_3213 = arith.addi %rem3A_3204, %select_n3A_3203 : i32
        %select_n3A_3214 = arith.select %and3A_3212, %add3A_3213, %rem3A_3204 : i32
        %mul3A_3215 = arith.constant 8 : i32
        %mul3A_3216 = arith.muli %mul3A_3215, %select_n3A_3214 : i32
        %sub3A_3217 = arith.constant 24 : i32
        %sub3A_3218 = arith.subi %sub3A_3217, %mul3A_3216 : i32
        %jit3A_3219 = arith.constant 2 : i32
        %eq3A_3220 = arith.constant 0 : i32
        %eq3A_3221 = arith.cmpi eq, %jit3A_3219, %eq3A_3220 : i32
        %jit3A_3222 = arith.constant 1 : i32
        %select_n3A_3223 = arith.select %eq3A_3221, %jit3A_3222, %jit3A_3219 : i32
        %rem3A_3224 = arith.remsi %squeeze3A_3174, %select_n3A_3223 : i32
        %ne3A_3225 = arith.constant 0 : i32
        %ne3A_3226 = arith.cmpi ne, %rem3A_3224, %ne3A_3225 : i32
        %lt3A_3227 = arith.constant 0 : i32
        %lt3A_3228 = arith.cmpi slt, %rem3A_3224, %lt3A_3227 : i32
        %lt3A_3229 = arith.constant 0 : i32
        %lt3A_3230 = arith.cmpi slt, %select_n3A_3223, %lt3A_3229 : i32
        %ne3A_3231 = arith.xori %lt3A_3228, %lt3A_3230 : i1
        %and3A_3232 = arith.andi %ne3A_3231, %ne3A_3226 : i1
        %add3A_3233 = arith.addi %rem3A_3224, %select_n3A_3223 : i32
        %select_n3A_3234 = arith.select %and3A_3232, %add3A_3233, %rem3A_3224 : i32
        %mul3A_3235 = arith.constant 64 : i32
        %mul3A_3236 = arith.muli %select_n3A_3234, %mul3A_3235 : i32
        %broadcast_in_dim3A_3237 = vector.broadcast %add3A_3170 : i32 to vector<16xi32>
        %add3A_3238 = vector.broadcast %mul3A_3236 : i32 to vector<16xi32>
        %add3A_3239 = arith.addi %add3A_3238, %mul3A_5 : vector<16xi32>
        %add3A_3240 = arith.constant 0 : i32
        %add3A_3241 = vector.broadcast %add3A_3240 : i32 to vector<16xi32>
        %add3A_3242 = arith.addi %add3A_3239, %add3A_3241 : vector<16xi32>
        %gather3A_3243 = tpu.vector_load_idx %arg9[%broadcast_in_dim3A_3237, %add3A_3242] : memref<512x128xi32, #tpu.memory_space<vmem>>[vector<16xi32>, vector<16xi32>], vector<16xi32>,
        %add3A_3244 = vector.broadcast %mul3A_3236 : i32 to vector<16xi32>
        %add3A_3245 = arith.addi %add3A_3244, %mul3A_5 : vector<16xi32>
        %add3A_3246 = arith.constant 1 : i32
        %add3A_3247 = vector.broadcast %add3A_3246 : i32 to vector<16xi32>
        %add3A_3248 = arith.addi %add3A_3245, %add3A_3247 : vector<16xi32>
        %gather3A_3249 = tpu.vector_load_idx %arg9[%broadcast_in_dim3A_3237, %add3A_3248] : memref<512x128xi32, #tpu.memory_space<vmem>>[vector<16xi32>, vector<16xi32>], vector<16xi32>,
        %shift_left3A_3250 = vector.broadcast %sub3A_3218 : i32 to vector<16xi32>
        %shift_left3A_3251 = arith.shli %gather3A_3243, %shift_left3A_3250 : vector<16xi32>
        %shift_right_arithmetic3A_3252 = arith.constant 24 : i32
        %shift_right_arithmetic3A_3253 = vector.broadcast %shift_right_arithmetic3A_3252 : i32 to vector<16xi32>
        %shift_right_arithmetic3A_3254 = arith.shrsi %shift_left3A_3251, %shift_right_arithmetic3A_3253 : vector<16xi32>
        %shift_left3A_3255 = vector.broadcast %sub3A_3218 : i32 to vector<16xi32>
        %shift_left3A_3256 = arith.shli %gather3A_3249, %shift_left3A_3255 : vector<16xi32>
        %shift_right_arithmetic3A_3257 = arith.constant 24 : i32
        %shift_right_arithmetic3A_3258 = vector.broadcast %shift_right_arithmetic3A_3257 : i32 to vector<16xi32>
        %shift_right_arithmetic3A_3259 = arith.shrsi %shift_left3A_3256, %shift_right_arithmetic3A_3258 : vector<16xi32>
        %convert_element_type3A_3260 = arith.sitofp %shift_right_arithmetic3A_3254 : vector<16xi32> to vector<16xf32>
        %mul3A_3261 = vector.broadcast %squeeze3A_3172 : f32 to vector<16xf32>
        %mul3A_3262 = arith.mulf %convert_element_type3A_3260, %mul3A_3261 : vector<16xf32>
        %bitcast_convert_type3A_3263 = tpu.bitcast %mul3A_3262 : vector<16xf32> -> vector<16xi32>
        %and3A_3264 = arith.constant 2147483647 : i32
        %and3A_3265 = vector.broadcast %and3A_3264 : i32 to vector<16xi32>
        %and3A_3266 = arith.andi %bitcast_convert_type3A_3263, %and3A_3265 : vector<16xi32>
        %add3A_3267 = arith.constant 4095 : i32
        %add3A_3268 = vector.broadcast %add3A_3267 : i32 to vector<16xi32>
        %add3A_3269 = arith.addi %and3A_3266, %add3A_3268 : vector<16xi32>
        %shift_right_logical3A_3270 = arith.constant 13 : i32
        %shift_right_logical3A_3271 = vector.broadcast %shift_right_logical3A_3270 : i32 to vector<16xi32>
        %shift_right_logical3A_3272 = arith.shrui %add3A_3269, %shift_right_logical3A_3271 : vector<16xi32>
        %shift_right_logical3A_3273 = arith.constant 16 : i32
        %shift_right_logical3A_3274 = vector.broadcast %shift_right_logical3A_3273 : i32 to vector<16xi32>
        %shift_right_logical3A_3275 = arith.shrui %bitcast_convert_type3A_3263, %shift_right_logical3A_3274 : vector<16xi32>
        %and3A_3276 = arith.constant 32768 : i32
        %and3A_3277 = vector.broadcast %and3A_3276 : i32 to vector<16xi32>
        %and3A_3278 = arith.andi %shift_right_logical3A_3275, %and3A_3277 : vector<16xi32>
        %or3A_3279 = arith.ori %shift_right_logical3A_3272, %and3A_3278 : vector<16xi32>
        %convert_element_type3A_3280 = arith.sitofp %shift_right_arithmetic3A_3259 : vector<16xi32> to vector<16xf32>
        %mul3A_3281 = vector.broadcast %squeeze3A_3172 : f32 to vector<16xf32>
        %mul3A_3282 = arith.mulf %convert_element_type3A_3280, %mul3A_3281 : vector<16xf32>
        %bitcast_convert_type3A_3283 = tpu.bitcast %mul3A_3282 : vector<16xf32> -> vector<16xi32>
        %and3A_3284 = arith.constant 2147483647 : i32
        %and3A_3285 = vector.broadcast %and3A_3284 : i32 to vector<16xi32>
        %and3A_3286 = arith.andi %bitcast_convert_type3A_3283, %and3A_3285 : vector<16xi32>
        %add3A_3287 = arith.constant 4095 : i32
        %add3A_3288 = vector.broadcast %add3A_3287 : i32 to vector<16xi32>
        %add3A_3289 = arith.addi %and3A_3286, %add3A_3288 : vector<16xi32>
        %shift_right_logical3A_3290 = arith.constant 13 : i32
        %shift_right_logical3A_3291 = vector.broadcast %shift_right_logical3A_3290 : i32 to vector<16xi32>
        %shift_right_logical3A_3292 = arith.shrui %add3A_3289, %shift_right_logical3A_3291 : vector<16xi32>
        %shift_right_logical3A_3293 = arith.constant 16 : i32
        %shift_right_logical3A_3294 = vector.broadcast %shift_right_logical3A_3293 : i32 to vector<16xi32>
        %shift_right_logical3A_3295 = arith.shrui %bitcast_convert_type3A_3283, %shift_right_logical3A_3294 : vector<16xi32>
        %and3A_3296 = arith.constant 32768 : i32
        %and3A_3297 = vector.broadcast %and3A_3296 : i32 to vector<16xi32>
        %and3A_3298 = arith.andi %shift_right_logical3A_3295, %and3A_3297 : vector<16xi32>
        %or3A_3299 = arith.ori %shift_right_logical3A_3292, %and3A_3298 : vector<16xi32>
        %shift_left3A_3300 = arith.constant 16 : i32
        %shift_left3A_3301 = vector.broadcast %shift_left3A_3300 : i32 to vector<16xi32>
        %shift_left3A_3302 = arith.shli %or3A_3299, %shift_left3A_3301 : vector<16xi32>
        %or3A_3303 = arith.ori %or3A_3279, %shift_left3A_3302 : vector<16xi32>
        %mul3A_3304 = arith.constant 2 : i32
        %mul3A_3305 = arith.muli %add3A_3170, %mul3A_3304 : i32
        %mul3A_3306 = arith.constant 16 : i32
        %mul3A_3307 = arith.muli %mul3A_3305, %mul3A_3306 : i32
        %add3A_3308 = arith.constant 0 : i32
        %add3A_3309 = arith.addi %mul3A_3307, %add3A_3308 : i32
        %swap3A_3310 = arith.index_cast %add3A_3309 : i32 to index
        %swap3A_3311 = tpu.vector_load %arg10[%swap3A_3310] {strides = array<i32>} : memref<16384xi32, #tpu.memory_space<vmem>>, vector<16xi32>,
        tpu.vector_store %arg10[%swap3A_3310], %or3A_3303 {strides = array<i32>} : memref<16384xi32, #tpu.memory_space<vmem>>, vector<16xi32>,
        %add3A_3312 = vector.broadcast %mul3A_3236 : i32 to vector<16xi32>
        %add3A_3313 = arith.addi %add3A_3312, %mul3A_5 : vector<16xi32>
        %add3A_3314 = arith.constant 32 : i32
        %add3A_3315 = vector.broadcast %add3A_3314 : i32 to vector<16xi32>
        %add3A_3316 = arith.addi %add3A_3313, %add3A_3315 : vector<16xi32>
        %gather3A_3317 = tpu.vector_load_idx %arg9[%broadcast_in_dim3A_3237, %add3A_3316] : memref<512x128xi32, #tpu.memory_space<vmem>>[vector<16xi32>, vector<16xi32>], vector<16xi32>,
        %add3A_3318 = vector.broadcast %mul3A_3236 : i32 to vector<16xi32>
        %add3A_3319 = arith.addi %add3A_3318, %mul3A_5 : vector<16xi32>
        %add3A_3320 = arith.constant 33 : i32
        %add3A_3321 = vector.broadcast %add3A_3320 : i32 to vector<16xi32>
        %add3A_3322 = arith.addi %add3A_3319, %add3A_3321 : vector<16xi32>
        %gather3A_3323 = tpu.vector_load_idx %arg9[%broadcast_in_dim3A_3237, %add3A_3322] : memref<512x128xi32, #tpu.memory_space<vmem>>[vector<16xi32>, vector<16xi32>], vector<16xi32>,
        %shift_left3A_3324 = vector.broadcast %sub3A_3218 : i32 to vector<16xi32>
        %shift_left3A_3325 = arith.shli %gather3A_3317, %shift_left3A_3324 : vector<16xi32>
        %shift_right_arithmetic3A_3326 = arith.constant 24 : i32
        %shift_right_arithmetic3A_3327 = vector.broadcast %shift_right_arithmetic3A_3326 : i32 to vector<16xi32>
        %shift_right_arithmetic3A_3328 = arith.shrsi %shift_left3A_3325, %shift_right_arithmetic3A_3327 : vector<16xi32>
        %shift_left3A_3329 = vector.broadcast %sub3A_3218 : i32 to vector<16xi32>
        %shift_left3A_3330 = arith.shli %gather3A_3323, %shift_left3A_3329 : vector<16xi32>
        %shift_right_arithmetic3A_3331 = arith.constant 24 : i32
        %shift_right_arithmetic3A_3332 = vector.broadcast %shift_right_arithmetic3A_3331 : i32 to vector<16xi32>
        %shift_right_arithmetic3A_3333 = arith.shrsi %shift_left3A_3330, %shift_right_arithmetic3A_3332 : vector<16xi32>
        %convert_element_type3A_3334 = arith.sitofp %shift_right_arithmetic3A_3328 : vector<16xi32> to vector<16xf32>
        %mul3A_3335 = vector.broadcast %squeeze3A_3172 : f32 to vector<16xf32>
        %mul3A_3336 = arith.mulf %convert_element_type3A_3334, %mul3A_3335 : vector<16xf32>
        %bitcast_convert_type3A_3337 = tpu.bitcast %mul3A_3336 : vector<16xf32> -> vector<16xi32>
        %and3A_3338 = arith.constant 2147483647 : i32
        %and3A_3339 = vector.broadcast %and3A_3338 : i32 to vector<16xi32>
        %and3A_3340 = arith.andi %bitcast_convert_type3A_3337, %and3A_3339 : vector<16xi32>
        %add3A_3341 = arith.constant 4095 : i32
        %add3A_3342 = vector.broadcast %add3A_3341 : i32 to vector<16xi32>
        %add3A_3343 = arith.addi %and3A_3340, %add3A_3342 : vector<16xi32>
        %shift_right_logical3A_3344 = arith.constant 13 : i32
        %shift_right_logical3A_3345 = vector.broadcast %shift_right_logical3A_3344 : i32 to vector<16xi32>
        %shift_right_logical3A_3346 = arith.shrui %add3A_3343, %shift_right_logical3A_3345 : vector<16xi32>
        %shift_right_logical3A_3347 = arith.constant 16 : i32
        %shift_right_logical3A_3348 = vector.broadcast %shift_right_logical3A_3347 : i32 to vector<16xi32>
        %shift_right_logical3A_3349 = arith.shrui %bitcast_convert_type3A_3337, %shift_right_logical3A_3348 : vector<16xi32>
        %and3A_3350 = arith.constant 32768 : i32
        %and3A_3351 = vector.broadcast %and3A_3350 : i32 to vector<16xi32>
        %and3A_3352 = arith.andi %shift_right_logical3A_3349, %and3A_3351 : vector<16xi32>
        %or3A_3353 = arith.ori %shift_right_logical3A_3346, %and3A_3352 : vector<16xi32>
        %convert_element_type3A_3354 = arith.sitofp %shift_right_arithmetic3A_3333 : vector<16xi32> to vector<16xf32>
        %mul3A_3355 = vector.broadcast %squeeze3A_3172 : f32 to vector<16xf32>
        %mul3A_3356 = arith.mulf %convert_element_type3A_3354, %mul3A_3355 : vector<16xf32>
        %bitcast_convert_type3A_3357 = tpu.bitcast %mul3A_3356 : vector<16xf32> -> vector<16xi32>
        %and3A_3358 = arith.constant 2147483647 : i32
        %and3A_3359 = vector.broadcast %and3A_3358 : i32 to vector<16xi32>
        %and3A_3360 = arith.andi %bitcast_convert_type3A_3357, %and3A_3359 : vector<16xi32>
        %add3A_3361 = arith.constant 4095 : i32
        %add3A_3362 = vector.broadcast %add3A_3361 : i32 to vector<16xi32>
        %add3A_3363 = arith.addi %and3A_3360, %add3A_3362 : vector<16xi32>
        %shift_right_logical3A_3364 = arith.constant 13 : i32
        %shift_right_logical3A_3365 = vector.broadcast %shift_right_logical3A_3364 : i32 to vector<16xi32>
        %shift_right_logical3A_3366 = arith.shrui %add3A_3363, %shift_right_logical3A_3365 : vector<16xi32>
        %shift_right_logical3A_3367 = arith.constant 16 : i32
        %shift_right_logical3A_3368 = vector.broadcast %shift_right_logical3A_3367 : i32 to vector<16xi32>
        %shift_right_logical3A_3369 = arith.shrui %bitcast_convert_type3A_3357, %shift_right_logical3A_3368 : vector<16xi32>
        %and3A_3370 = arith.constant 32768 : i32
        %and3A_3371 = vector.broadcast %and3A_3370 : i32 to vector<16xi32>
        %and3A_3372 = arith.andi %shift_right_logical3A_3369, %and3A_3371 : vector<16xi32>
        %or3A_3373 = arith.ori %shift_right_logical3A_3366, %and3A_3372 : vector<16xi32>
        %shift_left3A_3374 = arith.constant 16 : i32
        %shift_left3A_3375 = vector.broadcast %shift_left3A_3374 : i32 to vector<16xi32>
        %shift_left3A_3376 = arith.shli %or3A_3373, %shift_left3A_3375 : vector<16xi32>
        %or3A_3377 = arith.ori %or3A_3353, %shift_left3A_3376 : vector<16xi32>
        %mul3A_3378 = arith.constant 2 : i32
        %mul3A_3379 = arith.muli %add3A_3170, %mul3A_3378 : i32
        %mul3A_3380 = arith.constant 16 : i32
        %mul3A_3381 = arith.muli %mul3A_3379, %mul3A_3380 : i32
        %add3A_3382 = arith.constant 16 : i32
        %add3A_3383 = arith.addi %mul3A_3381, %add3A_3382 : i32
        %swap3A_3384 = arith.index_cast %add3A_3383 : i32 to index
        %swap3A_3385 = tpu.vector_load %arg10[%swap3A_3384] {strides = array<i32>} : memref<16384xi32, #tpu.memory_space<vmem>>, vector<16xi32>,
        tpu.vector_store %arg10[%swap3A_3384], %or3A_3377 {strides = array<i32>} : memref<16384xi32, #tpu.memory_space<vmem>>, vector<16xi32>,
        %add3A_3386 = arith.constant 15 : i32
        %add3A_3387 = arith.addi %add3A_131, %add3A_3386 : i32
        %slice3A_3388 = vector.extract_strided_slice %mul3A_142 {offsets = [15], sizes = [1], strides = [1]} : vector<16xf32> to vector<1xf32>
        %squeeze3A_3389 = vector.extract %slice3A_3388[0] : f32 from vector<1xf32>
        %slice3A_3390 = vector.extract_strided_slice %get3A_132 {offsets = [15], sizes = [1], strides = [1]} : vector<16xi32> to vector<1xi32>
        %squeeze3A_3391 = vector.extract %slice3A_3390[0] : i32 from vector<1xi32>
        %jit3A_3392 = arith.constant 2 : i32
        %div3A_3393 = arith.divsi %squeeze3A_3391, %jit3A_3392 : i32
        %sign3A_3394 = arith.constant 0 : i32
        %sign3A_3395 = arith.cmpi sgt, %squeeze3A_3391, %sign3A_3394 : i32
        %sign3A_3396 = arith.extui %sign3A_3395 : i1 to i32
        %sign3A_3397 = arith.constant 0 : i32
        %sign3A_3398 = arith.cmpi slt, %squeeze3A_3391, %sign3A_3397 : i32
        %sign3A_3399 = arith.extui %sign3A_3398 : i1 to i32
        %sign3A_3400 = arith.subi %sign3A_3396, %sign3A_3399 : i32
        %sign3A_3401 = arith.constant 0 : i32
        %sign3A_3402 = arith.cmpi sgt, %jit3A_3392, %sign3A_3401 : i32
        %sign3A_3403 = arith.extui %sign3A_3402 : i1 to i32
        %sign3A_3404 = arith.constant 0 : i32
        %sign3A_3405 = arith.cmpi slt, %jit3A_3392, %sign3A_3404 : i32
        %sign3A_3406 = arith.extui %sign3A_3405 : i1 to i32
        %sign3A_3407 = arith.subi %sign3A_3403, %sign3A_3406 : i32
        %ne3A_3408 = arith.cmpi ne, %sign3A_3400, %sign3A_3407 : i32
        %rem3A_3409 = arith.remsi %squeeze3A_3391, %jit3A_3392 : i32
        %ne3A_3410 = arith.constant 0 : i32
        %ne3A_3411 = arith.cmpi ne, %rem3A_3409, %ne3A_3410 : i32
        %and3A_3412 = arith.andi %ne3A_3408, %ne3A_3411 : i1
        %sub3A_3413 = arith.constant 1 : i32
        %sub3A_3414 = arith.subi %div3A_3393, %sub3A_3413 : i32
        %select_n3A_3415 = arith.select %and3A_3412, %sub3A_3414, %div3A_3393 : i32
        %jit3A_3416 = arith.constant 4 : i32
        %eq3A_3417 = arith.constant 0 : i32
        %eq3A_3418 = arith.cmpi eq, %jit3A_3416, %eq3A_3417 : i32
        %jit3A_3419 = arith.constant 1 : i32
        %select_n3A_3420 = arith.select %eq3A_3418, %jit3A_3419, %jit3A_3416 : i32
        %rem3A_3421 = arith.remsi %select_n3A_3415, %select_n3A_3420 : i32
        %ne3A_3422 = arith.constant 0 : i32
        %ne3A_3423 = arith.cmpi ne, %rem3A_3421, %ne3A_3422 : i32
        %lt3A_3424 = arith.constant 0 : i32
        %lt3A_3425 = arith.cmpi slt, %rem3A_3421, %lt3A_3424 : i32
        %lt3A_3426 = arith.constant 0 : i32
        %lt3A_3427 = arith.cmpi slt, %select_n3A_3420, %lt3A_3426 : i32
        %ne3A_3428 = arith.xori %lt3A_3425, %lt3A_3427 : i1
        %and3A_3429 = arith.andi %ne3A_3428, %ne3A_3423 : i1
        %add3A_3430 = arith.addi %rem3A_3421, %select_n3A_3420 : i32
        %select_n3A_3431 = arith.select %and3A_3429, %add3A_3430, %rem3A_3421 : i32
        %mul3A_3432 = arith.constant 8 : i32
        %mul3A_3433 = arith.muli %mul3A_3432, %select_n3A_3431 : i32
        %sub3A_3434 = arith.constant 24 : i32
        %sub3A_3435 = arith.subi %sub3A_3434, %mul3A_3433 : i32
        %jit3A_3436 = arith.constant 2 : i32
        %eq3A_3437 = arith.constant 0 : i32
        %eq3A_3438 = arith.cmpi eq, %jit3A_3436, %eq3A_3437 : i32
        %jit3A_3439 = arith.constant 1 : i32
        %select_n3A_3440 = arith.select %eq3A_3438, %jit3A_3439, %jit3A_3436 : i32
        %rem3A_3441 = arith.remsi %squeeze3A_3391, %select_n3A_3440 : i32
        %ne3A_3442 = arith.constant 0 : i32
        %ne3A_3443 = arith.cmpi ne, %rem3A_3441, %ne3A_3442 : i32
        %lt3A_3444 = arith.constant 0 : i32
        %lt3A_3445 = arith.cmpi slt, %rem3A_3441, %lt3A_3444 : i32
        %lt3A_3446 = arith.constant 0 : i32
        %lt3A_3447 = arith.cmpi slt, %select_n3A_3440, %lt3A_3446 : i32
        %ne3A_3448 = arith.xori %lt3A_3445, %lt3A_3447 : i1
        %and3A_3449 = arith.andi %ne3A_3448, %ne3A_3443 : i1
        %add3A_3450 = arith.addi %rem3A_3441, %select_n3A_3440 : i32
        %select_n3A_3451 = arith.select %and3A_3449, %add3A_3450, %rem3A_3441 : i32
        %mul3A_3452 = arith.constant 64 : i32
        %mul3A_3453 = arith.muli %select_n3A_3451, %mul3A_3452 : i32
        %broadcast_in_dim3A_3454 = vector.broadcast %add3A_3387 : i32 to vector<16xi32>
        %add3A_3455 = vector.broadcast %mul3A_3453 : i32 to vector<16xi32>
        %add3A_3456 = arith.addi %add3A_3455, %mul3A_5 : vector<16xi32>
        %add3A_3457 = arith.constant 0 : i32
        %add3A_3458 = vector.broadcast %add3A_3457 : i32 to vector<16xi32>
        %add3A_3459 = arith.addi %add3A_3456, %add3A_3458 : vector<16xi32>
        %gather3A_3460 = tpu.vector_load_idx %arg9[%broadcast_in_dim3A_3454, %add3A_3459] : memref<512x128xi32, #tpu.memory_space<vmem>>[vector<16xi32>, vector<16xi32>], vector<16xi32>,
        %add3A_3461 = vector.broadcast %mul3A_3453 : i32 to vector<16xi32>
        %add3A_3462 = arith.addi %add3A_3461, %mul3A_5 : vector<16xi32>
        %add3A_3463 = arith.constant 1 : i32
        %add3A_3464 = vector.broadcast %add3A_3463 : i32 to vector<16xi32>
        %add3A_3465 = arith.addi %add3A_3462, %add3A_3464 : vector<16xi32>
        %gather3A_3466 = tpu.vector_load_idx %arg9[%broadcast_in_dim3A_3454, %add3A_3465] : memref<512x128xi32, #tpu.memory_space<vmem>>[vector<16xi32>, vector<16xi32>], vector<16xi32>,
        %shift_left3A_3467 = vector.broadcast %sub3A_3435 : i32 to vector<16xi32>
        %shift_left3A_3468 = arith.shli %gather3A_3460, %shift_left3A_3467 : vector<16xi32>
        %shift_right_arithmetic3A_3469 = arith.constant 24 : i32
        %shift_right_arithmetic3A_3470 = vector.broadcast %shift_right_arithmetic3A_3469 : i32 to vector<16xi32>
        %shift_right_arithmetic3A_3471 = arith.shrsi %shift_left3A_3468, %shift_right_arithmetic3A_3470 : vector<16xi32>
        %shift_left3A_3472 = vector.broadcast %sub3A_3435 : i32 to vector<16xi32>
        %shift_left3A_3473 = arith.shli %gather3A_3466, %shift_left3A_3472 : vector<16xi32>
        %shift_right_arithmetic3A_3474 = arith.constant 24 : i32
        %shift_right_arithmetic3A_3475 = vector.broadcast %shift_right_arithmetic3A_3474 : i32 to vector<16xi32>
        %shift_right_arithmetic3A_3476 = arith.shrsi %shift_left3A_3473, %shift_right_arithmetic3A_3475 : vector<16xi32>
        %convert_element_type3A_3477 = arith.sitofp %shift_right_arithmetic3A_3471 : vector<16xi32> to vector<16xf32>
        %mul3A_3478 = vector.broadcast %squeeze3A_3389 : f32 to vector<16xf32>
        %mul3A_3479 = arith.mulf %convert_element_type3A_3477, %mul3A_3478 : vector<16xf32>
        %bitcast_convert_type3A_3480 = tpu.bitcast %mul3A_3479 : vector<16xf32> -> vector<16xi32>
        %and3A_3481 = arith.constant 2147483647 : i32
        %and3A_3482 = vector.broadcast %and3A_3481 : i32 to vector<16xi32>
        %and3A_3483 = arith.andi %bitcast_convert_type3A_3480, %and3A_3482 : vector<16xi32>
        %add3A_3484 = arith.constant 4095 : i32
        %add3A_3485 = vector.broadcast %add3A_3484 : i32 to vector<16xi32>
        %add3A_3486 = arith.addi %and3A_3483, %add3A_3485 : vector<16xi32>
        %shift_right_logical3A_3487 = arith.constant 13 : i32
        %shift_right_logical3A_3488 = vector.broadcast %shift_right_logical3A_3487 : i32 to vector<16xi32>
        %shift_right_logical3A_3489 = arith.shrui %add3A_3486, %shift_right_logical3A_3488 : vector<16xi32>
        %shift_right_logical3A_3490 = arith.constant 16 : i32
        %shift_right_logical3A_3491 = vector.broadcast %shift_right_logical3A_3490 : i32 to vector<16xi32>
        %shift_right_logical3A_3492 = arith.shrui %bitcast_convert_type3A_3480, %shift_right_logical3A_3491 : vector<16xi32>
        %and3A_3493 = arith.constant 32768 : i32
        %and3A_3494 = vector.broadcast %and3A_3493 : i32 to vector<16xi32>
        %and3A_3495 = arith.andi %shift_right_logical3A_3492, %and3A_3494 : vector<16xi32>
        %or3A_3496 = arith.ori %shift_right_logical3A_3489, %and3A_3495 : vector<16xi32>
        %convert_element_type3A_3497 = arith.sitofp %shift_right_arithmetic3A_3476 : vector<16xi32> to vector<16xf32>
        %mul3A_3498 = vector.broadcast %squeeze3A_3389 : f32 to vector<16xf32>
        %mul3A_3499 = arith.mulf %convert_element_type3A_3497, %mul3A_3498 : vector<16xf32>
        %bitcast_convert_type3A_3500 = tpu.bitcast %mul3A_3499 : vector<16xf32> -> vector<16xi32>
        %and3A_3501 = arith.constant 2147483647 : i32
        %and3A_3502 = vector.broadcast %and3A_3501 : i32 to vector<16xi32>
        %and3A_3503 = arith.andi %bitcast_convert_type3A_3500, %and3A_3502 : vector<16xi32>
        %add3A_3504 = arith.constant 4095 : i32
        %add3A_3505 = vector.broadcast %add3A_3504 : i32 to vector<16xi32>
        %add3A_3506 = arith.addi %and3A_3503, %add3A_3505 : vector<16xi32>
        %shift_right_logical3A_3507 = arith.constant 13 : i32
        %shift_right_logical3A_3508 = vector.broadcast %shift_right_logical3A_3507 : i32 to vector<16xi32>
        %shift_right_logical3A_3509 = arith.shrui %add3A_3506, %shift_right_logical3A_3508 : vector<16xi32>
        %shift_right_logical3A_3510 = arith.constant 16 : i32
        %shift_right_logical3A_3511 = vector.broadcast %shift_right_logical3A_3510 : i32 to vector<16xi32>
        %shift_right_logical3A_3512 = arith.shrui %bitcast_convert_type3A_3500, %shift_right_logical3A_3511 : vector<16xi32>
        %and3A_3513 = arith.constant 32768 : i32
        %and3A_3514 = vector.broadcast %and3A_3513 : i32 to vector<16xi32>
        %and3A_3515 = arith.andi %shift_right_logical3A_3512, %and3A_3514 : vector<16xi32>
        %or3A_3516 = arith.ori %shift_right_logical3A_3509, %and3A_3515 : vector<16xi32>
        %shift_left3A_3517 = arith.constant 16 : i32
        %shift_left3A_3518 = vector.broadcast %shift_left3A_3517 : i32 to vector<16xi32>
        %shift_left3A_3519 = arith.shli %or3A_3516, %shift_left3A_3518 : vector<16xi32>
        %or3A_3520 = arith.ori %or3A_3496, %shift_left3A_3519 : vector<16xi32>
        %mul3A_3521 = arith.constant 2 : i32
        %mul3A_3522 = arith.muli %add3A_3387, %mul3A_3521 : i32
        %mul3A_3523 = arith.constant 16 : i32
        %mul3A_3524 = arith.muli %mul3A_3522, %mul3A_3523 : i32
        %add3A_3525 = arith.constant 0 : i32
        %add3A_3526 = arith.addi %mul3A_3524, %add3A_3525 : i32
        %swap3A_3527 = arith.index_cast %add3A_3526 : i32 to index
        %swap3A_3528 = tpu.vector_load %arg10[%swap3A_3527] {strides = array<i32>} : memref<16384xi32, #tpu.memory_space<vmem>>, vector<16xi32>,
        tpu.vector_store %arg10[%swap3A_3527], %or3A_3520 {strides = array<i32>} : memref<16384xi32, #tpu.memory_space<vmem>>, vector<16xi32>,
        %add3A_3529 = vector.broadcast %mul3A_3453 : i32 to vector<16xi32>
        %add3A_3530 = arith.addi %add3A_3529, %mul3A_5 : vector<16xi32>
        %add3A_3531 = arith.constant 32 : i32
        %add3A_3532 = vector.broadcast %add3A_3531 : i32 to vector<16xi32>
        %add3A_3533 = arith.addi %add3A_3530, %add3A_3532 : vector<16xi32>
        %gather3A_3534 = tpu.vector_load_idx %arg9[%broadcast_in_dim3A_3454, %add3A_3533] : memref<512x128xi32, #tpu.memory_space<vmem>>[vector<16xi32>, vector<16xi32>], vector<16xi32>,
        %add3A_3535 = vector.broadcast %mul3A_3453 : i32 to vector<16xi32>
        %add3A_3536 = arith.addi %add3A_3535, %mul3A_5 : vector<16xi32>
        %add3A_3537 = arith.constant 33 : i32
        %add3A_3538 = vector.broadcast %add3A_3537 : i32 to vector<16xi32>
        %add3A_3539 = arith.addi %add3A_3536, %add3A_3538 : vector<16xi32>
        %gather3A_3540 = tpu.vector_load_idx %arg9[%broadcast_in_dim3A_3454, %add3A_3539] : memref<512x128xi32, #tpu.memory_space<vmem>>[vector<16xi32>, vector<16xi32>], vector<16xi32>,
        %shift_left3A_3541 = vector.broadcast %sub3A_3435 : i32 to vector<16xi32>
        %shift_left3A_3542 = arith.shli %gather3A_3534, %shift_left3A_3541 : vector<16xi32>
        %shift_right_arithmetic3A_3543 = arith.constant 24 : i32
        %shift_right_arithmetic3A_3544 = vector.broadcast %shift_right_arithmetic3A_3543 : i32 to vector<16xi32>
        %shift_right_arithmetic3A_3545 = arith.shrsi %shift_left3A_3542, %shift_right_arithmetic3A_3544 : vector<16xi32>
        %shift_left3A_3546 = vector.broadcast %sub3A_3435 : i32 to vector<16xi32>
        %shift_left3A_3547 = arith.shli %gather3A_3540, %shift_left3A_3546 : vector<16xi32>
        %shift_right_arithmetic3A_3548 = arith.constant 24 : i32
        %shift_right_arithmetic3A_3549 = vector.broadcast %shift_right_arithmetic3A_3548 : i32 to vector<16xi32>
        %shift_right_arithmetic3A_3550 = arith.shrsi %shift_left3A_3547, %shift_right_arithmetic3A_3549 : vector<16xi32>
        %convert_element_type3A_3551 = arith.sitofp %shift_right_arithmetic3A_3545 : vector<16xi32> to vector<16xf32>
        %mul3A_3552 = vector.broadcast %squeeze3A_3389 : f32 to vector<16xf32>
        %mul3A_3553 = arith.mulf %convert_element_type3A_3551, %mul3A_3552 : vector<16xf32>
        %bitcast_convert_type3A_3554 = tpu.bitcast %mul3A_3553 : vector<16xf32> -> vector<16xi32>
        %and3A_3555 = arith.constant 2147483647 : i32
        %and3A_3556 = vector.broadcast %and3A_3555 : i32 to vector<16xi32>
        %and3A_3557 = arith.andi %bitcast_convert_type3A_3554, %and3A_3556 : vector<16xi32>
        %add3A_3558 = arith.constant 4095 : i32
        %add3A_3559 = vector.broadcast %add3A_3558 : i32 to vector<16xi32>
        %add3A_3560 = arith.addi %and3A_3557, %add3A_3559 : vector<16xi32>
        %shift_right_logical3A_3561 = arith.constant 13 : i32
        %shift_right_logical3A_3562 = vector.broadcast %shift_right_logical3A_3561 : i32 to vector<16xi32>
        %shift_right_logical3A_3563 = arith.shrui %add3A_3560, %shift_right_logical3A_3562 : vector<16xi32>
        %shift_right_logical3A_3564 = arith.constant 16 : i32
        %shift_right_logical3A_3565 = vector.broadcast %shift_right_logical3A_3564 : i32 to vector<16xi32>
        %shift_right_logical3A_3566 = arith.shrui %bitcast_convert_type3A_3554, %shift_right_logical3A_3565 : vector<16xi32>
        %and3A_3567 = arith.constant 32768 : i32
        %and3A_3568 = vector.broadcast %and3A_3567 : i32 to vector<16xi32>
        %and3A_3569 = arith.andi %shift_right_logical3A_3566, %and3A_3568 : vector<16xi32>
        %or3A_3570 = arith.ori %shift_right_logical3A_3563, %and3A_3569 : vector<16xi32>
        %convert_element_type3A_3571 = arith.sitofp %shift_right_arithmetic3A_3550 : vector<16xi32> to vector<16xf32>
        %mul3A_3572 = vector.broadcast %squeeze3A_3389 : f32 to vector<16xf32>
        %mul3A_3573 = arith.mulf %convert_element_type3A_3571, %mul3A_3572 : vector<16xf32>
        %bitcast_convert_type3A_3574 = tpu.bitcast %mul3A_3573 : vector<16xf32> -> vector<16xi32>
        %and3A_3575 = arith.constant 2147483647 : i32
        %and3A_3576 = vector.broadcast %and3A_3575 : i32 to vector<16xi32>
        %and3A_3577 = arith.andi %bitcast_convert_type3A_3574, %and3A_3576 : vector<16xi32>
        %add3A_3578 = arith.constant 4095 : i32
        %add3A_3579 = vector.broadcast %add3A_3578 : i32 to vector<16xi32>
        %add3A_3580 = arith.addi %and3A_3577, %add3A_3579 : vector<16xi32>
        %shift_right_logical3A_3581 = arith.constant 13 : i32
        %shift_right_logical3A_3582 = vector.broadcast %shift_right_logical3A_3581 : i32 to vector<16xi32>
        %shift_right_logical3A_3583 = arith.shrui %add3A_3580, %shift_right_logical3A_3582 : vector<16xi32>
        %shift_right_logical3A_3584 = arith.constant 16 : i32
        %shift_right_logical3A_3585 = vector.broadcast %shift_right_logical3A_3584 : i32 to vector<16xi32>
        %shift_right_logical3A_3586 = arith.shrui %bitcast_convert_type3A_3574, %shift_right_logical3A_3585 : vector<16xi32>
        %and3A_3587 = arith.constant 32768 : i32
        %and3A_3588 = vector.broadcast %and3A_3587 : i32 to vector<16xi32>
        %and3A_3589 = arith.andi %shift_right_logical3A_3586, %and3A_3588 : vector<16xi32>
        %or3A_3590 = arith.ori %shift_right_logical3A_3583, %and3A_3589 : vector<16xi32>
        %shift_left3A_3591 = arith.constant 16 : i32
        %shift_left3A_3592 = vector.broadcast %shift_left3A_3591 : i32 to vector<16xi32>
        %shift_left3A_3593 = arith.shli %or3A_3590, %shift_left3A_3592 : vector<16xi32>
        %or3A_3594 = arith.ori %or3A_3570, %shift_left3A_3593 : vector<16xi32>
        %mul3A_3595 = arith.constant 2 : i32
        %mul3A_3596 = arith.muli %add3A_3387, %mul3A_3595 : i32
        %mul3A_3597 = arith.constant 16 : i32
        %mul3A_3598 = arith.muli %mul3A_3596, %mul3A_3597 : i32
        %add3A_3599 = arith.constant 16 : i32
        %add3A_3600 = arith.addi %mul3A_3598, %add3A_3599 : i32
        %swap3A_3601 = arith.index_cast %add3A_3600 : i32 to index
        %swap3A_3602 = tpu.vector_load %arg10[%swap3A_3601] {strides = array<i32>} : memref<16384xi32, #tpu.memory_space<vmem>>, vector<16xi32>,
        tpu.vector_store %arg10[%swap3A_3601], %or3A_3594 {strides = array<i32>} : memref<16384xi32, #tpu.memory_space<vmem>>, vector<16xi32>,
      }
      %scan3A_117 = arith.constant 16 : i32
      %mul3A_118 = arith.constant 2 : i32
      %mul3A_119 = arith.muli %multiple_of3A_111, %mul3A_118 : i32
      %mul3A_120 = arith.constant 16 : i32
      %mul3A_121 = arith.muli %mul3A_119, %mul3A_120 : i32
      %multiple_of3A_122 = tpu.assume_multiple %mul3A_121, 8192 : i32
      %mul3A_123 = arith.constant 2 : i32
      %mul3A_124 = arith.muli %multiple_of3A_92, %mul3A_123 : i32
      %mul3A_125 = arith.constant 16 : i32
      %mul3A_126 = arith.muli %mul3A_124, %mul3A_125 : i32
      %multiple_of3A_127 = tpu.assume_multiple %mul3A_126, 8192 : i32
      "tpu.region"() ({
        %run_scoped3A = tpu.sem_alloc : memref<!tpu.dma_semaphore, #tpu.memory_space<semaphore_mem>>
        %dma_start3A_128 = tpu.memref_slice %arg10[%multiple_of3A_122] : memref<16384xi32, #tpu.memory_space<vmem>> -> memref<8192xi32, #tpu.memory_space<vmem>>
        %dma_start3A_129 = tpu.memref_slice %arg5[%multiple_of3A_127] : memref<13631488xi32, #tpu.memory_space<hbm>> -> memref<8192xi32, #tpu.memory_space<hbm>>
        %dma_start3A_130 = tpu.memref_slice %arg5[%multiple_of3A_127] : memref<13631488xi32, #tpu.memory_space<hbm>> -> memref<8192xi32, #tpu.memory_space<hbm>>
        %dma_start3A_131 = tpu.memref_slice %arg10[%multiple_of3A_122] : memref<16384xi32, #tpu.memory_space<vmem>> -> memref<8192xi32, #tpu.memory_space<vmem>>
        tpu.enqueue_dma source(%dma_start3A_131 : memref<8192xi32, #tpu.memory_space<vmem>>) target(%dma_start3A_130 : memref<8192xi32, #tpu.memory_space<hbm>>) target_semaphore(%run_scoped3A : memref<!tpu.dma_semaphore, #tpu.memory_space<semaphore_mem>>)
        %dma_wait3A_132 = tpu.memref_slice %arg10[%multiple_of3A_122] : memref<16384xi32, #tpu.memory_space<vmem>> -> memref<8192xi32, #tpu.memory_space<vmem>>
        %dma_wait3A_133 = tpu.memref_slice %arg5[%multiple_of3A_127] : memref<13631488xi32, #tpu.memory_space<hbm>> -> memref<8192xi32, #tpu.memory_space<hbm>>
        %dma_wait3A_134 = tpu.memref_slice %arg5[%multiple_of3A_127] : memref<13631488xi32, #tpu.memory_space<hbm>> -> memref<8192xi32, #tpu.memory_space<hbm>>
        %dma_wait3A_135 = tpu.memref_slice %arg10[%multiple_of3A_122] : memref<16384xi32, #tpu.memory_space<vmem>> -> memref<8192xi32, #tpu.memory_space<vmem>>
        tpu.wait_dma2 semaphore(%run_scoped3A : memref<!tpu.dma_semaphore, #tpu.memory_space<semaphore_mem>>) src(%dma_wait3A_135 : memref<8192xi32, #tpu.memory_space<vmem>>) dst(%dma_wait3A_134 : memref<8192xi32, #tpu.memory_space<hbm>>)
        tpu.yield
      }) : () -> ()
    }
    %scan3A_45 = arith.constant 52 : i32
    return
  }
}

</mosaic_0001>

<sc_bundles>
// kernel: _sc_lookup.3.cloned.1.call-start
scs
__scs_entry_jumppad:
0x0: {  	(pc) =	sbr.rel $0x88, $3  }
0x1: {  	(tag) =	ssettag $0x0;
	lr =	simm.s32 $0x1  }
0x2: {  	[smem:$0x3F9E] =	sst lr;
	_ =	strace $0xD0000000  }
0x3: {  	_ = 	snop  }
0x4: {  	_ = 	snop  }
0x5: {  	_ = 	snop  }
0x6: {  	_ = 	snop  }
0x7: {  	_ = 	snop  }
__scs_overlays_trampoline_lowered:
0x8: {  	[smem:$0x3FAD] =	sst s0  }
0x9: {  	[smem:$0x3FAE] =	sst s1  }
0xa: {  	[smem:$0x3FAF] =	sst s2  }
0xb: {  	[smem:$0x3FB0] =	sst s3  }
0xc: {  	[smem:$0x3FB1] =	sst s4  }
0xd: {  	[smem:$0x3FB2] =	sst s5  }
0xe: {  	[smem:$0x3FB3] =	sst s6  }
0xf: {  	[smem:$0x3FB4] =	sst s7  }
0x10: {  	[smem:$0x3FB5] =	sst s8  }
0x11: {  	[smem:$0x3FB6] =	sst s9;
	s0 =	simm.s32 @!p0 $0x0  }
0x12: {  	s1 =	sld [smem:$0x3F9C];
	s0 =	simm.s32 @p0 $0x1  }
0x13: {  	[smem:$0x3FB7] =	sst s0;
	s0 =	simm.s32 @!p1 $0x0  }
0x14: {  	s2 =	sld [smem:$0x3F9B];
	s0 =	simm.s32 @p1 $0x1  }
0x15: {  	[smem:$0x3FB8] =	sst s0;
	s0 =	simm.s32 @!p2 $0x0  }
0x16: {  	s3 =	sld [smem:$0x3FDB];
	s0 =	simm.s32 @p2 $0x1  }
0x17: {  	s4 =	simm.s32 $0x1BF5;
	[smem:$0x3FBA] =	sst s0  }
0x18: {  	s0 =	sld [smem:$0x3F9D];
	_ =	swait.ge [sflag:s4], $0x0  }
0x19: {  	s7 =	sld [smem:$0x3F9E]  }
0x1a: {  	s8 =	sadd.s32 $0xFFFFE003, lr  }
0x1b: {  	s9 =	sadd.s32 $0xFFFFFEF7, lr;
	s5 =	simm.s32 $0xFFFFFFFF;
	p2 =	slt.u32 s8, $0xFFFFF086  }
0x1c: {  	p1 =	slt.u32 s9, $0xF7A;
	s5 =	simm.s32 @!p2 $0x0  }
0x1d: {  	s5 =	simm.s32 @p1 $0x1;
	p0 =	seq.s32 s7, s2  }
0x1e: {  	s7 =	smul.u32 @!p0 $0xF7A, s2;
	p2 =	seq.s32 @!p0 s5, $0x0  }
0x1f: {  	s9 =	smul.u32 $0xF7A, s1;
	s8 =	simm.s32 @!p0 $0x1BF5;
	p2 =	por !p2, p0  }
0x20: {  	[sflag:s8] =	ssyncset.s32 @!p0 $0xFFFFF086;
	s6 =	sadd.s32 @!p0 s3, s7;
	s7 =	simm.s32 @!p0 $0x108  }
0x21: {  	s3 =	sadd.s32 s3, s9;
	s6 =	sadd.s32 @!p0 $0x88, s6;
	s7 =	simm.s32 @p2 $0x1082  }
0x22: {  	[simem:s7], [sflag:s8] =	dma.local @!p0 [hbm:s6], $0xF7A  }
0x23: {  	s9 =	sor.u32 $0xD0000000, s2;
	s6 =	simm.s32 $0x108;
	_ =	swait.ge @!p0 [sflag:s8], $0x0  }
0x24: {  	s3 =	sadd.s32 $0x88, s3;
	s6 =	simm.s32 @!p1 $0x1082;
	[sflag:s4] =	ssyncset.s32 $0xFFFFF086  }
0x25: {  	[simem:s6], [sflag:s4] =	dma.local [hbm:s3], $0xF7A  }
0x26: {  	[smem:$0x3F9E] =	sst s1;
	(tag) =	ssettag s2;
	_ =	strace s9  }
0x27: {  	s1 =	sld [smem:$0x3FAE]  }
0x28: {  	s2 =	sld [smem:$0x3FAF]  }
0x29: {  	s4 =	sld [smem:$0x3FB1]  }
0x2a: {  	p0 =	seq.s32 s5, $0x0;
	s5 =	sld [smem:$0x3FB2]  }
0x2b: {  	s6 =	sld [smem:$0x3FB3]  }
0x2c: {  	s7 =	sld [smem:$0x3FB4]  }
0x2d: {  	s3 =	simm.s32 $0x108;
	s8 =	sld [smem:$0x3FB5]  }
0x2e: {  	s3 =	simm.s32 @!p0 $0x1082;
	s9 =	sld [smem:$0x3FB6]  }
0x2f: {  	lr =	sadd.s32 s0, s3;
	s0 =	sld [smem:$0x3FAD]  }
0x30: {  	s3 =	sld [smem:$0x3FB0]  }
0x31: {  	[smem:$0x3FB9] =	sst s10  }
0x32: {  	s10 =	sld [smem:$0x3FB7];
	_ =	sdelay $0x3  }
0x33: {  	p0 =	seq.s32 s10, $0x1;
	s10 =	sld [smem:$0x3FB9];
	_ =	sdelay $0x3  }
0x34: {  	[smem:$0x3FB9] =	sst s10  }
0x35: {  	s10 =	sld [smem:$0x3FB8];
	_ =	sdelay $0x3  }
0x36: {  	p1 =	seq.s32 s10, $0x1;
	s10 =	sld [smem:$0x3FB9];
	_ =	sdelay $0x3  }
0x37: {  	[smem:$0x3FB9] =	sst s10  }
0x38: {  	s10 =	sld [smem:$0x3FBA]  }
0x39: {  	_ = 	snop;
	(pc) =	sbr.ind lr, $3  }
0x3a: {  	_ = 	snop  }
0x3b: {  	_ = 	snop  }
0x3c: {  	p2 =	seq.s32 s10, $0x1;
	s10 =	sld [smem:$0x3FB9]  }
0x3d: {  	_ =	shalt  }
0x3e: {  	_ =	shalt  }
0x3f: {  	_ =	shalt  }
0x40: {  	_ =	shalt  }
0x41: {  	_ =	shalt  }
0x42: {  	_ =	shalt  }
0x43: {  	_ =	shalt  }
0x44: {  	_ =	shalt  }
0x45: {  	_ =	shalt  }
0x46: {  	_ =	shalt  }
0x47: {  	_ =	shalt  }
0x48: {  	_ =	shalt  }
0x49: {  	_ =	shalt  }
0x4a: {  	_ =	shalt  }
0x4b: {  	_ =	shalt  }
0x4c: {  	_ =	shalt  }
0x4d: {  	_ =	shalt  }
0x4e: {  	_ =	shalt  }
0x4f: {  	_ =	shalt  }
0x50: {  	_ =	shalt  }
0x51: {  	_ =	shalt  }
0x52: {  	_ =	shalt  }
0x53: {  	_ =	shalt  }
0x54: {  	_ =	shalt  }
0x55: {  	_ =	shalt  }
0x56: {  	_ =	shalt  }
0x57: {  	_ =	shalt  }
0x58: {  	_ =	shalt  }
0x59: {  	_ =	shalt  }
0x5a: {  	_ =	shalt  }
0x5b: {  	_ =	shalt  }
0x5c: {  	_ =	shalt  }
0x5d: {  	_ =	shalt  }
0x5e: {  	_ =	shalt  }
0x5f: {  	_ =	shalt  }
0x60: {  	_ =	shalt  }
0x61: {  	_ =	shalt  }
0x62: {  	_ =	shalt  }
0x63: {  	_ =	shalt  }
0x64: {  	_ =	shalt  }
0x65: {  	_ =	shalt  }
0x66: {  	_ =	shalt  }
0x67: {  	_ =	shalt  }
0x68: {  	_ =	shalt  }
0x69: {  	_ =	shalt  }
0x6a: {  	_ =	shalt  }
0x6b: {  	_ =	shalt  }
0x6c: {  	_ =	shalt  }
0x6d: {  	_ =	shalt  }
0x6e: {  	_ =	shalt  }
0x6f: {  	_ =	shalt  }
0x70: {  	_ =	shalt  }
0x71: {  	_ =	shalt  }
0x72: {  	_ =	shalt  }
0x73: {  	_ =	shalt  }
0x74: {  	_ =	shalt  }
0x75: {  	_ =	shalt  }
0x76: {  	_ =	shalt  }
0x77: {  	_ =	shalt  }
0x78: {  	_ =	shalt  }
0x79: {  	_ =	shalt  }
0x7a: {  	_ =	shalt  }
0x7b: {  	_ =	shalt  }
0x7c: {  	_ =	shalt  }
0x7d: {  	_ =	shalt  }
0x7e: {  	_ =	shalt  }
0x7f: {  	_ =	shalt  }
0x80: {  	_ =	shalt  }
0x81: {  	_ =	shalt  }
0x82: {  	_ =	shalt  }
0x83: {  	_ =	shalt  }
0x84: {  	_ =	shalt  }
0x85: {  	_ =	shalt  }
0x86: {  	_ =	shalt  }
0x87: {  	_ =	shalt  }
.Lfunc_end0:
.L_simem_size_0:
called_computation_lowered:
.L_overlay_start_0:
0x88: {  	s2 =	sld [smem:$0x3FD9]  }
0x89: {  	s3 =	sld [smem:$0x3FFE];
	_ =	sdelay $0x1  }
0x8a: {  	s1 =	srdreg.scid  }
0x8b: {  	s0 =	sand.u32 $0x1, s1  }
0x8c: {  	s18 =	sshll.u32 s0, $0xA;
	s2 =	sadd.s32 s3, s2  }
0x8d: {  	s2 =	sadd.s32 s2, s18  }
0x8e: {  	[smem:$0x3FC5] =	sst s2  }
0x8f: {  	_ = 	snop  }
0x90: {  	s2 =	sld [smem:$0x3FC9]  }
0x91: {  	s19 =	sld [smem:$0x3FC8]  }
0x92: {  	s4 =	sld [smem:$0x3FC7]  }
0x93: {  	s5 =	sld [smem:$0x3FD0];
	(tm) =	ssettm $0x1  }
0x94: {  	s6 =	sld [smem:$0x3FFB];
	_ =	sdelay $0x3  }
0x95: {  	_ =	strace s6  }
0x96: {  	s6 =	sld [smem:$0x3FFC];
	_ =	sdelay $0x3  }
0x97: {  	_ =	strace s6  }
0x98: {  	s6 =	sld [smem:$0x3FFD];
	_ =	sdelay $0x3  }
0x99: {  	_ =	strace s6  }
0x9a: {  	_ =	strace $0x8FFFFFFF  }
0x9b: {  	s20 =	sld [smem:$0x3FDB];
	_ =	sdelay $0x1  }
0x9c: {  	s7 =	simm.s32 $_scs_section_size  }
0x9d: {  	s8 =	simm.s32 $_size__tile_overlayer_lowered;
	s9 =	simm.s32 $_tile_overlayer_lowered  }
0x9e: {  	s23 =	simm.s32 $0x1BFF;
	s22 =	sshll.u32 s9, $0x1;
	s6 =	sadd.s32 s7, s20  }
0x9f: {  	s10 =	simm.s32 $0x0;
	s21 =	sshll.u32 s8, $0x1;
	s8 =	sadd.s32 s22, s6  }
0xa0: {  	[timem:s10], [sflag:s23] =	dma.local [hbm:s8], s21  }
0xa1: {  	_ =	swait.ge [sflag:s23], s21  }
0xa2: {  	s7 =	ssub.s32 $0x0, s21;
	[sflag:s23] =	ssyncset.done $0x0  }
0xa3: {  	[sflag:s23] =	ssyncadd.s32 s7;
	_ =	sdelay $0x1  }
0xa4: {  	s24 =	simm.s32 $0x1B8B  }
0xa5: {  	_ =	swait.ge [sflag:s24], $0x1  }
0xa6: {  	[sflag:s24] =	ssyncset.done $0x0  }
0xa7: {  	s25 =	simm.s32 $0x1B8E;
	[sflag:s24] =	ssyncadd.s32 $0xFFFFFFFF  }
0xa8: {  	s26 =	simm.s32 $execute0_lowered;
	[smem:$0x3FD2] =	sst s25  }
0xa9: {  	s7 =	sshll.u32 s26, $0x1;
	_ =	strace $0x80000046;
	[dreg:$0x1] =	wrdreg $0xFFFFFFFF  }
0xaa: {  	s28 =	simm.s32 $_size_execute0_lowered;
	s6 =	sadd.s32 s6, s7;
	[dreg:$0x0] =	wrdreg $0x0  }
0xab: {  	s7 =	sshll.u32 s28, $0x1;
	[dreg:$0x2] =	wrdreg s6  }
0xac: {  	[dreg:$0x3] =	wrdreg s7  }
0xad: {  	[dreg:$0x4] =	wrdreg $0xC0  }
0xae: {  	_ =	task [dreg:s10], $0x5FFFF  }
0xaf: {  	[dreg:$0x1] =	wrdreg $0xFFFFFFFF  }
0xb0: {  	[dreg:$0x0] =	wrdreg $0x60  }
0xb1: {  	[dreg:$0x2] =	wrdreg s2  }
0xb2: {  	[dreg:$0x3] =	wrdreg s19  }
0xb3: {  	[dreg:$0x4] =	wrdreg s4  }
0xb4: {  	[dreg:$0x5] =	wrdreg s5  }
0xb5: {  	[dreg:$0x6] =	wrdreg $0x9  }
0xb6: {  	_ =	task.clear_ibuf [dreg:s10], $0x7FFFF;
	_ =	strace $0x90000046  }
0xb7: {  	s29 =	simm.s32 $0x9;
	_ =	strace $0x80000048  }
0xb8: {  	_ =	swait.ge [sflag:s29], $0x1  }
0xb9: {  	[sflag:s29] =	ssyncadd.s32 $0xFFFFFFFF  }
0xba: {  	_ =	strace $0x90000048  }
0xbb: {  	_ =	sfence  }
0xbc: {  	s30 =	sld [smem:$0x0];
	_ =	sdelay $0x2  }
0xbd: {  	s31 =	sshll.u32 s1, $0xD;
	s1 =	sshrl.u32 s1, $0x2  }
0xbe: {  	s3 =	sand.u32 $0x4000, s31;
	s1 =	sadd.s32 s1, s30  }
0xbf: {  	s0 =	sor.u32 s3, s0;
	s1 =	sshll.u32 s1, $0x11  }
0xc0: {  	s0 =	sor.u32 s1, s0  }
0xc1: {  	s0 =	sadd.s32 $0x8F2B, s0  }
0xc2: {  	[sflag:s0] =	ssyncadd.remote.s32 $0x1  }
0xc3: {  	_ =	sfence.sel $0xFFFF  }
0xc4: {  	[dreg:$0x0] =	wrdreg $0xFFFFFFFF;
	(pc) =	sbr.abs _section_cstart, $3  }
0xc5: {  	[dreg:$0x1] =	wrdreg $0xFFFFFFFF  }
0xc6: {  	_ =	task.clear_ibuf [dreg:s10], $0x2FFFF;
	_ =	strace $0x9FFFFFFF  }
0xc7: {  	(tm) =	ssettm $0x7FFFFFFF  }
tec
execute0_lowered:
.L_overlay_start_1:
0x0: {  	(tag) =	ssettag $0x1  }
0x1: {  	s1 =	rddreg [dreg:$0x0]  }
0x2: {  	s3 =	srdreg.scid;
	s2 =	rddreg [dreg:$0x1]  }
0x3: {  	s0 =	stileid.u32;
	s4 =	rddreg [dreg:$0x2];
	s7 =	simm.s32 $0x0  }
0x4: {  	s11 =	simm.s32 $0x2;
	s12 =	simm.s32 $0x80;
	s14 =	simm.s32 $0x600  }
0x5: {  	s17 =	simm.s32 $0x4600;
	s3 =	sand.u32 $0x1, s3;
	s5 =	sshll.u32 s0, $0x1  }
0x6: {  	s18 =	simm.s32 $0x480;
	s19 =	simm.s32 $0x1;
	s9 =	sor.u32 s3, s5  }
0x7: {  	v0 =	vlaneseq.u32;
	[smem:$0x7FF] =	sst s7;
	s3 =	ssub.s32 $0x2, s3;
	s6 =	smul.u32 $0x3400, s9  }
0x8: {  	s20 =	simm.s32 $0x0;
	v0 =	vmul.u32 $0x2, v0;
	s5 =	rddreg [dreg:$0x3];
	s8 =	sshrl.u32 s3, $0x1  }
0x9: {  	_ =	strace $0x80000047;
	s3 =	ssub.s32 s3, s8;
	s10 =	sshrl.u32 s6, $0x3  }
0xa: {  	s9 =	smul.u32 $0x68000, s9;
	v1 =	vor.u32 $0x1, v0;
	v2 =	vor.u32 $0x20, v0;
	v3 =	vor.u32 $0x21, v0;
	s8 =	sadd.s32 s1, s10;
	s10 =	smax.u32 s3, $0x1  }
.LBB2_1:
0xb: {  	[tilespmem:s7], [sflag:$0x2] =	stream.linear.gather [hbm4b:s8+s7], $0x100, $0x38;
	[tilespmem:$0x14600] =	vst v63  }
0xc: {  	_ =	swait.ge [sflag:s11], $0x100  }
0xd: {  	[sflag:s11] =	ssyncset.done $0x0  }
0xe: {  	[sflag:s11] =	ssyncadd.s32 $0xFFFFFF00  }
0xf: {  	v4 =	vld [tilespmem:$0x0]  }
0x10: {  	v5 =	vld [tilespmem:$0x10]  }
0x11: {  	v6 =	vld [tilespmem:$0x20]  }
0x12: {  	v7 =	vld [tilespmem:$0x30]  }
0x13: {  	v8 =	vld [tilespmem:$0x40]  }
0x14: {  	v9 =	vld [tilespmem:$0x50];
	v4 =	vshrl.u32 v4, $0x3  }
0x15: {  	[tilespmem:$0x200] =	vst v4;
	v4 =	vshrl.u32 v5, $0x3;
	v5 =	vld [tilespmem:$0x60]  }
0x16: {  	v56 =	vld [tilespmem:$0x70];
	[tilespmem:$0x210] =	vst v4;
	v4 =	vshrl.u32 v6, $0x3  }
0x17: {  	v57 =	vld [tilespmem:$0x80];
	[tilespmem:$0x220] =	vst v4;
	v4 =	vshrl.u32 v7, $0x3  }
0x18: {  	v58 =	vld [tilespmem:$0x90];
	[tilespmem:$0x230] =	vst v4;
	v4 =	vshrl.u32 v8, $0x3  }
0x19: {  	v59 =	vld [tilespmem:$0xA0];
	[tilespmem:$0x240] =	vst v4;
	v4 =	vshrl.u32 v9, $0x3  }
0x1a: {  	[tilespmem:$0x250] =	vst v4;
	v4 =	vshrl.u32 v5, $0x3;
	v5 =	vld [tilespmem:$0xB0]  }
0x1b: {  	v60 =	vld [tilespmem:$0xC0];
	[tilespmem:$0x260] =	vst v4;
	v4 =	vshrl.u32 v56, $0x3  }
0x1c: {  	v61 =	vld [tilespmem:$0xD0];
	[tilespmem:$0x270] =	vst v4;
	v4 =	vshrl.u32 v57, $0x3  }
0x1d: {  	v62 =	vld [tilespmem:$0xE0];
	[tilespmem:$0x280] =	vst v4;
	v4 =	vshrl.u32 v58, $0x3  }
0x1e: {  	v63 =	vld [tilespmem:$0xF0];
	[tilespmem:$0x290] =	vst v4;
	v4 =	vshrl.u32 v59, $0x3  }
0x1f: {  	[tilespmem:$0x2A0] =	vst v4;
	v4 =	vshrl.u32 v5, $0x3  }
0x20: {  	[tilespmem:$0x2B0] =	vst v4;
	v4 =	vshrl.u32 v60, $0x3  }
0x21: {  	[tilespmem:$0x2C0] =	vst v4;
	v4 =	vshrl.u32 v61, $0x3  }
0x22: {  	[tilespmem:$0x2D0] =	vst v4;
	v4 =	vshrl.u32 v62, $0x3  }
0x23: {  	[tilespmem:$0x2E0] =	vst v4;
	v4 =	vshrl.u32 v63, $0x3  }
0x24: {  	s0 =	simm.s32 $0x200;
	[tilespmem:$0x2F0] =	vst v4  }
0x25: {  	[tilespmem:s14], [sflag:$0x1] =	stream.indirect.gather [hbm4b:s2+s12], $0x80, s0, s12, $0xb8;
	[tilespmem:$0x14600] =	vst v63  }
0x26: {  	s30 =	simm.s32 $0x400  }
0x27: {  	[tilespmem:s30], [sflag:$0x1] =	stream.indirect.gather [hbm4b:s4+s12], $0x1, s7, s12, $0xb8;
	[tilespmem:$0x14600] =	vst v63  }
0x28: {  	s31 =	simm.s32 $0x280  }
0x29: {  	[tilespmem:s17], [sflag:$0x1] =	stream.indirect.gather [hbm4b:s2+s12], $0x80, s31, s12, $0xb8;
	[tilespmem:$0x14600] =	vst v63  }
0x2a: {  	s21 =	simm.s32 $0x100;
	p0 =	por $0x0, $0x0;
	s23 =	simm.s32 $0x0  }
0x2b: {  	[tilespmem:s18], [sflag:$0x1] =	stream.indirect.gather [hbm4b:s4+s12], $0x1, s12, s12, $0xb8;
	[tilespmem:$0x14600] =	vst v63  }
.LBB2_2:
0x2c: {  	p1 =	seq.s32 s23, $0x33  }
.Ltmp0:
0x2d: {  	_ = 	snop;
	(pc) =	sbr.rel @p1 .LBB2_6-.Ltmp0, $2  }
0x2e: {  	_ =	sdelay $0x2  }
0x2f: {  	s22 =	sadd.s32 $0x1, s23  }
0x30: {  	s3 =	sshll.u32 s22, $0x8  }
0x31: {  	s24 =	sadd.s32 s6, s3  }
0x32: {  	s24 =	sshrl.u32 s24, $0x3  }
0x33: {  	s25 =	simm.s32 $0x0;
	s3 =	sand.u32 $0x100, s3;
	s24 =	sadd.s32 s1, s24  }
0x34: {  	[tilespmem:s3], [sflag:$0x2] =	stream.linear.gather [hbm4b:s24+s25], $0x100, $0x38;
	[tilespmem:$0x14600] =	vst v63  }
0x35: {  	s31 =	sadd.s32 $0x0, s21;
	_ =	swait.ge [sflag:s11], $0x100  }
0x36: {  	s24 =	sand.u32 $0x180, s31;
	s25 =	sand.u32 $0x70, s25;
	[sflag:s11] =	ssyncset.done $0x0  }
0x37: {  	s24 =	sor.u32 s25, s24;
	[sflag:s11] =	ssyncadd.s32 $0xFFFFFF00  }
0x38: {  	s25 =	simm.s32 $0x10;
	v4 =	vld [tilespmem:s24+$0x0]  }
.LBB2_4:
0x39: {  	p1 =	sne.s32 s25, $0xF0  }
.Ltmp1:
0x3a: {  	_ = 	snop;
	(pc) =	sbr.rel @p1 .LBB2_4-.Ltmp1, $4  }
0x3b: {  	s26 =	sadd.s32 s25, s21;
	s28 =	smov.u32 s25  }
0x3c: {  	s26 =	sand.u32 $0x180, s26;
	s28 =	sand.u32 $0x70, s28  }
0x3d: {  	s26 =	sor.u32 s28, s26;
	v5 =	vshrl.u32 v4, $0x3  }
0x3e: {  	s25 =	sadd.s32 $0x10, s25;
	v4 =	vld [tilespmem:s26+$0x0];
	[tilespmem:s24+$0x200] =	vst v5;
	s24 =	smov.u32 s26  }
0x3f: {  	_ =	sdelay $0x3  }
0x40: {  	s25 =	sshll.u32 s3, $0x7;
	v4 =	vshrl.u32 v4, $0x3  }
0x41: {  	s26 =	sor.u32 $0x200, s3;
	s29 =	sor.u32 $0x80, s3;
	s25 =	sadd.s32 $0x600, s25;
	[tilespmem:s24+$0x200] =	vst v4  }
0x42: {  	[tilespmem:s25], [sflag:$0x1] =	stream.indirect.gather [hbm4b:s2+s12], $0x80, s26, s12, $0xb8;
	[tilespmem:$0x14600] =	vst v63  }
0x43: {  	s28 =	sor.u32 $0x400, s3;
	s30 =	sshll.u32 s29, $0x7  }
0x44: {  	[tilespmem:s28], [sflag:$0x1] =	stream.indirect.gather [hbm4b:s4+s12], $0x1, s3, s12, $0xb8;
	[tilespmem:$0x14600] =	vst v63  }
0x45: {  	s25 =	sadd.s32 $0x600, s30;
	s26 =	sor.u32 $0x280, s3  }
0x46: {  	[tilespmem:s25], [sflag:$0x1] =	stream.indirect.gather [hbm4b:s2+s12], $0x80, s26, s12, $0xb8;
	[tilespmem:$0x14600] =	vst v63  }
0x47: {  	s31 =	sor.u32 $0x480, s3  }
0x48: {  	[tilespmem:s31], [sflag:$0x1] =	stream.indirect.gather [hbm4b:s4+s12], $0x1, s29, s12, $0xb8;
	[tilespmem:$0x14600] =	vst v63  }
.LBB2_6:
0x49: {  	_ =	swait.ge [sflag:s19], $0x4000  }
0x4a: {  	[sflag:s19] =	ssyncset.done $0x0  }
0x4b: {  	[sflag:s19] =	ssyncadd.s32 $0xFFFFC000  }
0x4c: {  	_ =	swait.ge [sflag:s19], $0x80  }
0x4d: {  	[sflag:s19] =	ssyncset.done $0x0  }
0x4e: {  	[sflag:s19] =	ssyncadd.s32 $0xFFFFFF80  }
0x4f: {  	s3 =	simm.s32 $0x1;
	_ =	swait.ge [sflag:s19], $0x4000  }
0x50: {  	s16 =	sshll.u32 s23, $0x8;
	s3 =	simm.s32 @!p0 $0x0;
	[sflag:s19] =	ssyncset.done $0x0  }
0x51: {  	s30 =	simm.s32 $0x0;
	s28 =	sshll.u32 s3, $0xD;
	[sflag:s19] =	ssyncadd.s32 $0xFFFFC000  }
0x52: {  	s24 =	sshll.u32 s3, $0x8;
	s25 =	sor.u32 $0x1E0, s28;
	_ =	swait.ge [sflag:s19], $0x80  }
0x53: {  	s26 =	sor.u32 $0x400, s24;
	s29 =	sor.u32 $0x10700, s28;
	[sflag:s19] =	ssyncset.done $0x0  }
0x54: {  	s28 =	sand.u32 $0x100, s16;
	s31 =	smov.u32 s24;
	[sflag:s19] =	ssyncadd.s32 $0xFFFFFF80  }
.LBB2_7:
0x55: {  	v5 =	vld [tilespmem:s31+$0x0];
	_ =	sdelay $0x4  }
0x56: {  	(v2sf) =	vpush v5, $0x0;
	_ =	sdelay $0xe  }
0x57: {  	s0 =	spop (v2sf)  }
0x58: {  	s3 =	sshll.u32 s0, $0x6  }
0x59: {  	s13 =	sadd.s32 s30, s24;
	s3 =	sadd.s32 $0x80, s3  }
0x5a: {  	s15 =	sand.u32 $0x40, s3;
	s3 =	sshll.u32 s13, $0x7  }
0x5b: {  	s15 =	sor.u32 s3, s15  }
0x5c: {  	s16 =	sshrl.u32 s0, $0x1F;
	v4 =	vor.u32 s15, v0  }
0x5d: {  	s13 =	sadd.s32 s16, s0;
	v6 =	vor.u32 s15, v1  }
0x5e: {  	s16 =	sand.u32 $0xFFFFFFFE, s13  }
0x5f: {  	p1 =	slt.s32 s0, $0x1;
	p2 =	sne.s32 s0, s16  }
0x60: {  	v7 =	vld [tilespmem:s26+$0x0];
	p1 =	por !p1, !p2  }
0x61: {  	s0 =	simm.s32 $0x1;
	p1 =	por !p1, !p1;
	v4 =	vld.idx.msk [tilespmem:v4+s14+$0x0], $0xffff  }
0x62: {  	s13 =	sshrl.u32 s13, $0x1;
	s0 =	simm.s32 @!p1 $0x0;
	v6 =	vld.idx.msk [tilespmem:v6+s14+$0x0], $0xffff  }
0x63: {  	s0 =	ssub.s32 s13, s0  }
0x64: {  	s0 =	sxor.u32 $0xFFFFFFFF, s0  }
0x65: {  	v7 =	vmul.f32 $1.516480270e-36, v7;
	s0 =	sshll.u32 s0, $0x3  }
0x66: {  	vm0 =	veq.s32 v5, $0x0;
	s0 =	sand.u32 $0x18, s0  }
0x67: {  	v8 =	vshll.u32 v4, s0;
	v4 =	vsel vm0, $0x0, v7;
	v6 =	vshll.u32 v6, s0  }
0x68: {  	v60 =	vshra.s32 v8, $0x18;
	v61 =	vbroadcast v4, $0x0;
	v6 =	vshra.s32 v6, $0x18  }
0x69: {  	v7 =	vcvt.s32.f32 v60;
	v6 =	vcvt.s32.f32 v6  }
0x6a: {  	(v2sf) =	vpush v5, $0x1  }
0x6b: {  	v7 =	vmul.f32 v7, v61;
	v6 =	vmul.f32 v6, v61  }
0x6c: {  	v11 =	vor.u32 s15, v2;
	v63 =	vor.u32 s15, v3  }
0x6d: {  	v9 =	vand.u32 $0x7FFFFFFF, v7;
	v7 =	vshrl.u32 v7, $0x10;
	v10 =	vshll.u32 v6, $0x3  }
0x6e: {  	v6 =	vand.u32 $0x80000000, v6;
	v9 =	vadd.s32 $0xFFF, v9;
	v7 =	vand.u32 $0x8000, v7  }
0x6f: {  	v10 =	vadd.s32 $0x7FF8, v10;
	v9 =	vshrl.u32 v9, $0xD;
	v6 =	vor.u32 v6, v7  }
0x70: {  	v62 =	vand.u32 $0xFFFF0000, v10;
	v6 =	vor.u32 v9, v6  }
0x71: {  	v6 =	vor.u32 v62, v6  }
0x72: {  	[tilespmem:s29+$0xFFFFFF00] =	vst v6  }
0x73: {  	v6 =	vld.idx.msk [tilespmem:v11+s14+$0x0], $0xffff  }
0x74: {  	v11 =	vld.idx.msk [tilespmem:v63+s14+$0x0], $0xffff;
	_ =	sdelay $0x3  }
0x75: {  	v6 =	vshll.u32 v6, s0  }
0x76: {  	v7 =	vshll.u32 v11, s0;
	s0 =	spop (v2sf);
	v6 =	vshra.s32 v6, $0x18  }
0x77: {  	v7 =	vshra.s32 v7, $0x18;
	s15 =	sshll.u32 s0, $0x6;
	v6 =	vcvt.s32.f32 v6  }
0x78: {  	v7 =	vcvt.s32.f32 v7;
	s13 =	sadd.s32 $0x80, s15  }
0x79: {  	s13 =	sand.u32 $0x40, s13;
	v6 =	vmul.f32 v6, v61  }
0x7a: {  	v7 =	vmul.f32 v7, v61;
	s13 =	sor.u32 s13, s3  }
0x7b: {  	s13 =	sadd.s32 $0x80, s13;
	v12 =	vand.u32 $0x7FFFFFFF, v6;
	v6 =	vshrl.u32 v6, $0x10  }
0x7c: {  	v14 =	vshll.u32 v7, $0x3;
	v7 =	vand.u32 $0x80000000, v7;
	v15 =	vor.u32 s13, v0  }
0x7d: {  	s16 =	sshrl.u32 s0, $0x1F;
	v17 =	vor.u32 s13, v1;
	v13 =	vadd.s32 $0xFFF, v12;
	v6 =	vand.u32 $0x8000, v6  }
0x7e: {  	s15 =	sadd.s32 s16, s0;
	v9 =	vadd.s32 $0x7FF8, v14;
	v8 =	vshrl.u32 v13, $0xD;
	v6 =	vor.u32 v7, v6  }
0x7f: {  	s16 =	sand.u32 $0xFFFFFFFE, s15;
	v16 =	vand.u32 $0xFFFF0000, v9;
	v6 =	vor.u32 v8, v6  }
0x80: {  	p5 =	slt.s32 s0, $0x1;
	p6 =	sne.s32 s0, s16;
	v6 =	vor.u32 v16, v6  }
0x81: {  	p1 =	por !p5, !p6;
	[tilespmem:s29+$0xFFFFFF10] =	vst v6  }
0x82: {  	s0 =	simm.s32 $0x1;
	p1 =	por !p1, !p1;
	v6 =	vld.idx.msk [tilespmem:v15+s14+$0x0], $0xffff  }
0x83: {  	s15 =	sshrl.u32 s15, $0x1;
	s0 =	simm.s32 @!p1 $0x0;
	v18 =	vld.idx.msk [tilespmem:v17+s14+$0x0], $0xffff  }
0x84: {  	s0 =	ssub.s32 s15, s0  }
0x85: {  	s0 =	sxor.u32 $0xFFFFFFFF, s0  }
0x86: {  	s0 =	sshll.u32 s0, $0x3  }
0x87: {  	s0 =	sand.u32 $0x18, s0  }
0x88: {  	v6 =	vshll.u32 v6, s0;
	v7 =	vshll.u32 v18, s0  }
0x89: {  	v19 =	vbroadcast v4, $0x1;
	v6 =	vshra.s32 v6, $0x18;
	v7 =	vshra.s32 v7, $0x18  }
0x8a: {  	v6 =	vcvt.s32.f32 v6;
	v7 =	vcvt.s32.f32 v7  }
0x8b: {  	(v2sf) =	vpush v5, $0x2  }
0x8c: {  	v6 =	vmul.f32 v6, v19;
	v7 =	vmul.f32 v7, v19  }
0x8d: {  	v22 =	vor.u32 s13, v2;
	v24 =	vor.u32 s13, v3  }
0x8e: {  	v20 =	vand.u32 $0x7FFFFFFF, v6;
	v6 =	vshrl.u32 v6, $0x10;
	v21 =	vshll.u32 v7, $0x3  }
0x8f: {  	v7 =	vand.u32 $0x80000000, v7;
	v9 =	vadd.s32 $0xFFF, v20;
	v6 =	vand.u32 $0x8000, v6  }
0x90: {  	v10 =	vadd.s32 $0x7FF8, v21;
	v9 =	vshrl.u32 v9, $0xD;
	v6 =	vor.u32 v7, v6  }
0x91: {  	v23 =	vand.u32 $0xFFFF0000, v10;
	v6 =	vor.u32 v9, v6  }
0x92: {  	v6 =	vor.u32 v23, v6  }
0x93: {  	[tilespmem:s29+$0xFFFFFF20] =	vst v6  }
0x94: {  	v6 =	vld.idx.msk [tilespmem:v22+s14+$0x0], $0xffff  }
0x95: {  	v25 =	vld.idx.msk [tilespmem:v24+s14+$0x0], $0xffff;
	_ =	sdelay $0x3  }
0x96: {  	v6 =	vshll.u32 v6, s0  }
0x97: {  	v7 =	vshll.u32 v25, s0;
	s0 =	spop (v2sf);
	v6 =	vshra.s32 v6, $0x18  }
0x98: {  	v7 =	vshra.s32 v7, $0x18;
	s15 =	sshll.u32 s0, $0x6;
	v6 =	vcvt.s32.f32 v6  }
0x99: {  	v7 =	vcvt.s32.f32 v7;
	s13 =	sadd.s32 $0x80, s15  }
0x9a: {  	s13 =	sand.u32 $0x40, s13;
	v6 =	vmul.f32 v6, v19  }
0x9b: {  	v7 =	vmul.f32 v7, v19;
	s13 =	sor.u32 s13, s3  }
0x9c: {  	s13 =	sadd.s32 $0x100, s13;
	v26 =	vand.u32 $0x7FFFFFFF, v6;
	v6 =	vshrl.u32 v6, $0x10  }
0x9d: {  	s16 =	sshrl.u32 s0, $0x1F;
	v28 =	vshll.u32 v7, $0x3;
	v7 =	vand.u32 $0x80000000, v7;
	v29 =	vor.u32 s13, v0  }
0x9e: {  	s15 =	sadd.s32 s16, s0;
	v31 =	vor.u32 s13, v1;
	v27 =	vadd.s32 $0xFFF, v26;
	v6 =	vand.u32 $0x8000, v6  }
0x9f: {  	s16 =	sand.u32 $0xFFFFFFFE, s15;
	v9 =	vadd.s32 $0x7FF8, v28;
	v8 =	vshrl.u32 v27, $0xD;
	v6 =	vor.u32 v6, v7  }
0xa0: {  	p3 =	sne.s32 s0, s16;
	s16 =	sadd.s32 $0xFFFFFE40, s25;
	v30 =	vand.u32 $0xFFFF0000, v9;
	v6 =	vor.u32 v8, v6  }
0xa1: {  	p4 =	slt.s32 s0, $0x1;
	s16 =	sor.u32 $0x30, s16;
	v6 =	vor.u32 v30, v6  }
0xa2: {  	p1 =	por !p4, !p3;
	[tilespmem:s16+$0x10600] =	vst v6  }
0xa3: {  	s0 =	simm.s32 $0x1;
	p1 =	por !p1, !p1;
	v6 =	vld.idx.msk [tilespmem:v29+s14+$0x0], $0xffff  }
0xa4: {  	s15 =	sshrl.u32 s15, $0x1;
	s0 =	simm.s32 @!p1 $0x0;
	v32 =	vld.idx.msk [tilespmem:v31+s14+$0x0], $0xffff  }
0xa5: {  	s0 =	ssub.s32 s15, s0  }
0xa6: {  	s0 =	sxor.u32 $0xFFFFFFFF, s0  }
0xa7: {  	s0 =	sshll.u32 s0, $0x3  }
0xa8: {  	s0 =	sand.u32 $0x18, s0  }
0xa9: {  	v6 =	vshll.u32 v6, s0;
	v7 =	vshll.u32 v32, s0  }
0xaa: {  	v33 =	vbroadcast v4, $0x2;
	v6 =	vshra.s32 v6, $0x18;
	v7 =	vshra.s32 v7, $0x18  }
0xab: {  	v6 =	vcvt.s32.f32 v6;
	v7 =	vcvt.s32.f32 v7  }
0xac: {  	(v2sf) =	vpush v5, $0x3  }
0xad: {  	v6 =	vmul.f32 v6, v33;
	v7 =	vmul.f32 v7, v33  }
0xae: {  	v36 =	vor.u32 s13, v2;
	v38 =	vor.u32 s13, v3  }
0xaf: {  	v34 =	vand.u32 $0x7FFFFFFF, v6;
	v6 =	vshrl.u32 v6, $0x10;
	v35 =	vshll.u32 v7, $0x3  }
0xb0: {  	v7 =	vand.u32 $0x80000000, v7;
	v9 =	vadd.s32 $0xFFF, v34;
	v6 =	vand.u32 $0x8000, v6  }
0xb1: {  	v10 =	vadd.s32 $0x7FF8, v35;
	v9 =	vshrl.u32 v9, $0xD;
	v6 =	vor.u32 v6, v7  }
0xb2: {  	v37 =	vand.u32 $0xFFFF0000, v10;
	v6 =	vor.u32 v9, v6  }
0xb3: {  	v6 =	vor.u32 v37, v6  }
0xb4: {  	[tilespmem:s29+$0xFFFFFF40] =	vst v6  }
0xb5: {  	v6 =	vld.idx.msk [tilespmem:v36+s14+$0x0], $0xffff  }
0xb6: {  	v39 =	vld.idx.msk [tilespmem:v38+s14+$0x0], $0xffff;
	_ =	sdelay $0x3  }
0xb7: {  	v6 =	vshll.u32 v6, s0  }
0xb8: {  	v7 =	vshll.u32 v39, s0;
	s0 =	spop (v2sf);
	v6 =	vshra.s32 v6, $0x18  }
0xb9: {  	v7 =	vshra.s32 v7, $0x18;
	s15 =	sshll.u32 s0, $0x6;
	v6 =	vcvt.s32.f32 v6  }
0xba: {  	v7 =	vcvt.s32.f32 v7;
	s13 =	sadd.s32 $0x80, s15  }
0xbb: {  	s13 =	sand.u32 $0x40, s13;
	v6 =	vmul.f32 v6, v33  }
0xbc: {  	v7 =	vmul.f32 v7, v33;
	s13 =	sor.u32 s13, s3  }
0xbd: {  	s13 =	sadd.s32 $0x180, s13;
	v40 =	vand.u32 $0x7FFFFFFF, v6;
	v6 =	vshrl.u32 v6, $0x10  }
0xbe: {  	s16 =	sshrl.u32 s0, $0x1F;
	v42 =	vshll.u32 v7, $0x3;
	v7 =	vand.u32 $0x80000000, v7;
	v43 =	vor.u32 s13, v0  }
0xbf: {  	s15 =	sadd.s32 s16, s0;
	v45 =	vor.u32 s13, v1;
	v41 =	vadd.s32 $0xFFF, v40;
	v6 =	vand.u32 $0x8000, v6  }
0xc0: {  	s16 =	sand.u32 $0xFFFFFFFE, s15;
	v9 =	vadd.s32 $0x7FF8, v42;
	v8 =	vshrl.u32 v41, $0xD;
	v6 =	vor.u32 v6, v7  }
0xc1: {  	p5 =	sne.s32 s0, s16;
	s16 =	sadd.s32 $0xFFFFFE60, s25;
	v44 =	vand.u32 $0xFFFF0000, v9;
	v6 =	vor.u32 v8, v6  }
0xc2: {  	p6 =	slt.s32 s0, $0x1;
	s16 =	sor.u32 $0x50, s16;
	v6 =	vor.u32 v44, v6  }
0xc3: {  	p1 =	por !p6, !p5;
	[tilespmem:s16+$0x10600] =	vst v6  }
0xc4: {  	s0 =	simm.s32 $0x1;
	p1 =	por !p1, !p1;
	v6 =	vld.idx.msk [tilespmem:v43+s14+$0x0], $0xffff  }
0xc5: {  	s15 =	sshrl.u32 s15, $0x1;
	s0 =	simm.s32 @!p1 $0x0;
	v46 =	vld.idx.msk [tilespmem:v45+s14+$0x0], $0xffff  }
0xc6: {  	s0 =	ssub.s32 s15, s0  }
0xc7: {  	s0 =	sxor.u32 $0xFFFFFFFF, s0  }
0xc8: {  	s0 =	sshll.u32 s0, $0x3  }
0xc9: {  	s0 =	sand.u32 $0x18, s0  }
0xca: {  	v6 =	vshll.u32 v6, s0;
	v7 =	vshll.u32 v46, s0  }
0xcb: {  	v47 =	vbroadcast v4, $0x3;
	v6 =	vshra.s32 v6, $0x18;
	v7 =	vshra.s32 v7, $0x18  }
0xcc: {  	v6 =	vcvt.s32.f32 v6;
	v7 =	vcvt.s32.f32 v7  }
0xcd: {  	(v2sf) =	vpush v5, $0x4  }
0xce: {  	v6 =	vmul.f32 v6, v47;
	v7 =	vmul.f32 v7, v47  }
0xcf: {  	v50 =	vor.u32 s13, v2;
	v52 =	vor.u32 s13, v3  }
0xd0: {  	v48 =	vand.u32 $0x7FFFFFFF, v6;
	v6 =	vshrl.u32 v6, $0x10;
	v49 =	vshll.u32 v7, $0x3  }
0xd1: {  	v7 =	vand.u32 $0x80000000, v7;
	v9 =	vadd.s32 $0xFFF, v48;
	v6 =	vand.u32 $0x8000, v6  }
0xd2: {  	v10 =	vadd.s32 $0x7FF8, v49;
	v9 =	vshrl.u32 v9, $0xD;
	v6 =	vor.u32 v6, v7  }
0xd3: {  	v51 =	vand.u32 $0xFFFF0000, v10;
	v6 =	vor.u32 v9, v6  }
0xd4: {  	v6 =	vor.u32 v51, v6  }
0xd5: {  	[tilespmem:s29+$0xFFFFFF60] =	vst v6  }
0xd6: {  	v6 =	vld.idx.msk [tilespmem:v50+s14+$0x0], $0xffff  }
0xd7: {  	v53 =	vld.idx.msk [tilespmem:v52+s14+$0x0], $0xffff;
	_ =	sdelay $0x3  }
0xd8: {  	v6 =	vshll.u32 v6, s0  }
0xd9: {  	v7 =	vshll.u32 v53, s0;
	s0 =	spop (v2sf);
	v6 =	vshra.s32 v6, $0x18  }
0xda: {  	v7 =	vshra.s32 v7, $0x18;
	s15 =	sshll.u32 s0, $0x6;
	v6 =	vcvt.s32.f32 v6  }
0xdb: {  	v7 =	vcvt.s32.f32 v7;
	s13 =	sadd.s32 $0x80, s15  }
0xdc: {  	s13 =	sand.u32 $0x40, s13;
	v6 =	vmul.f32 v6, v47  }
0xdd: {  	v7 =	vmul.f32 v7, v47;
	s13 =	sor.u32 s13, s3  }
0xde: {  	s13 =	sadd.s32 $0x200, s13;
	v54 =	vand.u32 $0x7FFFFFFF, v6;
	v6 =	vshrl.u32 v6, $0x10  }
0xdf: {  	s16 =	sshrl.u32 s0, $0x1F;
	v56 =	vshll.u32 v7, $0x3;
	v7 =	vand.u32 $0x80000000, v7;
	v57 =	vor.u32 s13, v0  }
0xe0: {  	s15 =	sadd.s32 s16, s0;
	v59 =	vor.u32 s13, v1;
	v55 =	vadd.s32 $0xFFF, v54;
	v6 =	vand.u32 $0x8000, v6  }
0xe1: {  	s16 =	sand.u32 $0xFFFFFFFE, s15;
	v9 =	vadd.s32 $0x7FF8, v56;
	v8 =	vshrl.u32 v55, $0xD;
	v6 =	vor.u32 v6, v7  }
0xe2: {  	p3 =	sne.s32 s0, s16;
	s16 =	sadd.s32 $0xFFFFFE80, s25;
	v58 =	vand.u32 $0xFFFF0000, v9;
	v6 =	vor.u32 v8, v6  }
0xe3: {  	p4 =	slt.s32 s0, $0x1;
	s16 =	sor.u32 $0x70, s16;
	v6 =	vor.u32 v58, v6  }
0xe4: {  	p1 =	por !p4, !p3;
	[tilespmem:s16+$0x10600] =	vst v6  }
0xe5: {  	s0 =	simm.s32 $0x1;
	p1 =	por !p1, !p1;
	v6 =	vld.idx.msk [tilespmem:v57+s14+$0x0], $0xffff  }
0xe6: {  	s15 =	sshrl.u32 s15, $0x1;
	s0 =	simm.s32 @!p1 $0x0;
	v60 =	vld.idx.msk [tilespmem:v59+s14+$0x0], $0xffff  }
0xe7: {  	s0 =	ssub.s32 s15, s0  }
0xe8: {  	s0 =	sxor.u32 $0xFFFFFFFF, s0  }
0xe9: {  	s0 =	sshll.u32 s0, $0x3  }
0xea: {  	s0 =	sand.u32 $0x18, s0  }
0xeb: {  	v6 =	vshll.u32 v6, s0;
	v7 =	vshll.u32 v60, s0  }
0xec: {  	v61 =	vbroadcast v4, $0x4;
	v6 =	vshra.s32 v6, $0x18;
	v7 =	vshra.s32 v7, $0x18  }
0xed: {  	v6 =	vcvt.s32.f32 v6;
	v7 =	vcvt.s32.f32 v7  }
0xee: {  	(v2sf) =	vpush v5, $0x5  }
0xef: {  	v6 =	vmul.f32 v6, v61;
	v7 =	vmul.f32 v7, v61  }
0xf0: {  	v12 =	vor.u32 s13, v2;
	v14 =	vor.u32 s13, v3  }
0xf1: {  	v62 =	vand.u32 $0x7FFFFFFF, v6;
	v6 =	vshrl.u32 v6, $0x10;
	v63 =	vshll.u32 v7, $0x3  }
0xf2: {  	v7 =	vand.u32 $0x80000000, v7;
	v9 =	vadd.s32 $0xFFF, v62;
	v6 =	vand.u32 $0x8000, v6  }
0xf3: {  	v10 =	vadd.s32 $0x7FF8, v63;
	v9 =	vshrl.u32 v9, $0xD;
	v6 =	vor.u32 v6, v7  }
0xf4: {  	v13 =	vand.u32 $0xFFFF0000, v10;
	v6 =	vor.u32 v9, v6  }
0xf5: {  	v6 =	vor.u32 v13, v6  }
0xf6: {  	[tilespmem:s29+$0xFFFFFF80] =	vst v6  }
0xf7: {  	v6 =	vld.idx.msk [tilespmem:v12+s14+$0x0], $0xffff  }
0xf8: {  	v15 =	vld.idx.msk [tilespmem:v14+s14+$0x0], $0xffff;
	_ =	sdelay $0x3  }
0xf9: {  	v6 =	vshll.u32 v6, s0  }
0xfa: {  	v7 =	vshll.u32 v15, s0;
	s0 =	spop (v2sf);
	v6 =	vshra.s32 v6, $0x18  }
0xfb: {  	v7 =	vshra.s32 v7, $0x18;
	s15 =	sshll.u32 s0, $0x6;
	v6 =	vcvt.s32.f32 v6  }
0xfc: {  	v7 =	vcvt.s32.f32 v7;
	s13 =	sadd.s32 $0x80, s15  }
0xfd: {  	s13 =	sand.u32 $0x40, s13;
	v6 =	vmul.f32 v6, v61  }
0xfe: {  	v7 =	vmul.f32 v7, v61;
	s13 =	sor.u32 s13, s3  }
0xff: {  	s13 =	sadd.s32 $0x280, s13;
	v16 =	vand.u32 $0x7FFFFFFF, v6;
	v6 =	vshrl.u32 v6, $0x10  }
0x100: {  	v18 =	vshll.u32 v7, $0x3;
	v7 =	vand.u32 $0x80000000, v7;
	v19 =	vor.u32 s13, v0  }
0x101: {  	s16 =	sshrl.u32 s0, $0x1F;
	v21 =	vor.u32 s13, v1;
	v17 =	vadd.s32 $0xFFF, v16;
	v6 =	vand.u32 $0x8000, v6  }
0x102: {  	s15 =	sadd.s32 s16, s0;
	v9 =	vadd.s32 $0x7FF8, v18;
	v8 =	vshrl.u32 v17, $0xD;
	v6 =	vor.u32 v6, v7  }
0x103: {  	s16 =	sand.u32 $0xFFFFFFFE, s15;
	v20 =	vand.u32 $0xFFFF0000, v9;
	v6 =	vor.u32 v8, v6  }
0x104: {  	p5 =	slt.s32 s0, $0x1;
	p6 =	sne.s32 s0, s16;
	v6 =	vor.u32 v20, v6  }
0x105: {  	p1 =	por !p5, !p6;
	[tilespmem:s29+$0xFFFFFF90] =	vst v6  }
0x106: {  	s0 =	simm.s32 $0x1;
	p1 =	por !p1, !p1;
	v6 =	vld.idx.msk [tilespmem:v19+s14+$0x0], $0xffff  }
0x107: {  	s15 =	sshrl.u32 s15, $0x1;
	s0 =	simm.s32 @!p1 $0x0;
	v22 =	vld.idx.msk [tilespmem:v21+s14+$0x0], $0xffff  }
0x108: {  	s0 =	ssub.s32 s15, s0  }
0x109: {  	s0 =	sxor.u32 $0xFFFFFFFF, s0  }
0x10a: {  	s0 =	sshll.u32 s0, $0x3  }
0x10b: {  	s0 =	sand.u32 $0x18, s0  }
0x10c: {  	v6 =	vshll.u32 v6, s0;
	v7 =	vshll.u32 v22, s0  }
0x10d: {  	v23 =	vbroadcast v4, $0x5;
	v6 =	vshra.s32 v6, $0x18;
	v7 =	vshra.s32 v7, $0x18  }
0x10e: {  	v6 =	vcvt.s32.f32 v6;
	v7 =	vcvt.s32.f32 v7  }
0x10f: {  	(v2sf) =	vpush v5, $0x6  }
0x110: {  	v6 =	vmul.f32 v6, v23;
	v7 =	vmul.f32 v7, v23  }
0x111: {  	v26 =	vor.u32 s13, v2;
	v28 =	vor.u32 s13, v3  }
0x112: {  	v24 =	vand.u32 $0x7FFFFFFF, v6;
	v6 =	vshrl.u32 v6, $0x10;
	v25 =	vshll.u32 v7, $0x3  }
0x113: {  	v7 =	vand.u32 $0x80000000, v7;
	v9 =	vadd.s32 $0xFFF, v24;
	v6 =	vand.u32 $0x8000, v6  }
0x114: {  	v10 =	vadd.s32 $0x7FF8, v25;
	v9 =	vshrl.u32 v9, $0xD;
	v6 =	vor.u32 v6, v7  }
0x115: {  	v27 =	vand.u32 $0xFFFF0000, v10;
	v6 =	vor.u32 v9, v6  }
0x116: {  	v6 =	vor.u32 v27, v6  }
0x117: {  	[tilespmem:s29+$0xFFFFFFA0] =	vst v6  }
0x118: {  	v6 =	vld.idx.msk [tilespmem:v26+s14+$0x0], $0xffff  }
0x119: {  	v29 =	vld.idx.msk [tilespmem:v28+s14+$0x0], $0xffff;
	_ =	sdelay $0x3  }
0x11a: {  	v6 =	vshll.u32 v6, s0  }
0x11b: {  	v7 =	vshll.u32 v29, s0;
	s0 =	spop (v2sf);
	v6 =	vshra.s32 v6, $0x18  }
0x11c: {  	v7 =	vshra.s32 v7, $0x18;
	s15 =	sshll.u32 s0, $0x6;
	v6 =	vcvt.s32.f32 v6  }
0x11d: {  	v7 =	vcvt.s32.f32 v7;
	s13 =	sadd.s32 $0x80, s15  }
0x11e: {  	s13 =	sand.u32 $0x40, s13;
	v6 =	vmul.f32 v6, v23  }
0x11f: {  	v7 =	vmul.f32 v7, v23;
	s13 =	sor.u32 s13, s3  }
0x120: {  	s13 =	sadd.s32 $0x300, s13;
	v30 =	vand.u32 $0x7FFFFFFF, v6;
	v6 =	vshrl.u32 v6, $0x10  }
0x121: {  	s16 =	sshrl.u32 s0, $0x1F;
	v32 =	vshll.u32 v7, $0x3;
	v7 =	vand.u32 $0x80000000, v7;
	v33 =	vor.u32 s13, v0  }
0x122: {  	s15 =	sadd.s32 s16, s0;
	v35 =	vor.u32 s13, v1;
	v31 =	vadd.s32 $0xFFF, v30;
	v6 =	vand.u32 $0x8000, v6  }
0x123: {  	s16 =	sand.u32 $0xFFFFFFFE, s15;
	v9 =	vadd.s32 $0x7FF8, v32;
	v8 =	vshrl.u32 v31, $0xD;
	v6 =	vor.u32 v6, v7  }
0x124: {  	p3 =	sne.s32 s0, s16;
	s16 =	sadd.s32 $0xFFFFFEC0, s25;
	v34 =	vand.u32 $0xFFFF0000, v9;
	v6 =	vor.u32 v8, v6  }
0x125: {  	p4 =	slt.s32 s0, $0x1;
	s16 =	sor.u32 $0x30, s16;
	v6 =	vor.u32 v34, v6  }
0x126: {  	p1 =	por !p4, !p3;
	[tilespmem:s16+$0x10600] =	vst v6  }
0x127: {  	s0 =	simm.s32 $0x1;
	p1 =	por !p1, !p1;
	v6 =	vld.idx.msk [tilespmem:v33+s14+$0x0], $0xffff  }
0x128: {  	s15 =	sshrl.u32 s15, $0x1;
	s0 =	simm.s32 @!p1 $0x0;
	v36 =	vld.idx.msk [tilespmem:v35+s14+$0x0], $0xffff  }
0x129: {  	s0 =	ssub.s32 s15, s0  }
0x12a: {  	s0 =	sxor.u32 $0xFFFFFFFF, s0  }
0x12b: {  	s0 =	sshll.u32 s0, $0x3  }
0x12c: {  	s0 =	sand.u32 $0x18, s0  }
0x12d: {  	v6 =	vshll.u32 v6, s0;
	v7 =	vshll.u32 v36, s0  }
0x12e: {  	v37 =	vbroadcast v4, $0x6;
	v6 =	vshra.s32 v6, $0x18;
	v7 =	vshra.s32 v7, $0x18  }
0x12f: {  	v6 =	vcvt.s32.f32 v6;
	v7 =	vcvt.s32.f32 v7  }
0x130: {  	(v2sf) =	vpush v5, $0x7  }
0x131: {  	v6 =	vmul.f32 v6, v37;
	v7 =	vmul.f32 v7, v37  }
0x132: {  	v40 =	vor.u32 s13, v2;
	v42 =	vor.u32 s13, v3  }
0x133: {  	v38 =	vand.u32 $0x7FFFFFFF, v6;
	v6 =	vshrl.u32 v6, $0x10;
	v39 =	vshll.u32 v7, $0x3  }
0x134: {  	v7 =	vand.u32 $0x80000000, v7;
	v9 =	vadd.s32 $0xFFF, v38;
	v6 =	vand.u32 $0x8000, v6  }
0x135: {  	v10 =	vadd.s32 $0x7FF8, v39;
	v9 =	vshrl.u32 v9, $0xD;
	v6 =	vor.u32 v6, v7  }
0x136: {  	v41 =	vand.u32 $0xFFFF0000, v10;
	v6 =	vor.u32 v9, v6  }
0x137: {  	v6 =	vor.u32 v41, v6  }
0x138: {  	[tilespmem:s29+$0xFFFFFFC0] =	vst v6  }
0x139: {  	v6 =	vld.idx.msk [tilespmem:v40+s14+$0x0], $0xffff  }
0x13a: {  	v43 =	vld.idx.msk [tilespmem:v42+s14+$0x0], $0xffff;
	_ =	sdelay $0x3  }
0x13b: {  	v6 =	vshll.u32 v6, s0  }
0x13c: {  	v7 =	vshll.u32 v43, s0;
	s0 =	spop (v2sf);
	v6 =	vshra.s32 v6, $0x18  }
0x13d: {  	v7 =	vshra.s32 v7, $0x18;
	s15 =	sshll.u32 s0, $0x6;
	v6 =	vcvt.s32.f32 v6  }
0x13e: {  	v7 =	vcvt.s32.f32 v7;
	s13 =	sadd.s32 $0x80, s15  }
0x13f: {  	s13 =	sand.u32 $0x40, s13;
	v6 =	vmul.f32 v6, v37  }
0x140: {  	v7 =	vmul.f32 v7, v37;
	s13 =	sor.u32 s13, s3  }
0x141: {  	s13 =	sadd.s32 $0x380, s13;
	v44 =	vand.u32 $0x7FFFFFFF, v6;
	v6 =	vshrl.u32 v6, $0x10  }
0x142: {  	s16 =	sshrl.u32 s0, $0x1F;
	v46 =	vshll.u32 v7, $0x3;
	v7 =	vand.u32 $0x80000000, v7;
	v47 =	vor.u32 s13, v0  }
0x143: {  	s15 =	sadd.s32 s16, s0;
	v49 =	vor.u32 s13, v1;
	v45 =	vadd.s32 $0xFFF, v44;
	v6 =	vand.u32 $0x8000, v6  }
0x144: {  	s16 =	sand.u32 $0xFFFFFFFE, s15;
	v9 =	vadd.s32 $0x7FF8, v46;
	v8 =	vshrl.u32 v45, $0xD;
	v6 =	vor.u32 v6, v7  }
0x145: {  	p5 =	sne.s32 s0, s16;
	s16 =	sadd.s32 $0xFFFFFEE0, s25;
	v48 =	vand.u32 $0xFFFF0000, v9;
	v6 =	vor.u32 v8, v6  }
0x146: {  	p6 =	slt.s32 s0, $0x1;
	s16 =	sor.u32 $0x50, s16;
	v6 =	vor.u32 v48, v6  }
0x147: {  	p1 =	por !p6, !p5;
	[tilespmem:s16+$0x10600] =	vst v6  }
0x148: {  	s0 =	simm.s32 $0x1;
	p1 =	por !p1, !p1;
	v6 =	vld.idx.msk [tilespmem:v47+s14+$0x0], $0xffff  }
0x149: {  	s15 =	sshrl.u32 s15, $0x1;
	s0 =	simm.s32 @!p1 $0x0;
	v50 =	vld.idx.msk [tilespmem:v49+s14+$0x0], $0xffff  }
0x14a: {  	s0 =	ssub.s32 s15, s0  }
0x14b: {  	s0 =	sxor.u32 $0xFFFFFFFF, s0  }
0x14c: {  	s0 =	sshll.u32 s0, $0x3  }
0x14d: {  	s0 =	sand.u32 $0x18, s0  }
0x14e: {  	v6 =	vshll.u32 v6, s0;
	v7 =	vshll.u32 v50, s0  }
0x14f: {  	v51 =	vbroadcast v4, $0x7;
	v6 =	vshra.s32 v6, $0x18;
	v7 =	vshra.s32 v7, $0x18  }
0x150: {  	v6 =	vcvt.s32.f32 v6;
	v7 =	vcvt.s32.f32 v7  }
0x151: {  	(v2sf) =	vpush v5, $0x8  }
0x152: {  	v6 =	vmul.f32 v6, v51;
	v7 =	vmul.f32 v7, v51  }
0x153: {  	v54 =	vor.u32 s13, v2;
	v56 =	vor.u32 s13, v3  }
0x154: {  	v52 =	vand.u32 $0x7FFFFFFF, v6;
	v6 =	vshrl.u32 v6, $0x10;
	v53 =	vshll.u32 v7, $0x3  }
0x155: {  	v7 =	vand.u32 $0x80000000, v7;
	v9 =	vadd.s32 $0xFFF, v52;
	v6 =	vand.u32 $0x8000, v6  }
0x156: {  	v10 =	vadd.s32 $0x7FF8, v53;
	v9 =	vshrl.u32 v9, $0xD;
	v6 =	vor.u32 v6, v7  }
0x157: {  	v55 =	vand.u32 $0xFFFF0000, v10;
	v6 =	vor.u32 v9, v6  }
0x158: {  	v6 =	vor.u32 v55, v6  }
0x159: {  	[tilespmem:s29+$0xFFFFFFE0] =	vst v6  }
0x15a: {  	v6 =	vld.idx.msk [tilespmem:v54+s14+$0x0], $0xffff  }
0x15b: {  	v57 =	vld.idx.msk [tilespmem:v56+s14+$0x0], $0xffff;
	_ =	sdelay $0x3  }
0x15c: {  	v6 =	vshll.u32 v6, s0  }
0x15d: {  	v7 =	vshll.u32 v57, s0;
	s0 =	spop (v2sf);
	v6 =	vshra.s32 v6, $0x18  }
0x15e: {  	v7 =	vshra.s32 v7, $0x18;
	s15 =	sshll.u32 s0, $0x6;
	v6 =	vcvt.s32.f32 v6  }
0x15f: {  	v7 =	vcvt.s32.f32 v7;
	s13 =	sadd.s32 $0x80, s15  }
0x160: {  	s13 =	sand.u32 $0x40, s13;
	v6 =	vmul.f32 v6, v51  }
0x161: {  	v7 =	vmul.f32 v7, v51;
	s13 =	sor.u32 s13, s3  }
0x162: {  	s13 =	sadd.s32 $0x400, s13;
	v58 =	vand.u32 $0x7FFFFFFF, v6;
	v6 =	vshrl.u32 v6, $0x10  }
0x163: {  	s16 =	sshrl.u32 s0, $0x1F;
	v60 =	vshll.u32 v7, $0x3;
	v7 =	vand.u32 $0x80000000, v7;
	v61 =	vor.u32 s13, v0  }
0x164: {  	s15 =	sadd.s32 s16, s0;
	v63 =	vor.u32 s13, v1;
	v59 =	vadd.s32 $0xFFF, v58;
	v6 =	vand.u32 $0x8000, v6  }
0x165: {  	s16 =	sand.u32 $0xFFFFFFFE, s15;
	v9 =	vadd.s32 $0x7FF8, v60;
	v8 =	vshrl.u32 v59, $0xD;
	v6 =	vor.u32 v6, v7  }
0x166: {  	p3 =	sne.s32 s0, s16;
	s16 =	sadd.s32 $0xFFFFFF00, s25;
	v62 =	vand.u32 $0xFFFF0000, v9;
	v6 =	vor.u32 v8, v6  }
0x167: {  	p4 =	slt.s32 s0, $0x1;
	s16 =	sor.u32 $0x70, s16;
	v6 =	vor.u32 v62, v6  }
0x168: {  	p1 =	por !p4, !p3;
	[tilespmem:s16+$0x10600] =	vst v6  }
0x169: {  	s0 =	simm.s32 $0x1;
	p1 =	por !p1, !p1;
	v6 =	vld.idx.msk [tilespmem:v61+s14+$0x0], $0xffff  }
0x16a: {  	s15 =	sshrl.u32 s15, $0x1;
	s0 =	simm.s32 @!p1 $0x0;
	v12 =	vld.idx.msk [tilespmem:v63+s14+$0x0], $0xffff  }
0x16b: {  	s0 =	ssub.s32 s15, s0  }
0x16c: {  	s0 =	sxor.u32 $0xFFFFFFFF, s0  }
0x16d: {  	s0 =	sshll.u32 s0, $0x3  }
0x16e: {  	s0 =	sand.u32 $0x18, s0  }
0x16f: {  	v6 =	vshll.u32 v6, s0;
	v7 =	vshll.u32 v12, s0  }
0x170: {  	v13 =	vbroadcast v4, $0x8;
	v6 =	vshra.s32 v6, $0x18;
	v7 =	vshra.s32 v7, $0x18  }
0x171: {  	v6 =	vcvt.s32.f32 v6;
	v7 =	vcvt.s32.f32 v7  }
0x172: {  	(v2sf) =	vpush v5, $0x9  }
0x173: {  	v6 =	vmul.f32 v6, v13;
	v7 =	vmul.f32 v7, v13  }
0x174: {  	v16 =	vor.u32 s13, v2;
	v18 =	vor.u32 s13, v3  }
0x175: {  	v14 =	vand.u32 $0x7FFFFFFF, v6;
	v6 =	vshrl.u32 v6, $0x10;
	v15 =	vshll.u32 v7, $0x3  }
0x176: {  	v7 =	vand.u32 $0x80000000, v7;
	v9 =	vadd.s32 $0xFFF, v14;
	v6 =	vand.u32 $0x8000, v6  }
0x177: {  	v10 =	vadd.s32 $0x7FF8, v15;
	v9 =	vshrl.u32 v9, $0xD;
	v6 =	vor.u32 v6, v7  }
0x178: {  	v17 =	vand.u32 $0xFFFF0000, v10;
	v6 =	vor.u32 v9, v6  }
0x179: {  	v6 =	vor.u32 v17, v6  }
0x17a: {  	[tilespmem:s29+$0x0] =	vst v6  }
0x17b: {  	v6 =	vld.idx.msk [tilespmem:v16+s14+$0x0], $0xffff  }
0x17c: {  	v19 =	vld.idx.msk [tilespmem:v18+s14+$0x0], $0xffff;
	_ =	sdelay $0x3  }
0x17d: {  	v6 =	vshll.u32 v6, s0  }
0x17e: {  	v7 =	vshll.u32 v19, s0;
	s0 =	spop (v2sf);
	v6 =	vshra.s32 v6, $0x18  }
0x17f: {  	v7 =	vshra.s32 v7, $0x18;
	s15 =	sshll.u32 s0, $0x6;
	v6 =	vcvt.s32.f32 v6  }
0x180: {  	v7 =	vcvt.s32.f32 v7;
	s13 =	sadd.s32 $0x80, s15  }
0x181: {  	s13 =	sand.u32 $0x40, s13;
	v6 =	vmul.f32 v6, v13  }
0x182: {  	v7 =	vmul.f32 v7, v13;
	s13 =	sor.u32 s13, s3  }
0x183: {  	s13 =	sadd.s32 $0x480, s13;
	v20 =	vand.u32 $0x7FFFFFFF, v6;
	v6 =	vshrl.u32 v6, $0x10  }
0x184: {  	v22 =	vshll.u32 v7, $0x3;
	v7 =	vand.u32 $0x80000000, v7;
	v23 =	vor.u32 s13, v0  }
0x185: {  	s16 =	sshrl.u32 s0, $0x1F;
	v25 =	vor.u32 s13, v1;
	v21 =	vadd.s32 $0xFFF, v20;
	v6 =	vand.u32 $0x8000, v6  }
0x186: {  	s15 =	sadd.s32 s16, s0;
	v9 =	vadd.s32 $0x7FF8, v22;
	v8 =	vshrl.u32 v21, $0xD;
	v6 =	vor.u32 v6, v7  }
0x187: {  	s16 =	sand.u32 $0xFFFFFFFE, s15;
	v24 =	vand.u32 $0xFFFF0000, v9;
	v6 =	vor.u32 v8, v6  }
0x188: {  	p5 =	slt.s32 s0, $0x1;
	p6 =	sne.s32 s0, s16;
	v6 =	vor.u32 v24, v6  }
0x189: {  	p1 =	por !p5, !p6;
	[tilespmem:s29+$0x10] =	vst v6  }
0x18a: {  	s0 =	simm.s32 $0x1;
	p1 =	por !p1, !p1;
	v6 =	vld.idx.msk [tilespmem:v23+s14+$0x0], $0xffff  }
0x18b: {  	s15 =	sshrl.u32 s15, $0x1;
	s0 =	simm.s32 @!p1 $0x0;
	v26 =	vld.idx.msk [tilespmem:v25+s14+$0x0], $0xffff  }
0x18c: {  	s0 =	ssub.s32 s15, s0  }
0x18d: {  	s0 =	sxor.u32 $0xFFFFFFFF, s0  }
0x18e: {  	s0 =	sshll.u32 s0, $0x3  }
0x18f: {  	s0 =	sand.u32 $0x18, s0  }
0x190: {  	v6 =	vshll.u32 v6, s0;
	v7 =	vshll.u32 v26, s0  }
0x191: {  	v27 =	vbroadcast v4, $0x9;
	v6 =	vshra.s32 v6, $0x18;
	v7 =	vshra.s32 v7, $0x18  }
0x192: {  	v6 =	vcvt.s32.f32 v6;
	v7 =	vcvt.s32.f32 v7  }
0x193: {  	(v2sf) =	vpush v5, $0xA  }
0x194: {  	v6 =	vmul.f32 v6, v27;
	v7 =	vmul.f32 v7, v27  }
0x195: {  	v30 =	vor.u32 s13, v2;
	v32 =	vor.u32 s13, v3  }
0x196: {  	v28 =	vand.u32 $0x7FFFFFFF, v6;
	v6 =	vshrl.u32 v6, $0x10;
	v29 =	vshll.u32 v7, $0x3  }
0x197: {  	v7 =	vand.u32 $0x80000000, v7;
	v9 =	vadd.s32 $0xFFF, v28;
	v6 =	vand.u32 $0x8000, v6  }
0x198: {  	v10 =	vadd.s32 $0x7FF8, v29;
	v9 =	vshrl.u32 v9, $0xD;
	v6 =	vor.u32 v6, v7  }
0x199: {  	v31 =	vand.u32 $0xFFFF0000, v10;
	v6 =	vor.u32 v9, v6  }
0x19a: {  	v6 =	vor.u32 v31, v6  }
0x19b: {  	[tilespmem:s29+$0x20] =	vst v6  }
0x19c: {  	v6 =	vld.idx.msk [tilespmem:v30+s14+$0x0], $0xffff  }
0x19d: {  	v33 =	vld.idx.msk [tilespmem:v32+s14+$0x0], $0xffff;
	_ =	sdelay $0x3  }
0x19e: {  	v6 =	vshll.u32 v6, s0  }
0x19f: {  	v7 =	vshll.u32 v33, s0;
	s0 =	spop (v2sf);
	v6 =	vshra.s32 v6, $0x18  }
0x1a0: {  	v7 =	vshra.s32 v7, $0x18;
	s15 =	sshll.u32 s0, $0x6;
	v6 =	vcvt.s32.f32 v6  }
0x1a1: {  	v7 =	vcvt.s32.f32 v7;
	s13 =	sadd.s32 $0x80, s15  }
0x1a2: {  	s13 =	sand.u32 $0x40, s13;
	v6 =	vmul.f32 v6, v27  }
0x1a3: {  	v7 =	vmul.f32 v7, v27;
	s13 =	sor.u32 s13, s3  }
0x1a4: {  	s13 =	sadd.s32 $0x500, s13;
	v34 =	vand.u32 $0x7FFFFFFF, v6;
	v6 =	vshrl.u32 v6, $0x10  }
0x1a5: {  	s16 =	sshrl.u32 s0, $0x1F;
	v36 =	vshll.u32 v7, $0x3;
	v7 =	vand.u32 $0x80000000, v7;
	v37 =	vor.u32 s13, v0  }
0x1a6: {  	s15 =	sadd.s32 s16, s0;
	v39 =	vor.u32 s13, v1;
	v35 =	vadd.s32 $0xFFF, v34;
	v6 =	vand.u32 $0x8000, v6  }
0x1a7: {  	s16 =	sand.u32 $0xFFFFFFFE, s15;
	v9 =	vadd.s32 $0x7FF8, v36;
	v8 =	vshrl.u32 v35, $0xD;
	v6 =	vor.u32 v6, v7  }
0x1a8: {  	p3 =	sne.s32 s0, s16;
	s16 =	sadd.s32 $0xFFFFFF40, s25;
	v38 =	vand.u32 $0xFFFF0000, v9;
	v6 =	vor.u32 v8, v6  }
0x1a9: {  	p4 =	slt.s32 s0, $0x1;
	s16 =	sor.u32 $0x30, s16;
	v6 =	vor.u32 v38, v6  }
0x1aa: {  	p1 =	por !p4, !p3;
	[tilespmem:s16+$0x10600] =	vst v6  }
0x1ab: {  	s0 =	simm.s32 $0x1;
	p1 =	por !p1, !p1;
	v6 =	vld.idx.msk [tilespmem:v37+s14+$0x0], $0xffff  }
0x1ac: {  	s15 =	sshrl.u32 s15, $0x1;
	s0 =	simm.s32 @!p1 $0x0;
	v40 =	vld.idx.msk [tilespmem:v39+s14+$0x0], $0xffff  }
0x1ad: {  	s0 =	ssub.s32 s15, s0  }
0x1ae: {  	s0 =	sxor.u32 $0xFFFFFFFF, s0  }
0x1af: {  	s0 =	sshll.u32 s0, $0x3  }
0x1b0: {  	s0 =	sand.u32 $0x18, s0  }
0x1b1: {  	v6 =	vshll.u32 v6, s0;
	v7 =	vshll.u32 v40, s0  }
0x1b2: {  	v41 =	vbroadcast v4, $0xA;
	v6 =	vshra.s32 v6, $0x18;
	v7 =	vshra.s32 v7, $0x18  }
0x1b3: {  	v6 =	vcvt.s32.f32 v6;
	v7 =	vcvt.s32.f32 v7  }
0x1b4: {  	(v2sf) =	vpush v5, $0xB  }
0x1b5: {  	v6 =	vmul.f32 v6, v41;
	v7 =	vmul.f32 v7, v41  }
0x1b6: {  	v44 =	vor.u32 s13, v2;
	v46 =	vor.u32 s13, v3  }
0x1b7: {  	v42 =	vand.u32 $0x7FFFFFFF, v6;
	v6 =	vshrl.u32 v6, $0x10;
	v43 =	vshll.u32 v7, $0x3  }
0x1b8: {  	v7 =	vand.u32 $0x80000000, v7;
	v9 =	vadd.s32 $0xFFF, v42;
	v6 =	vand.u32 $0x8000, v6  }
0x1b9: {  	v10 =	vadd.s32 $0x7FF8, v43;
	v9 =	vshrl.u32 v9, $0xD;
	v6 =	vor.u32 v6, v7  }
0x1ba: {  	v45 =	vand.u32 $0xFFFF0000, v10;
	v6 =	vor.u32 v9, v6  }
0x1bb: {  	v6 =	vor.u32 v45, v6  }
0x1bc: {  	[tilespmem:s29+$0x40] =	vst v6  }
0x1bd: {  	v6 =	vld.idx.msk [tilespmem:v44+s14+$0x0], $0xffff  }
0x1be: {  	v47 =	vld.idx.msk [tilespmem:v46+s14+$0x0], $0xffff;
	_ =	sdelay $0x3  }
0x1bf: {  	v6 =	vshll.u32 v6, s0  }
0x1c0: {  	v7 =	vshll.u32 v47, s0;
	s0 =	spop (v2sf);
	v6 =	vshra.s32 v6, $0x18  }
0x1c1: {  	v7 =	vshra.s32 v7, $0x18;
	s15 =	sshll.u32 s0, $0x6;
	v6 =	vcvt.s32.f32 v6  }
0x1c2: {  	v7 =	vcvt.s32.f32 v7;
	s13 =	sadd.s32 $0x80, s15  }
0x1c3: {  	s13 =	sand.u32 $0x40, s13;
	v6 =	vmul.f32 v6, v41  }
0x1c4: {  	v7 =	vmul.f32 v7, v41;
	s13 =	sor.u32 s13, s3  }
0x1c5: {  	s13 =	sadd.s32 $0x580, s13;
	v48 =	vand.u32 $0x7FFFFFFF, v6;
	v6 =	vshrl.u32 v6, $0x10  }
0x1c6: {  	s16 =	sshrl.u32 s0, $0x1F;
	v50 =	vshll.u32 v7, $0x3;
	v7 =	vand.u32 $0x80000000, v7;
	v51 =	vor.u32 s13, v0  }
0x1c7: {  	s15 =	sadd.s32 s16, s0;
	v53 =	vor.u32 s13, v1;
	v49 =	vadd.s32 $0xFFF, v48;
	v6 =	vand.u32 $0x8000, v6  }
0x1c8: {  	s16 =	sand.u32 $0xFFFFFFFE, s15;
	v9 =	vadd.s32 $0x7FF8, v50;
	v8 =	vshrl.u32 v49, $0xD;
	v6 =	vor.u32 v6, v7  }
0x1c9: {  	p5 =	sne.s32 s0, s16;
	s16 =	sadd.s32 $0xFFFFFF60, s25;
	v52 =	vand.u32 $0xFFFF0000, v9;
	v6 =	vor.u32 v8, v6  }
0x1ca: {  	p6 =	slt.s32 s0, $0x1;
	s16 =	sor.u32 $0x50, s16;
	v6 =	vor.u32 v52, v6  }
0x1cb: {  	p1 =	por !p6, !p5;
	[tilespmem:s16+$0x10600] =	vst v6  }
0x1cc: {  	s0 =	simm.s32 $0x1;
	p1 =	por !p1, !p1;
	v6 =	vld.idx.msk [tilespmem:v51+s14+$0x0], $0xffff  }
0x1cd: {  	s15 =	sshrl.u32 s15, $0x1;
	s0 =	simm.s32 @!p1 $0x0;
	v54 =	vld.idx.msk [tilespmem:v53+s14+$0x0], $0xffff  }
0x1ce: {  	s0 =	ssub.s32 s15, s0  }
0x1cf: {  	s0 =	sxor.u32 $0xFFFFFFFF, s0  }
0x1d0: {  	s0 =	sshll.u32 s0, $0x3  }
0x1d1: {  	s0 =	sand.u32 $0x18, s0  }
0x1d2: {  	v6 =	vshll.u32 v6, s0;
	v7 =	vshll.u32 v54, s0  }
0x1d3: {  	v55 =	vbroadcast v4, $0xB;
	v6 =	vshra.s32 v6, $0x18;
	v7 =	vshra.s32 v7, $0x18  }
0x1d4: {  	v6 =	vcvt.s32.f32 v6;
	v7 =	vcvt.s32.f32 v7  }
0x1d5: {  	(v2sf) =	vpush v5, $0xC  }
0x1d6: {  	v6 =	vmul.f32 v6, v55;
	v7 =	vmul.f32 v7, v55  }
0x1d7: {  	v58 =	vor.u32 s13, v2;
	v60 =	vor.u32 s13, v3  }
0x1d8: {  	v56 =	vand.u32 $0x7FFFFFFF, v6;
	v6 =	vshrl.u32 v6, $0x10;
	v57 =	vshll.u32 v7, $0x3  }
0x1d9: {  	v7 =	vand.u32 $0x80000000, v7;
	v9 =	vadd.s32 $0xFFF, v56;
	v6 =	vand.u32 $0x8000, v6  }
0x1da: {  	v10 =	vadd.s32 $0x7FF8, v57;
	v9 =	vshrl.u32 v9, $0xD;
	v6 =	vor.u32 v6, v7  }
0x1db: {  	v59 =	vand.u32 $0xFFFF0000, v10;
	v6 =	vor.u32 v9, v6  }
0x1dc: {  	v6 =	vor.u32 v59, v6  }
0x1dd: {  	[tilespmem:s29+$0x60] =	vst v6  }
0x1de: {  	v6 =	vld.idx.msk [tilespmem:v58+s14+$0x0], $0xffff  }
0x1df: {  	v61 =	vld.idx.msk [tilespmem:v60+s14+$0x0], $0xffff;
	_ =	sdelay $0x3  }
0x1e0: {  	v6 =	vshll.u32 v6, s0  }
0x1e1: {  	v7 =	vshll.u32 v61, s0;
	s0 =	spop (v2sf);
	v6 =	vshra.s32 v6, $0x18  }
0x1e2: {  	v7 =	vshra.s32 v7, $0x18;
	s15 =	sshll.u32 s0, $0x6;
	v6 =	vcvt.s32.f32 v6  }
0x1e3: {  	v7 =	vcvt.s32.f32 v7;
	s13 =	sadd.s32 $0x80, s15  }
0x1e4: {  	s13 =	sand.u32 $0x40, s13;
	v6 =	vmul.f32 v6, v55  }
0x1e5: {  	v7 =	vmul.f32 v7, v55;
	s13 =	sor.u32 s13, s3  }
0x1e6: {  	s13 =	sadd.s32 $0x600, s13;
	v62 =	vand.u32 $0x7FFFFFFF, v6;
	v6 =	vshrl.u32 v6, $0x10  }
0x1e7: {  	s16 =	sshrl.u32 s0, $0x1F;
	v12 =	vshll.u32 v7, $0x3;
	v7 =	vand.u32 $0x80000000, v7;
	v13 =	vor.u32 s13, v0  }
0x1e8: {  	s15 =	sadd.s32 s16, s0;
	v15 =	vor.u32 s13, v1;
	v63 =	vadd.s32 $0xFFF, v62;
	v6 =	vand.u32 $0x8000, v6  }
0x1e9: {  	s16 =	sand.u32 $0xFFFFFFFE, s15;
	v9 =	vadd.s32 $0x7FF8, v12;
	v8 =	vshrl.u32 v63, $0xD;
	v6 =	vor.u32 v6, v7  }
0x1ea: {  	p3 =	sne.s32 s0, s16;
	s16 =	sadd.s32 $0xFFFFFF80, s25;
	v14 =	vand.u32 $0xFFFF0000, v9;
	v6 =	vor.u32 v8, v6  }
0x1eb: {  	p4 =	slt.s32 s0, $0x1;
	s16 =	sor.u32 $0x70, s16;
	v6 =	vor.u32 v14, v6  }
0x1ec: {  	p1 =	por !p4, !p3;
	[tilespmem:s16+$0x10600] =	vst v6  }
0x1ed: {  	s0 =	simm.s32 $0x1;
	p1 =	por !p1, !p1;
	v6 =	vld.idx.msk [tilespmem:v13+s14+$0x0], $0xffff  }
0x1ee: {  	s15 =	sshrl.u32 s15, $0x1;
	s0 =	simm.s32 @!p1 $0x0;
	v16 =	vld.idx.msk [tilespmem:v15+s14+$0x0], $0xffff  }
0x1ef: {  	s0 =	ssub.s32 s15, s0  }
0x1f0: {  	s0 =	sxor.u32 $0xFFFFFFFF, s0  }
0x1f1: {  	s0 =	sshll.u32 s0, $0x3  }
0x1f2: {  	s0 =	sand.u32 $0x18, s0  }
0x1f3: {  	v6 =	vshll.u32 v6, s0;
	v7 =	vshll.u32 v16, s0  }
0x1f4: {  	v17 =	vbroadcast v4, $0xC;
	v6 =	vshra.s32 v6, $0x18;
	v7 =	vshra.s32 v7, $0x18  }
0x1f5: {  	v6 =	vcvt.s32.f32 v6;
	v7 =	vcvt.s32.f32 v7  }
0x1f6: {  	(v2sf) =	vpush v5, $0xD  }
0x1f7: {  	v6 =	vmul.f32 v6, v17;
	v7 =	vmul.f32 v7, v17  }
0x1f8: {  	v20 =	vor.u32 s13, v2;
	v22 =	vor.u32 s13, v3  }
0x1f9: {  	v18 =	vand.u32 $0x7FFFFFFF, v6;
	v6 =	vshrl.u32 v6, $0x10;
	v19 =	vshll.u32 v7, $0x3  }
0x1fa: {  	v7 =	vand.u32 $0x80000000, v7;
	v9 =	vadd.s32 $0xFFF, v18;
	v6 =	vand.u32 $0x8000, v6  }
0x1fb: {  	v10 =	vadd.s32 $0x7FF8, v19;
	v9 =	vshrl.u32 v9, $0xD;
	v6 =	vor.u32 v6, v7  }
0x1fc: {  	v21 =	vand.u32 $0xFFFF0000, v10;
	v6 =	vor.u32 v9, v6  }
0x1fd: {  	v6 =	vor.u32 v21, v6  }
0x1fe: {  	[tilespmem:s29+$0x80] =	vst v6  }
0x1ff: {  	v6 =	vld.idx.msk [tilespmem:v20+s14+$0x0], $0xffff  }
0x200: {  	v23 =	vld.idx.msk [tilespmem:v22+s14+$0x0], $0xffff;
	_ =	sdelay $0x3  }
0x201: {  	v6 =	vshll.u32 v6, s0  }
0x202: {  	v7 =	vshll.u32 v23, s0;
	s0 =	spop (v2sf);
	v6 =	vshra.s32 v6, $0x18  }
0x203: {  	v7 =	vshra.s32 v7, $0x18;
	s15 =	sshll.u32 s0, $0x6;
	v6 =	vcvt.s32.f32 v6  }
0x204: {  	v7 =	vcvt.s32.f32 v7;
	s13 =	sadd.s32 $0x80, s15  }
0x205: {  	s13 =	sand.u32 $0x40, s13;
	v6 =	vmul.f32 v6, v17  }
0x206: {  	v7 =	vmul.f32 v7, v17;
	s13 =	sor.u32 s13, s3  }
0x207: {  	s13 =	sadd.s32 $0x680, s13;
	v24 =	vand.u32 $0x7FFFFFFF, v6;
	v6 =	vshrl.u32 v6, $0x10  }
0x208: {  	v26 =	vshll.u32 v7, $0x3;
	v7 =	vand.u32 $0x80000000, v7;
	v27 =	vor.u32 s13, v0  }
0x209: {  	s16 =	sshrl.u32 s0, $0x1F;
	v29 =	vor.u32 s13, v1;
	v25 =	vadd.s32 $0xFFF, v24;
	v6 =	vand.u32 $0x8000, v6  }
0x20a: {  	s15 =	sadd.s32 s16, s0;
	v9 =	vadd.s32 $0x7FF8, v26;
	v8 =	vshrl.u32 v25, $0xD;
	v6 =	vor.u32 v6, v7  }
0x20b: {  	s16 =	sand.u32 $0xFFFFFFFE, s15;
	v28 =	vand.u32 $0xFFFF0000, v9;
	v6 =	vor.u32 v8, v6  }
0x20c: {  	p5 =	slt.s32 s0, $0x1;
	p6 =	sne.s32 s0, s16;
	v6 =	vor.u32 v28, v6  }
0x20d: {  	p1 =	por !p5, !p6;
	[tilespmem:s29+$0x90] =	vst v6  }
0x20e: {  	s0 =	simm.s32 $0x1;
	p1 =	por !p1, !p1;
	v6 =	vld.idx.msk [tilespmem:v27+s14+$0x0], $0xffff  }
0x20f: {  	s15 =	sshrl.u32 s15, $0x1;
	s0 =	simm.s32 @!p1 $0x0;
	v30 =	vld.idx.msk [tilespmem:v29+s14+$0x0], $0xffff  }
0x210: {  	s0 =	ssub.s32 s15, s0  }
0x211: {  	s0 =	sxor.u32 $0xFFFFFFFF, s0  }
0x212: {  	s0 =	sshll.u32 s0, $0x3  }
0x213: {  	s0 =	sand.u32 $0x18, s0  }
0x214: {  	v6 =	vshll.u32 v6, s0;
	v7 =	vshll.u32 v30, s0  }
0x215: {  	v31 =	vbroadcast v4, $0xD;
	v6 =	vshra.s32 v6, $0x18;
	v7 =	vshra.s32 v7, $0x18  }
0x216: {  	v6 =	vcvt.s32.f32 v6;
	v7 =	vcvt.s32.f32 v7  }
0x217: {  	(v2sf) =	vpush v5, $0xE  }
0x218: {  	v6 =	vmul.f32 v6, v31;
	v7 =	vmul.f32 v7, v31  }
0x219: {  	v34 =	vor.u32 s13, v2;
	v37 =	vor.u32 s13, v3  }
0x21a: {  	v32 =	vand.u32 $0x7FFFFFFF, v6;
	v6 =	vshrl.u32 v6, $0x10;
	v33 =	vshll.u32 v7, $0x3  }
0x21b: {  	v7 =	vand.u32 $0x80000000, v7;
	v9 =	vadd.s32 $0xFFF, v32;
	v6 =	vand.u32 $0x8000, v6  }
0x21c: {  	v36 =	vadd.s32 $0x7FF8, v33;
	v6 =	vor.u32 v6, v7;
	v35 =	vshrl.u32 v9, $0xD  }
0x21d: {  	v9 =	vand.u32 $0xFFFF0000, v36;
	v6 =	vor.u32 v35, v6  }
0x21e: {  	v6 =	vor.u32 v9, v6  }
0x21f: {  	[tilespmem:s29+$0xA0] =	vst v6  }
0x220: {  	v6 =	vld.idx.msk [tilespmem:v34+s14+$0x0], $0xffff  }
0x221: {  	v7 =	vld.idx.msk [tilespmem:v37+s14+$0x0], $0xffff;
	_ =	sdelay $0x3  }
0x222: {  	v6 =	vshll.u32 v6, s0  }
0x223: {  	v7 =	vshll.u32 v7, s0;
	s0 =	spop (v2sf);
	v6 =	vshra.s32 v6, $0x18  }
0x224: {  	v7 =	vshra.s32 v7, $0x18;
	s15 =	sshll.u32 s0, $0x6;
	v6 =	vcvt.s32.f32 v6  }
0x225: {  	v7 =	vcvt.s32.f32 v7;
	s13 =	sadd.s32 $0x80, s15  }
0x226: {  	s13 =	sand.u32 $0x40, s13;
	v6 =	vmul.f32 v6, v31  }
0x227: {  	v7 =	vmul.f32 v7, v31;
	s13 =	sor.u32 s13, s3  }
0x228: {  	s13 =	sadd.s32 $0x700, s13;
	v38 =	vand.u32 $0x7FFFFFFF, v6;
	v6 =	vshrl.u32 v6, $0x10  }
0x229: {  	s16 =	sshrl.u32 s0, $0x1F;
	v40 =	vshll.u32 v7, $0x3;
	v7 =	vand.u32 $0x80000000, v7;
	v41 =	vor.u32 s13, v0  }
0x22a: {  	s15 =	sadd.s32 s16, s0;
	v43 =	vor.u32 s13, v1;
	v39 =	vadd.s32 $0xFFF, v38;
	v6 =	vand.u32 $0x8000, v6  }
0x22b: {  	s16 =	sand.u32 $0xFFFFFFFE, s15;
	v9 =	vadd.s32 $0x7FF8, v40;
	v8 =	vshrl.u32 v39, $0xD;
	v6 =	vor.u32 v6, v7  }
0x22c: {  	p3 =	sne.s32 s0, s16;
	s16 =	sadd.s32 $0xFFFFFFC0, s25;
	v42 =	vand.u32 $0xFFFF0000, v9;
	v6 =	vor.u32 v8, v6  }
0x22d: {  	p4 =	slt.s32 s0, $0x1;
	s16 =	sor.u32 $0x30, s16;
	v6 =	vor.u32 v42, v6  }
0x22e: {  	p1 =	por !p4, !p3;
	[tilespmem:s16+$0x10600] =	vst v6  }
0x22f: {  	s0 =	simm.s32 $0x1;
	p1 =	por !p1, !p1;
	v6 =	vld.idx.msk [tilespmem:v41+s14+$0x0], $0xffff  }
0x230: {  	s15 =	sshrl.u32 s15, $0x1;
	s0 =	simm.s32 @!p1 $0x0;
	v44 =	vld.idx.msk [tilespmem:v43+s14+$0x0], $0xffff  }
0x231: {  	s0 =	ssub.s32 s15, s0  }
0x232: {  	s0 =	sxor.u32 $0xFFFFFFFF, s0  }
0x233: {  	s0 =	sshll.u32 s0, $0x3  }
0x234: {  	s0 =	sand.u32 $0x18, s0  }
0x235: {  	v6 =	vshll.u32 v6, s0;
	v7 =	vshll.u32 v44, s0  }
0x236: {  	v45 =	vbroadcast v4, $0xE;
	v6 =	vshra.s32 v6, $0x18;
	v7 =	vshra.s32 v7, $0x18  }
0x237: {  	v6 =	vcvt.s32.f32 v6;
	v7 =	vcvt.s32.f32 v7  }
0x238: {  	(v2sf) =	vpush v5, $0xF  }
0x239: {  	v6 =	vmul.f32 v6, v45;
	v7 =	vmul.f32 v7, v45  }
0x23a: {  	v47 =	vor.u32 s13, v2;
	v49 =	vor.u32 s13, v3  }
0x23b: {  	v5 =	vand.u32 $0x7FFFFFFF, v6;
	v6 =	vshrl.u32 v6, $0x10;
	v46 =	vshll.u32 v7, $0x3  }
0x23c: {  	v7 =	vand.u32 $0x80000000, v7;
	v5 =	vadd.s32 $0xFFF, v5;
	v6 =	vand.u32 $0x8000, v6  }
0x23d: {  	v9 =	vadd.s32 $0x7FF8, v46;
	v5 =	vshrl.u32 v5, $0xD;
	v6 =	vor.u32 v6, v7  }
0x23e: {  	v48 =	vand.u32 $0xFFFF0000, v9;
	v5 =	vor.u32 v5, v6  }
0x23f: {  	v5 =	vor.u32 v48, v5  }
0x240: {  	[tilespmem:s29+$0xC0] =	vst v5  }
0x241: {  	v5 =	vld.idx.msk [tilespmem:v47+s14+$0x0], $0xffff  }
0x242: {  	v6 =	vld.idx.msk [tilespmem:v49+s14+$0x0], $0xffff;
	_ =	sdelay $0x3  }
0x243: {  	v5 =	vshll.u32 v5, s0  }
0x244: {  	v6 =	vshll.u32 v6, s0;
	s0 =	spop (v2sf);
	v5 =	vshra.s32 v5, $0x18  }
0x245: {  	v6 =	vshra.s32 v6, $0x18;
	s15 =	sshll.u32 s0, $0x6;
	v5 =	vcvt.s32.f32 v5  }
0x246: {  	v6 =	vcvt.s32.f32 v6;
	s13 =	sadd.s32 $0x80, s15  }
0x247: {  	s13 =	sand.u32 $0x40, s13;
	v5 =	vmul.f32 v5, v45  }
0x248: {  	v6 =	vmul.f32 v6, v45;
	s3 =	sor.u32 s13, s3  }
0x249: {  	s3 =	sadd.s32 $0x780, s3;
	v50 =	vand.u32 $0x7FFFFFFF, v5;
	v5 =	vshrl.u32 v5, $0x10  }
0x24a: {  	v8 =	vshll.u32 v6, $0x3;
	v6 =	vand.u32 $0x80000000, v6;
	v51 =	vor.u32 s3, v0  }
0x24b: {  	s16 =	sshrl.u32 s0, $0x1F;
	v53 =	vor.u32 s3, v1;
	v7 =	vadd.s32 $0xFFF, v50;
	v5 =	vand.u32 $0x8000, v5  }
0x24c: {  	s13 =	sadd.s32 s16, s0;
	v8 =	vadd.s32 $0x7FF8, v8;
	v7 =	vshrl.u32 v7, $0xD;
	v5 =	vor.u32 v5, v6  }
0x24d: {  	s16 =	sadd.s32 $0xFFFFFFE0, s25;
	s15 =	sand.u32 $0xFFFFFFFE, s13;
	v52 =	vand.u32 $0xFFFF0000, v8;
	v5 =	vor.u32 v7, v5  }
0x24e: {  	p5 =	slt.s32 s0, $0x1;
	p6 =	sne.s32 s0, s15;
	s15 =	sor.u32 $0x50, s16;
	v5 =	vor.u32 v52, v5  }
0x24f: {  	p1 =	por !p5, !p6;
	[tilespmem:s15+$0x10600] =	vst v5  }
0x250: {  	s0 =	simm.s32 $0x1;
	p1 =	por !p1, !p1;
	v5 =	vld.idx.msk [tilespmem:v51+s14+$0x0], $0xffff  }
0x251: {  	s13 =	sshrl.u32 s13, $0x1;
	s0 =	simm.s32 @!p1 $0x0;
	v54 =	vld.idx.msk [tilespmem:v53+s14+$0x0], $0xffff  }
0x252: {  	s0 =	ssub.s32 s13, s0  }
0x253: {  	s0 =	sxor.u32 $0xFFFFFFFF, s0  }
0x254: {  	s0 =	sshll.u32 s0, $0x3  }
0x255: {  	s0 =	sand.u32 $0x18, s0  }
0x256: {  	v5 =	vshll.u32 v5, s0;
	v6 =	vshll.u32 v54, s0  }
0x257: {  	v4 =	vbroadcast v4, $0xF;
	v5 =	vshra.s32 v5, $0x18;
	v6 =	vshra.s32 v6, $0x18  }
0x258: {  	v5 =	vcvt.s32.f32 v5;
	v6 =	vcvt.s32.f32 v6;
	_ =	sdelay $0x1  }
0x259: {  	v5 =	vmul.f32 v5, v4;
	v6 =	vmul.f32 v6, v4  }
0x25a: {  	v57 =	vor.u32 s3, v2;
	v59 =	vor.u32 s3, v3  }
0x25b: {  	v55 =	vand.u32 $0x7FFFFFFF, v5;
	v5 =	vshrl.u32 v5, $0x10;
	v56 =	vshll.u32 v6, $0x3  }
0x25c: {  	v6 =	vand.u32 $0x80000000, v6;
	v7 =	vadd.s32 $0xFFF, v55;
	v5 =	vand.u32 $0x8000, v5  }
0x25d: {  	v8 =	vadd.s32 $0x7FF8, v56;
	v7 =	vshrl.u32 v7, $0xD;
	v5 =	vor.u32 v5, v6  }
0x25e: {  	v58 =	vand.u32 $0xFFFF0000, v8;
	v5 =	vor.u32 v7, v5  }
0x25f: {  	v5 =	vor.u32 v58, v5  }
0x260: {  	[tilespmem:s29+$0xE0] =	vst v5  }
0x261: {  	v5 =	vld.idx.msk [tilespmem:v57+s14+$0x0], $0xffff  }
0x262: {  	v60 =	vld.idx.msk [tilespmem:v59+s14+$0x0], $0xffff;
	_ =	sdelay $0x4  }
0x263: {  	v5 =	vshll.u32 v5, s0;
	v6 =	vshll.u32 v60, s0  }
0x264: {  	v5 =	vshra.s32 v5, $0x18;
	v6 =	vshra.s32 v6, $0x18  }
0x265: {  	v5 =	vcvt.s32.f32 v5;
	v6 =	vcvt.s32.f32 v6;
	_ =	sdelay $0x1  }
0x266: {  	v5 =	vmul.f32 v5, v4;
	v4 =	vmul.f32 v6, v4;
	_ =	sdelay $0x1  }
0x267: {  	p1 =	sne.s32 s30, $0xF0;
	v61 =	vand.u32 $0x7FFFFFFF, v5;
	v5 =	vshrl.u32 v5, $0x10;
	v63 =	vshll.u32 v4, $0x3  }
.Ltmp2:
0x268: {  	v4 =	vand.u32 $0x80000000, v4;
	v62 =	vadd.s32 $0xFFF, v61;
	v5 =	vand.u32 $0x8000, v5;
	(pc) =	sbr.rel @p1 .LBB2_7-.Ltmp2, $4  }
0x269: {  	v7 =	vadd.s32 $0x7FF8, v63;
	v6 =	vshrl.u32 v62, $0xD;
	v4 =	vor.u32 v5, v4  }
0x26a: {  	v5 =	vand.u32 $0xFFFF0000, v7;
	v4 =	vor.u32 v6, v4  }
0x26b: {  	s31 =	sadd.s32 $0x10, s31;
	s26 =	sadd.s32 $0x10, s26;
	s16 =	sor.u32 $0x70, s25;
	v4 =	vor.u32 v5, v4  }
0x26c: {  	s25 =	sadd.s32 $0x200, s25;
	s30 =	sadd.s32 $0x10, s30;
	s29 =	sadd.s32 $0x200, s29;
	[tilespmem:s16+$0x10600] =	vst v4  }
0x26d: {  	s0 =	sshll.u32 s23, $0xD  }
0x26e: {  	s0 =	sadd.s32 s9, s0  }
0x26f: {  	s3 =	sshll.u32 s28, $0x5;
	p1 =	sne.s32 s22, $0x34;
	s0 =	sshrl.u32 s0, $0x3  }
.Ltmp3:
0x270: {  	s3 =	sadd.s32 $0x10600, s3;
	s0 =	sadd.s32 s5, s0;
	(pc) =	sbr.rel @p1 .LBB2_2-.Ltmp3, $4  }
0x271: {  	[hbm4b:s0+s7] =	stream.linear.scatter [tilespmem:s3], [sflag:$0x2], $0x2000, $0x38;
	[tilespmem:$0x14600] =	vst v63  }
0x272: {  	_ =	swait.ge [sflag:s11], $0x2000  }
0x273: {  	s21 =	sadd.s32 $0x100, s21;
	[sflag:s11] =	ssyncset.done $0x0  }
0x274: {  	p0 =	por !p0, !p0;
	s23 =	smov.u32 s22;
	[sflag:s11] =	ssyncadd.s32 $0xFFFFE000  }
0x275: {  	s20 =	sadd.s32 $0x1, s20  }
0x276: {  	p0 =	sne.s32 s20, s10  }
.Ltmp4:
0x277: {  	_ = 	snop;
	(pc) =	sbr.rel @p0 .LBB2_1-.Ltmp4, $1  }
0x278: {  	_ =	sdelay $0x3  }
0x279: {  	_ =	sfence.sel $0x180000  }
0x27a: {  	[bflag:$0x0] =	sbarrier.arrive $0xFFFF  }
0x27b: {  	_ =	strace $0x90000047  }
0x27c: {  	s0 =	stileid.u32;
	[bflag:$0x2] =	sbarrier.arrive $0xFFFF  }
0x27d: {  	p0 =	sne.s32 s0, $0x0;
	s0 =	rddreg [dreg:$0x4]  }
0x27e: {  	s0 =	sadd.s32 @!p0 $0x100000, s0  }
0x27f: {  	[sflag:s0] =	ssyncadd.tile.s32 @!p0 $0x1;
	_ =	shalt  }
.Lfunc_end2:
_tile_overlayer_lowered:
.L_overlay_start_2:
0x280: {  	(tag) =	ssettag $0x2  }
0x281: {  	s0 =	rddreg [dreg:$0x0];
	s2 =	stileid.u32  }
0x282: {  	s1 =	rddreg [dreg:$0x1];
	p0 =	sne.s32 s2, $0x0  }
0x283: {  	s3 =	rddreg [dreg:$0x2];
	[bflag:$0x3] =	sbarrier.arrive $0xFFFF;
	s2 =	simm.s32 @!p0 $0x1C02  }
0x284: {  	[timem:s3], [sflag:s2] =	dma.local @!p0 [hbm:s0], s1  }
0x285: {  	s0 =	simm.s32 @!p0 $0x2  }
0x286: {  	_ =	swait.ge @!p0 [sflag:s0], s1  }
0x287: {  	s1 =	ssub.s32 @!p0 $0x0, s1;
	[sflag:s0] =	ssyncset.done @!p0 $0x0  }
0x288: {  	[sflag:s0] =	ssyncadd.s32 @!p0 s1  }
0x289: {  	[bflag:$0x3] =	sbarrier.arrive $0xFFFF  }
0x28a: {  	_ =	shalt  }

</sc_bundles>
